<compile_context>
chip_gen: v7x
topology: tpu7x:2x2x1
jax: 0.10.2.dev20260603
libtpu: 0.0.44.dev20260713+nightly
codegen_flags: <defaults>
</compile_context>

<pallas_src>
import functools

import jax
import jax.numpy as jnp
from jax import lax
from jax.experimental import pallas as pl
from jax.experimental.pallas import tpu as pltpu
from jax.experimental.pallas import tpu_sc as plsc

N_NODES = 10000
N_EDGES = 320000
D = 128
NC = 2
NS = 16
NW = NC * NS
EPW = N_EDGES // NW
B = 80
NB = EPW // B
NPAD = 10240
_R = 4

_mesh = plsc.VectorSubcoreMesh(core_axis_name="c", subcore_axis_name="s")

_GDN = lax.GatherDimensionNumbers(offset_dims=(), collapsed_slice_dims=(0,),
                                  start_index_map=(0,))


def _perm(x, idx):
    return lax.gather(x, idx, _GDN, (1,),
                      mode=lax.GatherScatterMode.PROMISE_IN_BOUNDS)


@functools.partial(
    pl.kernel,
    out_type=(
        jax.ShapeDtypeStruct((NW, NB, B), jnp.float32),
        jax.ShapeDtypeStruct((NPAD,), jnp.float32),
        jax.ShapeDtypeStruct((NPAD,), jnp.float32),
    ),
    mesh=_mesh,
    scratch_types=[
        pltpu.VMEM((D,), jnp.float32),
        pltpu.VMEM((NB, B), jnp.int32),
        pltpu.VMEM((NB, B), jnp.int32),
        pltpu.VMEM((B, D), jnp.float32),
        pltpu.VMEM((B, D), jnp.float32),
        pltpu.VMEM((B, D), jnp.float32),
        pltpu.VMEM((B, D), jnp.float32),
        pltpu.VMEM((NB, B), jnp.float32),
        pltpu.VMEM((NB, B), jnp.float32),
        pltpu.VMEM_SHARED((NPAD,), jnp.float32),
        pltpu.VMEM((NPAD // NS,), jnp.float32),
        pltpu.VMEM((NPAD // NS,), jnp.int32),
        [pltpu.VMEM((B,), jnp.float32) for _ in range(_R)],
        pltpu.SemaphoreType.DMA,
        pltpu.SemaphoreType.DMA,
        pltpu.SemaphoreType.DMA,
        [pltpu.SemaphoreType.DMA for _ in range(_R)],
        pltpu.SemaphoreType.REGULAR,
    ],
)
def _k(eu_hbm, ev_hbm, ei_hbm, g_hbm, c_hbm, sp0_hbm, sp1_hbm,
       g_v, sidx, didx, u0, u1, v0, v1, ag_all, c_all, seg_sh, zbuf, iota_v,
       s_ring, sem_r0, sem_r1, sem_sc, ring_sems, xsem):
    cid = lax.axis_index("c")
    sid = lax.axis_index("s")
    wid = cid * NS + sid
    zslice = NPAD // NS
    lanes = lax.iota(jnp.int32, 16)
    for i in range(zslice // 16):
        zbuf[pl.ds(i * 16, 16)] = jnp.zeros((16,), jnp.float32)
        iota_v[pl.ds(i * 16, 16)] = lanes + (sid * zslice + i * 16)
    pltpu.sync_copy(zbuf, seg_sh.at[pl.ds(sid * zslice, zslice)])
    pltpu.sync_copy(ei_hbm.at[0, wid], sidx)
    pltpu.sync_copy(ei_hbm.at[1, wid], didx)
    pltpu.sync_copy(g_hbm, g_v)
    plsc.subcore_barrier()
    g2 = [g_v[pl.ds(kk * 16, 16)] * g_v[pl.ds(kk * 16, 16)]
          for kk in range(D // 16)]

    perm_idx = [(lanes ^ sh).reshape(16, 1) for sh in (8, 4, 2, 1)]
    slots = ((u0, v0, sem_r0), (u1, v1, sem_r1))

    def issue(b, slot):
        u, v, sem = slots[slot]
        pltpu.async_copy(eu_hbm.at[sidx.at[b]], u, sem)
        pltpu.async_copy(ev_hbm.at[didx.at[b]], v, sem)

    def process(b, slot):
        u, v, sem = slots[slot]
        pltpu.make_async_copy(eu_hbm.at[sidx.at[b]], u, sem).wait()
        pltpu.make_async_copy(ev_hbm.at[didx.at[b]], v, sem).wait()

        def group_body(gg, c2):
            def edge_body(ee, dotv):
                e = gg * 16 + ee
                acc = (u[e, pl.ds(0, 16)] * g2[0]) * v[e, pl.ds(0, 16)]
                for kk in range(1, D // 16):
                    acc = acc + ((u[e, pl.ds(kk * 16, 16)] * g2[kk])
                                 * v[e, pl.ds(kk * 16, 16)])
                for pi in perm_idx:
                    acc = acc + _perm(acc, pi)
                return jnp.where(lanes == ee, acc, dotv)

            dotv = lax.fori_loop(0, 16, edge_body,
                                 jnp.zeros((16,), jnp.float32), unroll=4)
            ag = 1.0 / (1.0 + jnp.exp(-jnp.exp(dotv)))
            ag_all[b, pl.ds(gg * 16, 16)] = ag
            return c2

        lax.fori_loop(0, B // 16, group_body, 0)
        pltpu.async_copy(ag_all.at[b], seg_sh.at[sidx.at[b]], sem_sc,
                         add=True)

    issue(0, 0)

    def pair_body(j, carry):
        b = 2 * j
        issue(b + 1, 1)
        process(b, 0)
        issue(b + 2, 0)
        process(b + 1, 1)
        return carry

    lax.fori_loop(0, (NB - 1) // 2, pair_body, 0)
    process(NB - 1, 0)

    def drain_body(b, carry):
        pltpu.make_async_copy(ag_all.at[0], seg_sh.at[sidx.at[0]],
                              sem_sc).wait()
        return carry

    lax.fori_loop(0, NB, drain_body, 0)
    plsc.subcore_barrier()

    @pl.when(sid == 0)
    def _():
        @pl.when(cid == 0)
        def _():
            pltpu.sync_copy(seg_sh, sp0_hbm)

        @pl.when(cid == 1)
        def _():
            pltpu.sync_copy(seg_sh, sp1_hbm)

        pltpu.semaphore_signal(xsem, 1, core_index=1 - cid)
        pl.semaphore_wait(xsem, 1)

    plsc.subcore_barrier()

    @pl.when(cid == 0)
    def _():
        pltpu.sync_copy(sp1_hbm.at[pl.ds(sid * zslice, zslice)], zbuf)

    @pl.when(cid == 1)
    def _():
        pltpu.sync_copy(sp0_hbm.at[pl.ds(sid * zslice, zslice)], zbuf)

    pltpu.sync_copy(zbuf, seg_sh.at[iota_v], add=True)
    plsc.subcore_barrier()

    def issue2(b, slot):
        @pl.when(b < NB)
        def _():
            pltpu.async_copy(seg_sh.at[sidx.at[b]], s_ring[slot],
                             ring_sems[slot])

    def process2(b, slot):
        s = s_ring[slot]
        pltpu.make_async_copy(seg_sh.at[sidx.at[b]], s,
                              ring_sems[slot]).wait()

        def group_body(gg, c2):
            sl = pl.ds(gg * 16, 16)
            c = jnp.minimum(jnp.maximum(ag_all[b, sl] * 5.0 / s[sl], 0.0),
                            1.0)
            c_all[b, sl] = c
            return c2

        lax.fori_loop(0, B // 16, group_body, 0)

    for k in range(_R):
        issue2(k, k)

    def ring_body(j, carry):
        for k in range(_R):
            b = _R * j + k
            process2(b, k)
            issue2(b + _R, k)
        return carry

    lax.fori_loop(0, NB // _R, ring_body, 0)
    for k in range(NB - _R * (NB // _R)):
        process2(_R * (NB // _R) + k, k)
    pltpu.sync_copy(c_all, c_hbm.at[wid])


def kernel(Eu, Ev, edge_index, g):
    ei4 = edge_index.astype(jnp.int32).reshape(2, NW, NB, B)
    g1 = g.astype(jnp.float32).reshape(D)
    c3, _, _ = _k(Eu.astype(jnp.float32), Ev.astype(jnp.float32), ei4, g1)
    return c3.reshape(N_EDGES)

# --- scband reference (transcript-rebuilt; emitter-appended) ---
"""Pipeline reference for scband-iav-view-54924041781407 (READ-ONLY COPY).

The authoritative reference and input builder live on the scoring server;
editing this copy changes nothing except your own understanding.
"""

import jax, jax.numpy as jnp
import numpy as np

N_NODES = 10000
N_EDGES = 320000
IN_DIM = 128


def setup_inputs(seed: int = 0) -> dict:
    key = jax.random.key(seed)
    k1, k2, k3 = jax.random.split(key, 3)
    Eu = jax.random.normal(k1, (N_NODES, IN_DIM), dtype=jnp.float32)
    Ev = jax.random.normal(k2, (N_NODES, IN_DIM), dtype=jnp.float32)
    edge_index = jax.random.randint(k3, (2, N_EDGES), 0, N_NODES)
    # learned parameter g (initialized to ones, as in the torch module)
    g = jnp.ones((1, IN_DIM), dtype=jnp.float32)
    return {"Eu": Eu, "Ev": Ev, "edge_index": edge_index, "g": g}


def reference(Eu, Ev, edge_index, g):
    # Xu = Eu * g ; Xv = Ev * g   (elementwise gate)
    Xu = Eu * g
    Xv = Ev * g
    src = edge_index[0]
    dst = edge_index[1]
    # gather node features onto edges
    x_u = jnp.take(Xu, src, axis=0)
    x_i = jnp.take(Xv, dst, axis=0)
    # edge_logits = (x_u * x_i).sum(1).exp()
    edge_logits = jnp.exp(jnp.sum(x_u * x_i, axis=1))
    Ag = jax.nn.sigmoid(edge_logits)
    # scatter_sum(Ag, src) -> per-source-node normalizer
    sum_result = jax.ops.segment_sum(Ag, src, num_segments=N_NODES)
    C = Ag / jnp.take(sum_result, src, axis=0)
    C = jnp.clip(C * 5.0, 0.0, 1.0)
    return C

if __name__ == "__main__":
    import jax
    _d = setup_inputs()
    print(jax.jit(kernel)(*tuple(_d.values())))

</pallas_src>

<mosaic_0001>
#map = affine_map<(d0, d1) -> (0, 0)>
#map1 = affine_map<(d0, d1) -> (0, 0, 0, 0)>
#map2 = affine_map<(d0, d1) -> (0)>
#map3 = affine_map<(d0, d1) -> (0, 0, 0)>
module attributes {stable_mosaic.version = 14 : i64} {
  func.func @_k(%arg0: i32, %arg1: i32, %arg2: memref<10000x128xf32, #tpu.memory_space<hbm>>, %arg3: memref<10000x128xf32, #tpu.memory_space<hbm>>, %arg4: memref<2x32x125x80xi32, #tpu.memory_space<hbm>>, %arg5: memref<128xf32, #tpu.memory_space<hbm>>, %arg6: memref<32x125x80xf32, #tpu.memory_space<hbm>>, %arg7: memref<10240xf32, #tpu.memory_space<hbm>>, %arg8: memref<10240xf32, #tpu.memory_space<hbm>>, %arg9: memref<128xf32, #tpu.memory_space<vmem>>, %arg10: memref<125x80xi32, #tpu.memory_space<vmem>>, %arg11: memref<125x80xi32, #tpu.memory_space<vmem>>, %arg12: memref<80x128xf32, #tpu.memory_space<vmem>>, %arg13: memref<80x128xf32, #tpu.memory_space<vmem>>, %arg14: memref<80x128xf32, #tpu.memory_space<vmem>>, %arg15: memref<80x128xf32, #tpu.memory_space<vmem>>, %arg16: memref<125x80xf32, #tpu.memory_space<vmem>>, %arg17: memref<125x80xf32, #tpu.memory_space<vmem>>, %arg18: memref<10240xf32, #tpu.memory_space<vmem_shared>>, %arg19: memref<640xf32, #tpu.memory_space<vmem>>, %arg20: memref<640xi32, #tpu.memory_space<vmem>>, %arg21: memref<80xf32, #tpu.memory_space<vmem>>, %arg22: memref<80xf32, #tpu.memory_space<vmem>>, %arg23: memref<80xf32, #tpu.memory_space<vmem>>, %arg24: memref<80xf32, #tpu.memory_space<vmem>>, %arg25: memref<!tpu.dma_semaphore, #tpu.memory_space<semaphore_mem>>, %arg26: memref<!tpu.dma_semaphore, #tpu.memory_space<semaphore_mem>>, %arg27: memref<!tpu.dma_semaphore, #tpu.memory_space<semaphore_mem>>, %arg28: memref<!tpu.dma_semaphore, #tpu.memory_space<semaphore_mem>>, %arg29: memref<!tpu.dma_semaphore, #tpu.memory_space<semaphore_mem>>, %arg30: memref<!tpu.dma_semaphore, #tpu.memory_space<semaphore_mem>>, %arg31: memref<!tpu.dma_semaphore, #tpu.memory_space<semaphore_mem>>, %arg32: memref<!tpu.semaphore, #tpu.memory_space<semaphore_mem>>) attributes {dimension_semantics = [#tpu.dimension_semantics<core_parallel>, #tpu.dimension_semantics<subcore_parallel>], iteration_bounds = array<i64: 2, 16>, scalar_prefetch = 0 : i64, scratch_operands = 24 : i64, tpu.core_type = #tpu.core_type<sc_vector_subcore>, window_params = [{transform_indices = #map}, {transform_indices = #map}, {transform_indices = #map1}, {transform_indices = #map2}, {transform_indices = #map3}, {transform_indices = #map2}, {transform_indices = #map2}]} {
    %mul3A = arith.constant 16 : i32
    %mul3A_0 = arith.muli %arg0, %mul3A : i32
    %add3A = arith.addi %mul3A_0, %arg1 : i32
    %iota3A = tpu.iota {dimensions = array<i32: 0>} : vector<16xi32>
    %broadcast_in_dim3A = arith.constant 0.000000e+00 : f32
    %broadcast_in_dim3A_1 = vector.broadcast %broadcast_in_dim3A : f32 to vector<16xf32>
    %swap3A = arith.constant 0 : index
    %swap3A_2 = tpu.vector_load %arg19[%swap3A] {strides = array<i32>} : memref<640xf32, #tpu.memory_space<vmem>>, vector<16xf32>,
    %swap3A_3 = vector.shape_cast %swap3A_2 : vector<16xf32> to vector<16xf32>
    %swap3A_4 = vector.shape_cast %broadcast_in_dim3A_1 : vector<16xf32> to vector<16xf32>
    tpu.vector_store %arg19[%swap3A], %swap3A_4 {strides = array<i32>} : memref<640xf32, #tpu.memory_space<vmem>>, vector<16xf32>,
    %mul3A_5 = arith.constant 640 : i32
    %mul3A_6 = arith.muli %arg1, %mul3A_5 : i32
    %add3A_7 = arith.constant 0 : i32
    %add3A_8 = arith.addi %mul3A_6, %add3A_7 : i32
    %add3A_9 = vector.broadcast %add3A_8 : i32 to vector<16xi32>
    %add3A_10 = arith.addi %iota3A, %add3A_9 : vector<16xi32>
    %swap3A_11 = arith.constant 0 : index
    %swap3A_12 = tpu.vector_load %arg20[%swap3A_11] {strides = array<i32>} : memref<640xi32, #tpu.memory_space<vmem>>, vector<16xi32>,
    %swap3A_13 = vector.shape_cast %swap3A_12 : vector<16xi32> to vector<16xi32>
    %swap3A_14 = vector.shape_cast %add3A_10 : vector<16xi32> to vector<16xi32>
    tpu.vector_store %arg20[%swap3A_11], %swap3A_14 {strides = array<i32>} : memref<640xi32, #tpu.memory_space<vmem>>, vector<16xi32>,
    %broadcast_in_dim3A_15 = arith.constant 0.000000e+00 : f32
    %broadcast_in_dim3A_16 = vector.broadcast %broadcast_in_dim3A_15 : f32 to vector<16xf32>
    %swap3A_17 = arith.constant 16 : index
    %swap3A_18 = tpu.vector_load %arg19[%swap3A_17] {strides = array<i32>} : memref<640xf32, #tpu.memory_space<vmem>>, vector<16xf32>,
    %swap3A_19 = vector.shape_cast %swap3A_18 : vector<16xf32> to vector<16xf32>
    %swap3A_20 = vector.shape_cast %broadcast_in_dim3A_16 : vector<16xf32> to vector<16xf32>
    tpu.vector_store %arg19[%swap3A_17], %swap3A_20 {strides = array<i32>} : memref<640xf32, #tpu.memory_space<vmem>>, vector<16xf32>,
    %mul3A_21 = arith.constant 640 : i32
    %mul3A_22 = arith.muli %arg1, %mul3A_21 : i32
    %add3A_23 = arith.constant 16 : i32
    %add3A_24 = arith.addi %mul3A_22, %add3A_23 : i32
    %add3A_25 = vector.broadcast %add3A_24 : i32 to vector<16xi32>
    %add3A_26 = arith.addi %iota3A, %add3A_25 : vector<16xi32>
    %swap3A_27 = arith.constant 16 : index
    %swap3A_28 = tpu.vector_load %arg20[%swap3A_27] {strides = array<i32>} : memref<640xi32, #tpu.memory_space<vmem>>, vector<16xi32>,
    %swap3A_29 = vector.shape_cast %swap3A_28 : vector<16xi32> to vector<16xi32>
    %swap3A_30 = vector.shape_cast %add3A_26 : vector<16xi32> to vector<16xi32>
    tpu.vector_store %arg20[%swap3A_27], %swap3A_30 {strides = array<i32>} : memref<640xi32, #tpu.memory_space<vmem>>, vector<16xi32>,
    %broadcast_in_dim3A_31 = arith.constant 0.000000e+00 : f32
    %broadcast_in_dim3A_32 = vector.broadcast %broadcast_in_dim3A_31 : f32 to vector<16xf32>
    %swap3A_33 = arith.constant 32 : index
    %swap3A_34 = tpu.vector_load %arg19[%swap3A_33] {strides = array<i32>} : memref<640xf32, #tpu.memory_space<vmem>>, vector<16xf32>,
    %swap3A_35 = vector.shape_cast %swap3A_34 : vector<16xf32> to vector<16xf32>
    %swap3A_36 = vector.shape_cast %broadcast_in_dim3A_32 : vector<16xf32> to vector<16xf32>
    tpu.vector_store %arg19[%swap3A_33], %swap3A_36 {strides = array<i32>} : memref<640xf32, #tpu.memory_space<vmem>>, vector<16xf32>,
    %mul3A_37 = arith.constant 640 : i32
    %mul3A_38 = arith.muli %arg1, %mul3A_37 : i32
    %add3A_39 = arith.constant 32 : i32
    %add3A_40 = arith.addi %mul3A_38, %add3A_39 : i32
    %add3A_41 = vector.broadcast %add3A_40 : i32 to vector<16xi32>
    %add3A_42 = arith.addi %iota3A, %add3A_41 : vector<16xi32>
    %swap3A_43 = arith.constant 32 : index
    %swap3A_44 = tpu.vector_load %arg20[%swap3A_43] {strides = array<i32>} : memref<640xi32, #tpu.memory_space<vmem>>, vector<16xi32>,
    %swap3A_45 = vector.shape_cast %swap3A_44 : vector<16xi32> to vector<16xi32>
    %swap3A_46 = vector.shape_cast %add3A_42 : vector<16xi32> to vector<16xi32>
    tpu.vector_store %arg20[%swap3A_43], %swap3A_46 {strides = array<i32>} : memref<640xi32, #tpu.memory_space<vmem>>, vector<16xi32>,
    %broadcast_in_dim3A_47 = arith.constant 0.000000e+00 : f32
    %broadcast_in_dim3A_48 = vector.broadcast %broadcast_in_dim3A_47 : f32 to vector<16xf32>
    %swap3A_49 = arith.constant 48 : index
    %swap3A_50 = tpu.vector_load %arg19[%swap3A_49] {strides = array<i32>} : memref<640xf32, #tpu.memory_space<vmem>>, vector<16xf32>,
    %swap3A_51 = vector.shape_cast %swap3A_50 : vector<16xf32> to vector<16xf32>
    %swap3A_52 = vector.shape_cast %broadcast_in_dim3A_48 : vector<16xf32> to vector<16xf32>
    tpu.vector_store %arg19[%swap3A_49], %swap3A_52 {strides = array<i32>} : memref<640xf32, #tpu.memory_space<vmem>>, vector<16xf32>,
    %mul3A_53 = arith.constant 640 : i32
    %mul3A_54 = arith.muli %arg1, %mul3A_53 : i32
    %add3A_55 = arith.constant 48 : i32
    %add3A_56 = arith.addi %mul3A_54, %add3A_55 : i32
    %add3A_57 = vector.broadcast %add3A_56 : i32 to vector<16xi32>
    %add3A_58 = arith.addi %iota3A, %add3A_57 : vector<16xi32>
    %swap3A_59 = arith.constant 48 : index
    %swap3A_60 = tpu.vector_load %arg20[%swap3A_59] {strides = array<i32>} : memref<640xi32, #tpu.memory_space<vmem>>, vector<16xi32>,
    %swap3A_61 = vector.shape_cast %swap3A_60 : vector<16xi32> to vector<16xi32>
    %swap3A_62 = vector.shape_cast %add3A_58 : vector<16xi32> to vector<16xi32>
    tpu.vector_store %arg20[%swap3A_59], %swap3A_62 {strides = array<i32>} : memref<640xi32, #tpu.memory_space<vmem>>, vector<16xi32>,
    %broadcast_in_dim3A_63 = arith.constant 0.000000e+00 : f32
    %broadcast_in_dim3A_64 = vector.broadcast %broadcast_in_dim3A_63 : f32 to vector<16xf32>
    %swap3A_65 = arith.constant 64 : index
    %swap3A_66 = tpu.vector_load %arg19[%swap3A_65] {strides = array<i32>} : memref<640xf32, #tpu.memory_space<vmem>>, vector<16xf32>,
    %swap3A_67 = vector.shape_cast %swap3A_66 : vector<16xf32> to vector<16xf32>
    %swap3A_68 = vector.shape_cast %broadcast_in_dim3A_64 : vector<16xf32> to vector<16xf32>
    tpu.vector_store %arg19[%swap3A_65], %swap3A_68 {strides = array<i32>} : memref<640xf32, #tpu.memory_space<vmem>>, vector<16xf32>,
    %mul3A_69 = arith.constant 640 : i32
    %mul3A_70 = arith.muli %arg1, %mul3A_69 : i32
    %add3A_71 = arith.constant 64 : i32
    %add3A_72 = arith.addi %mul3A_70, %add3A_71 : i32
    %add3A_73 = vector.broadcast %add3A_72 : i32 to vector<16xi32>
    %add3A_74 = arith.addi %iota3A, %add3A_73 : vector<16xi32>
    %swap3A_75 = arith.constant 64 : index
    %swap3A_76 = tpu.vector_load %arg20[%swap3A_75] {strides = array<i32>} : memref<640xi32, #tpu.memory_space<vmem>>, vector<16xi32>,
    %swap3A_77 = vector.shape_cast %swap3A_76 : vector<16xi32> to vector<16xi32>
    %swap3A_78 = vector.shape_cast %add3A_74 : vector<16xi32> to vector<16xi32>
    tpu.vector_store %arg20[%swap3A_75], %swap3A_78 {strides = array<i32>} : memref<640xi32, #tpu.memory_space<vmem>>, vector<16xi32>,
    %broadcast_in_dim3A_79 = arith.constant 0.000000e+00 : f32
    %broadcast_in_dim3A_80 = vector.broadcast %broadcast_in_dim3A_79 : f32 to vector<16xf32>
    %swap3A_81 = arith.constant 80 : index
    %swap3A_82 = tpu.vector_load %arg19[%swap3A_81] {strides = array<i32>} : memref<640xf32, #tpu.memory_space<vmem>>, vector<16xf32>,
    %swap3A_83 = vector.shape_cast %swap3A_82 : vector<16xf32> to vector<16xf32>
    %swap3A_84 = vector.shape_cast %broadcast_in_dim3A_80 : vector<16xf32> to vector<16xf32>
    tpu.vector_store %arg19[%swap3A_81], %swap3A_84 {strides = array<i32>} : memref<640xf32, #tpu.memory_space<vmem>>, vector<16xf32>,
    %mul3A_85 = arith.constant 640 : i32
    %mul3A_86 = arith.muli %arg1, %mul3A_85 : i32
    %add3A_87 = arith.constant 80 : i32
    %add3A_88 = arith.addi %mul3A_86, %add3A_87 : i32
    %add3A_89 = vector.broadcast %add3A_88 : i32 to vector<16xi32>
    %add3A_90 = arith.addi %iota3A, %add3A_89 : vector<16xi32>
    %swap3A_91 = arith.constant 80 : index
    %swap3A_92 = tpu.vector_load %arg20[%swap3A_91] {strides = array<i32>} : memref<640xi32, #tpu.memory_space<vmem>>, vector<16xi32>,
    %swap3A_93 = vector.shape_cast %swap3A_92 : vector<16xi32> to vector<16xi32>
    %swap3A_94 = vector.shape_cast %add3A_90 : vector<16xi32> to vector<16xi32>
    tpu.vector_store %arg20[%swap3A_91], %swap3A_94 {strides = array<i32>} : memref<640xi32, #tpu.memory_space<vmem>>, vector<16xi32>,
    %broadcast_in_dim3A_95 = arith.constant 0.000000e+00 : f32
    %broadcast_in_dim3A_96 = vector.broadcast %broadcast_in_dim3A_95 : f32 to vector<16xf32>
    %swap3A_97 = arith.constant 96 : index
    %swap3A_98 = tpu.vector_load %arg19[%swap3A_97] {strides = array<i32>} : memref<640xf32, #tpu.memory_space<vmem>>, vector<16xf32>,
    %swap3A_99 = vector.shape_cast %swap3A_98 : vector<16xf32> to vector<16xf32>
    %swap3A_100 = vector.shape_cast %broadcast_in_dim3A_96 : vector<16xf32> to vector<16xf32>
    tpu.vector_store %arg19[%swap3A_97], %swap3A_100 {strides = array<i32>} : memref<640xf32, #tpu.memory_space<vmem>>, vector<16xf32>,
    %mul3A_101 = arith.constant 640 : i32
    %mul3A_102 = arith.muli %arg1, %mul3A_101 : i32
    %add3A_103 = arith.constant 96 : i32
    %add3A_104 = arith.addi %mul3A_102, %add3A_103 : i32
    %add3A_105 = vector.broadcast %add3A_104 : i32 to vector<16xi32>
    %add3A_106 = arith.addi %iota3A, %add3A_105 : vector<16xi32>
    %swap3A_107 = arith.constant 96 : index
    %swap3A_108 = tpu.vector_load %arg20[%swap3A_107] {strides = array<i32>} : memref<640xi32, #tpu.memory_space<vmem>>, vector<16xi32>,
    %swap3A_109 = vector.shape_cast %swap3A_108 : vector<16xi32> to vector<16xi32>
    %swap3A_110 = vector.shape_cast %add3A_106 : vector<16xi32> to vector<16xi32>
    tpu.vector_store %arg20[%swap3A_107], %swap3A_110 {strides = array<i32>} : memref<640xi32, #tpu.memory_space<vmem>>, vector<16xi32>,
    %broadcast_in_dim3A_111 = arith.constant 0.000000e+00 : f32
    %broadcast_in_dim3A_112 = vector.broadcast %broadcast_in_dim3A_111 : f32 to vector<16xf32>
    %swap3A_113 = arith.constant 112 : index
    %swap3A_114 = tpu.vector_load %arg19[%swap3A_113] {strides = array<i32>} : memref<640xf32, #tpu.memory_space<vmem>>, vector<16xf32>,
    %swap3A_115 = vector.shape_cast %swap3A_114 : vector<16xf32> to vector<16xf32>
    %swap3A_116 = vector.shape_cast %broadcast_in_dim3A_112 : vector<16xf32> to vector<16xf32>
    tpu.vector_store %arg19[%swap3A_113], %swap3A_116 {strides = array<i32>} : memref<640xf32, #tpu.memory_space<vmem>>, vector<16xf32>,
    %mul3A_117 = arith.constant 640 : i32
    %mul3A_118 = arith.muli %arg1, %mul3A_117 : i32
    %add3A_119 = arith.constant 112 : i32
    %add3A_120 = arith.addi %mul3A_118, %add3A_119 : i32
    %add3A_121 = vector.broadcast %add3A_120 : i32 to vector<16xi32>
    %add3A_122 = arith.addi %iota3A, %add3A_121 : vector<16xi32>
    %swap3A_123 = arith.constant 112 : index
    %swap3A_124 = tpu.vector_load %arg20[%swap3A_123] {strides = array<i32>} : memref<640xi32, #tpu.memory_space<vmem>>, vector<16xi32>,
    %swap3A_125 = vector.shape_cast %swap3A_124 : vector<16xi32> to vector<16xi32>
    %swap3A_126 = vector.shape_cast %add3A_122 : vector<16xi32> to vector<16xi32>
    tpu.vector_store %arg20[%swap3A_123], %swap3A_126 {strides = array<i32>} : memref<640xi32, #tpu.memory_space<vmem>>, vector<16xi32>,
    %broadcast_in_dim3A_127 = arith.constant 0.000000e+00 : f32
    %broadcast_in_dim3A_128 = vector.broadcast %broadcast_in_dim3A_127 : f32 to vector<16xf32>
    %swap3A_129 = arith.constant 128 : index
    %swap3A_130 = tpu.vector_load %arg19[%swap3A_129] {strides = array<i32>} : memref<640xf32, #tpu.memory_space<vmem>>, vector<16xf32>,
    %swap3A_131 = vector.shape_cast %swap3A_130 : vector<16xf32> to vector<16xf32>
    %swap3A_132 = vector.shape_cast %broadcast_in_dim3A_128 : vector<16xf32> to vector<16xf32>
    tpu.vector_store %arg19[%swap3A_129], %swap3A_132 {strides = array<i32>} : memref<640xf32, #tpu.memory_space<vmem>>, vector<16xf32>,
    %mul3A_133 = arith.constant 640 : i32
    %mul3A_134 = arith.muli %arg1, %mul3A_133 : i32
    %add3A_135 = arith.constant 128 : i32
    %add3A_136 = arith.addi %mul3A_134, %add3A_135 : i32
    %add3A_137 = vector.broadcast %add3A_136 : i32 to vector<16xi32>
    %add3A_138 = arith.addi %iota3A, %add3A_137 : vector<16xi32>
    %swap3A_139 = arith.constant 128 : index
    %swap3A_140 = tpu.vector_load %arg20[%swap3A_139] {strides = array<i32>} : memref<640xi32, #tpu.memory_space<vmem>>, vector<16xi32>,
    %swap3A_141 = vector.shape_cast %swap3A_140 : vector<16xi32> to vector<16xi32>
    %swap3A_142 = vector.shape_cast %add3A_138 : vector<16xi32> to vector<16xi32>
    tpu.vector_store %arg20[%swap3A_139], %swap3A_142 {strides = array<i32>} : memref<640xi32, #tpu.memory_space<vmem>>, vector<16xi32>,
    %broadcast_in_dim3A_143 = arith.constant 0.000000e+00 : f32
    %broadcast_in_dim3A_144 = vector.broadcast %broadcast_in_dim3A_143 : f32 to vector<16xf32>
    %swap3A_145 = arith.constant 144 : index
    %swap3A_146 = tpu.vector_load %arg19[%swap3A_145] {strides = array<i32>} : memref<640xf32, #tpu.memory_space<vmem>>, vector<16xf32>,
    %swap3A_147 = vector.shape_cast %swap3A_146 : vector<16xf32> to vector<16xf32>
    %swap3A_148 = vector.shape_cast %broadcast_in_dim3A_144 : vector<16xf32> to vector<16xf32>
    tpu.vector_store %arg19[%swap3A_145], %swap3A_148 {strides = array<i32>} : memref<640xf32, #tpu.memory_space<vmem>>, vector<16xf32>,
    %mul3A_149 = arith.constant 640 : i32
    %mul3A_150 = arith.muli %arg1, %mul3A_149 : i32
    %add3A_151 = arith.constant 144 : i32
    %add3A_152 = arith.addi %mul3A_150, %add3A_151 : i32
    %add3A_153 = vector.broadcast %add3A_152 : i32 to vector<16xi32>
    %add3A_154 = arith.addi %iota3A, %add3A_153 : vector<16xi32>
    %swap3A_155 = arith.constant 144 : index
    %swap3A_156 = tpu.vector_load %arg20[%swap3A_155] {strides = array<i32>} : memref<640xi32, #tpu.memory_space<vmem>>, vector<16xi32>,
    %swap3A_157 = vector.shape_cast %swap3A_156 : vector<16xi32> to vector<16xi32>
    %swap3A_158 = vector.shape_cast %add3A_154 : vector<16xi32> to vector<16xi32>
    tpu.vector_store %arg20[%swap3A_155], %swap3A_158 {strides = array<i32>} : memref<640xi32, #tpu.memory_space<vmem>>, vector<16xi32>,
    %broadcast_in_dim3A_159 = arith.constant 0.000000e+00 : f32
    %broadcast_in_dim3A_160 = vector.broadcast %broadcast_in_dim3A_159 : f32 to vector<16xf32>
    %swap3A_161 = arith.constant 160 : index
    %swap3A_162 = tpu.vector_load %arg19[%swap3A_161] {strides = array<i32>} : memref<640xf32, #tpu.memory_space<vmem>>, vector<16xf32>,
    %swap3A_163 = vector.shape_cast %swap3A_162 : vector<16xf32> to vector<16xf32>
    %swap3A_164 = vector.shape_cast %broadcast_in_dim3A_160 : vector<16xf32> to vector<16xf32>
    tpu.vector_store %arg19[%swap3A_161], %swap3A_164 {strides = array<i32>} : memref<640xf32, #tpu.memory_space<vmem>>, vector<16xf32>,
    %mul3A_165 = arith.constant 640 : i32
    %mul3A_166 = arith.muli %arg1, %mul3A_165 : i32
    %add3A_167 = arith.constant 160 : i32
    %add3A_168 = arith.addi %mul3A_166, %add3A_167 : i32
    %add3A_169 = vector.broadcast %add3A_168 : i32 to vector<16xi32>
    %add3A_170 = arith.addi %iota3A, %add3A_169 : vector<16xi32>
    %swap3A_171 = arith.constant 160 : index
    %swap3A_172 = tpu.vector_load %arg20[%swap3A_171] {strides = array<i32>} : memref<640xi32, #tpu.memory_space<vmem>>, vector<16xi32>,
    %swap3A_173 = vector.shape_cast %swap3A_172 : vector<16xi32> to vector<16xi32>
    %swap3A_174 = vector.shape_cast %add3A_170 : vector<16xi32> to vector<16xi32>
    tpu.vector_store %arg20[%swap3A_171], %swap3A_174 {strides = array<i32>} : memref<640xi32, #tpu.memory_space<vmem>>, vector<16xi32>,
    %broadcast_in_dim3A_175 = arith.constant 0.000000e+00 : f32
    %broadcast_in_dim3A_176 = vector.broadcast %broadcast_in_dim3A_175 : f32 to vector<16xf32>
    %swap3A_177 = arith.constant 176 : index
    %swap3A_178 = tpu.vector_load %arg19[%swap3A_177] {strides = array<i32>} : memref<640xf32, #tpu.memory_space<vmem>>, vector<16xf32>,
    %swap3A_179 = vector.shape_cast %swap3A_178 : vector<16xf32> to vector<16xf32>
    %swap3A_180 = vector.shape_cast %broadcast_in_dim3A_176 : vector<16xf32> to vector<16xf32>
    tpu.vector_store %arg19[%swap3A_177], %swap3A_180 {strides = array<i32>} : memref<640xf32, #tpu.memory_space<vmem>>, vector<16xf32>,
    %mul3A_181 = arith.constant 640 : i32
    %mul3A_182 = arith.muli %arg1, %mul3A_181 : i32
    %add3A_183 = arith.constant 176 : i32
    %add3A_184 = arith.addi %mul3A_182, %add3A_183 : i32
    %add3A_185 = vector.broadcast %add3A_184 : i32 to vector<16xi32>
    %add3A_186 = arith.addi %iota3A, %add3A_185 : vector<16xi32>
    %swap3A_187 = arith.constant 176 : index
    %swap3A_188 = tpu.vector_load %arg20[%swap3A_187] {strides = array<i32>} : memref<640xi32, #tpu.memory_space<vmem>>, vector<16xi32>,
    %swap3A_189 = vector.shape_cast %swap3A_188 : vector<16xi32> to vector<16xi32>
    %swap3A_190 = vector.shape_cast %add3A_186 : vector<16xi32> to vector<16xi32>
    tpu.vector_store %arg20[%swap3A_187], %swap3A_190 {strides = array<i32>} : memref<640xi32, #tpu.memory_space<vmem>>, vector<16xi32>,
    %broadcast_in_dim3A_191 = arith.constant 0.000000e+00 : f32
    %broadcast_in_dim3A_192 = vector.broadcast %broadcast_in_dim3A_191 : f32 to vector<16xf32>
    %swap3A_193 = arith.constant 192 : index
    %swap3A_194 = tpu.vector_load %arg19[%swap3A_193] {strides = array<i32>} : memref<640xf32, #tpu.memory_space<vmem>>, vector<16xf32>,
    %swap3A_195 = vector.shape_cast %swap3A_194 : vector<16xf32> to vector<16xf32>
    %swap3A_196 = vector.shape_cast %broadcast_in_dim3A_192 : vector<16xf32> to vector<16xf32>
    tpu.vector_store %arg19[%swap3A_193], %swap3A_196 {strides = array<i32>} : memref<640xf32, #tpu.memory_space<vmem>>, vector<16xf32>,
    %mul3A_197 = arith.constant 640 : i32
    %mul3A_198 = arith.muli %arg1, %mul3A_197 : i32
    %add3A_199 = arith.constant 192 : i32
    %add3A_200 = arith.addi %mul3A_198, %add3A_199 : i32
    %add3A_201 = vector.broadcast %add3A_200 : i32 to vector<16xi32>
    %add3A_202 = arith.addi %iota3A, %add3A_201 : vector<16xi32>
    %swap3A_203 = arith.constant 192 : index
    %swap3A_204 = tpu.vector_load %arg20[%swap3A_203] {strides = array<i32>} : memref<640xi32, #tpu.memory_space<vmem>>, vector<16xi32>,
    %swap3A_205 = vector.shape_cast %swap3A_204 : vector<16xi32> to vector<16xi32>
    %swap3A_206 = vector.shape_cast %add3A_202 : vector<16xi32> to vector<16xi32>
    tpu.vector_store %arg20[%swap3A_203], %swap3A_206 {strides = array<i32>} : memref<640xi32, #tpu.memory_space<vmem>>, vector<16xi32>,
    %broadcast_in_dim3A_207 = arith.constant 0.000000e+00 : f32
    %broadcast_in_dim3A_208 = vector.broadcast %broadcast_in_dim3A_207 : f32 to vector<16xf32>
    %swap3A_209 = arith.constant 208 : index
    %swap3A_210 = tpu.vector_load %arg19[%swap3A_209] {strides = array<i32>} : memref<640xf32, #tpu.memory_space<vmem>>, vector<16xf32>,
    %swap3A_211 = vector.shape_cast %swap3A_210 : vector<16xf32> to vector<16xf32>
    %swap3A_212 = vector.shape_cast %broadcast_in_dim3A_208 : vector<16xf32> to vector<16xf32>
    tpu.vector_store %arg19[%swap3A_209], %swap3A_212 {strides = array<i32>} : memref<640xf32, #tpu.memory_space<vmem>>, vector<16xf32>,
    %mul3A_213 = arith.constant 640 : i32
    %mul3A_214 = arith.muli %arg1, %mul3A_213 : i32
    %add3A_215 = arith.constant 208 : i32
    %add3A_216 = arith.addi %mul3A_214, %add3A_215 : i32
    %add3A_217 = vector.broadcast %add3A_216 : i32 to vector<16xi32>
    %add3A_218 = arith.addi %iota3A, %add3A_217 : vector<16xi32>
    %swap3A_219 = arith.constant 208 : index
    %swap3A_220 = tpu.vector_load %arg20[%swap3A_219] {strides = array<i32>} : memref<640xi32, #tpu.memory_space<vmem>>, vector<16xi32>,
    %swap3A_221 = vector.shape_cast %swap3A_220 : vector<16xi32> to vector<16xi32>
    %swap3A_222 = vector.shape_cast %add3A_218 : vector<16xi32> to vector<16xi32>
    tpu.vector_store %arg20[%swap3A_219], %swap3A_222 {strides = array<i32>} : memref<640xi32, #tpu.memory_space<vmem>>, vector<16xi32>,
    %broadcast_in_dim3A_223 = arith.constant 0.000000e+00 : f32
    %broadcast_in_dim3A_224 = vector.broadcast %broadcast_in_dim3A_223 : f32 to vector<16xf32>
    %swap3A_225 = arith.constant 224 : index
    %swap3A_226 = tpu.vector_load %arg19[%swap3A_225] {strides = array<i32>} : memref<640xf32, #tpu.memory_space<vmem>>, vector<16xf32>,
    %swap3A_227 = vector.shape_cast %swap3A_226 : vector<16xf32> to vector<16xf32>
    %swap3A_228 = vector.shape_cast %broadcast_in_dim3A_224 : vector<16xf32> to vector<16xf32>
    tpu.vector_store %arg19[%swap3A_225], %swap3A_228 {strides = array<i32>} : memref<640xf32, #tpu.memory_space<vmem>>, vector<16xf32>,
    %mul3A_229 = arith.constant 640 : i32
    %mul3A_230 = arith.muli %arg1, %mul3A_229 : i32
    %add3A_231 = arith.constant 224 : i32
    %add3A_232 = arith.addi %mul3A_230, %add3A_231 : i32
    %add3A_233 = vector.broadcast %add3A_232 : i32 to vector<16xi32>
    %add3A_234 = arith.addi %iota3A, %add3A_233 : vector<16xi32>
    %swap3A_235 = arith.constant 224 : index
    %swap3A_236 = tpu.vector_load %arg20[%swap3A_235] {strides = array<i32>} : memref<640xi32, #tpu.memory_space<vmem>>, vector<16xi32>,
    %swap3A_237 = vector.shape_cast %swap3A_236 : vector<16xi32> to vector<16xi32>
    %swap3A_238 = vector.shape_cast %add3A_234 : vector<16xi32> to vector<16xi32>
    tpu.vector_store %arg20[%swap3A_235], %swap3A_238 {strides = array<i32>} : memref<640xi32, #tpu.memory_space<vmem>>, vector<16xi32>,
    %broadcast_in_dim3A_239 = arith.constant 0.000000e+00 : f32
    %broadcast_in_dim3A_240 = vector.broadcast %broadcast_in_dim3A_239 : f32 to vector<16xf32>
    %swap3A_241 = arith.constant 240 : index
    %swap3A_242 = tpu.vector_load %arg19[%swap3A_241] {strides = array<i32>} : memref<640xf32, #tpu.memory_space<vmem>>, vector<16xf32>,
    %swap3A_243 = vector.shape_cast %swap3A_242 : vector<16xf32> to vector<16xf32>
    %swap3A_244 = vector.shape_cast %broadcast_in_dim3A_240 : vector<16xf32> to vector<16xf32>
    tpu.vector_store %arg19[%swap3A_241], %swap3A_244 {strides = array<i32>} : memref<640xf32, #tpu.memory_space<vmem>>, vector<16xf32>,
    %mul3A_245 = arith.constant 640 : i32
    %mul3A_246 = arith.muli %arg1, %mul3A_245 : i32
    %add3A_247 = arith.constant 240 : i32
    %add3A_248 = arith.addi %mul3A_246, %add3A_247 : i32
    %add3A_249 = vector.broadcast %add3A_248 : i32 to vector<16xi32>
    %add3A_250 = arith.addi %iota3A, %add3A_249 : vector<16xi32>
    %swap3A_251 = arith.constant 240 : index
    %swap3A_252 = tpu.vector_load %arg20[%swap3A_251] {strides = array<i32>} : memref<640xi32, #tpu.memory_space<vmem>>, vector<16xi32>,
    %swap3A_253 = vector.shape_cast %swap3A_252 : vector<16xi32> to vector<16xi32>
    %swap3A_254 = vector.shape_cast %add3A_250 : vector<16xi32> to vector<16xi32>
    tpu.vector_store %arg20[%swap3A_251], %swap3A_254 {strides = array<i32>} : memref<640xi32, #tpu.memory_space<vmem>>, vector<16xi32>,
    %broadcast_in_dim3A_255 = arith.constant 0.000000e+00 : f32
    %broadcast_in_dim3A_256 = vector.broadcast %broadcast_in_dim3A_255 : f32 to vector<16xf32>
    %swap3A_257 = arith.constant 256 : index
    %swap3A_258 = tpu.vector_load %arg19[%swap3A_257] {strides = array<i32>} : memref<640xf32, #tpu.memory_space<vmem>>, vector<16xf32>,
    %swap3A_259 = vector.shape_cast %swap3A_258 : vector<16xf32> to vector<16xf32>
    %swap3A_260 = vector.shape_cast %broadcast_in_dim3A_256 : vector<16xf32> to vector<16xf32>
    tpu.vector_store %arg19[%swap3A_257], %swap3A_260 {strides = array<i32>} : memref<640xf32, #tpu.memory_space<vmem>>, vector<16xf32>,
    %mul3A_261 = arith.constant 640 : i32
    %mul3A_262 = arith.muli %arg1, %mul3A_261 : i32
    %add3A_263 = arith.constant 256 : i32
    %add3A_264 = arith.addi %mul3A_262, %add3A_263 : i32
    %add3A_265 = vector.broadcast %add3A_264 : i32 to vector<16xi32>
    %add3A_266 = arith.addi %iota3A, %add3A_265 : vector<16xi32>
    %swap3A_267 = arith.constant 256 : index
    %swap3A_268 = tpu.vector_load %arg20[%swap3A_267] {strides = array<i32>} : memref<640xi32, #tpu.memory_space<vmem>>, vector<16xi32>,
    %swap3A_269 = vector.shape_cast %swap3A_268 : vector<16xi32> to vector<16xi32>
    %swap3A_270 = vector.shape_cast %add3A_266 : vector<16xi32> to vector<16xi32>
    tpu.vector_store %arg20[%swap3A_267], %swap3A_270 {strides = array<i32>} : memref<640xi32, #tpu.memory_space<vmem>>, vector<16xi32>,
    %broadcast_in_dim3A_271 = arith.constant 0.000000e+00 : f32
    %broadcast_in_dim3A_272 = vector.broadcast %broadcast_in_dim3A_271 : f32 to vector<16xf32>
    %swap3A_273 = arith.constant 272 : index
    %swap3A_274 = tpu.vector_load %arg19[%swap3A_273] {strides = array<i32>} : memref<640xf32, #tpu.memory_space<vmem>>, vector<16xf32>,
    %swap3A_275 = vector.shape_cast %swap3A_274 : vector<16xf32> to vector<16xf32>
    %swap3A_276 = vector.shape_cast %broadcast_in_dim3A_272 : vector<16xf32> to vector<16xf32>
    tpu.vector_store %arg19[%swap3A_273], %swap3A_276 {strides = array<i32>} : memref<640xf32, #tpu.memory_space<vmem>>, vector<16xf32>,
    %mul3A_277 = arith.constant 640 : i32
    %mul3A_278 = arith.muli %arg1, %mul3A_277 : i32
    %add3A_279 = arith.constant 272 : i32
    %add3A_280 = arith.addi %mul3A_278, %add3A_279 : i32
    %add3A_281 = vector.broadcast %add3A_280 : i32 to vector<16xi32>
    %add3A_282 = arith.addi %iota3A, %add3A_281 : vector<16xi32>
    %swap3A_283 = arith.constant 272 : index
    %swap3A_284 = tpu.vector_load %arg20[%swap3A_283] {strides = array<i32>} : memref<640xi32, #tpu.memory_space<vmem>>, vector<16xi32>,
    %swap3A_285 = vector.shape_cast %swap3A_284 : vector<16xi32> to vector<16xi32>
    %swap3A_286 = vector.shape_cast %add3A_282 : vector<16xi32> to vector<16xi32>
    tpu.vector_store %arg20[%swap3A_283], %swap3A_286 {strides = array<i32>} : memref<640xi32, #tpu.memory_space<vmem>>, vector<16xi32>,
    %broadcast_in_dim3A_287 = arith.constant 0.000000e+00 : f32
    %broadcast_in_dim3A_288 = vector.broadcast %broadcast_in_dim3A_287 : f32 to vector<16xf32>
    %swap3A_289 = arith.constant 288 : index
    %swap3A_290 = tpu.vector_load %arg19[%swap3A_289] {strides = array<i32>} : memref<640xf32, #tpu.memory_space<vmem>>, vector<16xf32>,
    %swap3A_291 = vector.shape_cast %swap3A_290 : vector<16xf32> to vector<16xf32>
    %swap3A_292 = vector.shape_cast %broadcast_in_dim3A_288 : vector<16xf32> to vector<16xf32>
    tpu.vector_store %arg19[%swap3A_289], %swap3A_292 {strides = array<i32>} : memref<640xf32, #tpu.memory_space<vmem>>, vector<16xf32>,
    %mul3A_293 = arith.constant 640 : i32
    %mul3A_294 = arith.muli %arg1, %mul3A_293 : i32
    %add3A_295 = arith.constant 288 : i32
    %add3A_296 = arith.addi %mul3A_294, %add3A_295 : i32
    %add3A_297 = vector.broadcast %add3A_296 : i32 to vector<16xi32>
    %add3A_298 = arith.addi %iota3A, %add3A_297 : vector<16xi32>
    %swap3A_299 = arith.constant 288 : index
    %swap3A_300 = tpu.vector_load %arg20[%swap3A_299] {strides = array<i32>} : memref<640xi32, #tpu.memory_space<vmem>>, vector<16xi32>,
    %swap3A_301 = vector.shape_cast %swap3A_300 : vector<16xi32> to vector<16xi32>
    %swap3A_302 = vector.shape_cast %add3A_298 : vector<16xi32> to vector<16xi32>
    tpu.vector_store %arg20[%swap3A_299], %swap3A_302 {strides = array<i32>} : memref<640xi32, #tpu.memory_space<vmem>>, vector<16xi32>,
    %broadcast_in_dim3A_303 = arith.constant 0.000000e+00 : f32
    %broadcast_in_dim3A_304 = vector.broadcast %broadcast_in_dim3A_303 : f32 to vector<16xf32>
    %swap3A_305 = arith.constant 304 : index
    %swap3A_306 = tpu.vector_load %arg19[%swap3A_305] {strides = array<i32>} : memref<640xf32, #tpu.memory_space<vmem>>, vector<16xf32>,
    %swap3A_307 = vector.shape_cast %swap3A_306 : vector<16xf32> to vector<16xf32>
    %swap3A_308 = vector.shape_cast %broadcast_in_dim3A_304 : vector<16xf32> to vector<16xf32>
    tpu.vector_store %arg19[%swap3A_305], %swap3A_308 {strides = array<i32>} : memref<640xf32, #tpu.memory_space<vmem>>, vector<16xf32>,
    %mul3A_309 = arith.constant 640 : i32
    %mul3A_310 = arith.muli %arg1, %mul3A_309 : i32
    %add3A_311 = arith.constant 304 : i32
    %add3A_312 = arith.addi %mul3A_310, %add3A_311 : i32
    %add3A_313 = vector.broadcast %add3A_312 : i32 to vector<16xi32>
    %add3A_314 = arith.addi %iota3A, %add3A_313 : vector<16xi32>
    %swap3A_315 = arith.constant 304 : index
    %swap3A_316 = tpu.vector_load %arg20[%swap3A_315] {strides = array<i32>} : memref<640xi32, #tpu.memory_space<vmem>>, vector<16xi32>,
    %swap3A_317 = vector.shape_cast %swap3A_316 : vector<16xi32> to vector<16xi32>
    %swap3A_318 = vector.shape_cast %add3A_314 : vector<16xi32> to vector<16xi32>
    tpu.vector_store %arg20[%swap3A_315], %swap3A_318 {strides = array<i32>} : memref<640xi32, #tpu.memory_space<vmem>>, vector<16xi32>,
    %broadcast_in_dim3A_319 = arith.constant 0.000000e+00 : f32
    %broadcast_in_dim3A_320 = vector.broadcast %broadcast_in_dim3A_319 : f32 to vector<16xf32>
    %swap3A_321 = arith.constant 320 : index
    %swap3A_322 = tpu.vector_load %arg19[%swap3A_321] {strides = array<i32>} : memref<640xf32, #tpu.memory_space<vmem>>, vector<16xf32>,
    %swap3A_323 = vector.shape_cast %swap3A_322 : vector<16xf32> to vector<16xf32>
    %swap3A_324 = vector.shape_cast %broadcast_in_dim3A_320 : vector<16xf32> to vector<16xf32>
    tpu.vector_store %arg19[%swap3A_321], %swap3A_324 {strides = array<i32>} : memref<640xf32, #tpu.memory_space<vmem>>, vector<16xf32>,
    %mul3A_325 = arith.constant 640 : i32
    %mul3A_326 = arith.muli %arg1, %mul3A_325 : i32
    %add3A_327 = arith.constant 320 : i32
    %add3A_328 = arith.addi %mul3A_326, %add3A_327 : i32
    %add3A_329 = vector.broadcast %add3A_328 : i32 to vector<16xi32>
    %add3A_330 = arith.addi %iota3A, %add3A_329 : vector<16xi32>
    %swap3A_331 = arith.constant 320 : index
    %swap3A_332 = tpu.vector_load %arg20[%swap3A_331] {strides = array<i32>} : memref<640xi32, #tpu.memory_space<vmem>>, vector<16xi32>,
    %swap3A_333 = vector.shape_cast %swap3A_332 : vector<16xi32> to vector<16xi32>
    %swap3A_334 = vector.shape_cast %add3A_330 : vector<16xi32> to vector<16xi32>
    tpu.vector_store %arg20[%swap3A_331], %swap3A_334 {strides = array<i32>} : memref<640xi32, #tpu.memory_space<vmem>>, vector<16xi32>,
    %broadcast_in_dim3A_335 = arith.constant 0.000000e+00 : f32
    %broadcast_in_dim3A_336 = vector.broadcast %broadcast_in_dim3A_335 : f32 to vector<16xf32>
    %swap3A_337 = arith.constant 336 : index
    %swap3A_338 = tpu.vector_load %arg19[%swap3A_337] {strides = array<i32>} : memref<640xf32, #tpu.memory_space<vmem>>, vector<16xf32>,
    %swap3A_339 = vector.shape_cast %swap3A_338 : vector<16xf32> to vector<16xf32>
    %swap3A_340 = vector.shape_cast %broadcast_in_dim3A_336 : vector<16xf32> to vector<16xf32>
    tpu.vector_store %arg19[%swap3A_337], %swap3A_340 {strides = array<i32>} : memref<640xf32, #tpu.memory_space<vmem>>, vector<16xf32>,
    %mul3A_341 = arith.constant 640 : i32
    %mul3A_342 = arith.muli %arg1, %mul3A_341 : i32
    %add3A_343 = arith.constant 336 : i32
    %add3A_344 = arith.addi %mul3A_342, %add3A_343 : i32
    %add3A_345 = vector.broadcast %add3A_344 : i32 to vector<16xi32>
    %add3A_346 = arith.addi %iota3A, %add3A_345 : vector<16xi32>
    %swap3A_347 = arith.constant 336 : index
    %swap3A_348 = tpu.vector_load %arg20[%swap3A_347] {strides = array<i32>} : memref<640xi32, #tpu.memory_space<vmem>>, vector<16xi32>,
    %swap3A_349 = vector.shape_cast %swap3A_348 : vector<16xi32> to vector<16xi32>
    %swap3A_350 = vector.shape_cast %add3A_346 : vector<16xi32> to vector<16xi32>
    tpu.vector_store %arg20[%swap3A_347], %swap3A_350 {strides = array<i32>} : memref<640xi32, #tpu.memory_space<vmem>>, vector<16xi32>,
    %broadcast_in_dim3A_351 = arith.constant 0.000000e+00 : f32
    %broadcast_in_dim3A_352 = vector.broadcast %broadcast_in_dim3A_351 : f32 to vector<16xf32>
    %swap3A_353 = arith.constant 352 : index
    %swap3A_354 = tpu.vector_load %arg19[%swap3A_353] {strides = array<i32>} : memref<640xf32, #tpu.memory_space<vmem>>, vector<16xf32>,
    %swap3A_355 = vector.shape_cast %swap3A_354 : vector<16xf32> to vector<16xf32>
    %swap3A_356 = vector.shape_cast %broadcast_in_dim3A_352 : vector<16xf32> to vector<16xf32>
    tpu.vector_store %arg19[%swap3A_353], %swap3A_356 {strides = array<i32>} : memref<640xf32, #tpu.memory_space<vmem>>, vector<16xf32>,
    %mul3A_357 = arith.constant 640 : i32
    %mul3A_358 = arith.muli %arg1, %mul3A_357 : i32
    %add3A_359 = arith.constant 352 : i32
    %add3A_360 = arith.addi %mul3A_358, %add3A_359 : i32
    %add3A_361 = vector.broadcast %add3A_360 : i32 to vector<16xi32>
    %add3A_362 = arith.addi %iota3A, %add3A_361 : vector<16xi32>
    %swap3A_363 = arith.constant 352 : index
    %swap3A_364 = tpu.vector_load %arg20[%swap3A_363] {strides = array<i32>} : memref<640xi32, #tpu.memory_space<vmem>>, vector<16xi32>,
    %swap3A_365 = vector.shape_cast %swap3A_364 : vector<16xi32> to vector<16xi32>
    %swap3A_366 = vector.shape_cast %add3A_362 : vector<16xi32> to vector<16xi32>
    tpu.vector_store %arg20[%swap3A_363], %swap3A_366 {strides = array<i32>} : memref<640xi32, #tpu.memory_space<vmem>>, vector<16xi32>,
    %broadcast_in_dim3A_367 = arith.constant 0.000000e+00 : f32
    %broadcast_in_dim3A_368 = vector.broadcast %broadcast_in_dim3A_367 : f32 to vector<16xf32>
    %swap3A_369 = arith.constant 368 : index
    %swap3A_370 = tpu.vector_load %arg19[%swap3A_369] {strides = array<i32>} : memref<640xf32, #tpu.memory_space<vmem>>, vector<16xf32>,
    %swap3A_371 = vector.shape_cast %swap3A_370 : vector<16xf32> to vector<16xf32>
    %swap3A_372 = vector.shape_cast %broadcast_in_dim3A_368 : vector<16xf32> to vector<16xf32>
    tpu.vector_store %arg19[%swap3A_369], %swap3A_372 {strides = array<i32>} : memref<640xf32, #tpu.memory_space<vmem>>, vector<16xf32>,
    %mul3A_373 = arith.constant 640 : i32
    %mul3A_374 = arith.muli %arg1, %mul3A_373 : i32
    %add3A_375 = arith.constant 368 : i32
    %add3A_376 = arith.addi %mul3A_374, %add3A_375 : i32
    %add3A_377 = vector.broadcast %add3A_376 : i32 to vector<16xi32>
    %add3A_378 = arith.addi %iota3A, %add3A_377 : vector<16xi32>
    %swap3A_379 = arith.constant 368 : index
    %swap3A_380 = tpu.vector_load %arg20[%swap3A_379] {strides = array<i32>} : memref<640xi32, #tpu.memory_space<vmem>>, vector<16xi32>,
    %swap3A_381 = vector.shape_cast %swap3A_380 : vector<16xi32> to vector<16xi32>
    %swap3A_382 = vector.shape_cast %add3A_378 : vector<16xi32> to vector<16xi32>
    tpu.vector_store %arg20[%swap3A_379], %swap3A_382 {strides = array<i32>} : memref<640xi32, #tpu.memory_space<vmem>>, vector<16xi32>,
    %broadcast_in_dim3A_383 = arith.constant 0.000000e+00 : f32
    %broadcast_in_dim3A_384 = vector.broadcast %broadcast_in_dim3A_383 : f32 to vector<16xf32>
    %swap3A_385 = arith.constant 384 : index
    %swap3A_386 = tpu.vector_load %arg19[%swap3A_385] {strides = array<i32>} : memref<640xf32, #tpu.memory_space<vmem>>, vector<16xf32>,
    %swap3A_387 = vector.shape_cast %swap3A_386 : vector<16xf32> to vector<16xf32>
    %swap3A_388 = vector.shape_cast %broadcast_in_dim3A_384 : vector<16xf32> to vector<16xf32>
    tpu.vector_store %arg19[%swap3A_385], %swap3A_388 {strides = array<i32>} : memref<640xf32, #tpu.memory_space<vmem>>, vector<16xf32>,
    %mul3A_389 = arith.constant 640 : i32
    %mul3A_390 = arith.muli %arg1, %mul3A_389 : i32
    %add3A_391 = arith.constant 384 : i32
    %add3A_392 = arith.addi %mul3A_390, %add3A_391 : i32
    %add3A_393 = vector.broadcast %add3A_392 : i32 to vector<16xi32>
    %add3A_394 = arith.addi %iota3A, %add3A_393 : vector<16xi32>
    %swap3A_395 = arith.constant 384 : index
    %swap3A_396 = tpu.vector_load %arg20[%swap3A_395] {strides = array<i32>} : memref<640xi32, #tpu.memory_space<vmem>>, vector<16xi32>,
    %swap3A_397 = vector.shape_cast %swap3A_396 : vector<16xi32> to vector<16xi32>
    %swap3A_398 = vector.shape_cast %add3A_394 : vector<16xi32> to vector<16xi32>
    tpu.vector_store %arg20[%swap3A_395], %swap3A_398 {strides = array<i32>} : memref<640xi32, #tpu.memory_space<vmem>>, vector<16xi32>,
    %broadcast_in_dim3A_399 = arith.constant 0.000000e+00 : f32
    %broadcast_in_dim3A_400 = vector.broadcast %broadcast_in_dim3A_399 : f32 to vector<16xf32>
    %swap3A_401 = arith.constant 400 : index
    %swap3A_402 = tpu.vector_load %arg19[%swap3A_401] {strides = array<i32>} : memref<640xf32, #tpu.memory_space<vmem>>, vector<16xf32>,
    %swap3A_403 = vector.shape_cast %swap3A_402 : vector<16xf32> to vector<16xf32>
    %swap3A_404 = vector.shape_cast %broadcast_in_dim3A_400 : vector<16xf32> to vector<16xf32>
    tpu.vector_store %arg19[%swap3A_401], %swap3A_404 {strides = array<i32>} : memref<640xf32, #tpu.memory_space<vmem>>, vector<16xf32>,
    %mul3A_405 = arith.constant 640 : i32
    %mul3A_406 = arith.muli %arg1, %mul3A_405 : i32
    %add3A_407 = arith.constant 400 : i32
    %add3A_408 = arith.addi %mul3A_406, %add3A_407 : i32
    %add3A_409 = vector.broadcast %add3A_408 : i32 to vector<16xi32>
    %add3A_410 = arith.addi %iota3A, %add3A_409 : vector<16xi32>
    %swap3A_411 = arith.constant 400 : index
    %swap3A_412 = tpu.vector_load %arg20[%swap3A_411] {strides = array<i32>} : memref<640xi32, #tpu.memory_space<vmem>>, vector<16xi32>,
    %swap3A_413 = vector.shape_cast %swap3A_412 : vector<16xi32> to vector<16xi32>
    %swap3A_414 = vector.shape_cast %add3A_410 : vector<16xi32> to vector<16xi32>
    tpu.vector_store %arg20[%swap3A_411], %swap3A_414 {strides = array<i32>} : memref<640xi32, #tpu.memory_space<vmem>>, vector<16xi32>,
    %broadcast_in_dim3A_415 = arith.constant 0.000000e+00 : f32
    %broadcast_in_dim3A_416 = vector.broadcast %broadcast_in_dim3A_415 : f32 to vector<16xf32>
    %swap3A_417 = arith.constant 416 : index
    %swap3A_418 = tpu.vector_load %arg19[%swap3A_417] {strides = array<i32>} : memref<640xf32, #tpu.memory_space<vmem>>, vector<16xf32>,
    %swap3A_419 = vector.shape_cast %swap3A_418 : vector<16xf32> to vector<16xf32>
    %swap3A_420 = vector.shape_cast %broadcast_in_dim3A_416 : vector<16xf32> to vector<16xf32>
    tpu.vector_store %arg19[%swap3A_417], %swap3A_420 {strides = array<i32>} : memref<640xf32, #tpu.memory_space<vmem>>, vector<16xf32>,
    %mul3A_421 = arith.constant 640 : i32
    %mul3A_422 = arith.muli %arg1, %mul3A_421 : i32
    %add3A_423 = arith.constant 416 : i32
    %add3A_424 = arith.addi %mul3A_422, %add3A_423 : i32
    %add3A_425 = vector.broadcast %add3A_424 : i32 to vector<16xi32>
    %add3A_426 = arith.addi %iota3A, %add3A_425 : vector<16xi32>
    %swap3A_427 = arith.constant 416 : index
    %swap3A_428 = tpu.vector_load %arg20[%swap3A_427] {strides = array<i32>} : memref<640xi32, #tpu.memory_space<vmem>>, vector<16xi32>,
    %swap3A_429 = vector.shape_cast %swap3A_428 : vector<16xi32> to vector<16xi32>
    %swap3A_430 = vector.shape_cast %add3A_426 : vector<16xi32> to vector<16xi32>
    tpu.vector_store %arg20[%swap3A_427], %swap3A_430 {strides = array<i32>} : memref<640xi32, #tpu.memory_space<vmem>>, vector<16xi32>,
    %broadcast_in_dim3A_431 = arith.constant 0.000000e+00 : f32
    %broadcast_in_dim3A_432 = vector.broadcast %broadcast_in_dim3A_431 : f32 to vector<16xf32>
    %swap3A_433 = arith.constant 432 : index
    %swap3A_434 = tpu.vector_load %arg19[%swap3A_433] {strides = array<i32>} : memref<640xf32, #tpu.memory_space<vmem>>, vector<16xf32>,
    %swap3A_435 = vector.shape_cast %swap3A_434 : vector<16xf32> to vector<16xf32>
    %swap3A_436 = vector.shape_cast %broadcast_in_dim3A_432 : vector<16xf32> to vector<16xf32>
    tpu.vector_store %arg19[%swap3A_433], %swap3A_436 {strides = array<i32>} : memref<640xf32, #tpu.memory_space<vmem>>, vector<16xf32>,
    %mul3A_437 = arith.constant 640 : i32
    %mul3A_438 = arith.muli %arg1, %mul3A_437 : i32
    %add3A_439 = arith.constant 432 : i32
    %add3A_440 = arith.addi %mul3A_438, %add3A_439 : i32
    %add3A_441 = vector.broadcast %add3A_440 : i32 to vector<16xi32>
    %add3A_442 = arith.addi %iota3A, %add3A_441 : vector<16xi32>
    %swap3A_443 = arith.constant 432 : index
    %swap3A_444 = tpu.vector_load %arg20[%swap3A_443] {strides = array<i32>} : memref<640xi32, #tpu.memory_space<vmem>>, vector<16xi32>,
    %swap3A_445 = vector.shape_cast %swap3A_444 : vector<16xi32> to vector<16xi32>
    %swap3A_446 = vector.shape_cast %add3A_442 : vector<16xi32> to vector<16xi32>
    tpu.vector_store %arg20[%swap3A_443], %swap3A_446 {strides = array<i32>} : memref<640xi32, #tpu.memory_space<vmem>>, vector<16xi32>,
    %broadcast_in_dim3A_447 = arith.constant 0.000000e+00 : f32
    %broadcast_in_dim3A_448 = vector.broadcast %broadcast_in_dim3A_447 : f32 to vector<16xf32>
    %swap3A_449 = arith.constant 448 : index
    %swap3A_450 = tpu.vector_load %arg19[%swap3A_449] {strides = array<i32>} : memref<640xf32, #tpu.memory_space<vmem>>, vector<16xf32>,
    %swap3A_451 = vector.shape_cast %swap3A_450 : vector<16xf32> to vector<16xf32>
    %swap3A_452 = vector.shape_cast %broadcast_in_dim3A_448 : vector<16xf32> to vector<16xf32>
    tpu.vector_store %arg19[%swap3A_449], %swap3A_452 {strides = array<i32>} : memref<640xf32, #tpu.memory_space<vmem>>, vector<16xf32>,
    %mul3A_453 = arith.constant 640 : i32
    %mul3A_454 = arith.muli %arg1, %mul3A_453 : i32
    %add3A_455 = arith.constant 448 : i32
    %add3A_456 = arith.addi %mul3A_454, %add3A_455 : i32
    %add3A_457 = vector.broadcast %add3A_456 : i32 to vector<16xi32>
    %add3A_458 = arith.addi %iota3A, %add3A_457 : vector<16xi32>
    %swap3A_459 = arith.constant 448 : index
    %swap3A_460 = tpu.vector_load %arg20[%swap3A_459] {strides = array<i32>} : memref<640xi32, #tpu.memory_space<vmem>>, vector<16xi32>,
    %swap3A_461 = vector.shape_cast %swap3A_460 : vector<16xi32> to vector<16xi32>
    %swap3A_462 = vector.shape_cast %add3A_458 : vector<16xi32> to vector<16xi32>
    tpu.vector_store %arg20[%swap3A_459], %swap3A_462 {strides = array<i32>} : memref<640xi32, #tpu.memory_space<vmem>>, vector<16xi32>,
    %broadcast_in_dim3A_463 = arith.constant 0.000000e+00 : f32
    %broadcast_in_dim3A_464 = vector.broadcast %broadcast_in_dim3A_463 : f32 to vector<16xf32>
    %swap3A_465 = arith.constant 464 : index
    %swap3A_466 = tpu.vector_load %arg19[%swap3A_465] {strides = array<i32>} : memref<640xf32, #tpu.memory_space<vmem>>, vector<16xf32>,
    %swap3A_467 = vector.shape_cast %swap3A_466 : vector<16xf32> to vector<16xf32>
    %swap3A_468 = vector.shape_cast %broadcast_in_dim3A_464 : vector<16xf32> to vector<16xf32>
    tpu.vector_store %arg19[%swap3A_465], %swap3A_468 {strides = array<i32>} : memref<640xf32, #tpu.memory_space<vmem>>, vector<16xf32>,
    %mul3A_469 = arith.constant 640 : i32
    %mul3A_470 = arith.muli %arg1, %mul3A_469 : i32
    %add3A_471 = arith.constant 464 : i32
    %add3A_472 = arith.addi %mul3A_470, %add3A_471 : i32
    %add3A_473 = vector.broadcast %add3A_472 : i32 to vector<16xi32>
    %add3A_474 = arith.addi %iota3A, %add3A_473 : vector<16xi32>
    %swap3A_475 = arith.constant 464 : index
    %swap3A_476 = tpu.vector_load %arg20[%swap3A_475] {strides = array<i32>} : memref<640xi32, #tpu.memory_space<vmem>>, vector<16xi32>,
    %swap3A_477 = vector.shape_cast %swap3A_476 : vector<16xi32> to vector<16xi32>
    %swap3A_478 = vector.shape_cast %add3A_474 : vector<16xi32> to vector<16xi32>
    tpu.vector_store %arg20[%swap3A_475], %swap3A_478 {strides = array<i32>} : memref<640xi32, #tpu.memory_space<vmem>>, vector<16xi32>,
    %broadcast_in_dim3A_479 = arith.constant 0.000000e+00 : f32
    %broadcast_in_dim3A_480 = vector.broadcast %broadcast_in_dim3A_479 : f32 to vector<16xf32>
    %swap3A_481 = arith.constant 480 : index
    %swap3A_482 = tpu.vector_load %arg19[%swap3A_481] {strides = array<i32>} : memref<640xf32, #tpu.memory_space<vmem>>, vector<16xf32>,
    %swap3A_483 = vector.shape_cast %swap3A_482 : vector<16xf32> to vector<16xf32>
    %swap3A_484 = vector.shape_cast %broadcast_in_dim3A_480 : vector<16xf32> to vector<16xf32>
    tpu.vector_store %arg19[%swap3A_481], %swap3A_484 {strides = array<i32>} : memref<640xf32, #tpu.memory_space<vmem>>, vector<16xf32>,
    %mul3A_485 = arith.constant 640 : i32
    %mul3A_486 = arith.muli %arg1, %mul3A_485 : i32
    %add3A_487 = arith.constant 480 : i32
    %add3A_488 = arith.addi %mul3A_486, %add3A_487 : i32
    %add3A_489 = vector.broadcast %add3A_488 : i32 to vector<16xi32>
    %add3A_490 = arith.addi %iota3A, %add3A_489 : vector<16xi32>
    %swap3A_491 = arith.constant 480 : index
    %swap3A_492 = tpu.vector_load %arg20[%swap3A_491] {strides = array<i32>} : memref<640xi32, #tpu.memory_space<vmem>>, vector<16xi32>,
    %swap3A_493 = vector.shape_cast %swap3A_492 : vector<16xi32> to vector<16xi32>
    %swap3A_494 = vector.shape_cast %add3A_490 : vector<16xi32> to vector<16xi32>
    tpu.vector_store %arg20[%swap3A_491], %swap3A_494 {strides = array<i32>} : memref<640xi32, #tpu.memory_space<vmem>>, vector<16xi32>,
    %broadcast_in_dim3A_495 = arith.constant 0.000000e+00 : f32
    %broadcast_in_dim3A_496 = vector.broadcast %broadcast_in_dim3A_495 : f32 to vector<16xf32>
    %swap3A_497 = arith.constant 496 : index
    %swap3A_498 = tpu.vector_load %arg19[%swap3A_497] {strides = array<i32>} : memref<640xf32, #tpu.memory_space<vmem>>, vector<16xf32>,
    %swap3A_499 = vector.shape_cast %swap3A_498 : vector<16xf32> to vector<16xf32>
    %swap3A_500 = vector.shape_cast %broadcast_in_dim3A_496 : vector<16xf32> to vector<16xf32>
    tpu.vector_store %arg19[%swap3A_497], %swap3A_500 {strides = array<i32>} : memref<640xf32, #tpu.memory_space<vmem>>, vector<16xf32>,
    %mul3A_501 = arith.constant 640 : i32
    %mul3A_502 = arith.muli %arg1, %mul3A_501 : i32
    %add3A_503 = arith.constant 496 : i32
    %add3A_504 = arith.addi %mul3A_502, %add3A_503 : i32
    %add3A_505 = vector.broadcast %add3A_504 : i32 to vector<16xi32>
    %add3A_506 = arith.addi %iota3A, %add3A_505 : vector<16xi32>
    %swap3A_507 = arith.constant 496 : index
    %swap3A_508 = tpu.vector_load %arg20[%swap3A_507] {strides = array<i32>} : memref<640xi32, #tpu.memory_space<vmem>>, vector<16xi32>,
    %swap3A_509 = vector.shape_cast %swap3A_508 : vector<16xi32> to vector<16xi32>
    %swap3A_510 = vector.shape_cast %add3A_506 : vector<16xi32> to vector<16xi32>
    tpu.vector_store %arg20[%swap3A_507], %swap3A_510 {strides = array<i32>} : memref<640xi32, #tpu.memory_space<vmem>>, vector<16xi32>,
    %broadcast_in_dim3A_511 = arith.constant 0.000000e+00 : f32
    %broadcast_in_dim3A_512 = vector.broadcast %broadcast_in_dim3A_511 : f32 to vector<16xf32>
    %swap3A_513 = arith.constant 512 : index
    %swap3A_514 = tpu.vector_load %arg19[%swap3A_513] {strides = array<i32>} : memref<640xf32, #tpu.memory_space<vmem>>, vector<16xf32>,
    %swap3A_515 = vector.shape_cast %swap3A_514 : vector<16xf32> to vector<16xf32>
    %swap3A_516 = vector.shape_cast %broadcast_in_dim3A_512 : vector<16xf32> to vector<16xf32>
    tpu.vector_store %arg19[%swap3A_513], %swap3A_516 {strides = array<i32>} : memref<640xf32, #tpu.memory_space<vmem>>, vector<16xf32>,
    %mul3A_517 = arith.constant 640 : i32
    %mul3A_518 = arith.muli %arg1, %mul3A_517 : i32
    %add3A_519 = arith.constant 512 : i32
    %add3A_520 = arith.addi %mul3A_518, %add3A_519 : i32
    %add3A_521 = vector.broadcast %add3A_520 : i32 to vector<16xi32>
    %add3A_522 = arith.addi %iota3A, %add3A_521 : vector<16xi32>
    %swap3A_523 = arith.constant 512 : index
    %swap3A_524 = tpu.vector_load %arg20[%swap3A_523] {strides = array<i32>} : memref<640xi32, #tpu.memory_space<vmem>>, vector<16xi32>,
    %swap3A_525 = vector.shape_cast %swap3A_524 : vector<16xi32> to vector<16xi32>
    %swap3A_526 = vector.shape_cast %add3A_522 : vector<16xi32> to vector<16xi32>
    tpu.vector_store %arg20[%swap3A_523], %swap3A_526 {strides = array<i32>} : memref<640xi32, #tpu.memory_space<vmem>>, vector<16xi32>,
    %broadcast_in_dim3A_527 = arith.constant 0.000000e+00 : f32
    %broadcast_in_dim3A_528 = vector.broadcast %broadcast_in_dim3A_527 : f32 to vector<16xf32>
    %swap3A_529 = arith.constant 528 : index
    %swap3A_530 = tpu.vector_load %arg19[%swap3A_529] {strides = array<i32>} : memref<640xf32, #tpu.memory_space<vmem>>, vector<16xf32>,
    %swap3A_531 = vector.shape_cast %swap3A_530 : vector<16xf32> to vector<16xf32>
    %swap3A_532 = vector.shape_cast %broadcast_in_dim3A_528 : vector<16xf32> to vector<16xf32>
    tpu.vector_store %arg19[%swap3A_529], %swap3A_532 {strides = array<i32>} : memref<640xf32, #tpu.memory_space<vmem>>, vector<16xf32>,
    %mul3A_533 = arith.constant 640 : i32
    %mul3A_534 = arith.muli %arg1, %mul3A_533 : i32
    %add3A_535 = arith.constant 528 : i32
    %add3A_536 = arith.addi %mul3A_534, %add3A_535 : i32
    %add3A_537 = vector.broadcast %add3A_536 : i32 to vector<16xi32>
    %add3A_538 = arith.addi %iota3A, %add3A_537 : vector<16xi32>
    %swap3A_539 = arith.constant 528 : index
    %swap3A_540 = tpu.vector_load %arg20[%swap3A_539] {strides = array<i32>} : memref<640xi32, #tpu.memory_space<vmem>>, vector<16xi32>,
    %swap3A_541 = vector.shape_cast %swap3A_540 : vector<16xi32> to vector<16xi32>
    %swap3A_542 = vector.shape_cast %add3A_538 : vector<16xi32> to vector<16xi32>
    tpu.vector_store %arg20[%swap3A_539], %swap3A_542 {strides = array<i32>} : memref<640xi32, #tpu.memory_space<vmem>>, vector<16xi32>,
    %broadcast_in_dim3A_543 = arith.constant 0.000000e+00 : f32
    %broadcast_in_dim3A_544 = vector.broadcast %broadcast_in_dim3A_543 : f32 to vector<16xf32>
    %swap3A_545 = arith.constant 544 : index
    %swap3A_546 = tpu.vector_load %arg19[%swap3A_545] {strides = array<i32>} : memref<640xf32, #tpu.memory_space<vmem>>, vector<16xf32>,
    %swap3A_547 = vector.shape_cast %swap3A_546 : vector<16xf32> to vector<16xf32>
    %swap3A_548 = vector.shape_cast %broadcast_in_dim3A_544 : vector<16xf32> to vector<16xf32>
    tpu.vector_store %arg19[%swap3A_545], %swap3A_548 {strides = array<i32>} : memref<640xf32, #tpu.memory_space<vmem>>, vector<16xf32>,
    %mul3A_549 = arith.constant 640 : i32
    %mul3A_550 = arith.muli %arg1, %mul3A_549 : i32
    %add3A_551 = arith.constant 544 : i32
    %add3A_552 = arith.addi %mul3A_550, %add3A_551 : i32
    %add3A_553 = vector.broadcast %add3A_552 : i32 to vector<16xi32>
    %add3A_554 = arith.addi %iota3A, %add3A_553 : vector<16xi32>
    %swap3A_555 = arith.constant 544 : index
    %swap3A_556 = tpu.vector_load %arg20[%swap3A_555] {strides = array<i32>} : memref<640xi32, #tpu.memory_space<vmem>>, vector<16xi32>,
    %swap3A_557 = vector.shape_cast %swap3A_556 : vector<16xi32> to vector<16xi32>
    %swap3A_558 = vector.shape_cast %add3A_554 : vector<16xi32> to vector<16xi32>
    tpu.vector_store %arg20[%swap3A_555], %swap3A_558 {strides = array<i32>} : memref<640xi32, #tpu.memory_space<vmem>>, vector<16xi32>,
    %broadcast_in_dim3A_559 = arith.constant 0.000000e+00 : f32
    %broadcast_in_dim3A_560 = vector.broadcast %broadcast_in_dim3A_559 : f32 to vector<16xf32>
    %swap3A_561 = arith.constant 560 : index
    %swap3A_562 = tpu.vector_load %arg19[%swap3A_561] {strides = array<i32>} : memref<640xf32, #tpu.memory_space<vmem>>, vector<16xf32>,
    %swap3A_563 = vector.shape_cast %swap3A_562 : vector<16xf32> to vector<16xf32>
    %swap3A_564 = vector.shape_cast %broadcast_in_dim3A_560 : vector<16xf32> to vector<16xf32>
    tpu.vector_store %arg19[%swap3A_561], %swap3A_564 {strides = array<i32>} : memref<640xf32, #tpu.memory_space<vmem>>, vector<16xf32>,
    %mul3A_565 = arith.constant 640 : i32
    %mul3A_566 = arith.muli %arg1, %mul3A_565 : i32
    %add3A_567 = arith.constant 560 : i32
    %add3A_568 = arith.addi %mul3A_566, %add3A_567 : i32
    %add3A_569 = vector.broadcast %add3A_568 : i32 to vector<16xi32>
    %add3A_570 = arith.addi %iota3A, %add3A_569 : vector<16xi32>
    %swap3A_571 = arith.constant 560 : index
    %swap3A_572 = tpu.vector_load %arg20[%swap3A_571] {strides = array<i32>} : memref<640xi32, #tpu.memory_space<vmem>>, vector<16xi32>,
    %swap3A_573 = vector.shape_cast %swap3A_572 : vector<16xi32> to vector<16xi32>
    %swap3A_574 = vector.shape_cast %add3A_570 : vector<16xi32> to vector<16xi32>
    tpu.vector_store %arg20[%swap3A_571], %swap3A_574 {strides = array<i32>} : memref<640xi32, #tpu.memory_space<vmem>>, vector<16xi32>,
    %broadcast_in_dim3A_575 = arith.constant 0.000000e+00 : f32
    %broadcast_in_dim3A_576 = vector.broadcast %broadcast_in_dim3A_575 : f32 to vector<16xf32>
    %swap3A_577 = arith.constant 576 : index
    %swap3A_578 = tpu.vector_load %arg19[%swap3A_577] {strides = array<i32>} : memref<640xf32, #tpu.memory_space<vmem>>, vector<16xf32>,
    %swap3A_579 = vector.shape_cast %swap3A_578 : vector<16xf32> to vector<16xf32>
    %swap3A_580 = vector.shape_cast %broadcast_in_dim3A_576 : vector<16xf32> to vector<16xf32>
    tpu.vector_store %arg19[%swap3A_577], %swap3A_580 {strides = array<i32>} : memref<640xf32, #tpu.memory_space<vmem>>, vector<16xf32>,
    %mul3A_581 = arith.constant 640 : i32
    %mul3A_582 = arith.muli %arg1, %mul3A_581 : i32
    %add3A_583 = arith.constant 576 : i32
    %add3A_584 = arith.addi %mul3A_582, %add3A_583 : i32
    %add3A_585 = vector.broadcast %add3A_584 : i32 to vector<16xi32>
    %add3A_586 = arith.addi %iota3A, %add3A_585 : vector<16xi32>
    %swap3A_587 = arith.constant 576 : index
    %swap3A_588 = tpu.vector_load %arg20[%swap3A_587] {strides = array<i32>} : memref<640xi32, #tpu.memory_space<vmem>>, vector<16xi32>,
    %swap3A_589 = vector.shape_cast %swap3A_588 : vector<16xi32> to vector<16xi32>
    %swap3A_590 = vector.shape_cast %add3A_586 : vector<16xi32> to vector<16xi32>
    tpu.vector_store %arg20[%swap3A_587], %swap3A_590 {strides = array<i32>} : memref<640xi32, #tpu.memory_space<vmem>>, vector<16xi32>,
    %broadcast_in_dim3A_591 = arith.constant 0.000000e+00 : f32
    %broadcast_in_dim3A_592 = vector.broadcast %broadcast_in_dim3A_591 : f32 to vector<16xf32>
    %swap3A_593 = arith.constant 592 : index
    %swap3A_594 = tpu.vector_load %arg19[%swap3A_593] {strides = array<i32>} : memref<640xf32, #tpu.memory_space<vmem>>, vector<16xf32>,
    %swap3A_595 = vector.shape_cast %swap3A_594 : vector<16xf32> to vector<16xf32>
    %swap3A_596 = vector.shape_cast %broadcast_in_dim3A_592 : vector<16xf32> to vector<16xf32>
    tpu.vector_store %arg19[%swap3A_593], %swap3A_596 {strides = array<i32>} : memref<640xf32, #tpu.memory_space<vmem>>, vector<16xf32>,
    %mul3A_597 = arith.constant 640 : i32
    %mul3A_598 = arith.muli %arg1, %mul3A_597 : i32
    %add3A_599 = arith.constant 592 : i32
    %add3A_600 = arith.addi %mul3A_598, %add3A_599 : i32
    %add3A_601 = vector.broadcast %add3A_600 : i32 to vector<16xi32>
    %add3A_602 = arith.addi %iota3A, %add3A_601 : vector<16xi32>
    %swap3A_603 = arith.constant 592 : index
    %swap3A_604 = tpu.vector_load %arg20[%swap3A_603] {strides = array<i32>} : memref<640xi32, #tpu.memory_space<vmem>>, vector<16xi32>,
    %swap3A_605 = vector.shape_cast %swap3A_604 : vector<16xi32> to vector<16xi32>
    %swap3A_606 = vector.shape_cast %add3A_602 : vector<16xi32> to vector<16xi32>
    tpu.vector_store %arg20[%swap3A_603], %swap3A_606 {strides = array<i32>} : memref<640xi32, #tpu.memory_space<vmem>>, vector<16xi32>,
    %broadcast_in_dim3A_607 = arith.constant 0.000000e+00 : f32
    %broadcast_in_dim3A_608 = vector.broadcast %broadcast_in_dim3A_607 : f32 to vector<16xf32>
    %swap3A_609 = arith.constant 608 : index
    %swap3A_610 = tpu.vector_load %arg19[%swap3A_609] {strides = array<i32>} : memref<640xf32, #tpu.memory_space<vmem>>, vector<16xf32>,
    %swap3A_611 = vector.shape_cast %swap3A_610 : vector<16xf32> to vector<16xf32>
    %swap3A_612 = vector.shape_cast %broadcast_in_dim3A_608 : vector<16xf32> to vector<16xf32>
    tpu.vector_store %arg19[%swap3A_609], %swap3A_612 {strides = array<i32>} : memref<640xf32, #tpu.memory_space<vmem>>, vector<16xf32>,
    %mul3A_613 = arith.constant 640 : i32
    %mul3A_614 = arith.muli %arg1, %mul3A_613 : i32
    %add3A_615 = arith.constant 608 : i32
    %add3A_616 = arith.addi %mul3A_614, %add3A_615 : i32
    %add3A_617 = vector.broadcast %add3A_616 : i32 to vector<16xi32>
    %add3A_618 = arith.addi %iota3A, %add3A_617 : vector<16xi32>
    %swap3A_619 = arith.constant 608 : index
    %swap3A_620 = tpu.vector_load %arg20[%swap3A_619] {strides = array<i32>} : memref<640xi32, #tpu.memory_space<vmem>>, vector<16xi32>,
    %swap3A_621 = vector.shape_cast %swap3A_620 : vector<16xi32> to vector<16xi32>
    %swap3A_622 = vector.shape_cast %add3A_618 : vector<16xi32> to vector<16xi32>
    tpu.vector_store %arg20[%swap3A_619], %swap3A_622 {strides = array<i32>} : memref<640xi32, #tpu.memory_space<vmem>>, vector<16xi32>,
    %broadcast_in_dim3A_623 = arith.constant 0.000000e+00 : f32
    %broadcast_in_dim3A_624 = vector.broadcast %broadcast_in_dim3A_623 : f32 to vector<16xf32>
    %swap3A_625 = arith.constant 624 : index
    %swap3A_626 = tpu.vector_load %arg19[%swap3A_625] {strides = array<i32>} : memref<640xf32, #tpu.memory_space<vmem>>, vector<16xf32>,
    %swap3A_627 = vector.shape_cast %swap3A_626 : vector<16xf32> to vector<16xf32>
    %swap3A_628 = vector.shape_cast %broadcast_in_dim3A_624 : vector<16xf32> to vector<16xf32>
    tpu.vector_store %arg19[%swap3A_625], %swap3A_628 {strides = array<i32>} : memref<640xf32, #tpu.memory_space<vmem>>, vector<16xf32>,
    %mul3A_629 = arith.constant 640 : i32
    %mul3A_630 = arith.muli %arg1, %mul3A_629 : i32
    %add3A_631 = arith.constant 624 : i32
    %add3A_632 = arith.addi %mul3A_630, %add3A_631 : i32
    %add3A_633 = vector.broadcast %add3A_632 : i32 to vector<16xi32>
    %add3A_634 = arith.addi %iota3A, %add3A_633 : vector<16xi32>
    %swap3A_635 = arith.constant 624 : index
    %swap3A_636 = tpu.vector_load %arg20[%swap3A_635] {strides = array<i32>} : memref<640xi32, #tpu.memory_space<vmem>>, vector<16xi32>,
    %swap3A_637 = vector.shape_cast %swap3A_636 : vector<16xi32> to vector<16xi32>
    %swap3A_638 = vector.shape_cast %add3A_634 : vector<16xi32> to vector<16xi32>
    tpu.vector_store %arg20[%swap3A_635], %swap3A_638 {strides = array<i32>} : memref<640xi32, #tpu.memory_space<vmem>>, vector<16xi32>,
    %mul3A_639 = arith.constant 640 : i32
    %mul3A_640 = arith.muli %arg1, %mul3A_639 : i32
    "tpu.region"() ({
      %run_scoped3A_821 = tpu.sem_alloc : memref<!tpu.dma_semaphore, #tpu.memory_space<semaphore_mem>>
      %dma_start3A_822 = tpu.memref_slice %arg18[%mul3A_640] : memref<10240xf32, #tpu.memory_space<vmem_shared>> -> memref<640xf32, #tpu.memory_space<vmem_shared>>
      %dma_start3A_823 = tpu.memref_slice %arg18[%mul3A_640] : memref<10240xf32, #tpu.memory_space<vmem_shared>> -> memref<640xf32, #tpu.memory_space<vmem_shared>>
      tpu.enqueue_dma source(%arg19 : memref<640xf32, #tpu.memory_space<vmem>>) target(%dma_start3A_823 : memref<640xf32, #tpu.memory_space<vmem_shared>>) target_semaphore(%run_scoped3A_821 : memref<!tpu.dma_semaphore, #tpu.memory_space<semaphore_mem>>)
      %dma_wait3A_824 = tpu.memref_slice %arg18[%mul3A_640] : memref<10240xf32, #tpu.memory_space<vmem_shared>> -> memref<640xf32, #tpu.memory_space<vmem_shared>>
      %dma_wait3A_825 = tpu.memref_slice %arg18[%mul3A_640] : memref<10240xf32, #tpu.memory_space<vmem_shared>> -> memref<640xf32, #tpu.memory_space<vmem_shared>>
      tpu.wait_dma2 semaphore(%run_scoped3A_821 : memref<!tpu.dma_semaphore, #tpu.memory_space<semaphore_mem>>) src(%arg19 : memref<640xf32, #tpu.memory_space<vmem>>) dst(%dma_wait3A_825 : memref<640xf32, #tpu.memory_space<vmem_shared>>)
      tpu.yield
    }) : () -> ()
    %run_scoped3A = arith.constant 0 : i32
    "tpu.region"() ({
      %run_scoped3A_821 = tpu.sem_alloc : memref<!tpu.dma_semaphore, #tpu.memory_space<semaphore_mem>>
      %dma_start3A_822 = arith.constant 0 : i32
      %dma_start3A_823 = arith.constant 0 : i32
      %dma_start3A_824 = tpu.memref_slice %arg4[%run_scoped3A, %add3A, %dma_start3A_822, %dma_start3A_823] : memref<2x32x125x80xi32, #tpu.memory_space<hbm>> -> memref<1x1x125x80xi32, #tpu.memory_space<hbm>>
      %dma_start3A_825 = tpu.memref_squeeze %dma_start3A_824 : memref<1x1x125x80xi32, #tpu.memory_space<hbm>> -> memref<125x80xi32, #tpu.memory_space<hbm>>
      %dma_start3A_826 = arith.constant 0 : i32
      %dma_start3A_827 = arith.constant 0 : i32
      %dma_start3A_828 = tpu.memref_slice %arg4[%run_scoped3A, %add3A, %dma_start3A_826, %dma_start3A_827] : memref<2x32x125x80xi32, #tpu.memory_space<hbm>> -> memref<1x1x125x80xi32, #tpu.memory_space<hbm>>
      %dma_start3A_829 = tpu.memref_squeeze %dma_start3A_828 : memref<1x1x125x80xi32, #tpu.memory_space<hbm>> -> memref<125x80xi32, #tpu.memory_space<hbm>>
      tpu.enqueue_dma source(%dma_start3A_829 : memref<125x80xi32, #tpu.memory_space<hbm>>) target(%arg10 : memref<125x80xi32, #tpu.memory_space<vmem>>) target_semaphore(%run_scoped3A_821 : memref<!tpu.dma_semaphore, #tpu.memory_space<semaphore_mem>>)
      %dma_wait3A_830 = arith.constant 0 : i32
      %dma_wait3A_831 = arith.constant 0 : i32
      %dma_wait3A_832 = tpu.memref_slice %arg4[%run_scoped3A, %add3A, %dma_wait3A_830, %dma_wait3A_831] : memref<2x32x125x80xi32, #tpu.memory_space<hbm>> -> memref<1x1x125x80xi32, #tpu.memory_space<hbm>>
      %dma_wait3A_833 = tpu.memref_squeeze %dma_wait3A_832 : memref<1x1x125x80xi32, #tpu.memory_space<hbm>> -> memref<125x80xi32, #tpu.memory_space<hbm>>
      %dma_wait3A_834 = arith.constant 0 : i32
      %dma_wait3A_835 = arith.constant 0 : i32
      %dma_wait3A_836 = tpu.memref_slice %arg4[%run_scoped3A, %add3A, %dma_wait3A_834, %dma_wait3A_835] : memref<2x32x125x80xi32, #tpu.memory_space<hbm>> -> memref<1x1x125x80xi32, #tpu.memory_space<hbm>>
      %dma_wait3A_837 = tpu.memref_squeeze %dma_wait3A_836 : memref<1x1x125x80xi32, #tpu.memory_space<hbm>> -> memref<125x80xi32, #tpu.memory_space<hbm>>
      tpu.wait_dma2 semaphore(%run_scoped3A_821 : memref<!tpu.dma_semaphore, #tpu.memory_space<semaphore_mem>>) src(%dma_wait3A_837 : memref<125x80xi32, #tpu.memory_space<hbm>>) dst(%arg10 : memref<125x80xi32, #tpu.memory_space<vmem>>)
      tpu.yield
    }) : () -> ()
    %run_scoped3A_641 = arith.constant 1 : i32
    "tpu.region"() ({
      %run_scoped3A_821 = tpu.sem_alloc : memref<!tpu.dma_semaphore, #tpu.memory_space<semaphore_mem>>
      %dma_start3A_822 = arith.constant 0 : i32
      %dma_start3A_823 = arith.constant 0 : i32
      %dma_start3A_824 = tpu.memref_slice %arg4[%run_scoped3A_641, %add3A, %dma_start3A_822, %dma_start3A_823] : memref<2x32x125x80xi32, #tpu.memory_space<hbm>> -> memref<1x1x125x80xi32, #tpu.memory_space<hbm>>
      %dma_start3A_825 = tpu.memref_squeeze %dma_start3A_824 : memref<1x1x125x80xi32, #tpu.memory_space<hbm>> -> memref<125x80xi32, #tpu.memory_space<hbm>>
      %dma_start3A_826 = arith.constant 0 : i32
      %dma_start3A_827 = arith.constant 0 : i32
      %dma_start3A_828 = tpu.memref_slice %arg4[%run_scoped3A_641, %add3A, %dma_start3A_826, %dma_start3A_827] : memref<2x32x125x80xi32, #tpu.memory_space<hbm>> -> memref<1x1x125x80xi32, #tpu.memory_space<hbm>>
      %dma_start3A_829 = tpu.memref_squeeze %dma_start3A_828 : memref<1x1x125x80xi32, #tpu.memory_space<hbm>> -> memref<125x80xi32, #tpu.memory_space<hbm>>
      tpu.enqueue_dma source(%dma_start3A_829 : memref<125x80xi32, #tpu.memory_space<hbm>>) target(%arg11 : memref<125x80xi32, #tpu.memory_space<vmem>>) target_semaphore(%run_scoped3A_821 : memref<!tpu.dma_semaphore, #tpu.memory_space<semaphore_mem>>)
      %dma_wait3A_830 = arith.constant 0 : i32
      %dma_wait3A_831 = arith.constant 0 : i32
      %dma_wait3A_832 = tpu.memref_slice %arg4[%run_scoped3A_641, %add3A, %dma_wait3A_830, %dma_wait3A_831] : memref<2x32x125x80xi32, #tpu.memory_space<hbm>> -> memref<1x1x125x80xi32, #tpu.memory_space<hbm>>
      %dma_wait3A_833 = tpu.memref_squeeze %dma_wait3A_832 : memref<1x1x125x80xi32, #tpu.memory_space<hbm>> -> memref<125x80xi32, #tpu.memory_space<hbm>>
      %dma_wait3A_834 = arith.constant 0 : i32
      %dma_wait3A_835 = arith.constant 0 : i32
      %dma_wait3A_836 = tpu.memref_slice %arg4[%run_scoped3A_641, %add3A, %dma_wait3A_834, %dma_wait3A_835] : memref<2x32x125x80xi32, #tpu.memory_space<hbm>> -> memref<1x1x125x80xi32, #tpu.memory_space<hbm>>
      %dma_wait3A_837 = tpu.memref_squeeze %dma_wait3A_836 : memref<1x1x125x80xi32, #tpu.memory_space<hbm>> -> memref<125x80xi32, #tpu.memory_space<hbm>>
      tpu.wait_dma2 semaphore(%run_scoped3A_821 : memref<!tpu.dma_semaphore, #tpu.memory_space<semaphore_mem>>) src(%dma_wait3A_837 : memref<125x80xi32, #tpu.memory_space<hbm>>) dst(%arg11 : memref<125x80xi32, #tpu.memory_space<vmem>>)
      tpu.yield
    }) : () -> ()
    "tpu.region"() ({
      %run_scoped3A_821 = tpu.sem_alloc : memref<!tpu.dma_semaphore, #tpu.memory_space<semaphore_mem>>
      tpu.enqueue_dma source(%arg5 : memref<128xf32, #tpu.memory_space<hbm>>) target(%arg9 : memref<128xf32, #tpu.memory_space<vmem>>) target_semaphore(%run_scoped3A_821 : memref<!tpu.dma_semaphore, #tpu.memory_space<semaphore_mem>>)
      tpu.wait_dma2 semaphore(%run_scoped3A_821 : memref<!tpu.dma_semaphore, #tpu.memory_space<semaphore_mem>>) src(%arg5 : memref<128xf32, #tpu.memory_space<hbm>>) dst(%arg9 : memref<128xf32, #tpu.memory_space<vmem>>)
      tpu.yield
    }) : () -> ()
    %barrier3A = arith.constant 0 : index
    tpu.barrier barrier_id(%barrier3A)
    %get3A = arith.constant 0 : index
    %get3A_642 = tpu.vector_load %arg9[%get3A] {strides = array<i32>} : memref<128xf32, #tpu.memory_space<vmem>>, vector<16xf32>,
    %get3A_643 = vector.shape_cast %get3A_642 : vector<16xf32> to vector<16xf32>
    %get3A_644 = arith.constant 0 : index
    %get3A_645 = tpu.vector_load %arg9[%get3A_644] {strides = array<i32>} : memref<128xf32, #tpu.memory_space<vmem>>, vector<16xf32>,
    %get3A_646 = vector.shape_cast %get3A_645 : vector<16xf32> to vector<16xf32>
    %mul3A_647 = arith.mulf %get3A_643, %get3A_646 : vector<16xf32>
    %get3A_648 = arith.constant 16 : index
    %get3A_649 = tpu.vector_load %arg9[%get3A_648] {strides = array<i32>} : memref<128xf32, #tpu.memory_space<vmem>>, vector<16xf32>,
    %get3A_650 = vector.shape_cast %get3A_649 : vector<16xf32> to vector<16xf32>
    %get3A_651 = arith.constant 16 : index
    %get3A_652 = tpu.vector_load %arg9[%get3A_651] {strides = array<i32>} : memref<128xf32, #tpu.memory_space<vmem>>, vector<16xf32>,
    %get3A_653 = vector.shape_cast %get3A_652 : vector<16xf32> to vector<16xf32>
    %mul3A_654 = arith.mulf %get3A_650, %get3A_653 : vector<16xf32>
    %get3A_655 = arith.constant 32 : index
    %get3A_656 = tpu.vector_load %arg9[%get3A_655] {strides = array<i32>} : memref<128xf32, #tpu.memory_space<vmem>>, vector<16xf32>,
    %get3A_657 = vector.shape_cast %get3A_656 : vector<16xf32> to vector<16xf32>
    %get3A_658 = arith.constant 32 : index
    %get3A_659 = tpu.vector_load %arg9[%get3A_658] {strides = array<i32>} : memref<128xf32, #tpu.memory_space<vmem>>, vector<16xf32>,
    %get3A_660 = vector.shape_cast %get3A_659 : vector<16xf32> to vector<16xf32>
    %mul3A_661 = arith.mulf %get3A_657, %get3A_660 : vector<16xf32>
    %get3A_662 = arith.constant 48 : index
    %get3A_663 = tpu.vector_load %arg9[%get3A_662] {strides = array<i32>} : memref<128xf32, #tpu.memory_space<vmem>>, vector<16xf32>,
    %get3A_664 = vector.shape_cast %get3A_663 : vector<16xf32> to vector<16xf32>
    %get3A_665 = arith.constant 48 : index
    %get3A_666 = tpu.vector_load %arg9[%get3A_665] {strides = array<i32>} : memref<128xf32, #tpu.memory_space<vmem>>, vector<16xf32>,
    %get3A_667 = vector.shape_cast %get3A_666 : vector<16xf32> to vector<16xf32>
    %mul3A_668 = arith.mulf %get3A_664, %get3A_667 : vector<16xf32>
    %get3A_669 = arith.constant 64 : index
    %get3A_670 = tpu.vector_load %arg9[%get3A_669] {strides = array<i32>} : memref<128xf32, #tpu.memory_space<vmem>>, vector<16xf32>,
    %get3A_671 = vector.shape_cast %get3A_670 : vector<16xf32> to vector<16xf32>
    %get3A_672 = arith.constant 64 : index
    %get3A_673 = tpu.vector_load %arg9[%get3A_672] {strides = array<i32>} : memref<128xf32, #tpu.memory_space<vmem>>, vector<16xf32>,
    %get3A_674 = vector.shape_cast %get3A_673 : vector<16xf32> to vector<16xf32>
    %mul3A_675 = arith.mulf %get3A_671, %get3A_674 : vector<16xf32>
    %get3A_676 = arith.constant 80 : index
    %get3A_677 = tpu.vector_load %arg9[%get3A_676] {strides = array<i32>} : memref<128xf32, #tpu.memory_space<vmem>>, vector<16xf32>,
    %get3A_678 = vector.shape_cast %get3A_677 : vector<16xf32> to vector<16xf32>
    %get3A_679 = arith.constant 80 : index
    %get3A_680 = tpu.vector_load %arg9[%get3A_679] {strides = array<i32>} : memref<128xf32, #tpu.memory_space<vmem>>, vector<16xf32>,
    %get3A_681 = vector.shape_cast %get3A_680 : vector<16xf32> to vector<16xf32>
    %mul3A_682 = arith.mulf %get3A_678, %get3A_681 : vector<16xf32>
    %get3A_683 = arith.constant 96 : index
    %get3A_684 = tpu.vector_load %arg9[%get3A_683] {strides = array<i32>} : memref<128xf32, #tpu.memory_space<vmem>>, vector<16xf32>,
    %get3A_685 = vector.shape_cast %get3A_684 : vector<16xf32> to vector<16xf32>
    %get3A_686 = arith.constant 96 : index
    %get3A_687 = tpu.vector_load %arg9[%get3A_686] {strides = array<i32>} : memref<128xf32, #tpu.memory_space<vmem>>, vector<16xf32>,
    %get3A_688 = vector.shape_cast %get3A_687 : vector<16xf32> to vector<16xf32>
    %mul3A_689 = arith.mulf %get3A_685, %get3A_688 : vector<16xf32>
    %get3A_690 = arith.constant 112 : index
    %get3A_691 = tpu.vector_load %arg9[%get3A_690] {strides = array<i32>} : memref<128xf32, #tpu.memory_space<vmem>>, vector<16xf32>,
    %get3A_692 = vector.shape_cast %get3A_691 : vector<16xf32> to vector<16xf32>
    %get3A_693 = arith.constant 112 : index
    %get3A_694 = tpu.vector_load %arg9[%get3A_693] {strides = array<i32>} : memref<128xf32, #tpu.memory_space<vmem>>, vector<16xf32>,
    %get3A_695 = vector.shape_cast %get3A_694 : vector<16xf32> to vector<16xf32>
    %mul3A_696 = arith.mulf %get3A_692, %get3A_695 : vector<16xf32>
    %xor3A = arith.constant 8 : i32
    %xor3A_697 = vector.broadcast %xor3A : i32 to vector<16xi32>
    %xor3A_698 = arith.xori %iota3A, %xor3A_697 : vector<16xi32>
    %reshape3A = vector.shape_cast %xor3A_698 : vector<16xi32> to vector<16x1xi32>
    %xor3A_699 = arith.constant 4 : i32
    %xor3A_700 = vector.broadcast %xor3A_699 : i32 to vector<16xi32>
    %xor3A_701 = arith.xori %iota3A, %xor3A_700 : vector<16xi32>
    %reshape3A_702 = vector.shape_cast %xor3A_701 : vector<16xi32> to vector<16x1xi32>
    %xor3A_703 = arith.constant 2 : i32
    %xor3A_704 = vector.broadcast %xor3A_703 : i32 to vector<16xi32>
    %xor3A_705 = arith.xori %iota3A, %xor3A_704 : vector<16xi32>
    %reshape3A_706 = vector.shape_cast %xor3A_705 : vector<16xi32> to vector<16x1xi32>
    %xor3A_707 = arith.constant 1 : i32
    %xor3A_708 = vector.broadcast %xor3A_707 : i32 to vector<16xi32>
    %xor3A_709 = arith.xori %iota3A, %xor3A_708 : vector<16xi32>
    %reshape3A_710 = vector.shape_cast %xor3A_709 : vector<16xi32> to vector<16x1xi32>
    %dma_start3A = arith.constant 0 : i32
    %dma_start3A_711 = arith.constant 0 : i32
    %dma_start3A_712 = tpu.memref_slice %arg10[%dma_start3A, %dma_start3A_711] : memref<125x80xi32, #tpu.memory_space<vmem>> -> memref<1x80xi32, #tpu.memory_space<vmem>>
    %dma_start3A_713 = tpu.memref_squeeze %dma_start3A_712 : memref<1x80xi32, #tpu.memory_space<vmem>> -> memref<80xi32, #tpu.memory_space<vmem>>
    %dma_start3A_714 = arith.constant 0 : i32
    %dma_start3A_715 = arith.constant 0 : i32
    %dma_start3A_716 = tpu.memref_slice %arg2[%dma_start3A_714, %dma_start3A_715] : memref<10000x128xf32, #tpu.memory_space<hbm>> -> memref<10000x128xf32, #tpu.memory_space<hbm>>
    tpu.enqueue_indirect_dma source(%dma_start3A_716 : memref<10000x128xf32, #tpu.memory_space<hbm>>) target(%arg12 : memref<80x128xf32, #tpu.memory_space<vmem>>) offsets(%dma_start3A_713 : memref<80xi32, #tpu.memory_space<vmem>>) semaphore(%arg25 : memref<!tpu.dma_semaphore, #tpu.memory_space<semaphore_mem>>)
    %dma_start3A_717 = arith.constant 0 : i32
    %dma_start3A_718 = arith.constant 0 : i32
    %dma_start3A_719 = tpu.memref_slice %arg11[%dma_start3A_717, %dma_start3A_718] : memref<125x80xi32, #tpu.memory_space<vmem>> -> memref<1x80xi32, #tpu.memory_space<vmem>>
    %dma_start3A_720 = tpu.memref_squeeze %dma_start3A_719 : memref<1x80xi32, #tpu.memory_space<vmem>> -> memref<80xi32, #tpu.memory_space<vmem>>
    %dma_start3A_721 = arith.constant 0 : i32
    %dma_start3A_722 = arith.constant 0 : i32
    %dma_start3A_723 = tpu.memref_slice %arg3[%dma_start3A_721, %dma_start3A_722] : memref<10000x128xf32, #tpu.memory_space<hbm>> -> memref<10000x128xf32, #tpu.memory_space<hbm>>
    tpu.enqueue_indirect_dma source(%dma_start3A_723 : memref<10000x128xf32, #tpu.memory_space<hbm>>) target(%arg14 : memref<80x128xf32, #tpu.memory_space<vmem>>) offsets(%dma_start3A_720 : memref<80xi32, #tpu.memory_space<vmem>>) semaphore(%arg25 : memref<!tpu.dma_semaphore, #tpu.memory_space<semaphore_mem>>)
    %scan3A = arith.constant 0 : i32
    %scan3A_724 = arith.constant 0 : i32
    %scan3A_725 = arith.constant 62 : i32
    %scan3A_726 = arith.addi %scan3A_724, %scan3A_725 : i32
    %scan3A_727 = arith.constant 1 : i32
    scf.for %scan3A_821 = %scan3A_724 to %scan3A_726 step %scan3A_727  : i32 {
      %mul3A_822 = arith.constant 2 : i32
      %mul3A_823 = arith.muli %mul3A_822, %scan3A_821 : i32
      %add3A_824 = arith.constant 1 : i32
      %add3A_825 = arith.addi %mul3A_823, %add3A_824 : i32
      %dma_start3A_826 = arith.constant 0 : i32
      %dma_start3A_827 = tpu.memref_slice %arg10[%add3A_825, %dma_start3A_826] : memref<125x80xi32, #tpu.memory_space<vmem>> -> memref<1x80xi32, #tpu.memory_space<vmem>>
      %dma_start3A_828 = tpu.memref_squeeze %dma_start3A_827 : memref<1x80xi32, #tpu.memory_space<vmem>> -> memref<80xi32, #tpu.memory_space<vmem>>
      %dma_start3A_829 = arith.constant 0 : i32
      %dma_start3A_830 = arith.constant 0 : i32
      %dma_start3A_831 = tpu.memref_slice %arg2[%dma_start3A_829, %dma_start3A_830] : memref<10000x128xf32, #tpu.memory_space<hbm>> -> memref<10000x128xf32, #tpu.memory_space<hbm>>
      tpu.enqueue_indirect_dma source(%dma_start3A_831 : memref<10000x128xf32, #tpu.memory_space<hbm>>) target(%arg13 : memref<80x128xf32, #tpu.memory_space<vmem>>) offsets(%dma_start3A_828 : memref<80xi32, #tpu.memory_space<vmem>>) semaphore(%arg26 : memref<!tpu.dma_semaphore, #tpu.memory_space<semaphore_mem>>)
      %dma_start3A_832 = arith.constant 0 : i32
      %dma_start3A_833 = tpu.memref_slice %arg11[%add3A_825, %dma_start3A_832] : memref<125x80xi32, #tpu.memory_space<vmem>> -> memref<1x80xi32, #tpu.memory_space<vmem>>
      %dma_start3A_834 = tpu.memref_squeeze %dma_start3A_833 : memref<1x80xi32, #tpu.memory_space<vmem>> -> memref<80xi32, #tpu.memory_space<vmem>>
      %dma_start3A_835 = arith.constant 0 : i32
      %dma_start3A_836 = arith.constant 0 : i32
      %dma_start3A_837 = tpu.memref_slice %arg3[%dma_start3A_835, %dma_start3A_836] : memref<10000x128xf32, #tpu.memory_space<hbm>> -> memref<10000x128xf32, #tpu.memory_space<hbm>>
      tpu.enqueue_indirect_dma source(%dma_start3A_837 : memref<10000x128xf32, #tpu.memory_space<hbm>>) target(%arg15 : memref<80x128xf32, #tpu.memory_space<vmem>>) offsets(%dma_start3A_834 : memref<80xi32, #tpu.memory_space<vmem>>) semaphore(%arg26 : memref<!tpu.dma_semaphore, #tpu.memory_space<semaphore_mem>>)
      %dma_wait3A_838 = arith.constant 0 : i32
      %dma_wait3A_839 = tpu.memref_slice %arg10[%mul3A_823, %dma_wait3A_838] : memref<125x80xi32, #tpu.memory_space<vmem>> -> memref<1x80xi32, #tpu.memory_space<vmem>>
      %dma_wait3A_840 = tpu.memref_squeeze %dma_wait3A_839 : memref<1x80xi32, #tpu.memory_space<vmem>> -> memref<80xi32, #tpu.memory_space<vmem>>
      %dma_wait3A_841 = arith.constant 0 : i32
      %dma_wait3A_842 = arith.constant 0 : i32
      %dma_wait3A_843 = tpu.memref_slice %arg2[%dma_wait3A_841, %dma_wait3A_842] : memref<10000x128xf32, #tpu.memory_space<hbm>> -> memref<10000x128xf32, #tpu.memory_space<hbm>>
      tpu.wait_indirect_dma semaphore(%arg25 : memref<!tpu.dma_semaphore, #tpu.memory_space<semaphore_mem>>) src(%dma_wait3A_843 : memref<10000x128xf32, #tpu.memory_space<hbm>>) dst(%arg12 : memref<80x128xf32, #tpu.memory_space<vmem>>)
      %dma_wait3A_844 = arith.constant 0 : i32
      %dma_wait3A_845 = tpu.memref_slice %arg11[%mul3A_823, %dma_wait3A_844] : memref<125x80xi32, #tpu.memory_space<vmem>> -> memref<1x80xi32, #tpu.memory_space<vmem>>
      %dma_wait3A_846 = tpu.memref_squeeze %dma_wait3A_845 : memref<1x80xi32, #tpu.memory_space<vmem>> -> memref<80xi32, #tpu.memory_space<vmem>>
      %dma_wait3A_847 = arith.constant 0 : i32
      %dma_wait3A_848 = arith.constant 0 : i32
      %dma_wait3A_849 = tpu.memref_slice %arg3[%dma_wait3A_847, %dma_wait3A_848] : memref<10000x128xf32, #tpu.memory_space<hbm>> -> memref<10000x128xf32, #tpu.memory_space<hbm>>
      tpu.wait_indirect_dma semaphore(%arg25 : memref<!tpu.dma_semaphore, #tpu.memory_space<semaphore_mem>>) src(%dma_wait3A_849 : memref<10000x128xf32, #tpu.memory_space<hbm>>) dst(%arg14 : memref<80x128xf32, #tpu.memory_space<vmem>>)
      %scan3A_850 = arith.constant 0 : i32
      %scan3A_851 = arith.constant 0 : i32
      %scan3A_852 = arith.constant 5 : i32
      %scan3A_853 = arith.addi %scan3A_851, %scan3A_852 : i32
      %scan3A_854 = arith.constant 1 : i32
      scf.for %scan3A_906 = %scan3A_851 to %scan3A_853 step %scan3A_854  : i32 {
        %broadcast_in_dim3A_907 = arith.constant 0.000000e+00 : f32
        %broadcast_in_dim3A_908 = vector.broadcast %broadcast_in_dim3A_907 : f32 to vector<16xf32>
        %scan3A_909 = arith.constant 0 : i32
        %scan3A_910 = arith.constant 16 : i32
        %scan3A_911 = arith.addi %scan3A_909, %scan3A_910 : i32
        %scan3A_912 = arith.constant 4 : i32
        %scan3A_913 = scf.for %scan3A_930 = %scan3A_909 to %scan3A_911 step %scan3A_912 iter_args(%scan3A_931 = %broadcast_in_dim3A_908) -> (vector<16xf32>)  : i32 {
          %mul3A_932 = arith.constant 16 : i32
          %mul3A_933 = arith.muli %scan3A_906, %mul3A_932 : i32
          %add3A_934 = arith.addi %mul3A_933, %scan3A_930 : i32
          %get3A_935 = arith.index_cast %add3A_934 : i32 to index
          %get3A_936 = arith.constant 0 : index
          %get3A_937 = tpu.vector_load %arg12[%get3A_935, %get3A_936] {strides = array<i32>} : memref<80x128xf32, #tpu.memory_space<vmem>>, vector<1x16xf32>,
          %get3A_938 = vector.shape_cast %get3A_937 : vector<1x16xf32> to vector<16xf32>
          %mul3A_939 = arith.mulf %get3A_938, %mul3A_647 : vector<16xf32>
          %get3A_940 = arith.index_cast %add3A_934 : i32 to index
          %get3A_941 = arith.constant 0 : index
          %get3A_942 = tpu.vector_load %arg14[%get3A_940, %get3A_941] {strides = array<i32>} : memref<80x128xf32, #tpu.memory_space<vmem>>, vector<1x16xf32>,
          %get3A_943 = vector.shape_cast %get3A_942 : vector<1x16xf32> to vector<16xf32>
          %mul3A_944 = arith.mulf %mul3A_939, %get3A_943 : vector<16xf32>
          %get3A_945 = arith.index_cast %add3A_934 : i32 to index
          %get3A_946 = arith.constant 16 : index
          %get3A_947 = tpu.vector_load %arg12[%get3A_945, %get3A_946] {strides = array<i32>} : memref<80x128xf32, #tpu.memory_space<vmem>>, vector<1x16xf32>,
          %get3A_948 = vector.shape_cast %get3A_947 : vector<1x16xf32> to vector<16xf32>
          %mul3A_949 = arith.mulf %get3A_948, %mul3A_654 : vector<16xf32>
          %get3A_950 = arith.index_cast %add3A_934 : i32 to index
          %get3A_951 = arith.constant 16 : index
          %get3A_952 = tpu.vector_load %arg14[%get3A_950, %get3A_951] {strides = array<i32>} : memref<80x128xf32, #tpu.memory_space<vmem>>, vector<1x16xf32>,
          %get3A_953 = vector.shape_cast %get3A_952 : vector<1x16xf32> to vector<16xf32>
          %mul3A_954 = arith.mulf %mul3A_949, %get3A_953 : vector<16xf32>
          %add3A_955 = arith.addf %mul3A_944, %mul3A_954 : vector<16xf32>
          %get3A_956 = arith.index_cast %add3A_934 : i32 to index
          %get3A_957 = arith.constant 32 : index
          %get3A_958 = tpu.vector_load %arg12[%get3A_956, %get3A_957] {strides = array<i32>} : memref<80x128xf32, #tpu.memory_space<vmem>>, vector<1x16xf32>,
          %get3A_959 = vector.shape_cast %get3A_958 : vector<1x16xf32> to vector<16xf32>
          %mul3A_960 = arith.mulf %get3A_959, %mul3A_661 : vector<16xf32>
          %get3A_961 = arith.index_cast %add3A_934 : i32 to index
          %get3A_962 = arith.constant 32 : index
          %get3A_963 = tpu.vector_load %arg14[%get3A_961, %get3A_962] {strides = array<i32>} : memref<80x128xf32, #tpu.memory_space<vmem>>, vector<1x16xf32>,
          %get3A_964 = vector.shape_cast %get3A_963 : vector<1x16xf32> to vector<16xf32>
          %mul3A_965 = arith.mulf %mul3A_960, %get3A_964 : vector<16xf32>
          %add3A_966 = arith.addf %add3A_955, %mul3A_965 : vector<16xf32>
          %get3A_967 = arith.index_cast %add3A_934 : i32 to index
          %get3A_968 = arith.constant 48 : index
          %get3A_969 = tpu.vector_load %arg12[%get3A_967, %get3A_968] {strides = array<i32>} : memref<80x128xf32, #tpu.memory_space<vmem>>, vector<1x16xf32>,
          %get3A_970 = vector.shape_cast %get3A_969 : vector<1x16xf32> to vector<16xf32>
          %mul3A_971 = arith.mulf %get3A_970, %mul3A_668 : vector<16xf32>
          %get3A_972 = arith.index_cast %add3A_934 : i32 to index
          %get3A_973 = arith.constant 48 : index
          %get3A_974 = tpu.vector_load %arg14[%get3A_972, %get3A_973] {strides = array<i32>} : memref<80x128xf32, #tpu.memory_space<vmem>>, vector<1x16xf32>,
          %get3A_975 = vector.shape_cast %get3A_974 : vector<1x16xf32> to vector<16xf32>
          %mul3A_976 = arith.mulf %mul3A_971, %get3A_975 : vector<16xf32>
          %add3A_977 = arith.addf %add3A_966, %mul3A_976 : vector<16xf32>
          %get3A_978 = arith.index_cast %add3A_934 : i32 to index
          %get3A_979 = arith.constant 64 : index
          %get3A_980 = tpu.vector_load %arg12[%get3A_978, %get3A_979] {strides = array<i32>} : memref<80x128xf32, #tpu.memory_space<vmem>>, vector<1x16xf32>,
          %get3A_981 = vector.shape_cast %get3A_980 : vector<1x16xf32> to vector<16xf32>
          %mul3A_982 = arith.mulf %get3A_981, %mul3A_675 : vector<16xf32>
          %get3A_983 = arith.index_cast %add3A_934 : i32 to index
          %get3A_984 = arith.constant 64 : index
          %get3A_985 = tpu.vector_load %arg14[%get3A_983, %get3A_984] {strides = array<i32>} : memref<80x128xf32, #tpu.memory_space<vmem>>, vector<1x16xf32>,
          %get3A_986 = vector.shape_cast %get3A_985 : vector<1x16xf32> to vector<16xf32>
          %mul3A_987 = arith.mulf %mul3A_982, %get3A_986 : vector<16xf32>
          %add3A_988 = arith.addf %add3A_977, %mul3A_987 : vector<16xf32>
          %get3A_989 = arith.index_cast %add3A_934 : i32 to index
          %get3A_990 = arith.constant 80 : index
          %get3A_991 = tpu.vector_load %arg12[%get3A_989, %get3A_990] {strides = array<i32>} : memref<80x128xf32, #tpu.memory_space<vmem>>, vector<1x16xf32>,
          %get3A_992 = vector.shape_cast %get3A_991 : vector<1x16xf32> to vector<16xf32>
          %mul3A_993 = arith.mulf %get3A_992, %mul3A_682 : vector<16xf32>
          %get3A_994 = arith.index_cast %add3A_934 : i32 to index
          %get3A_995 = arith.constant 80 : index
          %get3A_996 = tpu.vector_load %arg14[%get3A_994, %get3A_995] {strides = array<i32>} : memref<80x128xf32, #tpu.memory_space<vmem>>, vector<1x16xf32>,
          %get3A_997 = vector.shape_cast %get3A_996 : vector<1x16xf32> to vector<16xf32>
          %mul3A_998 = arith.mulf %mul3A_993, %get3A_997 : vector<16xf32>
          %add3A_999 = arith.addf %add3A_988, %mul3A_998 : vector<16xf32>
          %get3A_1000 = arith.index_cast %add3A_934 : i32 to index
          %get3A_1001 = arith.constant 96 : index
          %get3A_1002 = tpu.vector_load %arg12[%get3A_1000, %get3A_1001] {strides = array<i32>} : memref<80x128xf32, #tpu.memory_space<vmem>>, vector<1x16xf32>,
          %get3A_1003 = vector.shape_cast %get3A_1002 : vector<1x16xf32> to vector<16xf32>
          %mul3A_1004 = arith.mulf %get3A_1003, %mul3A_689 : vector<16xf32>
          %get3A_1005 = arith.index_cast %add3A_934 : i32 to index
          %get3A_1006 = arith.constant 96 : index
          %get3A_1007 = tpu.vector_load %arg14[%get3A_1005, %get3A_1006] {strides = array<i32>} : memref<80x128xf32, #tpu.memory_space<vmem>>, vector<1x16xf32>,
          %get3A_1008 = vector.shape_cast %get3A_1007 : vector<1x16xf32> to vector<16xf32>
          %mul3A_1009 = arith.mulf %mul3A_1004, %get3A_1008 : vector<16xf32>
          %add3A_1010 = arith.addf %add3A_999, %mul3A_1009 : vector<16xf32>
          %get3A_1011 = arith.index_cast %add3A_934 : i32 to index
          %get3A_1012 = arith.constant 112 : index
          %get3A_1013 = tpu.vector_load %arg12[%get3A_1011, %get3A_1012] {strides = array<i32>} : memref<80x128xf32, #tpu.memory_space<vmem>>, vector<1x16xf32>,
          %get3A_1014 = vector.shape_cast %get3A_1013 : vector<1x16xf32> to vector<16xf32>
          %mul3A_1015 = arith.mulf %get3A_1014, %mul3A_696 : vector<16xf32>
          %get3A_1016 = arith.index_cast %add3A_934 : i32 to index
          %get3A_1017 = arith.constant 112 : index
          %get3A_1018 = tpu.vector_load %arg14[%get3A_1016, %get3A_1017] {strides = array<i32>} : memref<80x128xf32, #tpu.memory_space<vmem>>, vector<1x16xf32>,
          %get3A_1019 = vector.shape_cast %get3A_1018 : vector<1x16xf32> to vector<16xf32>
          %mul3A_1020 = arith.mulf %mul3A_1015, %get3A_1019 : vector<16xf32>
          %add3A_1021 = arith.addf %add3A_1010, %mul3A_1020 : vector<16xf32>
          %gather3A = vector.shape_cast %reshape3A : vector<16x1xi32> to vector<16xi32>
          %gather3A_1022 = tpu.dynamic_gather %add3A_1021[%gather3A] in [0] : vector<16xf32>, vector<16xi32> -> vector<16xf32>
          %add3A_1023 = arith.addf %add3A_1021, %gather3A_1022 : vector<16xf32>
          %gather3A_1024 = vector.shape_cast %reshape3A_702 : vector<16x1xi32> to vector<16xi32>
          %gather3A_1025 = tpu.dynamic_gather %add3A_1023[%gather3A_1024] in [0] : vector<16xf32>, vector<16xi32> -> vector<16xf32>
          %add3A_1026 = arith.addf %add3A_1023, %gather3A_1025 : vector<16xf32>
          %gather3A_1027 = vector.shape_cast %reshape3A_706 : vector<16x1xi32> to vector<16xi32>
          %gather3A_1028 = tpu.dynamic_gather %add3A_1026[%gather3A_1027] in [0] : vector<16xf32>, vector<16xi32> -> vector<16xf32>
          %add3A_1029 = arith.addf %add3A_1026, %gather3A_1028 : vector<16xf32>
          %gather3A_1030 = vector.shape_cast %reshape3A_710 : vector<16x1xi32> to vector<16xi32>
          %gather3A_1031 = tpu.dynamic_gather %add3A_1029[%gather3A_1030] in [0] : vector<16xf32>, vector<16xi32> -> vector<16xf32>
          %add3A_1032 = arith.addf %add3A_1029, %gather3A_1031 : vector<16xf32>
          %eq3A_1033 = vector.broadcast %scan3A_930 : i32 to vector<16xi32>
          %eq3A_1034 = arith.cmpi eq, %iota3A, %eq3A_1033 : vector<16xi32>
          %select_n3A = arith.select %eq3A_1034, %add3A_1032, %scan3A_931 : vector<16xi1>, vector<16xf32>
          %scan3A_1035 = arith.constant 1 : i32
          %scan3A_1036 = arith.addi %scan3A_930, %scan3A_1035 : i32
          %mul3A_1037 = arith.constant 16 : i32
          %mul3A_1038 = arith.muli %scan3A_906, %mul3A_1037 : i32
          %add3A_1039 = arith.addi %mul3A_1038, %scan3A_1036 : i32
          %get3A_1040 = arith.index_cast %add3A_1039 : i32 to index
          %get3A_1041 = arith.constant 0 : index
          %get3A_1042 = tpu.vector_load %arg12[%get3A_1040, %get3A_1041] {strides = array<i32>} : memref<80x128xf32, #tpu.memory_space<vmem>>, vector<1x16xf32>,
          %get3A_1043 = vector.shape_cast %get3A_1042 : vector<1x16xf32> to vector<16xf32>
          %mul3A_1044 = arith.mulf %get3A_1043, %mul3A_647 : vector<16xf32>
          %get3A_1045 = arith.index_cast %add3A_1039 : i32 to index
          %get3A_1046 = arith.constant 0 : index
          %get3A_1047 = tpu.vector_load %arg14[%get3A_1045, %get3A_1046] {strides = array<i32>} : memref<80x128xf32, #tpu.memory_space<vmem>>, vector<1x16xf32>,
          %get3A_1048 = vector.shape_cast %get3A_1047 : vector<1x16xf32> to vector<16xf32>
          %mul3A_1049 = arith.mulf %mul3A_1044, %get3A_1048 : vector<16xf32>
          %get3A_1050 = arith.index_cast %add3A_1039 : i32 to index
          %get3A_1051 = arith.constant 16 : index
          %get3A_1052 = tpu.vector_load %arg12[%get3A_1050, %get3A_1051] {strides = array<i32>} : memref<80x128xf32, #tpu.memory_space<vmem>>, vector<1x16xf32>,
          %get3A_1053 = vector.shape_cast %get3A_1052 : vector<1x16xf32> to vector<16xf32>
          %mul3A_1054 = arith.mulf %get3A_1053, %mul3A_654 : vector<16xf32>
          %get3A_1055 = arith.index_cast %add3A_1039 : i32 to index
          %get3A_1056 = arith.constant 16 : index
          %get3A_1057 = tpu.vector_load %arg14[%get3A_1055, %get3A_1056] {strides = array<i32>} : memref<80x128xf32, #tpu.memory_space<vmem>>, vector<1x16xf32>,
          %get3A_1058 = vector.shape_cast %get3A_1057 : vector<1x16xf32> to vector<16xf32>
          %mul3A_1059 = arith.mulf %mul3A_1054, %get3A_1058 : vector<16xf32>
          %add3A_1060 = arith.addf %mul3A_1049, %mul3A_1059 : vector<16xf32>
          %get3A_1061 = arith.index_cast %add3A_1039 : i32 to index
          %get3A_1062 = arith.constant 32 : index
          %get3A_1063 = tpu.vector_load %arg12[%get3A_1061, %get3A_1062] {strides = array<i32>} : memref<80x128xf32, #tpu.memory_space<vmem>>, vector<1x16xf32>,
          %get3A_1064 = vector.shape_cast %get3A_1063 : vector<1x16xf32> to vector<16xf32>
          %mul3A_1065 = arith.mulf %get3A_1064, %mul3A_661 : vector<16xf32>
          %get3A_1066 = arith.index_cast %add3A_1039 : i32 to index
          %get3A_1067 = arith.constant 32 : index
          %get3A_1068 = tpu.vector_load %arg14[%get3A_1066, %get3A_1067] {strides = array<i32>} : memref<80x128xf32, #tpu.memory_space<vmem>>, vector<1x16xf32>,
          %get3A_1069 = vector.shape_cast %get3A_1068 : vector<1x16xf32> to vector<16xf32>
          %mul3A_1070 = arith.mulf %mul3A_1065, %get3A_1069 : vector<16xf32>
          %add3A_1071 = arith.addf %add3A_1060, %mul3A_1070 : vector<16xf32>
          %get3A_1072 = arith.index_cast %add3A_1039 : i32 to index
          %get3A_1073 = arith.constant 48 : index
          %get3A_1074 = tpu.vector_load %arg12[%get3A_1072, %get3A_1073] {strides = array<i32>} : memref<80x128xf32, #tpu.memory_space<vmem>>, vector<1x16xf32>,
          %get3A_1075 = vector.shape_cast %get3A_1074 : vector<1x16xf32> to vector<16xf32>
          %mul3A_1076 = arith.mulf %get3A_1075, %mul3A_668 : vector<16xf32>
          %get3A_1077 = arith.index_cast %add3A_1039 : i32 to index
          %get3A_1078 = arith.constant 48 : index
          %get3A_1079 = tpu.vector_load %arg14[%get3A_1077, %get3A_1078] {strides = array<i32>} : memref<80x128xf32, #tpu.memory_space<vmem>>, vector<1x16xf32>,
          %get3A_1080 = vector.shape_cast %get3A_1079 : vector<1x16xf32> to vector<16xf32>
          %mul3A_1081 = arith.mulf %mul3A_1076, %get3A_1080 : vector<16xf32>
          %add3A_1082 = arith.addf %add3A_1071, %mul3A_1081 : vector<16xf32>
          %get3A_1083 = arith.index_cast %add3A_1039 : i32 to index
          %get3A_1084 = arith.constant 64 : index
          %get3A_1085 = tpu.vector_load %arg12[%get3A_1083, %get3A_1084] {strides = array<i32>} : memref<80x128xf32, #tpu.memory_space<vmem>>, vector<1x16xf32>,
          %get3A_1086 = vector.shape_cast %get3A_1085 : vector<1x16xf32> to vector<16xf32>
          %mul3A_1087 = arith.mulf %get3A_1086, %mul3A_675 : vector<16xf32>
          %get3A_1088 = arith.index_cast %add3A_1039 : i32 to index
          %get3A_1089 = arith.constant 64 : index
          %get3A_1090 = tpu.vector_load %arg14[%get3A_1088, %get3A_1089] {strides = array<i32>} : memref<80x128xf32, #tpu.memory_space<vmem>>, vector<1x16xf32>,
          %get3A_1091 = vector.shape_cast %get3A_1090 : vector<1x16xf32> to vector<16xf32>
          %mul3A_1092 = arith.mulf %mul3A_1087, %get3A_1091 : vector<16xf32>
          %add3A_1093 = arith.addf %add3A_1082, %mul3A_1092 : vector<16xf32>
          %get3A_1094 = arith.index_cast %add3A_1039 : i32 to index
          %get3A_1095 = arith.constant 80 : index
          %get3A_1096 = tpu.vector_load %arg12[%get3A_1094, %get3A_1095] {strides = array<i32>} : memref<80x128xf32, #tpu.memory_space<vmem>>, vector<1x16xf32>,
          %get3A_1097 = vector.shape_cast %get3A_1096 : vector<1x16xf32> to vector<16xf32>
          %mul3A_1098 = arith.mulf %get3A_1097, %mul3A_682 : vector<16xf32>
          %get3A_1099 = arith.index_cast %add3A_1039 : i32 to index
          %get3A_1100 = arith.constant 80 : index
          %get3A_1101 = tpu.vector_load %arg14[%get3A_1099, %get3A_1100] {strides = array<i32>} : memref<80x128xf32, #tpu.memory_space<vmem>>, vector<1x16xf32>,
          %get3A_1102 = vector.shape_cast %get3A_1101 : vector<1x16xf32> to vector<16xf32>
          %mul3A_1103 = arith.mulf %mul3A_1098, %get3A_1102 : vector<16xf32>
          %add3A_1104 = arith.addf %add3A_1093, %mul3A_1103 : vector<16xf32>
          %get3A_1105 = arith.index_cast %add3A_1039 : i32 to index
          %get3A_1106 = arith.constant 96 : index
          %get3A_1107 = tpu.vector_load %arg12[%get3A_1105, %get3A_1106] {strides = array<i32>} : memref<80x128xf32, #tpu.memory_space<vmem>>, vector<1x16xf32>,
          %get3A_1108 = vector.shape_cast %get3A_1107 : vector<1x16xf32> to vector<16xf32>
          %mul3A_1109 = arith.mulf %get3A_1108, %mul3A_689 : vector<16xf32>
          %get3A_1110 = arith.index_cast %add3A_1039 : i32 to index
          %get3A_1111 = arith.constant 96 : index
          %get3A_1112 = tpu.vector_load %arg14[%get3A_1110, %get3A_1111] {strides = array<i32>} : memref<80x128xf32, #tpu.memory_space<vmem>>, vector<1x16xf32>,
          %get3A_1113 = vector.shape_cast %get3A_1112 : vector<1x16xf32> to vector<16xf32>
          %mul3A_1114 = arith.mulf %mul3A_1109, %get3A_1113 : vector<16xf32>
          %add3A_1115 = arith.addf %add3A_1104, %mul3A_1114 : vector<16xf32>
          %get3A_1116 = arith.index_cast %add3A_1039 : i32 to index
          %get3A_1117 = arith.constant 112 : index
          %get3A_1118 = tpu.vector_load %arg12[%get3A_1116, %get3A_1117] {strides = array<i32>} : memref<80x128xf32, #tpu.memory_space<vmem>>, vector<1x16xf32>,
          %get3A_1119 = vector.shape_cast %get3A_1118 : vector<1x16xf32> to vector<16xf32>
          %mul3A_1120 = arith.mulf %get3A_1119, %mul3A_696 : vector<16xf32>
          %get3A_1121 = arith.index_cast %add3A_1039 : i32 to index
          %get3A_1122 = arith.constant 112 : index
          %get3A_1123 = tpu.vector_load %arg14[%get3A_1121, %get3A_1122] {strides = array<i32>} : memref<80x128xf32, #tpu.memory_space<vmem>>, vector<1x16xf32>,
          %get3A_1124 = vector.shape_cast %get3A_1123 : vector<1x16xf32> to vector<16xf32>
          %mul3A_1125 = arith.mulf %mul3A_1120, %get3A_1124 : vector<16xf32>
          %add3A_1126 = arith.addf %add3A_1115, %mul3A_1125 : vector<16xf32>
          %gather3A_1127 = vector.shape_cast %reshape3A : vector<16x1xi32> to vector<16xi32>
          %gather3A_1128 = tpu.dynamic_gather %add3A_1126[%gather3A_1127] in [0] : vector<16xf32>, vector<16xi32> -> vector<16xf32>
          %add3A_1129 = arith.addf %add3A_1126, %gather3A_1128 : vector<16xf32>
          %gather3A_1130 = vector.shape_cast %reshape3A_702 : vector<16x1xi32> to vector<16xi32>
          %gather3A_1131 = tpu.dynamic_gather %add3A_1129[%gather3A_1130] in [0] : vector<16xf32>, vector<16xi32> -> vector<16xf32>
          %add3A_1132 = arith.addf %add3A_1129, %gather3A_1131 : vector<16xf32>
          %gather3A_1133 = vector.shape_cast %reshape3A_706 : vector<16x1xi32> to vector<16xi32>
          %gather3A_1134 = tpu.dynamic_gather %add3A_1132[%gather3A_1133] in [0] : vector<16xf32>, vector<16xi32> -> vector<16xf32>
          %add3A_1135 = arith.addf %add3A_1132, %gather3A_1134 : vector<16xf32>
          %gather3A_1136 = vector.shape_cast %reshape3A_710 : vector<16x1xi32> to vector<16xi32>
          %gather3A_1137 = tpu.dynamic_gather %add3A_1135[%gather3A_1136] in [0] : vector<16xf32>, vector<16xi32> -> vector<16xf32>
          %add3A_1138 = arith.addf %add3A_1135, %gather3A_1137 : vector<16xf32>
          %eq3A_1139 = vector.broadcast %scan3A_1036 : i32 to vector<16xi32>
          %eq3A_1140 = arith.cmpi eq, %iota3A, %eq3A_1139 : vector<16xi32>
          %select_n3A_1141 = arith.select %eq3A_1140, %add3A_1138, %select_n3A : vector<16xi1>, vector<16xf32>
          %scan3A_1142 = arith.constant 2 : i32
          %scan3A_1143 = arith.addi %scan3A_930, %scan3A_1142 : i32
          %mul3A_1144 = arith.constant 16 : i32
          %mul3A_1145 = arith.muli %scan3A_906, %mul3A_1144 : i32
          %add3A_1146 = arith.addi %mul3A_1145, %scan3A_1143 : i32
          %get3A_1147 = arith.index_cast %add3A_1146 : i32 to index
          %get3A_1148 = arith.constant 0 : index
          %get3A_1149 = tpu.vector_load %arg12[%get3A_1147, %get3A_1148] {strides = array<i32>} : memref<80x128xf32, #tpu.memory_space<vmem>>, vector<1x16xf32>,
          %get3A_1150 = vector.shape_cast %get3A_1149 : vector<1x16xf32> to vector<16xf32>
          %mul3A_1151 = arith.mulf %get3A_1150, %mul3A_647 : vector<16xf32>
          %get3A_1152 = arith.index_cast %add3A_1146 : i32 to index
          %get3A_1153 = arith.constant 0 : index
          %get3A_1154 = tpu.vector_load %arg14[%get3A_1152, %get3A_1153] {strides = array<i32>} : memref<80x128xf32, #tpu.memory_space<vmem>>, vector<1x16xf32>,
          %get3A_1155 = vector.shape_cast %get3A_1154 : vector<1x16xf32> to vector<16xf32>
          %mul3A_1156 = arith.mulf %mul3A_1151, %get3A_1155 : vector<16xf32>
          %get3A_1157 = arith.index_cast %add3A_1146 : i32 to index
          %get3A_1158 = arith.constant 16 : index
          %get3A_1159 = tpu.vector_load %arg12[%get3A_1157, %get3A_1158] {strides = array<i32>} : memref<80x128xf32, #tpu.memory_space<vmem>>, vector<1x16xf32>,
          %get3A_1160 = vector.shape_cast %get3A_1159 : vector<1x16xf32> to vector<16xf32>
          %mul3A_1161 = arith.mulf %get3A_1160, %mul3A_654 : vector<16xf32>
          %get3A_1162 = arith.index_cast %add3A_1146 : i32 to index
          %get3A_1163 = arith.constant 16 : index
          %get3A_1164 = tpu.vector_load %arg14[%get3A_1162, %get3A_1163] {strides = array<i32>} : memref<80x128xf32, #tpu.memory_space<vmem>>, vector<1x16xf32>,
          %get3A_1165 = vector.shape_cast %get3A_1164 : vector<1x16xf32> to vector<16xf32>
          %mul3A_1166 = arith.mulf %mul3A_1161, %get3A_1165 : vector<16xf32>
          %add3A_1167 = arith.addf %mul3A_1156, %mul3A_1166 : vector<16xf32>
          %get3A_1168 = arith.index_cast %add3A_1146 : i32 to index
          %get3A_1169 = arith.constant 32 : index
          %get3A_1170 = tpu.vector_load %arg12[%get3A_1168, %get3A_1169] {strides = array<i32>} : memref<80x128xf32, #tpu.memory_space<vmem>>, vector<1x16xf32>,
          %get3A_1171 = vector.shape_cast %get3A_1170 : vector<1x16xf32> to vector<16xf32>
          %mul3A_1172 = arith.mulf %get3A_1171, %mul3A_661 : vector<16xf32>
          %get3A_1173 = arith.index_cast %add3A_1146 : i32 to index
          %get3A_1174 = arith.constant 32 : index
          %get3A_1175 = tpu.vector_load %arg14[%get3A_1173, %get3A_1174] {strides = array<i32>} : memref<80x128xf32, #tpu.memory_space<vmem>>, vector<1x16xf32>,
          %get3A_1176 = vector.shape_cast %get3A_1175 : vector<1x16xf32> to vector<16xf32>
          %mul3A_1177 = arith.mulf %mul3A_1172, %get3A_1176 : vector<16xf32>
          %add3A_1178 = arith.addf %add3A_1167, %mul3A_1177 : vector<16xf32>
          %get3A_1179 = arith.index_cast %add3A_1146 : i32 to index
          %get3A_1180 = arith.constant 48 : index
          %get3A_1181 = tpu.vector_load %arg12[%get3A_1179, %get3A_1180] {strides = array<i32>} : memref<80x128xf32, #tpu.memory_space<vmem>>, vector<1x16xf32>,
          %get3A_1182 = vector.shape_cast %get3A_1181 : vector<1x16xf32> to vector<16xf32>
          %mul3A_1183 = arith.mulf %get3A_1182, %mul3A_668 : vector<16xf32>
          %get3A_1184 = arith.index_cast %add3A_1146 : i32 to index
          %get3A_1185 = arith.constant 48 : index
          %get3A_1186 = tpu.vector_load %arg14[%get3A_1184, %get3A_1185] {strides = array<i32>} : memref<80x128xf32, #tpu.memory_space<vmem>>, vector<1x16xf32>,
          %get3A_1187 = vector.shape_cast %get3A_1186 : vector<1x16xf32> to vector<16xf32>
          %mul3A_1188 = arith.mulf %mul3A_1183, %get3A_1187 : vector<16xf32>
          %add3A_1189 = arith.addf %add3A_1178, %mul3A_1188 : vector<16xf32>
          %get3A_1190 = arith.index_cast %add3A_1146 : i32 to index
          %get3A_1191 = arith.constant 64 : index
          %get3A_1192 = tpu.vector_load %arg12[%get3A_1190, %get3A_1191] {strides = array<i32>} : memref<80x128xf32, #tpu.memory_space<vmem>>, vector<1x16xf32>,
          %get3A_1193 = vector.shape_cast %get3A_1192 : vector<1x16xf32> to vector<16xf32>
          %mul3A_1194 = arith.mulf %get3A_1193, %mul3A_675 : vector<16xf32>
          %get3A_1195 = arith.index_cast %add3A_1146 : i32 to index
          %get3A_1196 = arith.constant 64 : index
          %get3A_1197 = tpu.vector_load %arg14[%get3A_1195, %get3A_1196] {strides = array<i32>} : memref<80x128xf32, #tpu.memory_space<vmem>>, vector<1x16xf32>,
          %get3A_1198 = vector.shape_cast %get3A_1197 : vector<1x16xf32> to vector<16xf32>
          %mul3A_1199 = arith.mulf %mul3A_1194, %get3A_1198 : vector<16xf32>
          %add3A_1200 = arith.addf %add3A_1189, %mul3A_1199 : vector<16xf32>
          %get3A_1201 = arith.index_cast %add3A_1146 : i32 to index
          %get3A_1202 = arith.constant 80 : index
          %get3A_1203 = tpu.vector_load %arg12[%get3A_1201, %get3A_1202] {strides = array<i32>} : memref<80x128xf32, #tpu.memory_space<vmem>>, vector<1x16xf32>,
          %get3A_1204 = vector.shape_cast %get3A_1203 : vector<1x16xf32> to vector<16xf32>
          %mul3A_1205 = arith.mulf %get3A_1204, %mul3A_682 : vector<16xf32>
          %get3A_1206 = arith.index_cast %add3A_1146 : i32 to index
          %get3A_1207 = arith.constant 80 : index
          %get3A_1208 = tpu.vector_load %arg14[%get3A_1206, %get3A_1207] {strides = array<i32>} : memref<80x128xf32, #tpu.memory_space<vmem>>, vector<1x16xf32>,
          %get3A_1209 = vector.shape_cast %get3A_1208 : vector<1x16xf32> to vector<16xf32>
          %mul3A_1210 = arith.mulf %mul3A_1205, %get3A_1209 : vector<16xf32>
          %add3A_1211 = arith.addf %add3A_1200, %mul3A_1210 : vector<16xf32>
          %get3A_1212 = arith.index_cast %add3A_1146 : i32 to index
          %get3A_1213 = arith.constant 96 : index
          %get3A_1214 = tpu.vector_load %arg12[%get3A_1212, %get3A_1213] {strides = array<i32>} : memref<80x128xf32, #tpu.memory_space<vmem>>, vector<1x16xf32>,
          %get3A_1215 = vector.shape_cast %get3A_1214 : vector<1x16xf32> to vector<16xf32>
          %mul3A_1216 = arith.mulf %get3A_1215, %mul3A_689 : vector<16xf32>
          %get3A_1217 = arith.index_cast %add3A_1146 : i32 to index
          %get3A_1218 = arith.constant 96 : index
          %get3A_1219 = tpu.vector_load %arg14[%get3A_1217, %get3A_1218] {strides = array<i32>} : memref<80x128xf32, #tpu.memory_space<vmem>>, vector<1x16xf32>,
          %get3A_1220 = vector.shape_cast %get3A_1219 : vector<1x16xf32> to vector<16xf32>
          %mul3A_1221 = arith.mulf %mul3A_1216, %get3A_1220 : vector<16xf32>
          %add3A_1222 = arith.addf %add3A_1211, %mul3A_1221 : vector<16xf32>
          %get3A_1223 = arith.index_cast %add3A_1146 : i32 to index
          %get3A_1224 = arith.constant 112 : index
          %get3A_1225 = tpu.vector_load %arg12[%get3A_1223, %get3A_1224] {strides = array<i32>} : memref<80x128xf32, #tpu.memory_space<vmem>>, vector<1x16xf32>,
          %get3A_1226 = vector.shape_cast %get3A_1225 : vector<1x16xf32> to vector<16xf32>
          %mul3A_1227 = arith.mulf %get3A_1226, %mul3A_696 : vector<16xf32>
          %get3A_1228 = arith.index_cast %add3A_1146 : i32 to index
          %get3A_1229 = arith.constant 112 : index
          %get3A_1230 = tpu.vector_load %arg14[%get3A_1228, %get3A_1229] {strides = array<i32>} : memref<80x128xf32, #tpu.memory_space<vmem>>, vector<1x16xf32>,
          %get3A_1231 = vector.shape_cast %get3A_1230 : vector<1x16xf32> to vector<16xf32>
          %mul3A_1232 = arith.mulf %mul3A_1227, %get3A_1231 : vector<16xf32>
          %add3A_1233 = arith.addf %add3A_1222, %mul3A_1232 : vector<16xf32>
          %gather3A_1234 = vector.shape_cast %reshape3A : vector<16x1xi32> to vector<16xi32>
          %gather3A_1235 = tpu.dynamic_gather %add3A_1233[%gather3A_1234] in [0] : vector<16xf32>, vector<16xi32> -> vector<16xf32>
          %add3A_1236 = arith.addf %add3A_1233, %gather3A_1235 : vector<16xf32>
          %gather3A_1237 = vector.shape_cast %reshape3A_702 : vector<16x1xi32> to vector<16xi32>
          %gather3A_1238 = tpu.dynamic_gather %add3A_1236[%gather3A_1237] in [0] : vector<16xf32>, vector<16xi32> -> vector<16xf32>
          %add3A_1239 = arith.addf %add3A_1236, %gather3A_1238 : vector<16xf32>
          %gather3A_1240 = vector.shape_cast %reshape3A_706 : vector<16x1xi32> to vector<16xi32>
          %gather3A_1241 = tpu.dynamic_gather %add3A_1239[%gather3A_1240] in [0] : vector<16xf32>, vector<16xi32> -> vector<16xf32>
          %add3A_1242 = arith.addf %add3A_1239, %gather3A_1241 : vector<16xf32>
          %gather3A_1243 = vector.shape_cast %reshape3A_710 : vector<16x1xi32> to vector<16xi32>
          %gather3A_1244 = tpu.dynamic_gather %add3A_1242[%gather3A_1243] in [0] : vector<16xf32>, vector<16xi32> -> vector<16xf32>
          %add3A_1245 = arith.addf %add3A_1242, %gather3A_1244 : vector<16xf32>
          %eq3A_1246 = vector.broadcast %scan3A_1143 : i32 to vector<16xi32>
          %eq3A_1247 = arith.cmpi eq, %iota3A, %eq3A_1246 : vector<16xi32>
          %select_n3A_1248 = arith.select %eq3A_1247, %add3A_1245, %select_n3A_1141 : vector<16xi1>, vector<16xf32>
          %scan3A_1249 = arith.constant 3 : i32
          %scan3A_1250 = arith.addi %scan3A_930, %scan3A_1249 : i32
          %mul3A_1251 = arith.constant 16 : i32
          %mul3A_1252 = arith.muli %scan3A_906, %mul3A_1251 : i32
          %add3A_1253 = arith.addi %mul3A_1252, %scan3A_1250 : i32
          %get3A_1254 = arith.index_cast %add3A_1253 : i32 to index
          %get3A_1255 = arith.constant 0 : index
          %get3A_1256 = tpu.vector_load %arg12[%get3A_1254, %get3A_1255] {strides = array<i32>} : memref<80x128xf32, #tpu.memory_space<vmem>>, vector<1x16xf32>,
          %get3A_1257 = vector.shape_cast %get3A_1256 : vector<1x16xf32> to vector<16xf32>
          %mul3A_1258 = arith.mulf %get3A_1257, %mul3A_647 : vector<16xf32>
          %get3A_1259 = arith.index_cast %add3A_1253 : i32 to index
          %get3A_1260 = arith.constant 0 : index
          %get3A_1261 = tpu.vector_load %arg14[%get3A_1259, %get3A_1260] {strides = array<i32>} : memref<80x128xf32, #tpu.memory_space<vmem>>, vector<1x16xf32>,
          %get3A_1262 = vector.shape_cast %get3A_1261 : vector<1x16xf32> to vector<16xf32>
          %mul3A_1263 = arith.mulf %mul3A_1258, %get3A_1262 : vector<16xf32>
          %get3A_1264 = arith.index_cast %add3A_1253 : i32 to index
          %get3A_1265 = arith.constant 16 : index
          %get3A_1266 = tpu.vector_load %arg12[%get3A_1264, %get3A_1265] {strides = array<i32>} : memref<80x128xf32, #tpu.memory_space<vmem>>, vector<1x16xf32>,
          %get3A_1267 = vector.shape_cast %get3A_1266 : vector<1x16xf32> to vector<16xf32>
          %mul3A_1268 = arith.mulf %get3A_1267, %mul3A_654 : vector<16xf32>
          %get3A_1269 = arith.index_cast %add3A_1253 : i32 to index
          %get3A_1270 = arith.constant 16 : index
          %get3A_1271 = tpu.vector_load %arg14[%get3A_1269, %get3A_1270] {strides = array<i32>} : memref<80x128xf32, #tpu.memory_space<vmem>>, vector<1x16xf32>,
          %get3A_1272 = vector.shape_cast %get3A_1271 : vector<1x16xf32> to vector<16xf32>
          %mul3A_1273 = arith.mulf %mul3A_1268, %get3A_1272 : vector<16xf32>
          %add3A_1274 = arith.addf %mul3A_1263, %mul3A_1273 : vector<16xf32>
          %get3A_1275 = arith.index_cast %add3A_1253 : i32 to index
          %get3A_1276 = arith.constant 32 : index
          %get3A_1277 = tpu.vector_load %arg12[%get3A_1275, %get3A_1276] {strides = array<i32>} : memref<80x128xf32, #tpu.memory_space<vmem>>, vector<1x16xf32>,
          %get3A_1278 = vector.shape_cast %get3A_1277 : vector<1x16xf32> to vector<16xf32>
          %mul3A_1279 = arith.mulf %get3A_1278, %mul3A_661 : vector<16xf32>
          %get3A_1280 = arith.index_cast %add3A_1253 : i32 to index
          %get3A_1281 = arith.constant 32 : index
          %get3A_1282 = tpu.vector_load %arg14[%get3A_1280, %get3A_1281] {strides = array<i32>} : memref<80x128xf32, #tpu.memory_space<vmem>>, vector<1x16xf32>,
          %get3A_1283 = vector.shape_cast %get3A_1282 : vector<1x16xf32> to vector<16xf32>
          %mul3A_1284 = arith.mulf %mul3A_1279, %get3A_1283 : vector<16xf32>
          %add3A_1285 = arith.addf %add3A_1274, %mul3A_1284 : vector<16xf32>
          %get3A_1286 = arith.index_cast %add3A_1253 : i32 to index
          %get3A_1287 = arith.constant 48 : index
          %get3A_1288 = tpu.vector_load %arg12[%get3A_1286, %get3A_1287] {strides = array<i32>} : memref<80x128xf32, #tpu.memory_space<vmem>>, vector<1x16xf32>,
          %get3A_1289 = vector.shape_cast %get3A_1288 : vector<1x16xf32> to vector<16xf32>
          %mul3A_1290 = arith.mulf %get3A_1289, %mul3A_668 : vector<16xf32>
          %get3A_1291 = arith.index_cast %add3A_1253 : i32 to index
          %get3A_1292 = arith.constant 48 : index
          %get3A_1293 = tpu.vector_load %arg14[%get3A_1291, %get3A_1292] {strides = array<i32>} : memref<80x128xf32, #tpu.memory_space<vmem>>, vector<1x16xf32>,
          %get3A_1294 = vector.shape_cast %get3A_1293 : vector<1x16xf32> to vector<16xf32>
          %mul3A_1295 = arith.mulf %mul3A_1290, %get3A_1294 : vector<16xf32>
          %add3A_1296 = arith.addf %add3A_1285, %mul3A_1295 : vector<16xf32>
          %get3A_1297 = arith.index_cast %add3A_1253 : i32 to index
          %get3A_1298 = arith.constant 64 : index
          %get3A_1299 = tpu.vector_load %arg12[%get3A_1297, %get3A_1298] {strides = array<i32>} : memref<80x128xf32, #tpu.memory_space<vmem>>, vector<1x16xf32>,
          %get3A_1300 = vector.shape_cast %get3A_1299 : vector<1x16xf32> to vector<16xf32>
          %mul3A_1301 = arith.mulf %get3A_1300, %mul3A_675 : vector<16xf32>
          %get3A_1302 = arith.index_cast %add3A_1253 : i32 to index
          %get3A_1303 = arith.constant 64 : index
          %get3A_1304 = tpu.vector_load %arg14[%get3A_1302, %get3A_1303] {strides = array<i32>} : memref<80x128xf32, #tpu.memory_space<vmem>>, vector<1x16xf32>,
          %get3A_1305 = vector.shape_cast %get3A_1304 : vector<1x16xf32> to vector<16xf32>
          %mul3A_1306 = arith.mulf %mul3A_1301, %get3A_1305 : vector<16xf32>
          %add3A_1307 = arith.addf %add3A_1296, %mul3A_1306 : vector<16xf32>
          %get3A_1308 = arith.index_cast %add3A_1253 : i32 to index
          %get3A_1309 = arith.constant 80 : index
          %get3A_1310 = tpu.vector_load %arg12[%get3A_1308, %get3A_1309] {strides = array<i32>} : memref<80x128xf32, #tpu.memory_space<vmem>>, vector<1x16xf32>,
          %get3A_1311 = vector.shape_cast %get3A_1310 : vector<1x16xf32> to vector<16xf32>
          %mul3A_1312 = arith.mulf %get3A_1311, %mul3A_682 : vector<16xf32>
          %get3A_1313 = arith.index_cast %add3A_1253 : i32 to index
          %get3A_1314 = arith.constant 80 : index
          %get3A_1315 = tpu.vector_load %arg14[%get3A_1313, %get3A_1314] {strides = array<i32>} : memref<80x128xf32, #tpu.memory_space<vmem>>, vector<1x16xf32>,
          %get3A_1316 = vector.shape_cast %get3A_1315 : vector<1x16xf32> to vector<16xf32>
          %mul3A_1317 = arith.mulf %mul3A_1312, %get3A_1316 : vector<16xf32>
          %add3A_1318 = arith.addf %add3A_1307, %mul3A_1317 : vector<16xf32>
          %get3A_1319 = arith.index_cast %add3A_1253 : i32 to index
          %get3A_1320 = arith.constant 96 : index
          %get3A_1321 = tpu.vector_load %arg12[%get3A_1319, %get3A_1320] {strides = array<i32>} : memref<80x128xf32, #tpu.memory_space<vmem>>, vector<1x16xf32>,
          %get3A_1322 = vector.shape_cast %get3A_1321 : vector<1x16xf32> to vector<16xf32>
          %mul3A_1323 = arith.mulf %get3A_1322, %mul3A_689 : vector<16xf32>
          %get3A_1324 = arith.index_cast %add3A_1253 : i32 to index
          %get3A_1325 = arith.constant 96 : index
          %get3A_1326 = tpu.vector_load %arg14[%get3A_1324, %get3A_1325] {strides = array<i32>} : memref<80x128xf32, #tpu.memory_space<vmem>>, vector<1x16xf32>,
          %get3A_1327 = vector.shape_cast %get3A_1326 : vector<1x16xf32> to vector<16xf32>
          %mul3A_1328 = arith.mulf %mul3A_1323, %get3A_1327 : vector<16xf32>
          %add3A_1329 = arith.addf %add3A_1318, %mul3A_1328 : vector<16xf32>
          %get3A_1330 = arith.index_cast %add3A_1253 : i32 to index
          %get3A_1331 = arith.constant 112 : index
          %get3A_1332 = tpu.vector_load %arg12[%get3A_1330, %get3A_1331] {strides = array<i32>} : memref<80x128xf32, #tpu.memory_space<vmem>>, vector<1x16xf32>,
          %get3A_1333 = vector.shape_cast %get3A_1332 : vector<1x16xf32> to vector<16xf32>
          %mul3A_1334 = arith.mulf %get3A_1333, %mul3A_696 : vector<16xf32>
          %get3A_1335 = arith.index_cast %add3A_1253 : i32 to index
          %get3A_1336 = arith.constant 112 : index
          %get3A_1337 = tpu.vector_load %arg14[%get3A_1335, %get3A_1336] {strides = array<i32>} : memref<80x128xf32, #tpu.memory_space<vmem>>, vector<1x16xf32>,
          %get3A_1338 = vector.shape_cast %get3A_1337 : vector<1x16xf32> to vector<16xf32>
          %mul3A_1339 = arith.mulf %mul3A_1334, %get3A_1338 : vector<16xf32>
          %add3A_1340 = arith.addf %add3A_1329, %mul3A_1339 : vector<16xf32>
          %gather3A_1341 = vector.shape_cast %reshape3A : vector<16x1xi32> to vector<16xi32>
          %gather3A_1342 = tpu.dynamic_gather %add3A_1340[%gather3A_1341] in [0] : vector<16xf32>, vector<16xi32> -> vector<16xf32>
          %add3A_1343 = arith.addf %add3A_1340, %gather3A_1342 : vector<16xf32>
          %gather3A_1344 = vector.shape_cast %reshape3A_702 : vector<16x1xi32> to vector<16xi32>
          %gather3A_1345 = tpu.dynamic_gather %add3A_1343[%gather3A_1344] in [0] : vector<16xf32>, vector<16xi32> -> vector<16xf32>
          %add3A_1346 = arith.addf %add3A_1343, %gather3A_1345 : vector<16xf32>
          %gather3A_1347 = vector.shape_cast %reshape3A_706 : vector<16x1xi32> to vector<16xi32>
          %gather3A_1348 = tpu.dynamic_gather %add3A_1346[%gather3A_1347] in [0] : vector<16xf32>, vector<16xi32> -> vector<16xf32>
          %add3A_1349 = arith.addf %add3A_1346, %gather3A_1348 : vector<16xf32>
          %gather3A_1350 = vector.shape_cast %reshape3A_710 : vector<16x1xi32> to vector<16xi32>
          %gather3A_1351 = tpu.dynamic_gather %add3A_1349[%gather3A_1350] in [0] : vector<16xf32>, vector<16xi32> -> vector<16xf32>
          %add3A_1352 = arith.addf %add3A_1349, %gather3A_1351 : vector<16xf32>
          %eq3A_1353 = vector.broadcast %scan3A_1250 : i32 to vector<16xi32>
          %eq3A_1354 = arith.cmpi eq, %iota3A, %eq3A_1353 : vector<16xi32>
          %select_n3A_1355 = arith.select %eq3A_1354, %add3A_1352, %select_n3A_1248 : vector<16xi1>, vector<16xf32>
          scf.yield %select_n3A_1355 : vector<16xf32>
        }
        %scan3A_914 = arith.constant 16 : i32
        %exp3A = math.exp %scan3A_913 : vector<16xf32>
        %neg3A = arith.constant 0.000000e+00 : f32
        %neg3A_915 = vector.broadcast %neg3A : f32 to vector<16xf32>
        %neg3A_916 = arith.subf %neg3A_915, %exp3A : vector<16xf32>
        %exp3A_917 = math.exp %neg3A_916 : vector<16xf32>
        %add3A_918 = arith.constant 1.000000e+00 : f32
        %add3A_919 = vector.broadcast %add3A_918 : f32 to vector<16xf32>
        %add3A_920 = arith.addf %add3A_919, %exp3A_917 : vector<16xf32>
        %div3A = arith.constant 1.000000e+00 : f32
        %div3A_921 = vector.broadcast %div3A : f32 to vector<16xf32>
        %div3A_922 = arith.divf %div3A_921, %add3A_920 : vector<16xf32>
        %mul3A_923 = arith.constant 16 : i32
        %mul3A_924 = arith.muli %scan3A_906, %mul3A_923 : i32
        %swap3A_925 = arith.index_cast %mul3A_823 : i32 to index
        %swap3A_926 = arith.index_cast %mul3A_924 : i32 to index
        %swap3A_927 = tpu.vector_load %arg16[%swap3A_925, %swap3A_926] {strides = array<i32>} : memref<125x80xf32, #tpu.memory_space<vmem>>, vector<1x16xf32>,
        %swap3A_928 = vector.shape_cast %swap3A_927 : vector<1x16xf32> to vector<16xf32>
        %swap3A_929 = vector.shape_cast %div3A_922 : vector<16xf32> to vector<1x16xf32>
        tpu.vector_store %arg16[%swap3A_925, %swap3A_926], %swap3A_929 {strides = array<i32>} : memref<125x80xf32, #tpu.memory_space<vmem>>, vector<1x16xf32>,
      }
      %scan3A_855 = arith.constant 5 : i32
      %dma_start3A_856 = arith.constant 0 : i32
      %dma_start3A_857 = tpu.memref_slice %arg16[%mul3A_823, %dma_start3A_856] : memref<125x80xf32, #tpu.memory_space<vmem>> -> memref<1x80xf32, #tpu.memory_space<vmem>>
      %dma_start3A_858 = tpu.memref_squeeze %dma_start3A_857 : memref<1x80xf32, #tpu.memory_space<vmem>> -> memref<80xf32, #tpu.memory_space<vmem>>
      %dma_start3A_859 = arith.constant 0 : i32
      %dma_start3A_860 = tpu.memref_slice %arg10[%mul3A_823, %dma_start3A_859] : memref<125x80xi32, #tpu.memory_space<vmem>> -> memref<1x80xi32, #tpu.memory_space<vmem>>
      %dma_start3A_861 = tpu.memref_squeeze %dma_start3A_860 : memref<1x80xi32, #tpu.memory_space<vmem>> -> memref<80xi32, #tpu.memory_space<vmem>>
      %dma_start3A_862 = arith.constant 0 : i32
      %dma_start3A_863 = tpu.memref_slice %arg18[%dma_start3A_862] : memref<10240xf32, #tpu.memory_space<vmem_shared>> -> memref<10240xf32, #tpu.memory_space<vmem_shared>>
      tpu.enqueue_indirect_dma source(%dma_start3A_858 : memref<80xf32, #tpu.memory_space<vmem>>) target(%dma_start3A_863 : memref<10240xf32, #tpu.memory_space<vmem_shared>>) offsets(%dma_start3A_861 : memref<80xi32, #tpu.memory_space<vmem>>) semaphore(%arg27 : memref<!tpu.dma_semaphore, #tpu.memory_space<semaphore_mem>>) {add = true}
      %add3A_864 = arith.constant 2 : i32
      %add3A_865 = arith.addi %mul3A_823, %add3A_864 : i32
      %dma_start3A_866 = arith.constant 0 : i32
      %dma_start3A_867 = tpu.memref_slice %arg10[%add3A_865, %dma_start3A_866] : memref<125x80xi32, #tpu.memory_space<vmem>> -> memref<1x80xi32, #tpu.memory_space<vmem>>
      %dma_start3A_868 = tpu.memref_squeeze %dma_start3A_867 : memref<1x80xi32, #tpu.memory_space<vmem>> -> memref<80xi32, #tpu.memory_space<vmem>>
      %dma_start3A_869 = arith.constant 0 : i32
      %dma_start3A_870 = arith.constant 0 : i32
      %dma_start3A_871 = tpu.memref_slice %arg2[%dma_start3A_869, %dma_start3A_870] : memref<10000x128xf32, #tpu.memory_space<hbm>> -> memref<10000x128xf32, #tpu.memory_space<hbm>>
      tpu.enqueue_indirect_dma source(%dma_start3A_871 : memref<10000x128xf32, #tpu.memory_space<hbm>>) target(%arg12 : memref<80x128xf32, #tpu.memory_space<vmem>>) offsets(%dma_start3A_868 : memref<80xi32, #tpu.memory_space<vmem>>) semaphore(%arg25 : memref<!tpu.dma_semaphore, #tpu.memory_space<semaphore_mem>>)
      %dma_start3A_872 = arith.constant 0 : i32
      %dma_start3A_873 = tpu.memref_slice %arg11[%add3A_865, %dma_start3A_872] : memref<125x80xi32, #tpu.memory_space<vmem>> -> memref<1x80xi32, #tpu.memory_space<vmem>>
      %dma_start3A_874 = tpu.memref_squeeze %dma_start3A_873 : memref<1x80xi32, #tpu.memory_space<vmem>> -> memref<80xi32, #tpu.memory_space<vmem>>
      %dma_start3A_875 = arith.constant 0 : i32
      %dma_start3A_876 = arith.constant 0 : i32
      %dma_start3A_877 = tpu.memref_slice %arg3[%dma_start3A_875, %dma_start3A_876] : memref<10000x128xf32, #tpu.memory_space<hbm>> -> memref<10000x128xf32, #tpu.memory_space<hbm>>
      tpu.enqueue_indirect_dma source(%dma_start3A_877 : memref<10000x128xf32, #tpu.memory_space<hbm>>) target(%arg14 : memref<80x128xf32, #tpu.memory_space<vmem>>) offsets(%dma_start3A_874 : memref<80xi32, #tpu.memory_space<vmem>>) semaphore(%arg25 : memref<!tpu.dma_semaphore, #tpu.memory_space<semaphore_mem>>)
      %add3A_878 = arith.constant 1 : i32
      %add3A_879 = arith.addi %mul3A_823, %add3A_878 : i32
      %dma_wait3A_880 = arith.constant 0 : i32
      %dma_wait3A_881 = tpu.memref_slice %arg10[%add3A_879, %dma_wait3A_880] : memref<125x80xi32, #tpu.memory_space<vmem>> -> memref<1x80xi32, #tpu.memory_space<vmem>>
      %dma_wait3A_882 = tpu.memref_squeeze %dma_wait3A_881 : memref<1x80xi32, #tpu.memory_space<vmem>> -> memref<80xi32, #tpu.memory_space<vmem>>
      %dma_wait3A_883 = arith.constant 0 : i32
      %dma_wait3A_884 = arith.constant 0 : i32
      %dma_wait3A_885 = tpu.memref_slice %arg2[%dma_wait3A_883, %dma_wait3A_884] : memref<10000x128xf32, #tpu.memory_space<hbm>> -> memref<10000x128xf32, #tpu.memory_space<hbm>>
      tpu.wait_indirect_dma semaphore(%arg26 : memref<!tpu.dma_semaphore, #tpu.memory_space<semaphore_mem>>) src(%dma_wait3A_885 : memref<10000x128xf32, #tpu.memory_space<hbm>>) dst(%arg13 : memref<80x128xf32, #tpu.memory_space<vmem>>)
      %dma_wait3A_886 = arith.constant 0 : i32
      %dma_wait3A_887 = tpu.memref_slice %arg11[%add3A_879, %dma_wait3A_886] : memref<125x80xi32, #tpu.memory_space<vmem>> -> memref<1x80xi32, #tpu.memory_space<vmem>>
      %dma_wait3A_888 = tpu.memref_squeeze %dma_wait3A_887 : memref<1x80xi32, #tpu.memory_space<vmem>> -> memref<80xi32, #tpu.memory_space<vmem>>
      %dma_wait3A_889 = arith.constant 0 : i32
      %dma_wait3A_890 = arith.constant 0 : i32
      %dma_wait3A_891 = tpu.memref_slice %arg3[%dma_wait3A_889, %dma_wait3A_890] : memref<10000x128xf32, #tpu.memory_space<hbm>> -> memref<10000x128xf32, #tpu.memory_space<hbm>>
      tpu.wait_indirect_dma semaphore(%arg26 : memref<!tpu.dma_semaphore, #tpu.memory_space<semaphore_mem>>) src(%dma_wait3A_891 : memref<10000x128xf32, #tpu.memory_space<hbm>>) dst(%arg15 : memref<80x128xf32, #tpu.memory_space<vmem>>)
      %scan3A_892 = arith.constant 0 : i32
      %scan3A_893 = arith.constant 0 : i32
      %scan3A_894 = arith.constant 5 : i32
      %scan3A_895 = arith.addi %scan3A_893, %scan3A_894 : i32
      %scan3A_896 = arith.constant 1 : i32
      scf.for %scan3A_906 = %scan3A_893 to %scan3A_895 step %scan3A_896  : i32 {
        %broadcast_in_dim3A_907 = arith.constant 0.000000e+00 : f32
        %broadcast_in_dim3A_908 = vector.broadcast %broadcast_in_dim3A_907 : f32 to vector<16xf32>
        %scan3A_909 = arith.constant 0 : i32
        %scan3A_910 = arith.constant 16 : i32
        %scan3A_911 = arith.addi %scan3A_909, %scan3A_910 : i32
        %scan3A_912 = arith.constant 4 : i32
        %scan3A_913 = scf.for %scan3A_930 = %scan3A_909 to %scan3A_911 step %scan3A_912 iter_args(%scan3A_931 = %broadcast_in_dim3A_908) -> (vector<16xf32>)  : i32 {
          %mul3A_932 = arith.constant 16 : i32
          %mul3A_933 = arith.muli %scan3A_906, %mul3A_932 : i32
          %add3A_934 = arith.addi %mul3A_933, %scan3A_930 : i32
          %get3A_935 = arith.index_cast %add3A_934 : i32 to index
          %get3A_936 = arith.constant 0 : index
          %get3A_937 = tpu.vector_load %arg13[%get3A_935, %get3A_936] {strides = array<i32>} : memref<80x128xf32, #tpu.memory_space<vmem>>, vector<1x16xf32>,
          %get3A_938 = vector.shape_cast %get3A_937 : vector<1x16xf32> to vector<16xf32>
          %mul3A_939 = arith.mulf %get3A_938, %mul3A_647 : vector<16xf32>
          %get3A_940 = arith.index_cast %add3A_934 : i32 to index
          %get3A_941 = arith.constant 0 : index
          %get3A_942 = tpu.vector_load %arg15[%get3A_940, %get3A_941] {strides = array<i32>} : memref<80x128xf32, #tpu.memory_space<vmem>>, vector<1x16xf32>,
          %get3A_943 = vector.shape_cast %get3A_942 : vector<1x16xf32> to vector<16xf32>
          %mul3A_944 = arith.mulf %mul3A_939, %get3A_943 : vector<16xf32>
          %get3A_945 = arith.index_cast %add3A_934 : i32 to index
          %get3A_946 = arith.constant 16 : index
          %get3A_947 = tpu.vector_load %arg13[%get3A_945, %get3A_946] {strides = array<i32>} : memref<80x128xf32, #tpu.memory_space<vmem>>, vector<1x16xf32>,
          %get3A_948 = vector.shape_cast %get3A_947 : vector<1x16xf32> to vector<16xf32>
          %mul3A_949 = arith.mulf %get3A_948, %mul3A_654 : vector<16xf32>
          %get3A_950 = arith.index_cast %add3A_934 : i32 to index
          %get3A_951 = arith.constant 16 : index
          %get3A_952 = tpu.vector_load %arg15[%get3A_950, %get3A_951] {strides = array<i32>} : memref<80x128xf32, #tpu.memory_space<vmem>>, vector<1x16xf32>,
          %get3A_953 = vector.shape_cast %get3A_952 : vector<1x16xf32> to vector<16xf32>
          %mul3A_954 = arith.mulf %mul3A_949, %get3A_953 : vector<16xf32>
          %add3A_955 = arith.addf %mul3A_944, %mul3A_954 : vector<16xf32>
          %get3A_956 = arith.index_cast %add3A_934 : i32 to index
          %get3A_957 = arith.constant 32 : index
          %get3A_958 = tpu.vector_load %arg13[%get3A_956, %get3A_957] {strides = array<i32>} : memref<80x128xf32, #tpu.memory_space<vmem>>, vector<1x16xf32>,
          %get3A_959 = vector.shape_cast %get3A_958 : vector<1x16xf32> to vector<16xf32>
          %mul3A_960 = arith.mulf %get3A_959, %mul3A_661 : vector<16xf32>
          %get3A_961 = arith.index_cast %add3A_934 : i32 to index
          %get3A_962 = arith.constant 32 : index
          %get3A_963 = tpu.vector_load %arg15[%get3A_961, %get3A_962] {strides = array<i32>} : memref<80x128xf32, #tpu.memory_space<vmem>>, vector<1x16xf32>,
          %get3A_964 = vector.shape_cast %get3A_963 : vector<1x16xf32> to vector<16xf32>
          %mul3A_965 = arith.mulf %mul3A_960, %get3A_964 : vector<16xf32>
          %add3A_966 = arith.addf %add3A_955, %mul3A_965 : vector<16xf32>
          %get3A_967 = arith.index_cast %add3A_934 : i32 to index
          %get3A_968 = arith.constant 48 : index
          %get3A_969 = tpu.vector_load %arg13[%get3A_967, %get3A_968] {strides = array<i32>} : memref<80x128xf32, #tpu.memory_space<vmem>>, vector<1x16xf32>,
          %get3A_970 = vector.shape_cast %get3A_969 : vector<1x16xf32> to vector<16xf32>
          %mul3A_971 = arith.mulf %get3A_970, %mul3A_668 : vector<16xf32>
          %get3A_972 = arith.index_cast %add3A_934 : i32 to index
          %get3A_973 = arith.constant 48 : index
          %get3A_974 = tpu.vector_load %arg15[%get3A_972, %get3A_973] {strides = array<i32>} : memref<80x128xf32, #tpu.memory_space<vmem>>, vector<1x16xf32>,
          %get3A_975 = vector.shape_cast %get3A_974 : vector<1x16xf32> to vector<16xf32>
          %mul3A_976 = arith.mulf %mul3A_971, %get3A_975 : vector<16xf32>
          %add3A_977 = arith.addf %add3A_966, %mul3A_976 : vector<16xf32>
          %get3A_978 = arith.index_cast %add3A_934 : i32 to index
          %get3A_979 = arith.constant 64 : index
          %get3A_980 = tpu.vector_load %arg13[%get3A_978, %get3A_979] {strides = array<i32>} : memref<80x128xf32, #tpu.memory_space<vmem>>, vector<1x16xf32>,
          %get3A_981 = vector.shape_cast %get3A_980 : vector<1x16xf32> to vector<16xf32>
          %mul3A_982 = arith.mulf %get3A_981, %mul3A_675 : vector<16xf32>
          %get3A_983 = arith.index_cast %add3A_934 : i32 to index
          %get3A_984 = arith.constant 64 : index
          %get3A_985 = tpu.vector_load %arg15[%get3A_983, %get3A_984] {strides = array<i32>} : memref<80x128xf32, #tpu.memory_space<vmem>>, vector<1x16xf32>,
          %get3A_986 = vector.shape_cast %get3A_985 : vector<1x16xf32> to vector<16xf32>
          %mul3A_987 = arith.mulf %mul3A_982, %get3A_986 : vector<16xf32>
          %add3A_988 = arith.addf %add3A_977, %mul3A_987 : vector<16xf32>
          %get3A_989 = arith.index_cast %add3A_934 : i32 to index
          %get3A_990 = arith.constant 80 : index
          %get3A_991 = tpu.vector_load %arg13[%get3A_989, %get3A_990] {strides = array<i32>} : memref<80x128xf32, #tpu.memory_space<vmem>>, vector<1x16xf32>,
          %get3A_992 = vector.shape_cast %get3A_991 : vector<1x16xf32> to vector<16xf32>
          %mul3A_993 = arith.mulf %get3A_992, %mul3A_682 : vector<16xf32>
          %get3A_994 = arith.index_cast %add3A_934 : i32 to index
          %get3A_995 = arith.constant 80 : index
          %get3A_996 = tpu.vector_load %arg15[%get3A_994, %get3A_995] {strides = array<i32>} : memref<80x128xf32, #tpu.memory_space<vmem>>, vector<1x16xf32>,
          %get3A_997 = vector.shape_cast %get3A_996 : vector<1x16xf32> to vector<16xf32>
          %mul3A_998 = arith.mulf %mul3A_993, %get3A_997 : vector<16xf32>
          %add3A_999 = arith.addf %add3A_988, %mul3A_998 : vector<16xf32>
          %get3A_1000 = arith.index_cast %add3A_934 : i32 to index
          %get3A_1001 = arith.constant 96 : index
          %get3A_1002 = tpu.vector_load %arg13[%get3A_1000, %get3A_1001] {strides = array<i32>} : memref<80x128xf32, #tpu.memory_space<vmem>>, vector<1x16xf32>,
          %get3A_1003 = vector.shape_cast %get3A_1002 : vector<1x16xf32> to vector<16xf32>
          %mul3A_1004 = arith.mulf %get3A_1003, %mul3A_689 : vector<16xf32>
          %get3A_1005 = arith.index_cast %add3A_934 : i32 to index
          %get3A_1006 = arith.constant 96 : index
          %get3A_1007 = tpu.vector_load %arg15[%get3A_1005, %get3A_1006] {strides = array<i32>} : memref<80x128xf32, #tpu.memory_space<vmem>>, vector<1x16xf32>,
          %get3A_1008 = vector.shape_cast %get3A_1007 : vector<1x16xf32> to vector<16xf32>
          %mul3A_1009 = arith.mulf %mul3A_1004, %get3A_1008 : vector<16xf32>
          %add3A_1010 = arith.addf %add3A_999, %mul3A_1009 : vector<16xf32>
          %get3A_1011 = arith.index_cast %add3A_934 : i32 to index
          %get3A_1012 = arith.constant 112 : index
          %get3A_1013 = tpu.vector_load %arg13[%get3A_1011, %get3A_1012] {strides = array<i32>} : memref<80x128xf32, #tpu.memory_space<vmem>>, vector<1x16xf32>,
          %get3A_1014 = vector.shape_cast %get3A_1013 : vector<1x16xf32> to vector<16xf32>
          %mul3A_1015 = arith.mulf %get3A_1014, %mul3A_696 : vector<16xf32>
          %get3A_1016 = arith.index_cast %add3A_934 : i32 to index
          %get3A_1017 = arith.constant 112 : index
          %get3A_1018 = tpu.vector_load %arg15[%get3A_1016, %get3A_1017] {strides = array<i32>} : memref<80x128xf32, #tpu.memory_space<vmem>>, vector<1x16xf32>,
          %get3A_1019 = vector.shape_cast %get3A_1018 : vector<1x16xf32> to vector<16xf32>
          %mul3A_1020 = arith.mulf %mul3A_1015, %get3A_1019 : vector<16xf32>
          %add3A_1021 = arith.addf %add3A_1010, %mul3A_1020 : vector<16xf32>
          %gather3A = vector.shape_cast %reshape3A : vector<16x1xi32> to vector<16xi32>
          %gather3A_1022 = tpu.dynamic_gather %add3A_1021[%gather3A] in [0] : vector<16xf32>, vector<16xi32> -> vector<16xf32>
          %add3A_1023 = arith.addf %add3A_1021, %gather3A_1022 : vector<16xf32>
          %gather3A_1024 = vector.shape_cast %reshape3A_702 : vector<16x1xi32> to vector<16xi32>
          %gather3A_1025 = tpu.dynamic_gather %add3A_1023[%gather3A_1024] in [0] : vector<16xf32>, vector<16xi32> -> vector<16xf32>
          %add3A_1026 = arith.addf %add3A_1023, %gather3A_1025 : vector<16xf32>
          %gather3A_1027 = vector.shape_cast %reshape3A_706 : vector<16x1xi32> to vector<16xi32>
          %gather3A_1028 = tpu.dynamic_gather %add3A_1026[%gather3A_1027] in [0] : vector<16xf32>, vector<16xi32> -> vector<16xf32>
          %add3A_1029 = arith.addf %add3A_1026, %gather3A_1028 : vector<16xf32>
          %gather3A_1030 = vector.shape_cast %reshape3A_710 : vector<16x1xi32> to vector<16xi32>
          %gather3A_1031 = tpu.dynamic_gather %add3A_1029[%gather3A_1030] in [0] : vector<16xf32>, vector<16xi32> -> vector<16xf32>
          %add3A_1032 = arith.addf %add3A_1029, %gather3A_1031 : vector<16xf32>
          %eq3A_1033 = vector.broadcast %scan3A_930 : i32 to vector<16xi32>
          %eq3A_1034 = arith.cmpi eq, %iota3A, %eq3A_1033 : vector<16xi32>
          %select_n3A = arith.select %eq3A_1034, %add3A_1032, %scan3A_931 : vector<16xi1>, vector<16xf32>
          %scan3A_1035 = arith.constant 1 : i32
          %scan3A_1036 = arith.addi %scan3A_930, %scan3A_1035 : i32
          %mul3A_1037 = arith.constant 16 : i32
          %mul3A_1038 = arith.muli %scan3A_906, %mul3A_1037 : i32
          %add3A_1039 = arith.addi %mul3A_1038, %scan3A_1036 : i32
          %get3A_1040 = arith.index_cast %add3A_1039 : i32 to index
          %get3A_1041 = arith.constant 0 : index
          %get3A_1042 = tpu.vector_load %arg13[%get3A_1040, %get3A_1041] {strides = array<i32>} : memref<80x128xf32, #tpu.memory_space<vmem>>, vector<1x16xf32>,
          %get3A_1043 = vector.shape_cast %get3A_1042 : vector<1x16xf32> to vector<16xf32>
          %mul3A_1044 = arith.mulf %get3A_1043, %mul3A_647 : vector<16xf32>
          %get3A_1045 = arith.index_cast %add3A_1039 : i32 to index
          %get3A_1046 = arith.constant 0 : index
          %get3A_1047 = tpu.vector_load %arg15[%get3A_1045, %get3A_1046] {strides = array<i32>} : memref<80x128xf32, #tpu.memory_space<vmem>>, vector<1x16xf32>,
          %get3A_1048 = vector.shape_cast %get3A_1047 : vector<1x16xf32> to vector<16xf32>
          %mul3A_1049 = arith.mulf %mul3A_1044, %get3A_1048 : vector<16xf32>
          %get3A_1050 = arith.index_cast %add3A_1039 : i32 to index
          %get3A_1051 = arith.constant 16 : index
          %get3A_1052 = tpu.vector_load %arg13[%get3A_1050, %get3A_1051] {strides = array<i32>} : memref<80x128xf32, #tpu.memory_space<vmem>>, vector<1x16xf32>,
          %get3A_1053 = vector.shape_cast %get3A_1052 : vector<1x16xf32> to vector<16xf32>
          %mul3A_1054 = arith.mulf %get3A_1053, %mul3A_654 : vector<16xf32>
          %get3A_1055 = arith.index_cast %add3A_1039 : i32 to index
          %get3A_1056 = arith.constant 16 : index
          %get3A_1057 = tpu.vector_load %arg15[%get3A_1055, %get3A_1056] {strides = array<i32>} : memref<80x128xf32, #tpu.memory_space<vmem>>, vector<1x16xf32>,
          %get3A_1058 = vector.shape_cast %get3A_1057 : vector<1x16xf32> to vector<16xf32>
          %mul3A_1059 = arith.mulf %mul3A_1054, %get3A_1058 : vector<16xf32>
          %add3A_1060 = arith.addf %mul3A_1049, %mul3A_1059 : vector<16xf32>
          %get3A_1061 = arith.index_cast %add3A_1039 : i32 to index
          %get3A_1062 = arith.constant 32 : index
          %get3A_1063 = tpu.vector_load %arg13[%get3A_1061, %get3A_1062] {strides = array<i32>} : memref<80x128xf32, #tpu.memory_space<vmem>>, vector<1x16xf32>,
          %get3A_1064 = vector.shape_cast %get3A_1063 : vector<1x16xf32> to vector<16xf32>
          %mul3A_1065 = arith.mulf %get3A_1064, %mul3A_661 : vector<16xf32>
          %get3A_1066 = arith.index_cast %add3A_1039 : i32 to index
          %get3A_1067 = arith.constant 32 : index
          %get3A_1068 = tpu.vector_load %arg15[%get3A_1066, %get3A_1067] {strides = array<i32>} : memref<80x128xf32, #tpu.memory_space<vmem>>, vector<1x16xf32>,
          %get3A_1069 = vector.shape_cast %get3A_1068 : vector<1x16xf32> to vector<16xf32>
          %mul3A_1070 = arith.mulf %mul3A_1065, %get3A_1069 : vector<16xf32>
          %add3A_1071 = arith.addf %add3A_1060, %mul3A_1070 : vector<16xf32>
          %get3A_1072 = arith.index_cast %add3A_1039 : i32 to index
          %get3A_1073 = arith.constant 48 : index
          %get3A_1074 = tpu.vector_load %arg13[%get3A_1072, %get3A_1073] {strides = array<i32>} : memref<80x128xf32, #tpu.memory_space<vmem>>, vector<1x16xf32>,
          %get3A_1075 = vector.shape_cast %get3A_1074 : vector<1x16xf32> to vector<16xf32>
          %mul3A_1076 = arith.mulf %get3A_1075, %mul3A_668 : vector<16xf32>
          %get3A_1077 = arith.index_cast %add3A_1039 : i32 to index
          %get3A_1078 = arith.constant 48 : index
          %get3A_1079 = tpu.vector_load %arg15[%get3A_1077, %get3A_1078] {strides = array<i32>} : memref<80x128xf32, #tpu.memory_space<vmem>>, vector<1x16xf32>,
          %get3A_1080 = vector.shape_cast %get3A_1079 : vector<1x16xf32> to vector<16xf32>
          %mul3A_1081 = arith.mulf %mul3A_1076, %get3A_1080 : vector<16xf32>
          %add3A_1082 = arith.addf %add3A_1071, %mul3A_1081 : vector<16xf32>
          %get3A_1083 = arith.index_cast %add3A_1039 : i32 to index
          %get3A_1084 = arith.constant 64 : index
          %get3A_1085 = tpu.vector_load %arg13[%get3A_1083, %get3A_1084] {strides = array<i32>} : memref<80x128xf32, #tpu.memory_space<vmem>>, vector<1x16xf32>,
          %get3A_1086 = vector.shape_cast %get3A_1085 : vector<1x16xf32> to vector<16xf32>
          %mul3A_1087 = arith.mulf %get3A_1086, %mul3A_675 : vector<16xf32>
          %get3A_1088 = arith.index_cast %add3A_1039 : i32 to index
          %get3A_1089 = arith.constant 64 : index
          %get3A_1090 = tpu.vector_load %arg15[%get3A_1088, %get3A_1089] {strides = array<i32>} : memref<80x128xf32, #tpu.memory_space<vmem>>, vector<1x16xf32>,
          %get3A_1091 = vector.shape_cast %get3A_1090 : vector<1x16xf32> to vector<16xf32>
          %mul3A_1092 = arith.mulf %mul3A_1087, %get3A_1091 : vector<16xf32>
          %add3A_1093 = arith.addf %add3A_1082, %mul3A_1092 : vector<16xf32>
          %get3A_1094 = arith.index_cast %add3A_1039 : i32 to index
          %get3A_1095 = arith.constant 80 : index
          %get3A_1096 = tpu.vector_load %arg13[%get3A_1094, %get3A_1095] {strides = array<i32>} : memref<80x128xf32, #tpu.memory_space<vmem>>, vector<1x16xf32>,
          %get3A_1097 = vector.shape_cast %get3A_1096 : vector<1x16xf32> to vector<16xf32>
          %mul3A_1098 = arith.mulf %get3A_1097, %mul3A_682 : vector<16xf32>
          %get3A_1099 = arith.index_cast %add3A_1039 : i32 to index
          %get3A_1100 = arith.constant 80 : index
          %get3A_1101 = tpu.vector_load %arg15[%get3A_1099, %get3A_1100] {strides = array<i32>} : memref<80x128xf32, #tpu.memory_space<vmem>>, vector<1x16xf32>,
          %get3A_1102 = vector.shape_cast %get3A_1101 : vector<1x16xf32> to vector<16xf32>
          %mul3A_1103 = arith.mulf %mul3A_1098, %get3A_1102 : vector<16xf32>
          %add3A_1104 = arith.addf %add3A_1093, %mul3A_1103 : vector<16xf32>
          %get3A_1105 = arith.index_cast %add3A_1039 : i32 to index
          %get3A_1106 = arith.constant 96 : index
          %get3A_1107 = tpu.vector_load %arg13[%get3A_1105, %get3A_1106] {strides = array<i32>} : memref<80x128xf32, #tpu.memory_space<vmem>>, vector<1x16xf32>,
          %get3A_1108 = vector.shape_cast %get3A_1107 : vector<1x16xf32> to vector<16xf32>
          %mul3A_1109 = arith.mulf %get3A_1108, %mul3A_689 : vector<16xf32>
          %get3A_1110 = arith.index_cast %add3A_1039 : i32 to index
          %get3A_1111 = arith.constant 96 : index
          %get3A_1112 = tpu.vector_load %arg15[%get3A_1110, %get3A_1111] {strides = array<i32>} : memref<80x128xf32, #tpu.memory_space<vmem>>, vector<1x16xf32>,
          %get3A_1113 = vector.shape_cast %get3A_1112 : vector<1x16xf32> to vector<16xf32>
          %mul3A_1114 = arith.mulf %mul3A_1109, %get3A_1113 : vector<16xf32>
          %add3A_1115 = arith.addf %add3A_1104, %mul3A_1114 : vector<16xf32>
          %get3A_1116 = arith.index_cast %add3A_1039 : i32 to index
          %get3A_1117 = arith.constant 112 : index
          %get3A_1118 = tpu.vector_load %arg13[%get3A_1116, %get3A_1117] {strides = array<i32>} : memref<80x128xf32, #tpu.memory_space<vmem>>, vector<1x16xf32>,
          %get3A_1119 = vector.shape_cast %get3A_1118 : vector<1x16xf32> to vector<16xf32>
          %mul3A_1120 = arith.mulf %get3A_1119, %mul3A_696 : vector<16xf32>
          %get3A_1121 = arith.index_cast %add3A_1039 : i32 to index
          %get3A_1122 = arith.constant 112 : index
          %get3A_1123 = tpu.vector_load %arg15[%get3A_1121, %get3A_1122] {strides = array<i32>} : memref<80x128xf32, #tpu.memory_space<vmem>>, vector<1x16xf32>,
          %get3A_1124 = vector.shape_cast %get3A_1123 : vector<1x16xf32> to vector<16xf32>
          %mul3A_1125 = arith.mulf %mul3A_1120, %get3A_1124 : vector<16xf32>
          %add3A_1126 = arith.addf %add3A_1115, %mul3A_1125 : vector<16xf32>
          %gather3A_1127 = vector.shape_cast %reshape3A : vector<16x1xi32> to vector<16xi32>
          %gather3A_1128 = tpu.dynamic_gather %add3A_1126[%gather3A_1127] in [0] : vector<16xf32>, vector<16xi32> -> vector<16xf32>
          %add3A_1129 = arith.addf %add3A_1126, %gather3A_1128 : vector<16xf32>
          %gather3A_1130 = vector.shape_cast %reshape3A_702 : vector<16x1xi32> to vector<16xi32>
          %gather3A_1131 = tpu.dynamic_gather %add3A_1129[%gather3A_1130] in [0] : vector<16xf32>, vector<16xi32> -> vector<16xf32>
          %add3A_1132 = arith.addf %add3A_1129, %gather3A_1131 : vector<16xf32>
          %gather3A_1133 = vector.shape_cast %reshape3A_706 : vector<16x1xi32> to vector<16xi32>
          %gather3A_1134 = tpu.dynamic_gather %add3A_1132[%gather3A_1133] in [0] : vector<16xf32>, vector<16xi32> -> vector<16xf32>
          %add3A_1135 = arith.addf %add3A_1132, %gather3A_1134 : vector<16xf32>
          %gather3A_1136 = vector.shape_cast %reshape3A_710 : vector<16x1xi32> to vector<16xi32>
          %gather3A_1137 = tpu.dynamic_gather %add3A_1135[%gather3A_1136] in [0] : vector<16xf32>, vector<16xi32> -> vector<16xf32>
          %add3A_1138 = arith.addf %add3A_1135, %gather3A_1137 : vector<16xf32>
          %eq3A_1139 = vector.broadcast %scan3A_1036 : i32 to vector<16xi32>
          %eq3A_1140 = arith.cmpi eq, %iota3A, %eq3A_1139 : vector<16xi32>
          %select_n3A_1141 = arith.select %eq3A_1140, %add3A_1138, %select_n3A : vector<16xi1>, vector<16xf32>
          %scan3A_1142 = arith.constant 2 : i32
          %scan3A_1143 = arith.addi %scan3A_930, %scan3A_1142 : i32
          %mul3A_1144 = arith.constant 16 : i32
          %mul3A_1145 = arith.muli %scan3A_906, %mul3A_1144 : i32
          %add3A_1146 = arith.addi %mul3A_1145, %scan3A_1143 : i32
          %get3A_1147 = arith.index_cast %add3A_1146 : i32 to index
          %get3A_1148 = arith.constant 0 : index
          %get3A_1149 = tpu.vector_load %arg13[%get3A_1147, %get3A_1148] {strides = array<i32>} : memref<80x128xf32, #tpu.memory_space<vmem>>, vector<1x16xf32>,
          %get3A_1150 = vector.shape_cast %get3A_1149 : vector<1x16xf32> to vector<16xf32>
          %mul3A_1151 = arith.mulf %get3A_1150, %mul3A_647 : vector<16xf32>
          %get3A_1152 = arith.index_cast %add3A_1146 : i32 to index
          %get3A_1153 = arith.constant 0 : index
          %get3A_1154 = tpu.vector_load %arg15[%get3A_1152, %get3A_1153] {strides = array<i32>} : memref<80x128xf32, #tpu.memory_space<vmem>>, vector<1x16xf32>,
          %get3A_1155 = vector.shape_cast %get3A_1154 : vector<1x16xf32> to vector<16xf32>
          %mul3A_1156 = arith.mulf %mul3A_1151, %get3A_1155 : vector<16xf32>
          %get3A_1157 = arith.index_cast %add3A_1146 : i32 to index
          %get3A_1158 = arith.constant 16 : index
          %get3A_1159 = tpu.vector_load %arg13[%get3A_1157, %get3A_1158] {strides = array<i32>} : memref<80x128xf32, #tpu.memory_space<vmem>>, vector<1x16xf32>,
          %get3A_1160 = vector.shape_cast %get3A_1159 : vector<1x16xf32> to vector<16xf32>
          %mul3A_1161 = arith.mulf %get3A_1160, %mul3A_654 : vector<16xf32>
          %get3A_1162 = arith.index_cast %add3A_1146 : i32 to index
          %get3A_1163 = arith.constant 16 : index
          %get3A_1164 = tpu.vector_load %arg15[%get3A_1162, %get3A_1163] {strides = array<i32>} : memref<80x128xf32, #tpu.memory_space<vmem>>, vector<1x16xf32>,
          %get3A_1165 = vector.shape_cast %get3A_1164 : vector<1x16xf32> to vector<16xf32>
          %mul3A_1166 = arith.mulf %mul3A_1161, %get3A_1165 : vector<16xf32>
          %add3A_1167 = arith.addf %mul3A_1156, %mul3A_1166 : vector<16xf32>
          %get3A_1168 = arith.index_cast %add3A_1146 : i32 to index
          %get3A_1169 = arith.constant 32 : index
          %get3A_1170 = tpu.vector_load %arg13[%get3A_1168, %get3A_1169] {strides = array<i32>} : memref<80x128xf32, #tpu.memory_space<vmem>>, vector<1x16xf32>,
          %get3A_1171 = vector.shape_cast %get3A_1170 : vector<1x16xf32> to vector<16xf32>
          %mul3A_1172 = arith.mulf %get3A_1171, %mul3A_661 : vector<16xf32>
          %get3A_1173 = arith.index_cast %add3A_1146 : i32 to index
          %get3A_1174 = arith.constant 32 : index
          %get3A_1175 = tpu.vector_load %arg15[%get3A_1173, %get3A_1174] {strides = array<i32>} : memref<80x128xf32, #tpu.memory_space<vmem>>, vector<1x16xf32>,
          %get3A_1176 = vector.shape_cast %get3A_1175 : vector<1x16xf32> to vector<16xf32>
          %mul3A_1177 = arith.mulf %mul3A_1172, %get3A_1176 : vector<16xf32>
          %add3A_1178 = arith.addf %add3A_1167, %mul3A_1177 : vector<16xf32>
          %get3A_1179 = arith.index_cast %add3A_1146 : i32 to index
          %get3A_1180 = arith.constant 48 : index
          %get3A_1181 = tpu.vector_load %arg13[%get3A_1179, %get3A_1180] {strides = array<i32>} : memref<80x128xf32, #tpu.memory_space<vmem>>, vector<1x16xf32>,
          %get3A_1182 = vector.shape_cast %get3A_1181 : vector<1x16xf32> to vector<16xf32>
          %mul3A_1183 = arith.mulf %get3A_1182, %mul3A_668 : vector<16xf32>
          %get3A_1184 = arith.index_cast %add3A_1146 : i32 to index
          %get3A_1185 = arith.constant 48 : index
          %get3A_1186 = tpu.vector_load %arg15[%get3A_1184, %get3A_1185] {strides = array<i32>} : memref<80x128xf32, #tpu.memory_space<vmem>>, vector<1x16xf32>,
          %get3A_1187 = vector.shape_cast %get3A_1186 : vector<1x16xf32> to vector<16xf32>
          %mul3A_1188 = arith.mulf %mul3A_1183, %get3A_1187 : vector<16xf32>
          %add3A_1189 = arith.addf %add3A_1178, %mul3A_1188 : vector<16xf32>
          %get3A_1190 = arith.index_cast %add3A_1146 : i32 to index
          %get3A_1191 = arith.constant 64 : index
          %get3A_1192 = tpu.vector_load %arg13[%get3A_1190, %get3A_1191] {strides = array<i32>} : memref<80x128xf32, #tpu.memory_space<vmem>>, vector<1x16xf32>,
          %get3A_1193 = vector.shape_cast %get3A_1192 : vector<1x16xf32> to vector<16xf32>
          %mul3A_1194 = arith.mulf %get3A_1193, %mul3A_675 : vector<16xf32>
          %get3A_1195 = arith.index_cast %add3A_1146 : i32 to index
          %get3A_1196 = arith.constant 64 : index
          %get3A_1197 = tpu.vector_load %arg15[%get3A_1195, %get3A_1196] {strides = array<i32>} : memref<80x128xf32, #tpu.memory_space<vmem>>, vector<1x16xf32>,
          %get3A_1198 = vector.shape_cast %get3A_1197 : vector<1x16xf32> to vector<16xf32>
          %mul3A_1199 = arith.mulf %mul3A_1194, %get3A_1198 : vector<16xf32>
          %add3A_1200 = arith.addf %add3A_1189, %mul3A_1199 : vector<16xf32>
          %get3A_1201 = arith.index_cast %add3A_1146 : i32 to index
          %get3A_1202 = arith.constant 80 : index
          %get3A_1203 = tpu.vector_load %arg13[%get3A_1201, %get3A_1202] {strides = array<i32>} : memref<80x128xf32, #tpu.memory_space<vmem>>, vector<1x16xf32>,
          %get3A_1204 = vector.shape_cast %get3A_1203 : vector<1x16xf32> to vector<16xf32>
          %mul3A_1205 = arith.mulf %get3A_1204, %mul3A_682 : vector<16xf32>
          %get3A_1206 = arith.index_cast %add3A_1146 : i32 to index
          %get3A_1207 = arith.constant 80 : index
          %get3A_1208 = tpu.vector_load %arg15[%get3A_1206, %get3A_1207] {strides = array<i32>} : memref<80x128xf32, #tpu.memory_space<vmem>>, vector<1x16xf32>,
          %get3A_1209 = vector.shape_cast %get3A_1208 : vector<1x16xf32> to vector<16xf32>
          %mul3A_1210 = arith.mulf %mul3A_1205, %get3A_1209 : vector<16xf32>
          %add3A_1211 = arith.addf %add3A_1200, %mul3A_1210 : vector<16xf32>
          %get3A_1212 = arith.index_cast %add3A_1146 : i32 to index
          %get3A_1213 = arith.constant 96 : index
          %get3A_1214 = tpu.vector_load %arg13[%get3A_1212, %get3A_1213] {strides = array<i32>} : memref<80x128xf32, #tpu.memory_space<vmem>>, vector<1x16xf32>,
          %get3A_1215 = vector.shape_cast %get3A_1214 : vector<1x16xf32> to vector<16xf32>
          %mul3A_1216 = arith.mulf %get3A_1215, %mul3A_689 : vector<16xf32>
          %get3A_1217 = arith.index_cast %add3A_1146 : i32 to index
          %get3A_1218 = arith.constant 96 : index
          %get3A_1219 = tpu.vector_load %arg15[%get3A_1217, %get3A_1218] {strides = array<i32>} : memref<80x128xf32, #tpu.memory_space<vmem>>, vector<1x16xf32>,
          %get3A_1220 = vector.shape_cast %get3A_1219 : vector<1x16xf32> to vector<16xf32>
          %mul3A_1221 = arith.mulf %mul3A_1216, %get3A_1220 : vector<16xf32>
          %add3A_1222 = arith.addf %add3A_1211, %mul3A_1221 : vector<16xf32>
          %get3A_1223 = arith.index_cast %add3A_1146 : i32 to index
          %get3A_1224 = arith.constant 112 : index
          %get3A_1225 = tpu.vector_load %arg13[%get3A_1223, %get3A_1224] {strides = array<i32>} : memref<80x128xf32, #tpu.memory_space<vmem>>, vector<1x16xf32>,
          %get3A_1226 = vector.shape_cast %get3A_1225 : vector<1x16xf32> to vector<16xf32>
          %mul3A_1227 = arith.mulf %get3A_1226, %mul3A_696 : vector<16xf32>
          %get3A_1228 = arith.index_cast %add3A_1146 : i32 to index
          %get3A_1229 = arith.constant 112 : index
          %get3A_1230 = tpu.vector_load %arg15[%get3A_1228, %get3A_1229] {strides = array<i32>} : memref<80x128xf32, #tpu.memory_space<vmem>>, vector<1x16xf32>,
          %get3A_1231 = vector.shape_cast %get3A_1230 : vector<1x16xf32> to vector<16xf32>
          %mul3A_1232 = arith.mulf %mul3A_1227, %get3A_1231 : vector<16xf32>
          %add3A_1233 = arith.addf %add3A_1222, %mul3A_1232 : vector<16xf32>
          %gather3A_1234 = vector.shape_cast %reshape3A : vector<16x1xi32> to vector<16xi32>
          %gather3A_1235 = tpu.dynamic_gather %add3A_1233[%gather3A_1234] in [0] : vector<16xf32>, vector<16xi32> -> vector<16xf32>
          %add3A_1236 = arith.addf %add3A_1233, %gather3A_1235 : vector<16xf32>
          %gather3A_1237 = vector.shape_cast %reshape3A_702 : vector<16x1xi32> to vector<16xi32>
          %gather3A_1238 = tpu.dynamic_gather %add3A_1236[%gather3A_1237] in [0] : vector<16xf32>, vector<16xi32> -> vector<16xf32>
          %add3A_1239 = arith.addf %add3A_1236, %gather3A_1238 : vector<16xf32>
          %gather3A_1240 = vector.shape_cast %reshape3A_706 : vector<16x1xi32> to vector<16xi32>
          %gather3A_1241 = tpu.dynamic_gather %add3A_1239[%gather3A_1240] in [0] : vector<16xf32>, vector<16xi32> -> vector<16xf32>
          %add3A_1242 = arith.addf %add3A_1239, %gather3A_1241 : vector<16xf32>
          %gather3A_1243 = vector.shape_cast %reshape3A_710 : vector<16x1xi32> to vector<16xi32>
          %gather3A_1244 = tpu.dynamic_gather %add3A_1242[%gather3A_1243] in [0] : vector<16xf32>, vector<16xi32> -> vector<16xf32>
          %add3A_1245 = arith.addf %add3A_1242, %gather3A_1244 : vector<16xf32>
          %eq3A_1246 = vector.broadcast %scan3A_1143 : i32 to vector<16xi32>
          %eq3A_1247 = arith.cmpi eq, %iota3A, %eq3A_1246 : vector<16xi32>
          %select_n3A_1248 = arith.select %eq3A_1247, %add3A_1245, %select_n3A_1141 : vector<16xi1>, vector<16xf32>
          %scan3A_1249 = arith.constant 3 : i32
          %scan3A_1250 = arith.addi %scan3A_930, %scan3A_1249 : i32
          %mul3A_1251 = arith.constant 16 : i32
          %mul3A_1252 = arith.muli %scan3A_906, %mul3A_1251 : i32
          %add3A_1253 = arith.addi %mul3A_1252, %scan3A_1250 : i32
          %get3A_1254 = arith.index_cast %add3A_1253 : i32 to index
          %get3A_1255 = arith.constant 0 : index
          %get3A_1256 = tpu.vector_load %arg13[%get3A_1254, %get3A_1255] {strides = array<i32>} : memref<80x128xf32, #tpu.memory_space<vmem>>, vector<1x16xf32>,
          %get3A_1257 = vector.shape_cast %get3A_1256 : vector<1x16xf32> to vector<16xf32>
          %mul3A_1258 = arith.mulf %get3A_1257, %mul3A_647 : vector<16xf32>
          %get3A_1259 = arith.index_cast %add3A_1253 : i32 to index
          %get3A_1260 = arith.constant 0 : index
          %get3A_1261 = tpu.vector_load %arg15[%get3A_1259, %get3A_1260] {strides = array<i32>} : memref<80x128xf32, #tpu.memory_space<vmem>>, vector<1x16xf32>,
          %get3A_1262 = vector.shape_cast %get3A_1261 : vector<1x16xf32> to vector<16xf32>
          %mul3A_1263 = arith.mulf %mul3A_1258, %get3A_1262 : vector<16xf32>
          %get3A_1264 = arith.index_cast %add3A_1253 : i32 to index
          %get3A_1265 = arith.constant 16 : index
          %get3A_1266 = tpu.vector_load %arg13[%get3A_1264, %get3A_1265] {strides = array<i32>} : memref<80x128xf32, #tpu.memory_space<vmem>>, vector<1x16xf32>,
          %get3A_1267 = vector.shape_cast %get3A_1266 : vector<1x16xf32> to vector<16xf32>
          %mul3A_1268 = arith.mulf %get3A_1267, %mul3A_654 : vector<16xf32>
          %get3A_1269 = arith.index_cast %add3A_1253 : i32 to index
          %get3A_1270 = arith.constant 16 : index
          %get3A_1271 = tpu.vector_load %arg15[%get3A_1269, %get3A_1270] {strides = array<i32>} : memref<80x128xf32, #tpu.memory_space<vmem>>, vector<1x16xf32>,
          %get3A_1272 = vector.shape_cast %get3A_1271 : vector<1x16xf32> to vector<16xf32>
          %mul3A_1273 = arith.mulf %mul3A_1268, %get3A_1272 : vector<16xf32>
          %add3A_1274 = arith.addf %mul3A_1263, %mul3A_1273 : vector<16xf32>
          %get3A_1275 = arith.index_cast %add3A_1253 : i32 to index
          %get3A_1276 = arith.constant 32 : index
          %get3A_1277 = tpu.vector_load %arg13[%get3A_1275, %get3A_1276] {strides = array<i32>} : memref<80x128xf32, #tpu.memory_space<vmem>>, vector<1x16xf32>,
          %get3A_1278 = vector.shape_cast %get3A_1277 : vector<1x16xf32> to vector<16xf32>
          %mul3A_1279 = arith.mulf %get3A_1278, %mul3A_661 : vector<16xf32>
          %get3A_1280 = arith.index_cast %add3A_1253 : i32 to index
          %get3A_1281 = arith.constant 32 : index
          %get3A_1282 = tpu.vector_load %arg15[%get3A_1280, %get3A_1281] {strides = array<i32>} : memref<80x128xf32, #tpu.memory_space<vmem>>, vector<1x16xf32>,
          %get3A_1283 = vector.shape_cast %get3A_1282 : vector<1x16xf32> to vector<16xf32>
          %mul3A_1284 = arith.mulf %mul3A_1279, %get3A_1283 : vector<16xf32>
          %add3A_1285 = arith.addf %add3A_1274, %mul3A_1284 : vector<16xf32>
          %get3A_1286 = arith.index_cast %add3A_1253 : i32 to index
          %get3A_1287 = arith.constant 48 : index
          %get3A_1288 = tpu.vector_load %arg13[%get3A_1286, %get3A_1287] {strides = array<i32>} : memref<80x128xf32, #tpu.memory_space<vmem>>, vector<1x16xf32>,
          %get3A_1289 = vector.shape_cast %get3A_1288 : vector<1x16xf32> to vector<16xf32>
          %mul3A_1290 = arith.mulf %get3A_1289, %mul3A_668 : vector<16xf32>
          %get3A_1291 = arith.index_cast %add3A_1253 : i32 to index
          %get3A_1292 = arith.constant 48 : index
          %get3A_1293 = tpu.vector_load %arg15[%get3A_1291, %get3A_1292] {strides = array<i32>} : memref<80x128xf32, #tpu.memory_space<vmem>>, vector<1x16xf32>,
          %get3A_1294 = vector.shape_cast %get3A_1293 : vector<1x16xf32> to vector<16xf32>
          %mul3A_1295 = arith.mulf %mul3A_1290, %get3A_1294 : vector<16xf32>
          %add3A_1296 = arith.addf %add3A_1285, %mul3A_1295 : vector<16xf32>
          %get3A_1297 = arith.index_cast %add3A_1253 : i32 to index
          %get3A_1298 = arith.constant 64 : index
          %get3A_1299 = tpu.vector_load %arg13[%get3A_1297, %get3A_1298] {strides = array<i32>} : memref<80x128xf32, #tpu.memory_space<vmem>>, vector<1x16xf32>,
          %get3A_1300 = vector.shape_cast %get3A_1299 : vector<1x16xf32> to vector<16xf32>
          %mul3A_1301 = arith.mulf %get3A_1300, %mul3A_675 : vector<16xf32>
          %get3A_1302 = arith.index_cast %add3A_1253 : i32 to index
          %get3A_1303 = arith.constant 64 : index
          %get3A_1304 = tpu.vector_load %arg15[%get3A_1302, %get3A_1303] {strides = array<i32>} : memref<80x128xf32, #tpu.memory_space<vmem>>, vector<1x16xf32>,
          %get3A_1305 = vector.shape_cast %get3A_1304 : vector<1x16xf32> to vector<16xf32>
          %mul3A_1306 = arith.mulf %mul3A_1301, %get3A_1305 : vector<16xf32>
          %add3A_1307 = arith.addf %add3A_1296, %mul3A_1306 : vector<16xf32>
          %get3A_1308 = arith.index_cast %add3A_1253 : i32 to index
          %get3A_1309 = arith.constant 80 : index
          %get3A_1310 = tpu.vector_load %arg13[%get3A_1308, %get3A_1309] {strides = array<i32>} : memref<80x128xf32, #tpu.memory_space<vmem>>, vector<1x16xf32>,
          %get3A_1311 = vector.shape_cast %get3A_1310 : vector<1x16xf32> to vector<16xf32>
          %mul3A_1312 = arith.mulf %get3A_1311, %mul3A_682 : vector<16xf32>
          %get3A_1313 = arith.index_cast %add3A_1253 : i32 to index
          %get3A_1314 = arith.constant 80 : index
          %get3A_1315 = tpu.vector_load %arg15[%get3A_1313, %get3A_1314] {strides = array<i32>} : memref<80x128xf32, #tpu.memory_space<vmem>>, vector<1x16xf32>,
          %get3A_1316 = vector.shape_cast %get3A_1315 : vector<1x16xf32> to vector<16xf32>
          %mul3A_1317 = arith.mulf %mul3A_1312, %get3A_1316 : vector<16xf32>
          %add3A_1318 = arith.addf %add3A_1307, %mul3A_1317 : vector<16xf32>
          %get3A_1319 = arith.index_cast %add3A_1253 : i32 to index
          %get3A_1320 = arith.constant 96 : index
          %get3A_1321 = tpu.vector_load %arg13[%get3A_1319, %get3A_1320] {strides = array<i32>} : memref<80x128xf32, #tpu.memory_space<vmem>>, vector<1x16xf32>,
          %get3A_1322 = vector.shape_cast %get3A_1321 : vector<1x16xf32> to vector<16xf32>
          %mul3A_1323 = arith.mulf %get3A_1322, %mul3A_689 : vector<16xf32>
          %get3A_1324 = arith.index_cast %add3A_1253 : i32 to index
          %get3A_1325 = arith.constant 96 : index
          %get3A_1326 = tpu.vector_load %arg15[%get3A_1324, %get3A_1325] {strides = array<i32>} : memref<80x128xf32, #tpu.memory_space<vmem>>, vector<1x16xf32>,
          %get3A_1327 = vector.shape_cast %get3A_1326 : vector<1x16xf32> to vector<16xf32>
          %mul3A_1328 = arith.mulf %mul3A_1323, %get3A_1327 : vector<16xf32>
          %add3A_1329 = arith.addf %add3A_1318, %mul3A_1328 : vector<16xf32>
          %get3A_1330 = arith.index_cast %add3A_1253 : i32 to index
          %get3A_1331 = arith.constant 112 : index
          %get3A_1332 = tpu.vector_load %arg13[%get3A_1330, %get3A_1331] {strides = array<i32>} : memref<80x128xf32, #tpu.memory_space<vmem>>, vector<1x16xf32>,
          %get3A_1333 = vector.shape_cast %get3A_1332 : vector<1x16xf32> to vector<16xf32>
          %mul3A_1334 = arith.mulf %get3A_1333, %mul3A_696 : vector<16xf32>
          %get3A_1335 = arith.index_cast %add3A_1253 : i32 to index
          %get3A_1336 = arith.constant 112 : index
          %get3A_1337 = tpu.vector_load %arg15[%get3A_1335, %get3A_1336] {strides = array<i32>} : memref<80x128xf32, #tpu.memory_space<vmem>>, vector<1x16xf32>,
          %get3A_1338 = vector.shape_cast %get3A_1337 : vector<1x16xf32> to vector<16xf32>
          %mul3A_1339 = arith.mulf %mul3A_1334, %get3A_1338 : vector<16xf32>
          %add3A_1340 = arith.addf %add3A_1329, %mul3A_1339 : vector<16xf32>
          %gather3A_1341 = vector.shape_cast %reshape3A : vector<16x1xi32> to vector<16xi32>
          %gather3A_1342 = tpu.dynamic_gather %add3A_1340[%gather3A_1341] in [0] : vector<16xf32>, vector<16xi32> -> vector<16xf32>
          %add3A_1343 = arith.addf %add3A_1340, %gather3A_1342 : vector<16xf32>
          %gather3A_1344 = vector.shape_cast %reshape3A_702 : vector<16x1xi32> to vector<16xi32>
          %gather3A_1345 = tpu.dynamic_gather %add3A_1343[%gather3A_1344] in [0] : vector<16xf32>, vector<16xi32> -> vector<16xf32>
          %add3A_1346 = arith.addf %add3A_1343, %gather3A_1345 : vector<16xf32>
          %gather3A_1347 = vector.shape_cast %reshape3A_706 : vector<16x1xi32> to vector<16xi32>
          %gather3A_1348 = tpu.dynamic_gather %add3A_1346[%gather3A_1347] in [0] : vector<16xf32>, vector<16xi32> -> vector<16xf32>
          %add3A_1349 = arith.addf %add3A_1346, %gather3A_1348 : vector<16xf32>
          %gather3A_1350 = vector.shape_cast %reshape3A_710 : vector<16x1xi32> to vector<16xi32>
          %gather3A_1351 = tpu.dynamic_gather %add3A_1349[%gather3A_1350] in [0] : vector<16xf32>, vector<16xi32> -> vector<16xf32>
          %add3A_1352 = arith.addf %add3A_1349, %gather3A_1351 : vector<16xf32>
          %eq3A_1353 = vector.broadcast %scan3A_1250 : i32 to vector<16xi32>
          %eq3A_1354 = arith.cmpi eq, %iota3A, %eq3A_1353 : vector<16xi32>
          %select_n3A_1355 = arith.select %eq3A_1354, %add3A_1352, %select_n3A_1248 : vector<16xi1>, vector<16xf32>
          scf.yield %select_n3A_1355 : vector<16xf32>
        }
        %scan3A_914 = arith.constant 16 : i32
        %exp3A = math.exp %scan3A_913 : vector<16xf32>
        %neg3A = arith.constant 0.000000e+00 : f32
        %neg3A_915 = vector.broadcast %neg3A : f32 to vector<16xf32>
        %neg3A_916 = arith.subf %neg3A_915, %exp3A : vector<16xf32>
        %exp3A_917 = math.exp %neg3A_916 : vector<16xf32>
        %add3A_918 = arith.constant 1.000000e+00 : f32
        %add3A_919 = vector.broadcast %add3A_918 : f32 to vector<16xf32>
        %add3A_920 = arith.addf %add3A_919, %exp3A_917 : vector<16xf32>
        %div3A = arith.constant 1.000000e+00 : f32
        %div3A_921 = vector.broadcast %div3A : f32 to vector<16xf32>
        %div3A_922 = arith.divf %div3A_921, %add3A_920 : vector<16xf32>
        %mul3A_923 = arith.constant 16 : i32
        %mul3A_924 = arith.muli %scan3A_906, %mul3A_923 : i32
        %swap3A_925 = arith.index_cast %add3A_879 : i32 to index
        %swap3A_926 = arith.index_cast %mul3A_924 : i32 to index
        %swap3A_927 = tpu.vector_load %arg16[%swap3A_925, %swap3A_926] {strides = array<i32>} : memref<125x80xf32, #tpu.memory_space<vmem>>, vector<1x16xf32>,
        %swap3A_928 = vector.shape_cast %swap3A_927 : vector<1x16xf32> to vector<16xf32>
        %swap3A_929 = vector.shape_cast %div3A_922 : vector<16xf32> to vector<1x16xf32>
        tpu.vector_store %arg16[%swap3A_925, %swap3A_926], %swap3A_929 {strides = array<i32>} : memref<125x80xf32, #tpu.memory_space<vmem>>, vector<1x16xf32>,
      }
      %scan3A_897 = arith.constant 5 : i32
      %dma_start3A_898 = arith.constant 0 : i32
      %dma_start3A_899 = tpu.memref_slice %arg16[%add3A_879, %dma_start3A_898] : memref<125x80xf32, #tpu.memory_space<vmem>> -> memref<1x80xf32, #tpu.memory_space<vmem>>
      %dma_start3A_900 = tpu.memref_squeeze %dma_start3A_899 : memref<1x80xf32, #tpu.memory_space<vmem>> -> memref<80xf32, #tpu.memory_space<vmem>>
      %dma_start3A_901 = arith.constant 0 : i32
      %dma_start3A_902 = tpu.memref_slice %arg10[%add3A_879, %dma_start3A_901] : memref<125x80xi32, #tpu.memory_space<vmem>> -> memref<1x80xi32, #tpu.memory_space<vmem>>
      %dma_start3A_903 = tpu.memref_squeeze %dma_start3A_902 : memref<1x80xi32, #tpu.memory_space<vmem>> -> memref<80xi32, #tpu.memory_space<vmem>>
      %dma_start3A_904 = arith.constant 0 : i32
      %dma_start3A_905 = tpu.memref_slice %arg18[%dma_start3A_904] : memref<10240xf32, #tpu.memory_space<vmem_shared>> -> memref<10240xf32, #tpu.memory_space<vmem_shared>>
      tpu.enqueue_indirect_dma source(%dma_start3A_900 : memref<80xf32, #tpu.memory_space<vmem>>) target(%dma_start3A_905 : memref<10240xf32, #tpu.memory_space<vmem_shared>>) offsets(%dma_start3A_903 : memref<80xi32, #tpu.memory_space<vmem>>) semaphore(%arg27 : memref<!tpu.dma_semaphore, #tpu.memory_space<semaphore_mem>>) {add = true}
    }
    %scan3A_728 = arith.constant 62 : i32
    %dma_wait3A = arith.constant 124 : i32
    %dma_wait3A_729 = arith.constant 0 : i32
    %dma_wait3A_730 = tpu.memref_slice %arg10[%dma_wait3A, %dma_wait3A_729] : memref<125x80xi32, #tpu.memory_space<vmem>> -> memref<1x80xi32, #tpu.memory_space<vmem>>
    %dma_wait3A_731 = tpu.memref_squeeze %dma_wait3A_730 : memref<1x80xi32, #tpu.memory_space<vmem>> -> memref<80xi32, #tpu.memory_space<vmem>>
    %dma_wait3A_732 = arith.constant 0 : i32
    %dma_wait3A_733 = arith.constant 0 : i32
    %dma_wait3A_734 = tpu.memref_slice %arg2[%dma_wait3A_732, %dma_wait3A_733] : memref<10000x128xf32, #tpu.memory_space<hbm>> -> memref<10000x128xf32, #tpu.memory_space<hbm>>
    tpu.wait_indirect_dma semaphore(%arg25 : memref<!tpu.dma_semaphore, #tpu.memory_space<semaphore_mem>>) src(%dma_wait3A_734 : memref<10000x128xf32, #tpu.memory_space<hbm>>) dst(%arg12 : memref<80x128xf32, #tpu.memory_space<vmem>>)
    %dma_wait3A_735 = arith.constant 124 : i32
    %dma_wait3A_736 = arith.constant 0 : i32
    %dma_wait3A_737 = tpu.memref_slice %arg11[%dma_wait3A_735, %dma_wait3A_736] : memref<125x80xi32, #tpu.memory_space<vmem>> -> memref<1x80xi32, #tpu.memory_space<vmem>>
    %dma_wait3A_738 = tpu.memref_squeeze %dma_wait3A_737 : memref<1x80xi32, #tpu.memory_space<vmem>> -> memref<80xi32, #tpu.memory_space<vmem>>
    %dma_wait3A_739 = arith.constant 0 : i32
    %dma_wait3A_740 = arith.constant 0 : i32
    %dma_wait3A_741 = tpu.memref_slice %arg3[%dma_wait3A_739, %dma_wait3A_740] : memref<10000x128xf32, #tpu.memory_space<hbm>> -> memref<10000x128xf32, #tpu.memory_space<hbm>>
    tpu.wait_indirect_dma semaphore(%arg25 : memref<!tpu.dma_semaphore, #tpu.memory_space<semaphore_mem>>) src(%dma_wait3A_741 : memref<10000x128xf32, #tpu.memory_space<hbm>>) dst(%arg14 : memref<80x128xf32, #tpu.memory_space<vmem>>)
    %scan3A_742 = arith.constant 0 : i32
    %scan3A_743 = arith.constant 0 : i32
    %scan3A_744 = arith.constant 5 : i32
    %scan3A_745 = arith.addi %scan3A_743, %scan3A_744 : i32
    %scan3A_746 = arith.constant 1 : i32
    scf.for %scan3A_821 = %scan3A_743 to %scan3A_745 step %scan3A_746  : i32 {
      %broadcast_in_dim3A_822 = arith.constant 0.000000e+00 : f32
      %broadcast_in_dim3A_823 = vector.broadcast %broadcast_in_dim3A_822 : f32 to vector<16xf32>
      %scan3A_824 = arith.constant 0 : i32
      %scan3A_825 = arith.constant 16 : i32
      %scan3A_826 = arith.addi %scan3A_824, %scan3A_825 : i32
      %scan3A_827 = arith.constant 4 : i32
      %scan3A_828 = scf.for %scan3A_846 = %scan3A_824 to %scan3A_826 step %scan3A_827 iter_args(%scan3A_847 = %broadcast_in_dim3A_823) -> (vector<16xf32>)  : i32 {
        %mul3A_848 = arith.constant 16 : i32
        %mul3A_849 = arith.muli %scan3A_821, %mul3A_848 : i32
        %add3A_850 = arith.addi %mul3A_849, %scan3A_846 : i32
        %get3A_851 = arith.index_cast %add3A_850 : i32 to index
        %get3A_852 = arith.constant 0 : index
        %get3A_853 = tpu.vector_load %arg12[%get3A_851, %get3A_852] {strides = array<i32>} : memref<80x128xf32, #tpu.memory_space<vmem>>, vector<1x16xf32>,
        %get3A_854 = vector.shape_cast %get3A_853 : vector<1x16xf32> to vector<16xf32>
        %mul3A_855 = arith.mulf %get3A_854, %mul3A_647 : vector<16xf32>
        %get3A_856 = arith.index_cast %add3A_850 : i32 to index
        %get3A_857 = arith.constant 0 : index
        %get3A_858 = tpu.vector_load %arg14[%get3A_856, %get3A_857] {strides = array<i32>} : memref<80x128xf32, #tpu.memory_space<vmem>>, vector<1x16xf32>,
        %get3A_859 = vector.shape_cast %get3A_858 : vector<1x16xf32> to vector<16xf32>
        %mul3A_860 = arith.mulf %mul3A_855, %get3A_859 : vector<16xf32>
        %get3A_861 = arith.index_cast %add3A_850 : i32 to index
        %get3A_862 = arith.constant 16 : index
        %get3A_863 = tpu.vector_load %arg12[%get3A_861, %get3A_862] {strides = array<i32>} : memref<80x128xf32, #tpu.memory_space<vmem>>, vector<1x16xf32>,
        %get3A_864 = vector.shape_cast %get3A_863 : vector<1x16xf32> to vector<16xf32>
        %mul3A_865 = arith.mulf %get3A_864, %mul3A_654 : vector<16xf32>
        %get3A_866 = arith.index_cast %add3A_850 : i32 to index
        %get3A_867 = arith.constant 16 : index
        %get3A_868 = tpu.vector_load %arg14[%get3A_866, %get3A_867] {strides = array<i32>} : memref<80x128xf32, #tpu.memory_space<vmem>>, vector<1x16xf32>,
        %get3A_869 = vector.shape_cast %get3A_868 : vector<1x16xf32> to vector<16xf32>
        %mul3A_870 = arith.mulf %mul3A_865, %get3A_869 : vector<16xf32>
        %add3A_871 = arith.addf %mul3A_860, %mul3A_870 : vector<16xf32>
        %get3A_872 = arith.index_cast %add3A_850 : i32 to index
        %get3A_873 = arith.constant 32 : index
        %get3A_874 = tpu.vector_load %arg12[%get3A_872, %get3A_873] {strides = array<i32>} : memref<80x128xf32, #tpu.memory_space<vmem>>, vector<1x16xf32>,
        %get3A_875 = vector.shape_cast %get3A_874 : vector<1x16xf32> to vector<16xf32>
        %mul3A_876 = arith.mulf %get3A_875, %mul3A_661 : vector<16xf32>
        %get3A_877 = arith.index_cast %add3A_850 : i32 to index
        %get3A_878 = arith.constant 32 : index
        %get3A_879 = tpu.vector_load %arg14[%get3A_877, %get3A_878] {strides = array<i32>} : memref<80x128xf32, #tpu.memory_space<vmem>>, vector<1x16xf32>,
        %get3A_880 = vector.shape_cast %get3A_879 : vector<1x16xf32> to vector<16xf32>
        %mul3A_881 = arith.mulf %mul3A_876, %get3A_880 : vector<16xf32>
        %add3A_882 = arith.addf %add3A_871, %mul3A_881 : vector<16xf32>
        %get3A_883 = arith.index_cast %add3A_850 : i32 to index
        %get3A_884 = arith.constant 48 : index
        %get3A_885 = tpu.vector_load %arg12[%get3A_883, %get3A_884] {strides = array<i32>} : memref<80x128xf32, #tpu.memory_space<vmem>>, vector<1x16xf32>,
        %get3A_886 = vector.shape_cast %get3A_885 : vector<1x16xf32> to vector<16xf32>
        %mul3A_887 = arith.mulf %get3A_886, %mul3A_668 : vector<16xf32>
        %get3A_888 = arith.index_cast %add3A_850 : i32 to index
        %get3A_889 = arith.constant 48 : index
        %get3A_890 = tpu.vector_load %arg14[%get3A_888, %get3A_889] {strides = array<i32>} : memref<80x128xf32, #tpu.memory_space<vmem>>, vector<1x16xf32>,
        %get3A_891 = vector.shape_cast %get3A_890 : vector<1x16xf32> to vector<16xf32>
        %mul3A_892 = arith.mulf %mul3A_887, %get3A_891 : vector<16xf32>
        %add3A_893 = arith.addf %add3A_882, %mul3A_892 : vector<16xf32>
        %get3A_894 = arith.index_cast %add3A_850 : i32 to index
        %get3A_895 = arith.constant 64 : index
        %get3A_896 = tpu.vector_load %arg12[%get3A_894, %get3A_895] {strides = array<i32>} : memref<80x128xf32, #tpu.memory_space<vmem>>, vector<1x16xf32>,
        %get3A_897 = vector.shape_cast %get3A_896 : vector<1x16xf32> to vector<16xf32>
        %mul3A_898 = arith.mulf %get3A_897, %mul3A_675 : vector<16xf32>
        %get3A_899 = arith.index_cast %add3A_850 : i32 to index
        %get3A_900 = arith.constant 64 : index
        %get3A_901 = tpu.vector_load %arg14[%get3A_899, %get3A_900] {strides = array<i32>} : memref<80x128xf32, #tpu.memory_space<vmem>>, vector<1x16xf32>,
        %get3A_902 = vector.shape_cast %get3A_901 : vector<1x16xf32> to vector<16xf32>
        %mul3A_903 = arith.mulf %mul3A_898, %get3A_902 : vector<16xf32>
        %add3A_904 = arith.addf %add3A_893, %mul3A_903 : vector<16xf32>
        %get3A_905 = arith.index_cast %add3A_850 : i32 to index
        %get3A_906 = arith.constant 80 : index
        %get3A_907 = tpu.vector_load %arg12[%get3A_905, %get3A_906] {strides = array<i32>} : memref<80x128xf32, #tpu.memory_space<vmem>>, vector<1x16xf32>,
        %get3A_908 = vector.shape_cast %get3A_907 : vector<1x16xf32> to vector<16xf32>
        %mul3A_909 = arith.mulf %get3A_908, %mul3A_682 : vector<16xf32>
        %get3A_910 = arith.index_cast %add3A_850 : i32 to index
        %get3A_911 = arith.constant 80 : index
        %get3A_912 = tpu.vector_load %arg14[%get3A_910, %get3A_911] {strides = array<i32>} : memref<80x128xf32, #tpu.memory_space<vmem>>, vector<1x16xf32>,
        %get3A_913 = vector.shape_cast %get3A_912 : vector<1x16xf32> to vector<16xf32>
        %mul3A_914 = arith.mulf %mul3A_909, %get3A_913 : vector<16xf32>
        %add3A_915 = arith.addf %add3A_904, %mul3A_914 : vector<16xf32>
        %get3A_916 = arith.index_cast %add3A_850 : i32 to index
        %get3A_917 = arith.constant 96 : index
        %get3A_918 = tpu.vector_load %arg12[%get3A_916, %get3A_917] {strides = array<i32>} : memref<80x128xf32, #tpu.memory_space<vmem>>, vector<1x16xf32>,
        %get3A_919 = vector.shape_cast %get3A_918 : vector<1x16xf32> to vector<16xf32>
        %mul3A_920 = arith.mulf %get3A_919, %mul3A_689 : vector<16xf32>
        %get3A_921 = arith.index_cast %add3A_850 : i32 to index
        %get3A_922 = arith.constant 96 : index
        %get3A_923 = tpu.vector_load %arg14[%get3A_921, %get3A_922] {strides = array<i32>} : memref<80x128xf32, #tpu.memory_space<vmem>>, vector<1x16xf32>,
        %get3A_924 = vector.shape_cast %get3A_923 : vector<1x16xf32> to vector<16xf32>
        %mul3A_925 = arith.mulf %mul3A_920, %get3A_924 : vector<16xf32>
        %add3A_926 = arith.addf %add3A_915, %mul3A_925 : vector<16xf32>
        %get3A_927 = arith.index_cast %add3A_850 : i32 to index
        %get3A_928 = arith.constant 112 : index
        %get3A_929 = tpu.vector_load %arg12[%get3A_927, %get3A_928] {strides = array<i32>} : memref<80x128xf32, #tpu.memory_space<vmem>>, vector<1x16xf32>,
        %get3A_930 = vector.shape_cast %get3A_929 : vector<1x16xf32> to vector<16xf32>
        %mul3A_931 = arith.mulf %get3A_930, %mul3A_696 : vector<16xf32>
        %get3A_932 = arith.index_cast %add3A_850 : i32 to index
        %get3A_933 = arith.constant 112 : index
        %get3A_934 = tpu.vector_load %arg14[%get3A_932, %get3A_933] {strides = array<i32>} : memref<80x128xf32, #tpu.memory_space<vmem>>, vector<1x16xf32>,
        %get3A_935 = vector.shape_cast %get3A_934 : vector<1x16xf32> to vector<16xf32>
        %mul3A_936 = arith.mulf %mul3A_931, %get3A_935 : vector<16xf32>
        %add3A_937 = arith.addf %add3A_926, %mul3A_936 : vector<16xf32>
        %gather3A = vector.shape_cast %reshape3A : vector<16x1xi32> to vector<16xi32>
        %gather3A_938 = tpu.dynamic_gather %add3A_937[%gather3A] in [0] : vector<16xf32>, vector<16xi32> -> vector<16xf32>
        %add3A_939 = arith.addf %add3A_937, %gather3A_938 : vector<16xf32>
        %gather3A_940 = vector.shape_cast %reshape3A_702 : vector<16x1xi32> to vector<16xi32>
        %gather3A_941 = tpu.dynamic_gather %add3A_939[%gather3A_940] in [0] : vector<16xf32>, vector<16xi32> -> vector<16xf32>
        %add3A_942 = arith.addf %add3A_939, %gather3A_941 : vector<16xf32>
        %gather3A_943 = vector.shape_cast %reshape3A_706 : vector<16x1xi32> to vector<16xi32>
        %gather3A_944 = tpu.dynamic_gather %add3A_942[%gather3A_943] in [0] : vector<16xf32>, vector<16xi32> -> vector<16xf32>
        %add3A_945 = arith.addf %add3A_942, %gather3A_944 : vector<16xf32>
        %gather3A_946 = vector.shape_cast %reshape3A_710 : vector<16x1xi32> to vector<16xi32>
        %gather3A_947 = tpu.dynamic_gather %add3A_945[%gather3A_946] in [0] : vector<16xf32>, vector<16xi32> -> vector<16xf32>
        %add3A_948 = arith.addf %add3A_945, %gather3A_947 : vector<16xf32>
        %eq3A_949 = vector.broadcast %scan3A_846 : i32 to vector<16xi32>
        %eq3A_950 = arith.cmpi eq, %iota3A, %eq3A_949 : vector<16xi32>
        %select_n3A = arith.select %eq3A_950, %add3A_948, %scan3A_847 : vector<16xi1>, vector<16xf32>
        %scan3A_951 = arith.constant 1 : i32
        %scan3A_952 = arith.addi %scan3A_846, %scan3A_951 : i32
        %mul3A_953 = arith.constant 16 : i32
        %mul3A_954 = arith.muli %scan3A_821, %mul3A_953 : i32
        %add3A_955 = arith.addi %mul3A_954, %scan3A_952 : i32
        %get3A_956 = arith.index_cast %add3A_955 : i32 to index
        %get3A_957 = arith.constant 0 : index
        %get3A_958 = tpu.vector_load %arg12[%get3A_956, %get3A_957] {strides = array<i32>} : memref<80x128xf32, #tpu.memory_space<vmem>>, vector<1x16xf32>,
        %get3A_959 = vector.shape_cast %get3A_958 : vector<1x16xf32> to vector<16xf32>
        %mul3A_960 = arith.mulf %get3A_959, %mul3A_647 : vector<16xf32>
        %get3A_961 = arith.index_cast %add3A_955 : i32 to index
        %get3A_962 = arith.constant 0 : index
        %get3A_963 = tpu.vector_load %arg14[%get3A_961, %get3A_962] {strides = array<i32>} : memref<80x128xf32, #tpu.memory_space<vmem>>, vector<1x16xf32>,
        %get3A_964 = vector.shape_cast %get3A_963 : vector<1x16xf32> to vector<16xf32>
        %mul3A_965 = arith.mulf %mul3A_960, %get3A_964 : vector<16xf32>
        %get3A_966 = arith.index_cast %add3A_955 : i32 to index
        %get3A_967 = arith.constant 16 : index
        %get3A_968 = tpu.vector_load %arg12[%get3A_966, %get3A_967] {strides = array<i32>} : memref<80x128xf32, #tpu.memory_space<vmem>>, vector<1x16xf32>,
        %get3A_969 = vector.shape_cast %get3A_968 : vector<1x16xf32> to vector<16xf32>
        %mul3A_970 = arith.mulf %get3A_969, %mul3A_654 : vector<16xf32>
        %get3A_971 = arith.index_cast %add3A_955 : i32 to index
        %get3A_972 = arith.constant 16 : index
        %get3A_973 = tpu.vector_load %arg14[%get3A_971, %get3A_972] {strides = array<i32>} : memref<80x128xf32, #tpu.memory_space<vmem>>, vector<1x16xf32>,
        %get3A_974 = vector.shape_cast %get3A_973 : vector<1x16xf32> to vector<16xf32>
        %mul3A_975 = arith.mulf %mul3A_970, %get3A_974 : vector<16xf32>
        %add3A_976 = arith.addf %mul3A_965, %mul3A_975 : vector<16xf32>
        %get3A_977 = arith.index_cast %add3A_955 : i32 to index
        %get3A_978 = arith.constant 32 : index
        %get3A_979 = tpu.vector_load %arg12[%get3A_977, %get3A_978] {strides = array<i32>} : memref<80x128xf32, #tpu.memory_space<vmem>>, vector<1x16xf32>,
        %get3A_980 = vector.shape_cast %get3A_979 : vector<1x16xf32> to vector<16xf32>
        %mul3A_981 = arith.mulf %get3A_980, %mul3A_661 : vector<16xf32>
        %get3A_982 = arith.index_cast %add3A_955 : i32 to index
        %get3A_983 = arith.constant 32 : index
        %get3A_984 = tpu.vector_load %arg14[%get3A_982, %get3A_983] {strides = array<i32>} : memref<80x128xf32, #tpu.memory_space<vmem>>, vector<1x16xf32>,
        %get3A_985 = vector.shape_cast %get3A_984 : vector<1x16xf32> to vector<16xf32>
        %mul3A_986 = arith.mulf %mul3A_981, %get3A_985 : vector<16xf32>
        %add3A_987 = arith.addf %add3A_976, %mul3A_986 : vector<16xf32>
        %get3A_988 = arith.index_cast %add3A_955 : i32 to index
        %get3A_989 = arith.constant 48 : index
        %get3A_990 = tpu.vector_load %arg12[%get3A_988, %get3A_989] {strides = array<i32>} : memref<80x128xf32, #tpu.memory_space<vmem>>, vector<1x16xf32>,
        %get3A_991 = vector.shape_cast %get3A_990 : vector<1x16xf32> to vector<16xf32>
        %mul3A_992 = arith.mulf %get3A_991, %mul3A_668 : vector<16xf32>
        %get3A_993 = arith.index_cast %add3A_955 : i32 to index
        %get3A_994 = arith.constant 48 : index
        %get3A_995 = tpu.vector_load %arg14[%get3A_993, %get3A_994] {strides = array<i32>} : memref<80x128xf32, #tpu.memory_space<vmem>>, vector<1x16xf32>,
        %get3A_996 = vector.shape_cast %get3A_995 : vector<1x16xf32> to vector<16xf32>
        %mul3A_997 = arith.mulf %mul3A_992, %get3A_996 : vector<16xf32>
        %add3A_998 = arith.addf %add3A_987, %mul3A_997 : vector<16xf32>
        %get3A_999 = arith.index_cast %add3A_955 : i32 to index
        %get3A_1000 = arith.constant 64 : index
        %get3A_1001 = tpu.vector_load %arg12[%get3A_999, %get3A_1000] {strides = array<i32>} : memref<80x128xf32, #tpu.memory_space<vmem>>, vector<1x16xf32>,
        %get3A_1002 = vector.shape_cast %get3A_1001 : vector<1x16xf32> to vector<16xf32>
        %mul3A_1003 = arith.mulf %get3A_1002, %mul3A_675 : vector<16xf32>
        %get3A_1004 = arith.index_cast %add3A_955 : i32 to index
        %get3A_1005 = arith.constant 64 : index
        %get3A_1006 = tpu.vector_load %arg14[%get3A_1004, %get3A_1005] {strides = array<i32>} : memref<80x128xf32, #tpu.memory_space<vmem>>, vector<1x16xf32>,
        %get3A_1007 = vector.shape_cast %get3A_1006 : vector<1x16xf32> to vector<16xf32>
        %mul3A_1008 = arith.mulf %mul3A_1003, %get3A_1007 : vector<16xf32>
        %add3A_1009 = arith.addf %add3A_998, %mul3A_1008 : vector<16xf32>
        %get3A_1010 = arith.index_cast %add3A_955 : i32 to index
        %get3A_1011 = arith.constant 80 : index
        %get3A_1012 = tpu.vector_load %arg12[%get3A_1010, %get3A_1011] {strides = array<i32>} : memref<80x128xf32, #tpu.memory_space<vmem>>, vector<1x16xf32>,
        %get3A_1013 = vector.shape_cast %get3A_1012 : vector<1x16xf32> to vector<16xf32>
        %mul3A_1014 = arith.mulf %get3A_1013, %mul3A_682 : vector<16xf32>
        %get3A_1015 = arith.index_cast %add3A_955 : i32 to index
        %get3A_1016 = arith.constant 80 : index
        %get3A_1017 = tpu.vector_load %arg14[%get3A_1015, %get3A_1016] {strides = array<i32>} : memref<80x128xf32, #tpu.memory_space<vmem>>, vector<1x16xf32>,
        %get3A_1018 = vector.shape_cast %get3A_1017 : vector<1x16xf32> to vector<16xf32>
        %mul3A_1019 = arith.mulf %mul3A_1014, %get3A_1018 : vector<16xf32>
        %add3A_1020 = arith.addf %add3A_1009, %mul3A_1019 : vector<16xf32>
        %get3A_1021 = arith.index_cast %add3A_955 : i32 to index
        %get3A_1022 = arith.constant 96 : index
        %get3A_1023 = tpu.vector_load %arg12[%get3A_1021, %get3A_1022] {strides = array<i32>} : memref<80x128xf32, #tpu.memory_space<vmem>>, vector<1x16xf32>,
        %get3A_1024 = vector.shape_cast %get3A_1023 : vector<1x16xf32> to vector<16xf32>
        %mul3A_1025 = arith.mulf %get3A_1024, %mul3A_689 : vector<16xf32>
        %get3A_1026 = arith.index_cast %add3A_955 : i32 to index
        %get3A_1027 = arith.constant 96 : index
        %get3A_1028 = tpu.vector_load %arg14[%get3A_1026, %get3A_1027] {strides = array<i32>} : memref<80x128xf32, #tpu.memory_space<vmem>>, vector<1x16xf32>,
        %get3A_1029 = vector.shape_cast %get3A_1028 : vector<1x16xf32> to vector<16xf32>
        %mul3A_1030 = arith.mulf %mul3A_1025, %get3A_1029 : vector<16xf32>
        %add3A_1031 = arith.addf %add3A_1020, %mul3A_1030 : vector<16xf32>
        %get3A_1032 = arith.index_cast %add3A_955 : i32 to index
        %get3A_1033 = arith.constant 112 : index
        %get3A_1034 = tpu.vector_load %arg12[%get3A_1032, %get3A_1033] {strides = array<i32>} : memref<80x128xf32, #tpu.memory_space<vmem>>, vector<1x16xf32>,
        %get3A_1035 = vector.shape_cast %get3A_1034 : vector<1x16xf32> to vector<16xf32>
        %mul3A_1036 = arith.mulf %get3A_1035, %mul3A_696 : vector<16xf32>
        %get3A_1037 = arith.index_cast %add3A_955 : i32 to index
        %get3A_1038 = arith.constant 112 : index
        %get3A_1039 = tpu.vector_load %arg14[%get3A_1037, %get3A_1038] {strides = array<i32>} : memref<80x128xf32, #tpu.memory_space<vmem>>, vector<1x16xf32>,
        %get3A_1040 = vector.shape_cast %get3A_1039 : vector<1x16xf32> to vector<16xf32>
        %mul3A_1041 = arith.mulf %mul3A_1036, %get3A_1040 : vector<16xf32>
        %add3A_1042 = arith.addf %add3A_1031, %mul3A_1041 : vector<16xf32>
        %gather3A_1043 = vector.shape_cast %reshape3A : vector<16x1xi32> to vector<16xi32>
        %gather3A_1044 = tpu.dynamic_gather %add3A_1042[%gather3A_1043] in [0] : vector<16xf32>, vector<16xi32> -> vector<16xf32>
        %add3A_1045 = arith.addf %add3A_1042, %gather3A_1044 : vector<16xf32>
        %gather3A_1046 = vector.shape_cast %reshape3A_702 : vector<16x1xi32> to vector<16xi32>
        %gather3A_1047 = tpu.dynamic_gather %add3A_1045[%gather3A_1046] in [0] : vector<16xf32>, vector<16xi32> -> vector<16xf32>
        %add3A_1048 = arith.addf %add3A_1045, %gather3A_1047 : vector<16xf32>
        %gather3A_1049 = vector.shape_cast %reshape3A_706 : vector<16x1xi32> to vector<16xi32>
        %gather3A_1050 = tpu.dynamic_gather %add3A_1048[%gather3A_1049] in [0] : vector<16xf32>, vector<16xi32> -> vector<16xf32>
        %add3A_1051 = arith.addf %add3A_1048, %gather3A_1050 : vector<16xf32>
        %gather3A_1052 = vector.shape_cast %reshape3A_710 : vector<16x1xi32> to vector<16xi32>
        %gather3A_1053 = tpu.dynamic_gather %add3A_1051[%gather3A_1052] in [0] : vector<16xf32>, vector<16xi32> -> vector<16xf32>
        %add3A_1054 = arith.addf %add3A_1051, %gather3A_1053 : vector<16xf32>
        %eq3A_1055 = vector.broadcast %scan3A_952 : i32 to vector<16xi32>
        %eq3A_1056 = arith.cmpi eq, %iota3A, %eq3A_1055 : vector<16xi32>
        %select_n3A_1057 = arith.select %eq3A_1056, %add3A_1054, %select_n3A : vector<16xi1>, vector<16xf32>
        %scan3A_1058 = arith.constant 2 : i32
        %scan3A_1059 = arith.addi %scan3A_846, %scan3A_1058 : i32
        %mul3A_1060 = arith.constant 16 : i32
        %mul3A_1061 = arith.muli %scan3A_821, %mul3A_1060 : i32
        %add3A_1062 = arith.addi %mul3A_1061, %scan3A_1059 : i32
        %get3A_1063 = arith.index_cast %add3A_1062 : i32 to index
        %get3A_1064 = arith.constant 0 : index
        %get3A_1065 = tpu.vector_load %arg12[%get3A_1063, %get3A_1064] {strides = array<i32>} : memref<80x128xf32, #tpu.memory_space<vmem>>, vector<1x16xf32>,
        %get3A_1066 = vector.shape_cast %get3A_1065 : vector<1x16xf32> to vector<16xf32>
        %mul3A_1067 = arith.mulf %get3A_1066, %mul3A_647 : vector<16xf32>
        %get3A_1068 = arith.index_cast %add3A_1062 : i32 to index
        %get3A_1069 = arith.constant 0 : index
        %get3A_1070 = tpu.vector_load %arg14[%get3A_1068, %get3A_1069] {strides = array<i32>} : memref<80x128xf32, #tpu.memory_space<vmem>>, vector<1x16xf32>,
        %get3A_1071 = vector.shape_cast %get3A_1070 : vector<1x16xf32> to vector<16xf32>
        %mul3A_1072 = arith.mulf %mul3A_1067, %get3A_1071 : vector<16xf32>
        %get3A_1073 = arith.index_cast %add3A_1062 : i32 to index
        %get3A_1074 = arith.constant 16 : index
        %get3A_1075 = tpu.vector_load %arg12[%get3A_1073, %get3A_1074] {strides = array<i32>} : memref<80x128xf32, #tpu.memory_space<vmem>>, vector<1x16xf32>,
        %get3A_1076 = vector.shape_cast %get3A_1075 : vector<1x16xf32> to vector<16xf32>
        %mul3A_1077 = arith.mulf %get3A_1076, %mul3A_654 : vector<16xf32>
        %get3A_1078 = arith.index_cast %add3A_1062 : i32 to index
        %get3A_1079 = arith.constant 16 : index
        %get3A_1080 = tpu.vector_load %arg14[%get3A_1078, %get3A_1079] {strides = array<i32>} : memref<80x128xf32, #tpu.memory_space<vmem>>, vector<1x16xf32>,
        %get3A_1081 = vector.shape_cast %get3A_1080 : vector<1x16xf32> to vector<16xf32>
        %mul3A_1082 = arith.mulf %mul3A_1077, %get3A_1081 : vector<16xf32>
        %add3A_1083 = arith.addf %mul3A_1072, %mul3A_1082 : vector<16xf32>
        %get3A_1084 = arith.index_cast %add3A_1062 : i32 to index
        %get3A_1085 = arith.constant 32 : index
        %get3A_1086 = tpu.vector_load %arg12[%get3A_1084, %get3A_1085] {strides = array<i32>} : memref<80x128xf32, #tpu.memory_space<vmem>>, vector<1x16xf32>,
        %get3A_1087 = vector.shape_cast %get3A_1086 : vector<1x16xf32> to vector<16xf32>
        %mul3A_1088 = arith.mulf %get3A_1087, %mul3A_661 : vector<16xf32>
        %get3A_1089 = arith.index_cast %add3A_1062 : i32 to index
        %get3A_1090 = arith.constant 32 : index
        %get3A_1091 = tpu.vector_load %arg14[%get3A_1089, %get3A_1090] {strides = array<i32>} : memref<80x128xf32, #tpu.memory_space<vmem>>, vector<1x16xf32>,
        %get3A_1092 = vector.shape_cast %get3A_1091 : vector<1x16xf32> to vector<16xf32>
        %mul3A_1093 = arith.mulf %mul3A_1088, %get3A_1092 : vector<16xf32>
        %add3A_1094 = arith.addf %add3A_1083, %mul3A_1093 : vector<16xf32>
        %get3A_1095 = arith.index_cast %add3A_1062 : i32 to index
        %get3A_1096 = arith.constant 48 : index
        %get3A_1097 = tpu.vector_load %arg12[%get3A_1095, %get3A_1096] {strides = array<i32>} : memref<80x128xf32, #tpu.memory_space<vmem>>, vector<1x16xf32>,
        %get3A_1098 = vector.shape_cast %get3A_1097 : vector<1x16xf32> to vector<16xf32>
        %mul3A_1099 = arith.mulf %get3A_1098, %mul3A_668 : vector<16xf32>
        %get3A_1100 = arith.index_cast %add3A_1062 : i32 to index
        %get3A_1101 = arith.constant 48 : index
        %get3A_1102 = tpu.vector_load %arg14[%get3A_1100, %get3A_1101] {strides = array<i32>} : memref<80x128xf32, #tpu.memory_space<vmem>>, vector<1x16xf32>,
        %get3A_1103 = vector.shape_cast %get3A_1102 : vector<1x16xf32> to vector<16xf32>
        %mul3A_1104 = arith.mulf %mul3A_1099, %get3A_1103 : vector<16xf32>
        %add3A_1105 = arith.addf %add3A_1094, %mul3A_1104 : vector<16xf32>
        %get3A_1106 = arith.index_cast %add3A_1062 : i32 to index
        %get3A_1107 = arith.constant 64 : index
        %get3A_1108 = tpu.vector_load %arg12[%get3A_1106, %get3A_1107] {strides = array<i32>} : memref<80x128xf32, #tpu.memory_space<vmem>>, vector<1x16xf32>,
        %get3A_1109 = vector.shape_cast %get3A_1108 : vector<1x16xf32> to vector<16xf32>
        %mul3A_1110 = arith.mulf %get3A_1109, %mul3A_675 : vector<16xf32>
        %get3A_1111 = arith.index_cast %add3A_1062 : i32 to index
        %get3A_1112 = arith.constant 64 : index
        %get3A_1113 = tpu.vector_load %arg14[%get3A_1111, %get3A_1112] {strides = array<i32>} : memref<80x128xf32, #tpu.memory_space<vmem>>, vector<1x16xf32>,
        %get3A_1114 = vector.shape_cast %get3A_1113 : vector<1x16xf32> to vector<16xf32>
        %mul3A_1115 = arith.mulf %mul3A_1110, %get3A_1114 : vector<16xf32>
        %add3A_1116 = arith.addf %add3A_1105, %mul3A_1115 : vector<16xf32>
        %get3A_1117 = arith.index_cast %add3A_1062 : i32 to index
        %get3A_1118 = arith.constant 80 : index
        %get3A_1119 = tpu.vector_load %arg12[%get3A_1117, %get3A_1118] {strides = array<i32>} : memref<80x128xf32, #tpu.memory_space<vmem>>, vector<1x16xf32>,
        %get3A_1120 = vector.shape_cast %get3A_1119 : vector<1x16xf32> to vector<16xf32>
        %mul3A_1121 = arith.mulf %get3A_1120, %mul3A_682 : vector<16xf32>
        %get3A_1122 = arith.index_cast %add3A_1062 : i32 to index
        %get3A_1123 = arith.constant 80 : index
        %get3A_1124 = tpu.vector_load %arg14[%get3A_1122, %get3A_1123] {strides = array<i32>} : memref<80x128xf32, #tpu.memory_space<vmem>>, vector<1x16xf32>,
        %get3A_1125 = vector.shape_cast %get3A_1124 : vector<1x16xf32> to vector<16xf32>
        %mul3A_1126 = arith.mulf %mul3A_1121, %get3A_1125 : vector<16xf32>
        %add3A_1127 = arith.addf %add3A_1116, %mul3A_1126 : vector<16xf32>
        %get3A_1128 = arith.index_cast %add3A_1062 : i32 to index
        %get3A_1129 = arith.constant 96 : index
        %get3A_1130 = tpu.vector_load %arg12[%get3A_1128, %get3A_1129] {strides = array<i32>} : memref<80x128xf32, #tpu.memory_space<vmem>>, vector<1x16xf32>,
        %get3A_1131 = vector.shape_cast %get3A_1130 : vector<1x16xf32> to vector<16xf32>
        %mul3A_1132 = arith.mulf %get3A_1131, %mul3A_689 : vector<16xf32>
        %get3A_1133 = arith.index_cast %add3A_1062 : i32 to index
        %get3A_1134 = arith.constant 96 : index
        %get3A_1135 = tpu.vector_load %arg14[%get3A_1133, %get3A_1134] {strides = array<i32>} : memref<80x128xf32, #tpu.memory_space<vmem>>, vector<1x16xf32>,
        %get3A_1136 = vector.shape_cast %get3A_1135 : vector<1x16xf32> to vector<16xf32>
        %mul3A_1137 = arith.mulf %mul3A_1132, %get3A_1136 : vector<16xf32>
        %add3A_1138 = arith.addf %add3A_1127, %mul3A_1137 : vector<16xf32>
        %get3A_1139 = arith.index_cast %add3A_1062 : i32 to index
        %get3A_1140 = arith.constant 112 : index
        %get3A_1141 = tpu.vector_load %arg12[%get3A_1139, %get3A_1140] {strides = array<i32>} : memref<80x128xf32, #tpu.memory_space<vmem>>, vector<1x16xf32>,
        %get3A_1142 = vector.shape_cast %get3A_1141 : vector<1x16xf32> to vector<16xf32>
        %mul3A_1143 = arith.mulf %get3A_1142, %mul3A_696 : vector<16xf32>
        %get3A_1144 = arith.index_cast %add3A_1062 : i32 to index
        %get3A_1145 = arith.constant 112 : index
        %get3A_1146 = tpu.vector_load %arg14[%get3A_1144, %get3A_1145] {strides = array<i32>} : memref<80x128xf32, #tpu.memory_space<vmem>>, vector<1x16xf32>,
        %get3A_1147 = vector.shape_cast %get3A_1146 : vector<1x16xf32> to vector<16xf32>
        %mul3A_1148 = arith.mulf %mul3A_1143, %get3A_1147 : vector<16xf32>
        %add3A_1149 = arith.addf %add3A_1138, %mul3A_1148 : vector<16xf32>
        %gather3A_1150 = vector.shape_cast %reshape3A : vector<16x1xi32> to vector<16xi32>
        %gather3A_1151 = tpu.dynamic_gather %add3A_1149[%gather3A_1150] in [0] : vector<16xf32>, vector<16xi32> -> vector<16xf32>
        %add3A_1152 = arith.addf %add3A_1149, %gather3A_1151 : vector<16xf32>
        %gather3A_1153 = vector.shape_cast %reshape3A_702 : vector<16x1xi32> to vector<16xi32>
        %gather3A_1154 = tpu.dynamic_gather %add3A_1152[%gather3A_1153] in [0] : vector<16xf32>, vector<16xi32> -> vector<16xf32>
        %add3A_1155 = arith.addf %add3A_1152, %gather3A_1154 : vector<16xf32>
        %gather3A_1156 = vector.shape_cast %reshape3A_706 : vector<16x1xi32> to vector<16xi32>
        %gather3A_1157 = tpu.dynamic_gather %add3A_1155[%gather3A_1156] in [0] : vector<16xf32>, vector<16xi32> -> vector<16xf32>
        %add3A_1158 = arith.addf %add3A_1155, %gather3A_1157 : vector<16xf32>
        %gather3A_1159 = vector.shape_cast %reshape3A_710 : vector<16x1xi32> to vector<16xi32>
        %gather3A_1160 = tpu.dynamic_gather %add3A_1158[%gather3A_1159] in [0] : vector<16xf32>, vector<16xi32> -> vector<16xf32>
        %add3A_1161 = arith.addf %add3A_1158, %gather3A_1160 : vector<16xf32>
        %eq3A_1162 = vector.broadcast %scan3A_1059 : i32 to vector<16xi32>
        %eq3A_1163 = arith.cmpi eq, %iota3A, %eq3A_1162 : vector<16xi32>
        %select_n3A_1164 = arith.select %eq3A_1163, %add3A_1161, %select_n3A_1057 : vector<16xi1>, vector<16xf32>
        %scan3A_1165 = arith.constant 3 : i32
        %scan3A_1166 = arith.addi %scan3A_846, %scan3A_1165 : i32
        %mul3A_1167 = arith.constant 16 : i32
        %mul3A_1168 = arith.muli %scan3A_821, %mul3A_1167 : i32
        %add3A_1169 = arith.addi %mul3A_1168, %scan3A_1166 : i32
        %get3A_1170 = arith.index_cast %add3A_1169 : i32 to index
        %get3A_1171 = arith.constant 0 : index
        %get3A_1172 = tpu.vector_load %arg12[%get3A_1170, %get3A_1171] {strides = array<i32>} : memref<80x128xf32, #tpu.memory_space<vmem>>, vector<1x16xf32>,
        %get3A_1173 = vector.shape_cast %get3A_1172 : vector<1x16xf32> to vector<16xf32>
        %mul3A_1174 = arith.mulf %get3A_1173, %mul3A_647 : vector<16xf32>
        %get3A_1175 = arith.index_cast %add3A_1169 : i32 to index
        %get3A_1176 = arith.constant 0 : index
        %get3A_1177 = tpu.vector_load %arg14[%get3A_1175, %get3A_1176] {strides = array<i32>} : memref<80x128xf32, #tpu.memory_space<vmem>>, vector<1x16xf32>,
        %get3A_1178 = vector.shape_cast %get3A_1177 : vector<1x16xf32> to vector<16xf32>
        %mul3A_1179 = arith.mulf %mul3A_1174, %get3A_1178 : vector<16xf32>
        %get3A_1180 = arith.index_cast %add3A_1169 : i32 to index
        %get3A_1181 = arith.constant 16 : index
        %get3A_1182 = tpu.vector_load %arg12[%get3A_1180, %get3A_1181] {strides = array<i32>} : memref<80x128xf32, #tpu.memory_space<vmem>>, vector<1x16xf32>,
        %get3A_1183 = vector.shape_cast %get3A_1182 : vector<1x16xf32> to vector<16xf32>
        %mul3A_1184 = arith.mulf %get3A_1183, %mul3A_654 : vector<16xf32>
        %get3A_1185 = arith.index_cast %add3A_1169 : i32 to index
        %get3A_1186 = arith.constant 16 : index
        %get3A_1187 = tpu.vector_load %arg14[%get3A_1185, %get3A_1186] {strides = array<i32>} : memref<80x128xf32, #tpu.memory_space<vmem>>, vector<1x16xf32>,
        %get3A_1188 = vector.shape_cast %get3A_1187 : vector<1x16xf32> to vector<16xf32>
        %mul3A_1189 = arith.mulf %mul3A_1184, %get3A_1188 : vector<16xf32>
        %add3A_1190 = arith.addf %mul3A_1179, %mul3A_1189 : vector<16xf32>
        %get3A_1191 = arith.index_cast %add3A_1169 : i32 to index
        %get3A_1192 = arith.constant 32 : index
        %get3A_1193 = tpu.vector_load %arg12[%get3A_1191, %get3A_1192] {strides = array<i32>} : memref<80x128xf32, #tpu.memory_space<vmem>>, vector<1x16xf32>,
        %get3A_1194 = vector.shape_cast %get3A_1193 : vector<1x16xf32> to vector<16xf32>
        %mul3A_1195 = arith.mulf %get3A_1194, %mul3A_661 : vector<16xf32>
        %get3A_1196 = arith.index_cast %add3A_1169 : i32 to index
        %get3A_1197 = arith.constant 32 : index
        %get3A_1198 = tpu.vector_load %arg14[%get3A_1196, %get3A_1197] {strides = array<i32>} : memref<80x128xf32, #tpu.memory_space<vmem>>, vector<1x16xf32>,
        %get3A_1199 = vector.shape_cast %get3A_1198 : vector<1x16xf32> to vector<16xf32>
        %mul3A_1200 = arith.mulf %mul3A_1195, %get3A_1199 : vector<16xf32>
        %add3A_1201 = arith.addf %add3A_1190, %mul3A_1200 : vector<16xf32>
        %get3A_1202 = arith.index_cast %add3A_1169 : i32 to index
        %get3A_1203 = arith.constant 48 : index
        %get3A_1204 = tpu.vector_load %arg12[%get3A_1202, %get3A_1203] {strides = array<i32>} : memref<80x128xf32, #tpu.memory_space<vmem>>, vector<1x16xf32>,
        %get3A_1205 = vector.shape_cast %get3A_1204 : vector<1x16xf32> to vector<16xf32>
        %mul3A_1206 = arith.mulf %get3A_1205, %mul3A_668 : vector<16xf32>
        %get3A_1207 = arith.index_cast %add3A_1169 : i32 to index
        %get3A_1208 = arith.constant 48 : index
        %get3A_1209 = tpu.vector_load %arg14[%get3A_1207, %get3A_1208] {strides = array<i32>} : memref<80x128xf32, #tpu.memory_space<vmem>>, vector<1x16xf32>,
        %get3A_1210 = vector.shape_cast %get3A_1209 : vector<1x16xf32> to vector<16xf32>
        %mul3A_1211 = arith.mulf %mul3A_1206, %get3A_1210 : vector<16xf32>
        %add3A_1212 = arith.addf %add3A_1201, %mul3A_1211 : vector<16xf32>
        %get3A_1213 = arith.index_cast %add3A_1169 : i32 to index
        %get3A_1214 = arith.constant 64 : index
        %get3A_1215 = tpu.vector_load %arg12[%get3A_1213, %get3A_1214] {strides = array<i32>} : memref<80x128xf32, #tpu.memory_space<vmem>>, vector<1x16xf32>,
        %get3A_1216 = vector.shape_cast %get3A_1215 : vector<1x16xf32> to vector<16xf32>
        %mul3A_1217 = arith.mulf %get3A_1216, %mul3A_675 : vector<16xf32>
        %get3A_1218 = arith.index_cast %add3A_1169 : i32 to index
        %get3A_1219 = arith.constant 64 : index
        %get3A_1220 = tpu.vector_load %arg14[%get3A_1218, %get3A_1219] {strides = array<i32>} : memref<80x128xf32, #tpu.memory_space<vmem>>, vector<1x16xf32>,
        %get3A_1221 = vector.shape_cast %get3A_1220 : vector<1x16xf32> to vector<16xf32>
        %mul3A_1222 = arith.mulf %mul3A_1217, %get3A_1221 : vector<16xf32>
        %add3A_1223 = arith.addf %add3A_1212, %mul3A_1222 : vector<16xf32>
        %get3A_1224 = arith.index_cast %add3A_1169 : i32 to index
        %get3A_1225 = arith.constant 80 : index
        %get3A_1226 = tpu.vector_load %arg12[%get3A_1224, %get3A_1225] {strides = array<i32>} : memref<80x128xf32, #tpu.memory_space<vmem>>, vector<1x16xf32>,
        %get3A_1227 = vector.shape_cast %get3A_1226 : vector<1x16xf32> to vector<16xf32>
        %mul3A_1228 = arith.mulf %get3A_1227, %mul3A_682 : vector<16xf32>
        %get3A_1229 = arith.index_cast %add3A_1169 : i32 to index
        %get3A_1230 = arith.constant 80 : index
        %get3A_1231 = tpu.vector_load %arg14[%get3A_1229, %get3A_1230] {strides = array<i32>} : memref<80x128xf32, #tpu.memory_space<vmem>>, vector<1x16xf32>,
        %get3A_1232 = vector.shape_cast %get3A_1231 : vector<1x16xf32> to vector<16xf32>
        %mul3A_1233 = arith.mulf %mul3A_1228, %get3A_1232 : vector<16xf32>
        %add3A_1234 = arith.addf %add3A_1223, %mul3A_1233 : vector<16xf32>
        %get3A_1235 = arith.index_cast %add3A_1169 : i32 to index
        %get3A_1236 = arith.constant 96 : index
        %get3A_1237 = tpu.vector_load %arg12[%get3A_1235, %get3A_1236] {strides = array<i32>} : memref<80x128xf32, #tpu.memory_space<vmem>>, vector<1x16xf32>,
        %get3A_1238 = vector.shape_cast %get3A_1237 : vector<1x16xf32> to vector<16xf32>
        %mul3A_1239 = arith.mulf %get3A_1238, %mul3A_689 : vector<16xf32>
        %get3A_1240 = arith.index_cast %add3A_1169 : i32 to index
        %get3A_1241 = arith.constant 96 : index
        %get3A_1242 = tpu.vector_load %arg14[%get3A_1240, %get3A_1241] {strides = array<i32>} : memref<80x128xf32, #tpu.memory_space<vmem>>, vector<1x16xf32>,
        %get3A_1243 = vector.shape_cast %get3A_1242 : vector<1x16xf32> to vector<16xf32>
        %mul3A_1244 = arith.mulf %mul3A_1239, %get3A_1243 : vector<16xf32>
        %add3A_1245 = arith.addf %add3A_1234, %mul3A_1244 : vector<16xf32>
        %get3A_1246 = arith.index_cast %add3A_1169 : i32 to index
        %get3A_1247 = arith.constant 112 : index
        %get3A_1248 = tpu.vector_load %arg12[%get3A_1246, %get3A_1247] {strides = array<i32>} : memref<80x128xf32, #tpu.memory_space<vmem>>, vector<1x16xf32>,
        %get3A_1249 = vector.shape_cast %get3A_1248 : vector<1x16xf32> to vector<16xf32>
        %mul3A_1250 = arith.mulf %get3A_1249, %mul3A_696 : vector<16xf32>
        %get3A_1251 = arith.index_cast %add3A_1169 : i32 to index
        %get3A_1252 = arith.constant 112 : index
        %get3A_1253 = tpu.vector_load %arg14[%get3A_1251, %get3A_1252] {strides = array<i32>} : memref<80x128xf32, #tpu.memory_space<vmem>>, vector<1x16xf32>,
        %get3A_1254 = vector.shape_cast %get3A_1253 : vector<1x16xf32> to vector<16xf32>
        %mul3A_1255 = arith.mulf %mul3A_1250, %get3A_1254 : vector<16xf32>
        %add3A_1256 = arith.addf %add3A_1245, %mul3A_1255 : vector<16xf32>
        %gather3A_1257 = vector.shape_cast %reshape3A : vector<16x1xi32> to vector<16xi32>
        %gather3A_1258 = tpu.dynamic_gather %add3A_1256[%gather3A_1257] in [0] : vector<16xf32>, vector<16xi32> -> vector<16xf32>
        %add3A_1259 = arith.addf %add3A_1256, %gather3A_1258 : vector<16xf32>
        %gather3A_1260 = vector.shape_cast %reshape3A_702 : vector<16x1xi32> to vector<16xi32>
        %gather3A_1261 = tpu.dynamic_gather %add3A_1259[%gather3A_1260] in [0] : vector<16xf32>, vector<16xi32> -> vector<16xf32>
        %add3A_1262 = arith.addf %add3A_1259, %gather3A_1261 : vector<16xf32>
        %gather3A_1263 = vector.shape_cast %reshape3A_706 : vector<16x1xi32> to vector<16xi32>
        %gather3A_1264 = tpu.dynamic_gather %add3A_1262[%gather3A_1263] in [0] : vector<16xf32>, vector<16xi32> -> vector<16xf32>
        %add3A_1265 = arith.addf %add3A_1262, %gather3A_1264 : vector<16xf32>
        %gather3A_1266 = vector.shape_cast %reshape3A_710 : vector<16x1xi32> to vector<16xi32>
        %gather3A_1267 = tpu.dynamic_gather %add3A_1265[%gather3A_1266] in [0] : vector<16xf32>, vector<16xi32> -> vector<16xf32>
        %add3A_1268 = arith.addf %add3A_1265, %gather3A_1267 : vector<16xf32>
        %eq3A_1269 = vector.broadcast %scan3A_1166 : i32 to vector<16xi32>
        %eq3A_1270 = arith.cmpi eq, %iota3A, %eq3A_1269 : vector<16xi32>
        %select_n3A_1271 = arith.select %eq3A_1270, %add3A_1268, %select_n3A_1164 : vector<16xi1>, vector<16xf32>
        scf.yield %select_n3A_1271 : vector<16xf32>
      }
      %scan3A_829 = arith.constant 16 : i32
      %exp3A = math.exp %scan3A_828 : vector<16xf32>
      %neg3A = arith.constant 0.000000e+00 : f32
      %neg3A_830 = vector.broadcast %neg3A : f32 to vector<16xf32>
      %neg3A_831 = arith.subf %neg3A_830, %exp3A : vector<16xf32>
      %exp3A_832 = math.exp %neg3A_831 : vector<16xf32>
      %add3A_833 = arith.constant 1.000000e+00 : f32
      %add3A_834 = vector.broadcast %add3A_833 : f32 to vector<16xf32>
      %add3A_835 = arith.addf %add3A_834, %exp3A_832 : vector<16xf32>
      %div3A = arith.constant 1.000000e+00 : f32
      %div3A_836 = vector.broadcast %div3A : f32 to vector<16xf32>
      %div3A_837 = arith.divf %div3A_836, %add3A_835 : vector<16xf32>
      %mul3A_838 = arith.constant 16 : i32
      %mul3A_839 = arith.muli %scan3A_821, %mul3A_838 : i32
      %swap3A_840 = arith.constant 124 : i32
      %swap3A_841 = arith.index_cast %swap3A_840 : i32 to index
      %swap3A_842 = arith.index_cast %mul3A_839 : i32 to index
      %swap3A_843 = tpu.vector_load %arg16[%swap3A_841, %swap3A_842] {strides = array<i32>} : memref<125x80xf32, #tpu.memory_space<vmem>>, vector<1x16xf32>,
      %swap3A_844 = vector.shape_cast %swap3A_843 : vector<1x16xf32> to vector<16xf32>
      %swap3A_845 = vector.shape_cast %div3A_837 : vector<16xf32> to vector<1x16xf32>
      tpu.vector_store %arg16[%swap3A_841, %swap3A_842], %swap3A_845 {strides = array<i32>} : memref<125x80xf32, #tpu.memory_space<vmem>>, vector<1x16xf32>,
    }
    %scan3A_747 = arith.constant 5 : i32
    %dma_start3A_748 = arith.constant 124 : i32
    %dma_start3A_749 = arith.constant 124 : i32
    %dma_start3A_750 = arith.constant 0 : i32
    %dma_start3A_751 = tpu.memref_slice %arg16[%dma_start3A_748, %dma_start3A_750] : memref<125x80xf32, #tpu.memory_space<vmem>> -> memref<1x80xf32, #tpu.memory_space<vmem>>
    %dma_start3A_752 = tpu.memref_squeeze %dma_start3A_751 : memref<1x80xf32, #tpu.memory_space<vmem>> -> memref<80xf32, #tpu.memory_space<vmem>>
    %dma_start3A_753 = arith.constant 0 : i32
    %dma_start3A_754 = tpu.memref_slice %arg10[%dma_start3A_749, %dma_start3A_753] : memref<125x80xi32, #tpu.memory_space<vmem>> -> memref<1x80xi32, #tpu.memory_space<vmem>>
    %dma_start3A_755 = tpu.memref_squeeze %dma_start3A_754 : memref<1x80xi32, #tpu.memory_space<vmem>> -> memref<80xi32, #tpu.memory_space<vmem>>
    %dma_start3A_756 = arith.constant 0 : i32
    %dma_start3A_757 = tpu.memref_slice %arg18[%dma_start3A_756] : memref<10240xf32, #tpu.memory_space<vmem_shared>> -> memref<10240xf32, #tpu.memory_space<vmem_shared>>
    tpu.enqueue_indirect_dma source(%dma_start3A_752 : memref<80xf32, #tpu.memory_space<vmem>>) target(%dma_start3A_757 : memref<10240xf32, #tpu.memory_space<vmem_shared>>) offsets(%dma_start3A_755 : memref<80xi32, #tpu.memory_space<vmem>>) semaphore(%arg27 : memref<!tpu.dma_semaphore, #tpu.memory_space<semaphore_mem>>) {add = true}
    %scan3A_758 = arith.constant 0 : i32
    %scan3A_759 = arith.constant 0 : i32
    %scan3A_760 = arith.constant 125 : i32
    %scan3A_761 = arith.addi %scan3A_759, %scan3A_760 : i32
    %scan3A_762 = arith.constant 1 : i32
    scf.for %scan3A_821 = %scan3A_759 to %scan3A_761 step %scan3A_762  : i32 {
      %dma_wait3A_822 = arith.constant 0 : i32
      %dma_wait3A_823 = arith.constant 0 : i32
      %dma_wait3A_824 = arith.constant 0 : i32
      %dma_wait3A_825 = tpu.memref_slice %arg16[%dma_wait3A_822, %dma_wait3A_824] : memref<125x80xf32, #tpu.memory_space<vmem>> -> memref<1x80xf32, #tpu.memory_space<vmem>>
      %dma_wait3A_826 = tpu.memref_squeeze %dma_wait3A_825 : memref<1x80xf32, #tpu.memory_space<vmem>> -> memref<80xf32, #tpu.memory_space<vmem>>
      %dma_wait3A_827 = arith.constant 0 : i32
      %dma_wait3A_828 = tpu.memref_slice %arg10[%dma_wait3A_823, %dma_wait3A_827] : memref<125x80xi32, #tpu.memory_space<vmem>> -> memref<1x80xi32, #tpu.memory_space<vmem>>
      %dma_wait3A_829 = tpu.memref_squeeze %dma_wait3A_828 : memref<1x80xi32, #tpu.memory_space<vmem>> -> memref<80xi32, #tpu.memory_space<vmem>>
      %dma_wait3A_830 = arith.constant 0 : i32
      %dma_wait3A_831 = tpu.memref_slice %arg18[%dma_wait3A_830] : memref<10240xf32, #tpu.memory_space<vmem_shared>> -> memref<10240xf32, #tpu.memory_space<vmem_shared>>
      tpu.wait_indirect_dma semaphore(%arg27 : memref<!tpu.dma_semaphore, #tpu.memory_space<semaphore_mem>>) src(%dma_wait3A_826 : memref<80xf32, #tpu.memory_space<vmem>>) dst(%dma_wait3A_831 : memref<10240xf32, #tpu.memory_space<vmem_shared>>)
    }
    %scan3A_763 = arith.constant 125 : i32
    %barrier3A_764 = arith.constant 0 : index
    tpu.barrier barrier_id(%barrier3A_764)
    %eq3A = arith.constant 0 : i32
    %eq3A_765 = arith.cmpi eq, %arg1, %eq3A : i32
    %convert_element_type3A = arith.extui %eq3A_765 : i1 to i32
    %cond3A = arith.constant 0 : i32
    %cond3A_766 = arith.cmpi ne, %convert_element_type3A, %cond3A : i32
    scf.if %cond3A_766 {
      %eq3A_821 = arith.constant 0 : i32
      %eq3A_822 = arith.cmpi eq, %arg0, %eq3A_821 : i32
      %convert_element_type3A_823 = arith.extui %eq3A_822 : i1 to i32
      %cond3A_824 = arith.constant 0 : i32
      %cond3A_825 = arith.cmpi ne, %convert_element_type3A_823, %cond3A_824 : i32
      scf.if %cond3A_825 {
        "tpu.region"() ({
          %run_scoped3A_833 = tpu.sem_alloc : memref<!tpu.dma_semaphore, #tpu.memory_space<semaphore_mem>>
          tpu.enqueue_dma source(%arg18 : memref<10240xf32, #tpu.memory_space<vmem_shared>>) target(%arg7 : memref<10240xf32, #tpu.memory_space<hbm>>) target_semaphore(%run_scoped3A_833 : memref<!tpu.dma_semaphore, #tpu.memory_space<semaphore_mem>>)
          tpu.wait_dma2 semaphore(%run_scoped3A_833 : memref<!tpu.dma_semaphore, #tpu.memory_space<semaphore_mem>>) src(%arg18 : memref<10240xf32, #tpu.memory_space<vmem_shared>>) dst(%arg7 : memref<10240xf32, #tpu.memory_space<hbm>>)
          tpu.yield
        }) : () -> ()
      } else {
      }
      %eq3A_826 = arith.constant 1 : i32
      %eq3A_827 = arith.cmpi eq, %arg0, %eq3A_826 : i32
      %convert_element_type3A_828 = arith.extui %eq3A_827 : i1 to i32
      %cond3A_829 = arith.constant 0 : i32
      %cond3A_830 = arith.cmpi ne, %convert_element_type3A_828, %cond3A_829 : i32
      scf.if %cond3A_830 {
        "tpu.region"() ({
          %run_scoped3A_833 = tpu.sem_alloc : memref<!tpu.dma_semaphore, #tpu.memory_space<semaphore_mem>>
          tpu.enqueue_dma source(%arg18 : memref<10240xf32, #tpu.memory_space<vmem_shared>>) target(%arg8 : memref<10240xf32, #tpu.memory_space<hbm>>) target_semaphore(%run_scoped3A_833 : memref<!tpu.dma_semaphore, #tpu.memory_space<semaphore_mem>>)
          tpu.wait_dma2 semaphore(%run_scoped3A_833 : memref<!tpu.dma_semaphore, #tpu.memory_space<semaphore_mem>>) src(%arg18 : memref<10240xf32, #tpu.memory_space<vmem_shared>>) dst(%arg8 : memref<10240xf32, #tpu.memory_space<hbm>>)
          tpu.yield
        }) : () -> ()
      } else {
      }
      %sub3A = arith.constant 1 : i32
      %sub3A_831 = arith.subi %sub3A, %arg0 : i32
      %semaphore_signal3A = arith.constant 1 : i32
      tpu.sem_signal %arg32, %semaphore_signal3A core_id %sub3A_831 : memref<!tpu.semaphore, #tpu.memory_space<semaphore_mem>>
      %semaphore_wait3A = arith.constant 1 : i32
      %semaphore_wait3A_832 = arith.constant true
      tpu.sem_wait %arg32, %semaphore_wait3A : memref<!tpu.semaphore, #tpu.memory_space<semaphore_mem>>
    } else {
    }
    %barrier3A_767 = arith.constant 0 : index
    tpu.barrier barrier_id(%barrier3A_767)
    %eq3A_768 = arith.constant 0 : i32
    %eq3A_769 = arith.cmpi eq, %arg0, %eq3A_768 : i32
    %convert_element_type3A_770 = arith.extui %eq3A_769 : i1 to i32
    %cond3A_771 = arith.constant 0 : i32
    %cond3A_772 = arith.cmpi ne, %convert_element_type3A_770, %cond3A_771 : i32
    scf.if %cond3A_772 {
      %mul3A_821 = arith.constant 640 : i32
      %mul3A_822 = arith.muli %arg1, %mul3A_821 : i32
      "tpu.region"() ({
        %run_scoped3A_823 = tpu.sem_alloc : memref<!tpu.dma_semaphore, #tpu.memory_space<semaphore_mem>>
        %dma_start3A_824 = tpu.memref_slice %arg8[%mul3A_822] : memref<10240xf32, #tpu.memory_space<hbm>> -> memref<640xf32, #tpu.memory_space<hbm>>
        %dma_start3A_825 = tpu.memref_slice %arg8[%mul3A_822] : memref<10240xf32, #tpu.memory_space<hbm>> -> memref<640xf32, #tpu.memory_space<hbm>>
        tpu.enqueue_dma source(%dma_start3A_825 : memref<640xf32, #tpu.memory_space<hbm>>) target(%arg19 : memref<640xf32, #tpu.memory_space<vmem>>) target_semaphore(%run_scoped3A_823 : memref<!tpu.dma_semaphore, #tpu.memory_space<semaphore_mem>>)
        %dma_wait3A_826 = tpu.memref_slice %arg8[%mul3A_822] : memref<10240xf32, #tpu.memory_space<hbm>> -> memref<640xf32, #tpu.memory_space<hbm>>
        %dma_wait3A_827 = tpu.memref_slice %arg8[%mul3A_822] : memref<10240xf32, #tpu.memory_space<hbm>> -> memref<640xf32, #tpu.memory_space<hbm>>
        tpu.wait_dma2 semaphore(%run_scoped3A_823 : memref<!tpu.dma_semaphore, #tpu.memory_space<semaphore_mem>>) src(%dma_wait3A_827 : memref<640xf32, #tpu.memory_space<hbm>>) dst(%arg19 : memref<640xf32, #tpu.memory_space<vmem>>)
        tpu.yield
      }) : () -> ()
    } else {
    }
    %eq3A_773 = arith.constant 1 : i32
    %eq3A_774 = arith.cmpi eq, %arg0, %eq3A_773 : i32
    %convert_element_type3A_775 = arith.extui %eq3A_774 : i1 to i32
    %cond3A_776 = arith.constant 0 : i32
    %cond3A_777 = arith.cmpi ne, %convert_element_type3A_775, %cond3A_776 : i32
    scf.if %cond3A_777 {
      %mul3A_821 = arith.constant 640 : i32
      %mul3A_822 = arith.muli %arg1, %mul3A_821 : i32
      "tpu.region"() ({
        %run_scoped3A_823 = tpu.sem_alloc : memref<!tpu.dma_semaphore, #tpu.memory_space<semaphore_mem>>
        %dma_start3A_824 = tpu.memref_slice %arg7[%mul3A_822] : memref<10240xf32, #tpu.memory_space<hbm>> -> memref<640xf32, #tpu.memory_space<hbm>>
        %dma_start3A_825 = tpu.memref_slice %arg7[%mul3A_822] : memref<10240xf32, #tpu.memory_space<hbm>> -> memref<640xf32, #tpu.memory_space<hbm>>
        tpu.enqueue_dma source(%dma_start3A_825 : memref<640xf32, #tpu.memory_space<hbm>>) target(%arg19 : memref<640xf32, #tpu.memory_space<vmem>>) target_semaphore(%run_scoped3A_823 : memref<!tpu.dma_semaphore, #tpu.memory_space<semaphore_mem>>)
        %dma_wait3A_826 = tpu.memref_slice %arg7[%mul3A_822] : memref<10240xf32, #tpu.memory_space<hbm>> -> memref<640xf32, #tpu.memory_space<hbm>>
        %dma_wait3A_827 = tpu.memref_slice %arg7[%mul3A_822] : memref<10240xf32, #tpu.memory_space<hbm>> -> memref<640xf32, #tpu.memory_space<hbm>>
        tpu.wait_dma2 semaphore(%run_scoped3A_823 : memref<!tpu.dma_semaphore, #tpu.memory_space<semaphore_mem>>) src(%dma_wait3A_827 : memref<640xf32, #tpu.memory_space<hbm>>) dst(%arg19 : memref<640xf32, #tpu.memory_space<vmem>>)
        tpu.yield
      }) : () -> ()
    } else {
    }
    "tpu.region"() ({
      %run_scoped3A_821 = tpu.sem_alloc : memref<!tpu.dma_semaphore, #tpu.memory_space<semaphore_mem>>
      %dma_start3A_822 = arith.constant 0 : i32
      %dma_start3A_823 = tpu.memref_slice %arg18[%dma_start3A_822] : memref<10240xf32, #tpu.memory_space<vmem_shared>> -> memref<10240xf32, #tpu.memory_space<vmem_shared>>
      tpu.enqueue_indirect_dma source(%arg19 : memref<640xf32, #tpu.memory_space<vmem>>) target(%dma_start3A_823 : memref<10240xf32, #tpu.memory_space<vmem_shared>>) offsets(%arg20 : memref<640xi32, #tpu.memory_space<vmem>>) semaphore(%run_scoped3A_821 : memref<!tpu.dma_semaphore, #tpu.memory_space<semaphore_mem>>) {add = true}
      %dma_wait3A_824 = arith.constant 0 : i32
      %dma_wait3A_825 = tpu.memref_slice %arg18[%dma_wait3A_824] : memref<10240xf32, #tpu.memory_space<vmem_shared>> -> memref<10240xf32, #tpu.memory_space<vmem_shared>>
      tpu.wait_indirect_dma semaphore(%run_scoped3A_821 : memref<!tpu.dma_semaphore, #tpu.memory_space<semaphore_mem>>) src(%arg19 : memref<640xf32, #tpu.memory_space<vmem>>) dst(%dma_wait3A_825 : memref<10240xf32, #tpu.memory_space<vmem_shared>>)
      tpu.yield
    }) : () -> ()
    %barrier3A_778 = arith.constant 0 : index
    tpu.barrier barrier_id(%barrier3A_778)
    %dma_start3A_779 = arith.constant 0 : i32
    %dma_start3A_780 = arith.constant 0 : i32
    %dma_start3A_781 = tpu.memref_slice %arg10[%dma_start3A_779, %dma_start3A_780] : memref<125x80xi32, #tpu.memory_space<vmem>> -> memref<1x80xi32, #tpu.memory_space<vmem>>
    %dma_start3A_782 = tpu.memref_squeeze %dma_start3A_781 : memref<1x80xi32, #tpu.memory_space<vmem>> -> memref<80xi32, #tpu.memory_space<vmem>>
    %dma_start3A_783 = arith.constant 0 : i32
    %dma_start3A_784 = tpu.memref_slice %arg18[%dma_start3A_783] : memref<10240xf32, #tpu.memory_space<vmem_shared>> -> memref<10240xf32, #tpu.memory_space<vmem_shared>>
    tpu.enqueue_indirect_dma source(%dma_start3A_784 : memref<10240xf32, #tpu.memory_space<vmem_shared>>) target(%arg21 : memref<80xf32, #tpu.memory_space<vmem>>) offsets(%dma_start3A_782 : memref<80xi32, #tpu.memory_space<vmem>>) semaphore(%arg28 : memref<!tpu.dma_semaphore, #tpu.memory_space<semaphore_mem>>)
    %dma_start3A_785 = arith.constant 1 : i32
    %dma_start3A_786 = arith.constant 0 : i32
    %dma_start3A_787 = tpu.memref_slice %arg10[%dma_start3A_785, %dma_start3A_786] : memref<125x80xi32, #tpu.memory_space<vmem>> -> memref<1x80xi32, #tpu.memory_space<vmem>>
    %dma_start3A_788 = tpu.memref_squeeze %dma_start3A_787 : memref<1x80xi32, #tpu.memory_space<vmem>> -> memref<80xi32, #tpu.memory_space<vmem>>
    %dma_start3A_789 = arith.constant 0 : i32
    %dma_start3A_790 = tpu.memref_slice %arg18[%dma_start3A_789] : memref<10240xf32, #tpu.memory_space<vmem_shared>> -> memref<10240xf32, #tpu.memory_space<vmem_shared>>
    tpu.enqueue_indirect_dma source(%dma_start3A_790 : memref<10240xf32, #tpu.memory_space<vmem_shared>>) target(%arg22 : memref<80xf32, #tpu.memory_space<vmem>>) offsets(%dma_start3A_788 : memref<80xi32, #tpu.memory_space<vmem>>) semaphore(%arg29 : memref<!tpu.dma_semaphore, #tpu.memory_space<semaphore_mem>>)
    %dma_start3A_791 = arith.constant 2 : i32
    %dma_start3A_792 = arith.constant 0 : i32
    %dma_start3A_793 = tpu.memref_slice %arg10[%dma_start3A_791, %dma_start3A_792] : memref<125x80xi32, #tpu.memory_space<vmem>> -> memref<1x80xi32, #tpu.memory_space<vmem>>
    %dma_start3A_794 = tpu.memref_squeeze %dma_start3A_793 : memref<1x80xi32, #tpu.memory_space<vmem>> -> memref<80xi32, #tpu.memory_space<vmem>>
    %dma_start3A_795 = arith.constant 0 : i32
    %dma_start3A_796 = tpu.memref_slice %arg18[%dma_start3A_795] : memref<10240xf32, #tpu.memory_space<vmem_shared>> -> memref<10240xf32, #tpu.memory_space<vmem_shared>>
    tpu.enqueue_indirect_dma source(%dma_start3A_796 : memref<10240xf32, #tpu.memory_space<vmem_shared>>) target(%arg23 : memref<80xf32, #tpu.memory_space<vmem>>) offsets(%dma_start3A_794 : memref<80xi32, #tpu.memory_space<vmem>>) semaphore(%arg30 : memref<!tpu.dma_semaphore, #tpu.memory_space<semaphore_mem>>)
    %dma_start3A_797 = arith.constant 3 : i32
    %dma_start3A_798 = arith.constant 0 : i32
    %dma_start3A_799 = tpu.memref_slice %arg10[%dma_start3A_797, %dma_start3A_798] : memref<125x80xi32, #tpu.memory_space<vmem>> -> memref<1x80xi32, #tpu.memory_space<vmem>>
    %dma_start3A_800 = tpu.memref_squeeze %dma_start3A_799 : memref<1x80xi32, #tpu.memory_space<vmem>> -> memref<80xi32, #tpu.memory_space<vmem>>
    %dma_start3A_801 = arith.constant 0 : i32
    %dma_start3A_802 = tpu.memref_slice %arg18[%dma_start3A_801] : memref<10240xf32, #tpu.memory_space<vmem_shared>> -> memref<10240xf32, #tpu.memory_space<vmem_shared>>
    tpu.enqueue_indirect_dma source(%dma_start3A_802 : memref<10240xf32, #tpu.memory_space<vmem_shared>>) target(%arg24 : memref<80xf32, #tpu.memory_space<vmem>>) offsets(%dma_start3A_800 : memref<80xi32, #tpu.memory_space<vmem>>) semaphore(%arg31 : memref<!tpu.dma_semaphore, #tpu.memory_space<semaphore_mem>>)
    %scan3A_803 = arith.constant 0 : i32
    %scan3A_804 = arith.constant 0 : i32
    %scan3A_805 = arith.constant 31 : i32
    %scan3A_806 = arith.addi %scan3A_804, %scan3A_805 : i32
    %scan3A_807 = arith.constant 1 : i32
    scf.for %scan3A_821 = %scan3A_804 to %scan3A_806 step %scan3A_807  : i32 {
      %mul3A_822 = arith.constant 4 : i32
      %mul3A_823 = arith.muli %mul3A_822, %scan3A_821 : i32
      %add3A_824 = arith.constant 0 : i32
      %add3A_825 = arith.addi %mul3A_823, %add3A_824 : i32
      %dma_wait3A_826 = arith.constant 0 : i32
      %dma_wait3A_827 = tpu.memref_slice %arg10[%add3A_825, %dma_wait3A_826] : memref<125x80xi32, #tpu.memory_space<vmem>> -> memref<1x80xi32, #tpu.memory_space<vmem>>
      %dma_wait3A_828 = tpu.memref_squeeze %dma_wait3A_827 : memref<1x80xi32, #tpu.memory_space<vmem>> -> memref<80xi32, #tpu.memory_space<vmem>>
      %dma_wait3A_829 = arith.constant 0 : i32
      %dma_wait3A_830 = tpu.memref_slice %arg18[%dma_wait3A_829] : memref<10240xf32, #tpu.memory_space<vmem_shared>> -> memref<10240xf32, #tpu.memory_space<vmem_shared>>
      tpu.wait_indirect_dma semaphore(%arg28 : memref<!tpu.dma_semaphore, #tpu.memory_space<semaphore_mem>>) src(%dma_wait3A_830 : memref<10240xf32, #tpu.memory_space<vmem_shared>>) dst(%arg21 : memref<80xf32, #tpu.memory_space<vmem>>)
      %scan3A_831 = arith.constant 0 : i32
      %scan3A_832 = arith.constant 0 : i32
      %scan3A_833 = arith.constant 5 : i32
      %scan3A_834 = arith.addi %scan3A_832, %scan3A_833 : i32
      %scan3A_835 = arith.constant 1 : i32
      scf.for %scan3A_909 = %scan3A_832 to %scan3A_834 step %scan3A_835  : i32 {
        %mul3A_910 = arith.constant 16 : i32
        %mul3A_911 = arith.muli %scan3A_909, %mul3A_910 : i32
        %get3A_912 = arith.index_cast %add3A_825 : i32 to index
        %get3A_913 = arith.index_cast %mul3A_911 : i32 to index
        %get3A_914 = tpu.vector_load %arg16[%get3A_912, %get3A_913] {strides = array<i32>} : memref<125x80xf32, #tpu.memory_space<vmem>>, vector<1x16xf32>,
        %get3A_915 = vector.shape_cast %get3A_914 : vector<1x16xf32> to vector<16xf32>
        %mul3A_916 = arith.constant 5.000000e+00 : f32
        %mul3A_917 = vector.broadcast %mul3A_916 : f32 to vector<16xf32>
        %mul3A_918 = arith.mulf %get3A_915, %mul3A_917 : vector<16xf32>
        %get3A_919 = arith.index_cast %mul3A_911 : i32 to index
        %get3A_920 = tpu.vector_load %arg21[%get3A_919] {strides = array<i32>} : memref<80xf32, #tpu.memory_space<vmem>>, vector<16xf32>,
        %get3A_921 = vector.shape_cast %get3A_920 : vector<16xf32> to vector<16xf32>
        %div3A = arith.divf %mul3A_918, %get3A_921 : vector<16xf32>
        %max3A = arith.constant 0.000000e+00 : f32
        %max3A_922 = vector.broadcast %max3A : f32 to vector<16xf32>
        %max3A_923 = arith.maximumf %div3A, %max3A_922 : vector<16xf32>
        %min3A = arith.constant 1.000000e+00 : f32
        %min3A_924 = vector.broadcast %min3A : f32 to vector<16xf32>
        %min3A_925 = arith.minimumf %max3A_923, %min3A_924 : vector<16xf32>
        %swap3A_926 = arith.index_cast %add3A_825 : i32 to index
        %swap3A_927 = arith.index_cast %mul3A_911 : i32 to index
        %swap3A_928 = tpu.vector_load %arg17[%swap3A_926, %swap3A_927] {strides = array<i32>} : memref<125x80xf32, #tpu.memory_space<vmem>>, vector<1x16xf32>,
        %swap3A_929 = vector.shape_cast %swap3A_928 : vector<1x16xf32> to vector<16xf32>
        %swap3A_930 = vector.shape_cast %min3A_925 : vector<16xf32> to vector<1x16xf32>
        tpu.vector_store %arg17[%swap3A_926, %swap3A_927], %swap3A_930 {strides = array<i32>} : memref<125x80xf32, #tpu.memory_space<vmem>>, vector<1x16xf32>,
      }
      %scan3A_836 = arith.constant 5 : i32
      %add3A_837 = arith.constant 4 : i32
      %add3A_838 = arith.addi %add3A_825, %add3A_837 : i32
      %lt3A = arith.constant 125 : i32
      %lt3A_839 = arith.cmpi slt, %add3A_838, %lt3A : i32
      %convert_element_type3A_840 = arith.extui %lt3A_839 : i1 to i32
      %cond3A_841 = arith.constant 0 : i32
      %cond3A_842 = arith.cmpi ne, %convert_element_type3A_840, %cond3A_841 : i32
      scf.if %cond3A_842 {
        %dma_start3A_909 = arith.constant 0 : i32
        %dma_start3A_910 = tpu.memref_slice %arg10[%add3A_838, %dma_start3A_909] : memref<125x80xi32, #tpu.memory_space<vmem>> -> memref<1x80xi32, #tpu.memory_space<vmem>>
        %dma_start3A_911 = tpu.memref_squeeze %dma_start3A_910 : memref<1x80xi32, #tpu.memory_space<vmem>> -> memref<80xi32, #tpu.memory_space<vmem>>
        %dma_start3A_912 = arith.constant 0 : i32
        %dma_start3A_913 = tpu.memref_slice %arg18[%dma_start3A_912] : memref<10240xf32, #tpu.memory_space<vmem_shared>> -> memref<10240xf32, #tpu.memory_space<vmem_shared>>
        tpu.enqueue_indirect_dma source(%dma_start3A_913 : memref<10240xf32, #tpu.memory_space<vmem_shared>>) target(%arg21 : memref<80xf32, #tpu.memory_space<vmem>>) offsets(%dma_start3A_911 : memref<80xi32, #tpu.memory_space<vmem>>) semaphore(%arg28 : memref<!tpu.dma_semaphore, #tpu.memory_space<semaphore_mem>>)
      } else {
      }
      %mul3A_843 = arith.constant 4 : i32
      %mul3A_844 = arith.muli %mul3A_843, %scan3A_821 : i32
      %add3A_845 = arith.constant 1 : i32
      %add3A_846 = arith.addi %mul3A_844, %add3A_845 : i32
      %dma_wait3A_847 = arith.constant 0 : i32
      %dma_wait3A_848 = tpu.memref_slice %arg10[%add3A_846, %dma_wait3A_847] : memref<125x80xi32, #tpu.memory_space<vmem>> -> memref<1x80xi32, #tpu.memory_space<vmem>>
      %dma_wait3A_849 = tpu.memref_squeeze %dma_wait3A_848 : memref<1x80xi32, #tpu.memory_space<vmem>> -> memref<80xi32, #tpu.memory_space<vmem>>
      %dma_wait3A_850 = arith.constant 0 : i32
      %dma_wait3A_851 = tpu.memref_slice %arg18[%dma_wait3A_850] : memref<10240xf32, #tpu.memory_space<vmem_shared>> -> memref<10240xf32, #tpu.memory_space<vmem_shared>>
      tpu.wait_indirect_dma semaphore(%arg29 : memref<!tpu.dma_semaphore, #tpu.memory_space<semaphore_mem>>) src(%dma_wait3A_851 : memref<10240xf32, #tpu.memory_space<vmem_shared>>) dst(%arg22 : memref<80xf32, #tpu.memory_space<vmem>>)
      %scan3A_852 = arith.constant 0 : i32
      %scan3A_853 = arith.constant 0 : i32
      %scan3A_854 = arith.constant 5 : i32
      %scan3A_855 = arith.addi %scan3A_853, %scan3A_854 : i32
      %scan3A_856 = arith.constant 1 : i32
      scf.for %scan3A_909 = %scan3A_853 to %scan3A_855 step %scan3A_856  : i32 {
        %mul3A_910 = arith.constant 16 : i32
        %mul3A_911 = arith.muli %scan3A_909, %mul3A_910 : i32
        %get3A_912 = arith.index_cast %add3A_846 : i32 to index
        %get3A_913 = arith.index_cast %mul3A_911 : i32 to index
        %get3A_914 = tpu.vector_load %arg16[%get3A_912, %get3A_913] {strides = array<i32>} : memref<125x80xf32, #tpu.memory_space<vmem>>, vector<1x16xf32>,
        %get3A_915 = vector.shape_cast %get3A_914 : vector<1x16xf32> to vector<16xf32>
        %mul3A_916 = arith.constant 5.000000e+00 : f32
        %mul3A_917 = vector.broadcast %mul3A_916 : f32 to vector<16xf32>
        %mul3A_918 = arith.mulf %get3A_915, %mul3A_917 : vector<16xf32>
        %get3A_919 = arith.index_cast %mul3A_911 : i32 to index
        %get3A_920 = tpu.vector_load %arg22[%get3A_919] {strides = array<i32>} : memref<80xf32, #tpu.memory_space<vmem>>, vector<16xf32>,
        %get3A_921 = vector.shape_cast %get3A_920 : vector<16xf32> to vector<16xf32>
        %div3A = arith.divf %mul3A_918, %get3A_921 : vector<16xf32>
        %max3A = arith.constant 0.000000e+00 : f32
        %max3A_922 = vector.broadcast %max3A : f32 to vector<16xf32>
        %max3A_923 = arith.maximumf %div3A, %max3A_922 : vector<16xf32>
        %min3A = arith.constant 1.000000e+00 : f32
        %min3A_924 = vector.broadcast %min3A : f32 to vector<16xf32>
        %min3A_925 = arith.minimumf %max3A_923, %min3A_924 : vector<16xf32>
        %swap3A_926 = arith.index_cast %add3A_846 : i32 to index
        %swap3A_927 = arith.index_cast %mul3A_911 : i32 to index
        %swap3A_928 = tpu.vector_load %arg17[%swap3A_926, %swap3A_927] {strides = array<i32>} : memref<125x80xf32, #tpu.memory_space<vmem>>, vector<1x16xf32>,
        %swap3A_929 = vector.shape_cast %swap3A_928 : vector<1x16xf32> to vector<16xf32>
        %swap3A_930 = vector.shape_cast %min3A_925 : vector<16xf32> to vector<1x16xf32>
        tpu.vector_store %arg17[%swap3A_926, %swap3A_927], %swap3A_930 {strides = array<i32>} : memref<125x80xf32, #tpu.memory_space<vmem>>, vector<1x16xf32>,
      }
      %scan3A_857 = arith.constant 5 : i32
      %add3A_858 = arith.constant 4 : i32
      %add3A_859 = arith.addi %add3A_846, %add3A_858 : i32
      %lt3A_860 = arith.constant 125 : i32
      %lt3A_861 = arith.cmpi slt, %add3A_859, %lt3A_860 : i32
      %convert_element_type3A_862 = arith.extui %lt3A_861 : i1 to i32
      %cond3A_863 = arith.constant 0 : i32
      %cond3A_864 = arith.cmpi ne, %convert_element_type3A_862, %cond3A_863 : i32
      scf.if %cond3A_864 {
        %dma_start3A_909 = arith.constant 0 : i32
        %dma_start3A_910 = tpu.memref_slice %arg10[%add3A_859, %dma_start3A_909] : memref<125x80xi32, #tpu.memory_space<vmem>> -> memref<1x80xi32, #tpu.memory_space<vmem>>
        %dma_start3A_911 = tpu.memref_squeeze %dma_start3A_910 : memref<1x80xi32, #tpu.memory_space<vmem>> -> memref<80xi32, #tpu.memory_space<vmem>>
        %dma_start3A_912 = arith.constant 0 : i32
        %dma_start3A_913 = tpu.memref_slice %arg18[%dma_start3A_912] : memref<10240xf32, #tpu.memory_space<vmem_shared>> -> memref<10240xf32, #tpu.memory_space<vmem_shared>>
        tpu.enqueue_indirect_dma source(%dma_start3A_913 : memref<10240xf32, #tpu.memory_space<vmem_shared>>) target(%arg22 : memref<80xf32, #tpu.memory_space<vmem>>) offsets(%dma_start3A_911 : memref<80xi32, #tpu.memory_space<vmem>>) semaphore(%arg29 : memref<!tpu.dma_semaphore, #tpu.memory_space<semaphore_mem>>)
      } else {
      }
      %mul3A_865 = arith.constant 4 : i32
      %mul3A_866 = arith.muli %mul3A_865, %scan3A_821 : i32
      %add3A_867 = arith.constant 2 : i32
      %add3A_868 = arith.addi %mul3A_866, %add3A_867 : i32
      %dma_wait3A_869 = arith.constant 0 : i32
      %dma_wait3A_870 = tpu.memref_slice %arg10[%add3A_868, %dma_wait3A_869] : memref<125x80xi32, #tpu.memory_space<vmem>> -> memref<1x80xi32, #tpu.memory_space<vmem>>
      %dma_wait3A_871 = tpu.memref_squeeze %dma_wait3A_870 : memref<1x80xi32, #tpu.memory_space<vmem>> -> memref<80xi32, #tpu.memory_space<vmem>>
      %dma_wait3A_872 = arith.constant 0 : i32
      %dma_wait3A_873 = tpu.memref_slice %arg18[%dma_wait3A_872] : memref<10240xf32, #tpu.memory_space<vmem_shared>> -> memref<10240xf32, #tpu.memory_space<vmem_shared>>
      tpu.wait_indirect_dma semaphore(%arg30 : memref<!tpu.dma_semaphore, #tpu.memory_space<semaphore_mem>>) src(%dma_wait3A_873 : memref<10240xf32, #tpu.memory_space<vmem_shared>>) dst(%arg23 : memref<80xf32, #tpu.memory_space<vmem>>)
      %scan3A_874 = arith.constant 0 : i32
      %scan3A_875 = arith.constant 0 : i32
      %scan3A_876 = arith.constant 5 : i32
      %scan3A_877 = arith.addi %scan3A_875, %scan3A_876 : i32
      %scan3A_878 = arith.constant 1 : i32
      scf.for %scan3A_909 = %scan3A_875 to %scan3A_877 step %scan3A_878  : i32 {
        %mul3A_910 = arith.constant 16 : i32
        %mul3A_911 = arith.muli %scan3A_909, %mul3A_910 : i32
        %get3A_912 = arith.index_cast %add3A_868 : i32 to index
        %get3A_913 = arith.index_cast %mul3A_911 : i32 to index
        %get3A_914 = tpu.vector_load %arg16[%get3A_912, %get3A_913] {strides = array<i32>} : memref<125x80xf32, #tpu.memory_space<vmem>>, vector<1x16xf32>,
        %get3A_915 = vector.shape_cast %get3A_914 : vector<1x16xf32> to vector<16xf32>
        %mul3A_916 = arith.constant 5.000000e+00 : f32
        %mul3A_917 = vector.broadcast %mul3A_916 : f32 to vector<16xf32>
        %mul3A_918 = arith.mulf %get3A_915, %mul3A_917 : vector<16xf32>
        %get3A_919 = arith.index_cast %mul3A_911 : i32 to index
        %get3A_920 = tpu.vector_load %arg23[%get3A_919] {strides = array<i32>} : memref<80xf32, #tpu.memory_space<vmem>>, vector<16xf32>,
        %get3A_921 = vector.shape_cast %get3A_920 : vector<16xf32> to vector<16xf32>
        %div3A = arith.divf %mul3A_918, %get3A_921 : vector<16xf32>
        %max3A = arith.constant 0.000000e+00 : f32
        %max3A_922 = vector.broadcast %max3A : f32 to vector<16xf32>
        %max3A_923 = arith.maximumf %div3A, %max3A_922 : vector<16xf32>
        %min3A = arith.constant 1.000000e+00 : f32
        %min3A_924 = vector.broadcast %min3A : f32 to vector<16xf32>
        %min3A_925 = arith.minimumf %max3A_923, %min3A_924 : vector<16xf32>
        %swap3A_926 = arith.index_cast %add3A_868 : i32 to index
        %swap3A_927 = arith.index_cast %mul3A_911 : i32 to index
        %swap3A_928 = tpu.vector_load %arg17[%swap3A_926, %swap3A_927] {strides = array<i32>} : memref<125x80xf32, #tpu.memory_space<vmem>>, vector<1x16xf32>,
        %swap3A_929 = vector.shape_cast %swap3A_928 : vector<1x16xf32> to vector<16xf32>
        %swap3A_930 = vector.shape_cast %min3A_925 : vector<16xf32> to vector<1x16xf32>
        tpu.vector_store %arg17[%swap3A_926, %swap3A_927], %swap3A_930 {strides = array<i32>} : memref<125x80xf32, #tpu.memory_space<vmem>>, vector<1x16xf32>,
      }
      %scan3A_879 = arith.constant 5 : i32
      %add3A_880 = arith.constant 4 : i32
      %add3A_881 = arith.addi %add3A_868, %add3A_880 : i32
      %lt3A_882 = arith.constant 125 : i32
      %lt3A_883 = arith.cmpi slt, %add3A_881, %lt3A_882 : i32
      %convert_element_type3A_884 = arith.extui %lt3A_883 : i1 to i32
      %cond3A_885 = arith.constant 0 : i32
      %cond3A_886 = arith.cmpi ne, %convert_element_type3A_884, %cond3A_885 : i32
      scf.if %cond3A_886 {
        %dma_start3A_909 = arith.constant 0 : i32
        %dma_start3A_910 = tpu.memref_slice %arg10[%add3A_881, %dma_start3A_909] : memref<125x80xi32, #tpu.memory_space<vmem>> -> memref<1x80xi32, #tpu.memory_space<vmem>>
        %dma_start3A_911 = tpu.memref_squeeze %dma_start3A_910 : memref<1x80xi32, #tpu.memory_space<vmem>> -> memref<80xi32, #tpu.memory_space<vmem>>
        %dma_start3A_912 = arith.constant 0 : i32
        %dma_start3A_913 = tpu.memref_slice %arg18[%dma_start3A_912] : memref<10240xf32, #tpu.memory_space<vmem_shared>> -> memref<10240xf32, #tpu.memory_space<vmem_shared>>
        tpu.enqueue_indirect_dma source(%dma_start3A_913 : memref<10240xf32, #tpu.memory_space<vmem_shared>>) target(%arg23 : memref<80xf32, #tpu.memory_space<vmem>>) offsets(%dma_start3A_911 : memref<80xi32, #tpu.memory_space<vmem>>) semaphore(%arg30 : memref<!tpu.dma_semaphore, #tpu.memory_space<semaphore_mem>>)
      } else {
      }
      %mul3A_887 = arith.constant 4 : i32
      %mul3A_888 = arith.muli %mul3A_887, %scan3A_821 : i32
      %add3A_889 = arith.constant 3 : i32
      %add3A_890 = arith.addi %mul3A_888, %add3A_889 : i32
      %dma_wait3A_891 = arith.constant 0 : i32
      %dma_wait3A_892 = tpu.memref_slice %arg10[%add3A_890, %dma_wait3A_891] : memref<125x80xi32, #tpu.memory_space<vmem>> -> memref<1x80xi32, #tpu.memory_space<vmem>>
      %dma_wait3A_893 = tpu.memref_squeeze %dma_wait3A_892 : memref<1x80xi32, #tpu.memory_space<vmem>> -> memref<80xi32, #tpu.memory_space<vmem>>
      %dma_wait3A_894 = arith.constant 0 : i32
      %dma_wait3A_895 = tpu.memref_slice %arg18[%dma_wait3A_894] : memref<10240xf32, #tpu.memory_space<vmem_shared>> -> memref<10240xf32, #tpu.memory_space<vmem_shared>>
      tpu.wait_indirect_dma semaphore(%arg31 : memref<!tpu.dma_semaphore, #tpu.memory_space<semaphore_mem>>) src(%dma_wait3A_895 : memref<10240xf32, #tpu.memory_space<vmem_shared>>) dst(%arg24 : memref<80xf32, #tpu.memory_space<vmem>>)
      %scan3A_896 = arith.constant 0 : i32
      %scan3A_897 = arith.constant 0 : i32
      %scan3A_898 = arith.constant 5 : i32
      %scan3A_899 = arith.addi %scan3A_897, %scan3A_898 : i32
      %scan3A_900 = arith.constant 1 : i32
      scf.for %scan3A_909 = %scan3A_897 to %scan3A_899 step %scan3A_900  : i32 {
        %mul3A_910 = arith.constant 16 : i32
        %mul3A_911 = arith.muli %scan3A_909, %mul3A_910 : i32
        %get3A_912 = arith.index_cast %add3A_890 : i32 to index
        %get3A_913 = arith.index_cast %mul3A_911 : i32 to index
        %get3A_914 = tpu.vector_load %arg16[%get3A_912, %get3A_913] {strides = array<i32>} : memref<125x80xf32, #tpu.memory_space<vmem>>, vector<1x16xf32>,
        %get3A_915 = vector.shape_cast %get3A_914 : vector<1x16xf32> to vector<16xf32>
        %mul3A_916 = arith.constant 5.000000e+00 : f32
        %mul3A_917 = vector.broadcast %mul3A_916 : f32 to vector<16xf32>
        %mul3A_918 = arith.mulf %get3A_915, %mul3A_917 : vector<16xf32>
        %get3A_919 = arith.index_cast %mul3A_911 : i32 to index
        %get3A_920 = tpu.vector_load %arg24[%get3A_919] {strides = array<i32>} : memref<80xf32, #tpu.memory_space<vmem>>, vector<16xf32>,
        %get3A_921 = vector.shape_cast %get3A_920 : vector<16xf32> to vector<16xf32>
        %div3A = arith.divf %mul3A_918, %get3A_921 : vector<16xf32>
        %max3A = arith.constant 0.000000e+00 : f32
        %max3A_922 = vector.broadcast %max3A : f32 to vector<16xf32>
        %max3A_923 = arith.maximumf %div3A, %max3A_922 : vector<16xf32>
        %min3A = arith.constant 1.000000e+00 : f32
        %min3A_924 = vector.broadcast %min3A : f32 to vector<16xf32>
        %min3A_925 = arith.minimumf %max3A_923, %min3A_924 : vector<16xf32>
        %swap3A_926 = arith.index_cast %add3A_890 : i32 to index
        %swap3A_927 = arith.index_cast %mul3A_911 : i32 to index
        %swap3A_928 = tpu.vector_load %arg17[%swap3A_926, %swap3A_927] {strides = array<i32>} : memref<125x80xf32, #tpu.memory_space<vmem>>, vector<1x16xf32>,
        %swap3A_929 = vector.shape_cast %swap3A_928 : vector<1x16xf32> to vector<16xf32>
        %swap3A_930 = vector.shape_cast %min3A_925 : vector<16xf32> to vector<1x16xf32>
        tpu.vector_store %arg17[%swap3A_926, %swap3A_927], %swap3A_930 {strides = array<i32>} : memref<125x80xf32, #tpu.memory_space<vmem>>, vector<1x16xf32>,
      }
      %scan3A_901 = arith.constant 5 : i32
      %add3A_902 = arith.constant 4 : i32
      %add3A_903 = arith.addi %add3A_890, %add3A_902 : i32
      %lt3A_904 = arith.constant 125 : i32
      %lt3A_905 = arith.cmpi slt, %add3A_903, %lt3A_904 : i32
      %convert_element_type3A_906 = arith.extui %lt3A_905 : i1 to i32
      %cond3A_907 = arith.constant 0 : i32
      %cond3A_908 = arith.cmpi ne, %convert_element_type3A_906, %cond3A_907 : i32
      scf.if %cond3A_908 {
        %dma_start3A_909 = arith.constant 0 : i32
        %dma_start3A_910 = tpu.memref_slice %arg10[%add3A_903, %dma_start3A_909] : memref<125x80xi32, #tpu.memory_space<vmem>> -> memref<1x80xi32, #tpu.memory_space<vmem>>
        %dma_start3A_911 = tpu.memref_squeeze %dma_start3A_910 : memref<1x80xi32, #tpu.memory_space<vmem>> -> memref<80xi32, #tpu.memory_space<vmem>>
        %dma_start3A_912 = arith.constant 0 : i32
        %dma_start3A_913 = tpu.memref_slice %arg18[%dma_start3A_912] : memref<10240xf32, #tpu.memory_space<vmem_shared>> -> memref<10240xf32, #tpu.memory_space<vmem_shared>>
        tpu.enqueue_indirect_dma source(%dma_start3A_913 : memref<10240xf32, #tpu.memory_space<vmem_shared>>) target(%arg24 : memref<80xf32, #tpu.memory_space<vmem>>) offsets(%dma_start3A_911 : memref<80xi32, #tpu.memory_space<vmem>>) semaphore(%arg31 : memref<!tpu.dma_semaphore, #tpu.memory_space<semaphore_mem>>)
      } else {
      }
    }
    %scan3A_808 = arith.constant 31 : i32
    %dma_wait3A_809 = arith.constant 124 : i32
    %dma_wait3A_810 = arith.constant 0 : i32
    %dma_wait3A_811 = tpu.memref_slice %arg10[%dma_wait3A_809, %dma_wait3A_810] : memref<125x80xi32, #tpu.memory_space<vmem>> -> memref<1x80xi32, #tpu.memory_space<vmem>>
    %dma_wait3A_812 = tpu.memref_squeeze %dma_wait3A_811 : memref<1x80xi32, #tpu.memory_space<vmem>> -> memref<80xi32, #tpu.memory_space<vmem>>
    %dma_wait3A_813 = arith.constant 0 : i32
    %dma_wait3A_814 = tpu.memref_slice %arg18[%dma_wait3A_813] : memref<10240xf32, #tpu.memory_space<vmem_shared>> -> memref<10240xf32, #tpu.memory_space<vmem_shared>>
    tpu.wait_indirect_dma semaphore(%arg28 : memref<!tpu.dma_semaphore, #tpu.memory_space<semaphore_mem>>) src(%dma_wait3A_814 : memref<10240xf32, #tpu.memory_space<vmem_shared>>) dst(%arg21 : memref<80xf32, #tpu.memory_space<vmem>>)
    %scan3A_815 = arith.constant 0 : i32
    %scan3A_816 = arith.constant 0 : i32
    %scan3A_817 = arith.constant 5 : i32
    %scan3A_818 = arith.addi %scan3A_816, %scan3A_817 : i32
    %scan3A_819 = arith.constant 1 : i32
    scf.for %scan3A_821 = %scan3A_816 to %scan3A_818 step %scan3A_819  : i32 {
      %mul3A_822 = arith.constant 16 : i32
      %mul3A_823 = arith.muli %scan3A_821, %mul3A_822 : i32
      %get3A_824 = arith.constant 124 : i32
      %get3A_825 = arith.index_cast %get3A_824 : i32 to index
      %get3A_826 = arith.index_cast %mul3A_823 : i32 to index
      %get3A_827 = tpu.vector_load %arg16[%get3A_825, %get3A_826] {strides = array<i32>} : memref<125x80xf32, #tpu.memory_space<vmem>>, vector<1x16xf32>,
      %get3A_828 = vector.shape_cast %get3A_827 : vector<1x16xf32> to vector<16xf32>
      %mul3A_829 = arith.constant 5.000000e+00 : f32
      %mul3A_830 = vector.broadcast %mul3A_829 : f32 to vector<16xf32>
      %mul3A_831 = arith.mulf %get3A_828, %mul3A_830 : vector<16xf32>
      %get3A_832 = arith.index_cast %mul3A_823 : i32 to index
      %get3A_833 = tpu.vector_load %arg21[%get3A_832] {strides = array<i32>} : memref<80xf32, #tpu.memory_space<vmem>>, vector<16xf32>,
      %get3A_834 = vector.shape_cast %get3A_833 : vector<16xf32> to vector<16xf32>
      %div3A = arith.divf %mul3A_831, %get3A_834 : vector<16xf32>
      %max3A = arith.constant 0.000000e+00 : f32
      %max3A_835 = vector.broadcast %max3A : f32 to vector<16xf32>
      %max3A_836 = arith.maximumf %div3A, %max3A_835 : vector<16xf32>
      %min3A = arith.constant 1.000000e+00 : f32
      %min3A_837 = vector.broadcast %min3A : f32 to vector<16xf32>
      %min3A_838 = arith.minimumf %max3A_836, %min3A_837 : vector<16xf32>
      %swap3A_839 = arith.constant 124 : i32
      %swap3A_840 = arith.index_cast %swap3A_839 : i32 to index
      %swap3A_841 = arith.index_cast %mul3A_823 : i32 to index
      %swap3A_842 = tpu.vector_load %arg17[%swap3A_840, %swap3A_841] {strides = array<i32>} : memref<125x80xf32, #tpu.memory_space<vmem>>, vector<1x16xf32>,
      %swap3A_843 = vector.shape_cast %swap3A_842 : vector<1x16xf32> to vector<16xf32>
      %swap3A_844 = vector.shape_cast %min3A_838 : vector<16xf32> to vector<1x16xf32>
      tpu.vector_store %arg17[%swap3A_840, %swap3A_841], %swap3A_844 {strides = array<i32>} : memref<125x80xf32, #tpu.memory_space<vmem>>, vector<1x16xf32>,
    }
    %scan3A_820 = arith.constant 5 : i32
    "tpu.region"() ({
      %run_scoped3A_821 = tpu.sem_alloc : memref<!tpu.dma_semaphore, #tpu.memory_space<semaphore_mem>>
      %dma_start3A_822 = arith.constant 0 : i32
      %dma_start3A_823 = arith.constant 0 : i32
      %dma_start3A_824 = tpu.memref_slice %arg6[%add3A, %dma_start3A_822, %dma_start3A_823] : memref<32x125x80xf32, #tpu.memory_space<hbm>> -> memref<1x125x80xf32, #tpu.memory_space<hbm>>
      %dma_start3A_825 = tpu.memref_squeeze %dma_start3A_824 : memref<1x125x80xf32, #tpu.memory_space<hbm>> -> memref<125x80xf32, #tpu.memory_space<hbm>>
      %dma_start3A_826 = arith.constant 0 : i32
      %dma_start3A_827 = arith.constant 0 : i32
      %dma_start3A_828 = tpu.memref_slice %arg6[%add3A, %dma_start3A_826, %dma_start3A_827] : memref<32x125x80xf32, #tpu.memory_space<hbm>> -> memref<1x125x80xf32, #tpu.memory_space<hbm>>
      %dma_start3A_829 = tpu.memref_squeeze %dma_start3A_828 : memref<1x125x80xf32, #tpu.memory_space<hbm>> -> memref<125x80xf32, #tpu.memory_space<hbm>>
      tpu.enqueue_dma source(%arg17 : memref<125x80xf32, #tpu.memory_space<vmem>>) target(%dma_start3A_829 : memref<125x80xf32, #tpu.memory_space<hbm>>) target_semaphore(%run_scoped3A_821 : memref<!tpu.dma_semaphore, #tpu.memory_space<semaphore_mem>>)
      %dma_wait3A_830 = arith.constant 0 : i32
      %dma_wait3A_831 = arith.constant 0 : i32
      %dma_wait3A_832 = tpu.memref_slice %arg6[%add3A, %dma_wait3A_830, %dma_wait3A_831] : memref<32x125x80xf32, #tpu.memory_space<hbm>> -> memref<1x125x80xf32, #tpu.memory_space<hbm>>
      %dma_wait3A_833 = tpu.memref_squeeze %dma_wait3A_832 : memref<1x125x80xf32, #tpu.memory_space<hbm>> -> memref<125x80xf32, #tpu.memory_space<hbm>>
      %dma_wait3A_834 = arith.constant 0 : i32
      %dma_wait3A_835 = arith.constant 0 : i32
      %dma_wait3A_836 = tpu.memref_slice %arg6[%add3A, %dma_wait3A_834, %dma_wait3A_835] : memref<32x125x80xf32, #tpu.memory_space<hbm>> -> memref<1x125x80xf32, #tpu.memory_space<hbm>>
      %dma_wait3A_837 = tpu.memref_squeeze %dma_wait3A_836 : memref<1x125x80xf32, #tpu.memory_space<hbm>> -> memref<125x80xf32, #tpu.memory_space<hbm>>
      tpu.wait_dma2 semaphore(%run_scoped3A_821 : memref<!tpu.dma_semaphore, #tpu.memory_space<semaphore_mem>>) src(%arg17 : memref<125x80xf32, #tpu.memory_space<vmem>>) dst(%dma_wait3A_837 : memref<125x80xf32, #tpu.memory_space<hbm>>)
      tpu.yield
    }) : () -> ()
    return
  }
}

</mosaic_0001>

<sc_bundles>
// kernel: kernel.3.cloned.1.call-start
scs
__scs_entry_jumppad:
0x0: {  	(pc) =	sbr.rel $0x88, $3  }
0x1: {  	(tag) =	ssettag $0x0;
	lr =	simm.s32 $0x1  }
0x2: {  	[smem:$0x3F9D] =	sst lr;
	_ =	strace $0xD0000000  }
0x3: {  	_ = 	snop  }
0x4: {  	_ = 	snop  }
0x5: {  	_ = 	snop  }
0x6: {  	_ = 	snop  }
0x7: {  	_ = 	snop  }
__scs_overlays_trampoline_lowered:
0x8: {  	[smem:$0x3FAC] =	sst s0  }
0x9: {  	[smem:$0x3FAD] =	sst s1  }
0xa: {  	[smem:$0x3FAE] =	sst s2  }
0xb: {  	[smem:$0x3FAF] =	sst s3  }
0xc: {  	[smem:$0x3FB0] =	sst s4  }
0xd: {  	[smem:$0x3FB1] =	sst s5  }
0xe: {  	[smem:$0x3FB2] =	sst s6  }
0xf: {  	[smem:$0x3FB3] =	sst s7  }
0x10: {  	[smem:$0x3FB4] =	sst s8  }
0x11: {  	[smem:$0x3FB5] =	sst s9;
	s0 =	simm.s32 @!p0 $0x0  }
0x12: {  	s1 =	sld [smem:$0x3F9B];
	s0 =	simm.s32 @p0 $0x1  }
0x13: {  	[smem:$0x3FB6] =	sst s0;
	s0 =	simm.s32 @!p1 $0x0  }
0x14: {  	s2 =	sld [smem:$0x3F9A];
	s0 =	simm.s32 @p1 $0x1  }
0x15: {  	[smem:$0x3FB7] =	sst s0;
	s0 =	simm.s32 @!p2 $0x0  }
0x16: {  	s3 =	sld [smem:$0x3FDB];
	s0 =	simm.s32 @p2 $0x1  }
0x17: {  	s4 =	simm.s32 $0x1BF5;
	[smem:$0x3FB9] =	sst s0  }
0x18: {  	s0 =	sld [smem:$0x3F9C];
	_ =	swait.ge [sflag:s4], $0x0  }
0x19: {  	s7 =	sld [smem:$0x3F9D]  }
0x1a: {  	s8 =	sadd.s32 $0xFFFFE003, lr  }
0x1b: {  	s9 =	sadd.s32 $0xFFFFFEF7, lr;
	s5 =	simm.s32 $0xFFFFFFFF;
	p2 =	slt.u32 s8, $0xFFFFF086  }
0x1c: {  	p1 =	slt.u32 s9, $0xF7A;
	s5 =	simm.s32 @!p2 $0x0  }
0x1d: {  	s5 =	simm.s32 @p1 $0x1;
	p0 =	seq.s32 s7, s2  }
0x1e: {  	s7 =	smul.u32 @!p0 $0xF7A, s2;
	p2 =	seq.s32 @!p0 s5, $0x0  }
0x1f: {  	s9 =	smul.u32 $0xF7A, s1;
	s8 =	simm.s32 @!p0 $0x1BF5;
	p2 =	por !p2, p0  }
0x20: {  	[sflag:s8] =	ssyncset.s32 @!p0 $0xFFFFF086;
	s6 =	sadd.s32 @!p0 s3, s7;
	s7 =	simm.s32 @!p0 $0x108  }
0x21: {  	s3 =	sadd.s32 s3, s9;
	s6 =	sadd.s32 @!p0 $0x88, s6;
	s7 =	simm.s32 @p2 $0x1082  }
0x22: {  	[simem:s7], [sflag:s8] =	dma.local @!p0 [hbm:s6], $0xF7A  }
0x23: {  	s9 =	sor.u32 $0xD0000000, s2;
	s6 =	simm.s32 $0x108;
	_ =	swait.ge @!p0 [sflag:s8], $0x0  }
0x24: {  	s3 =	sadd.s32 $0x88, s3;
	s6 =	simm.s32 @!p1 $0x1082;
	[sflag:s4] =	ssyncset.s32 $0xFFFFF086  }
0x25: {  	[simem:s6], [sflag:s4] =	dma.local [hbm:s3], $0xF7A  }
0x26: {  	[smem:$0x3F9D] =	sst s1;
	(tag) =	ssettag s2;
	_ =	strace s9  }
0x27: {  	s1 =	sld [smem:$0x3FAD]  }
0x28: {  	s2 =	sld [smem:$0x3FAE]  }
0x29: {  	s4 =	sld [smem:$0x3FB0]  }
0x2a: {  	p0 =	seq.s32 s5, $0x0;
	s5 =	sld [smem:$0x3FB1]  }
0x2b: {  	s6 =	sld [smem:$0x3FB2]  }
0x2c: {  	s7 =	sld [smem:$0x3FB3]  }
0x2d: {  	s3 =	simm.s32 $0x108;
	s8 =	sld [smem:$0x3FB4]  }
0x2e: {  	s3 =	simm.s32 @!p0 $0x1082;
	s9 =	sld [smem:$0x3FB5]  }
0x2f: {  	lr =	sadd.s32 s0, s3;
	s0 =	sld [smem:$0x3FAC]  }
0x30: {  	s3 =	sld [smem:$0x3FAF]  }
0x31: {  	[smem:$0x3FB8] =	sst s10  }
0x32: {  	s10 =	sld [smem:$0x3FB6];
	_ =	sdelay $0x3  }
0x33: {  	p0 =	seq.s32 s10, $0x1;
	s10 =	sld [smem:$0x3FB8];
	_ =	sdelay $0x3  }
0x34: {  	[smem:$0x3FB8] =	sst s10  }
0x35: {  	s10 =	sld [smem:$0x3FB7];
	_ =	sdelay $0x3  }
0x36: {  	p1 =	seq.s32 s10, $0x1;
	s10 =	sld [smem:$0x3FB8];
	_ =	sdelay $0x3  }
0x37: {  	[smem:$0x3FB8] =	sst s10  }
0x38: {  	s10 =	sld [smem:$0x3FB9]  }
0x39: {  	_ = 	snop;
	(pc) =	sbr.ind lr, $3  }
0x3a: {  	_ = 	snop  }
0x3b: {  	_ = 	snop  }
0x3c: {  	p2 =	seq.s32 s10, $0x1;
	s10 =	sld [smem:$0x3FB8]  }
0x3d: {  	_ =	shalt  }
0x3e: {  	_ =	shalt  }
0x3f: {  	_ =	shalt  }
0x40: {  	_ =	shalt  }
0x41: {  	_ =	shalt  }
0x42: {  	_ =	shalt  }
0x43: {  	_ =	shalt  }
0x44: {  	_ =	shalt  }
0x45: {  	_ =	shalt  }
0x46: {  	_ =	shalt  }
0x47: {  	_ =	shalt  }
0x48: {  	_ =	shalt  }
0x49: {  	_ =	shalt  }
0x4a: {  	_ =	shalt  }
0x4b: {  	_ =	shalt  }
0x4c: {  	_ =	shalt  }
0x4d: {  	_ =	shalt  }
0x4e: {  	_ =	shalt  }
0x4f: {  	_ =	shalt  }
0x50: {  	_ =	shalt  }
0x51: {  	_ =	shalt  }
0x52: {  	_ =	shalt  }
0x53: {  	_ =	shalt  }
0x54: {  	_ =	shalt  }
0x55: {  	_ =	shalt  }
0x56: {  	_ =	shalt  }
0x57: {  	_ =	shalt  }
0x58: {  	_ =	shalt  }
0x59: {  	_ =	shalt  }
0x5a: {  	_ =	shalt  }
0x5b: {  	_ =	shalt  }
0x5c: {  	_ =	shalt  }
0x5d: {  	_ =	shalt  }
0x5e: {  	_ =	shalt  }
0x5f: {  	_ =	shalt  }
0x60: {  	_ =	shalt  }
0x61: {  	_ =	shalt  }
0x62: {  	_ =	shalt  }
0x63: {  	_ =	shalt  }
0x64: {  	_ =	shalt  }
0x65: {  	_ =	shalt  }
0x66: {  	_ =	shalt  }
0x67: {  	_ =	shalt  }
0x68: {  	_ =	shalt  }
0x69: {  	_ =	shalt  }
0x6a: {  	_ =	shalt  }
0x6b: {  	_ =	shalt  }
0x6c: {  	_ =	shalt  }
0x6d: {  	_ =	shalt  }
0x6e: {  	_ =	shalt  }
0x6f: {  	_ =	shalt  }
0x70: {  	_ =	shalt  }
0x71: {  	_ =	shalt  }
0x72: {  	_ =	shalt  }
0x73: {  	_ =	shalt  }
0x74: {  	_ =	shalt  }
0x75: {  	_ =	shalt  }
0x76: {  	_ =	shalt  }
0x77: {  	_ =	shalt  }
0x78: {  	_ =	shalt  }
0x79: {  	_ =	shalt  }
0x7a: {  	_ =	shalt  }
0x7b: {  	_ =	shalt  }
0x7c: {  	_ =	shalt  }
0x7d: {  	_ =	shalt  }
0x7e: {  	_ =	shalt  }
0x7f: {  	_ =	shalt  }
0x80: {  	_ =	shalt  }
0x81: {  	_ =	shalt  }
0x82: {  	_ =	shalt  }
0x83: {  	_ =	shalt  }
0x84: {  	_ =	shalt  }
0x85: {  	_ =	shalt  }
0x86: {  	_ =	shalt  }
0x87: {  	_ =	shalt  }
.Lfunc_end0:
.L_simem_size_0:
called_computation_lowered:
.L_overlay_start_0:
0x88: {  	s2 =	sld [smem:$0x3FD9]  }
0x89: {  	s3 =	sld [smem:$0x3FFE];
	_ =	sdelay $0x1  }
0x8a: {  	s1 =	srdreg.scid  }
0x8b: {  	s0 =	sand.u32 $0x1, s1  }
0x8c: {  	s17 =	sshll.u32 s0, $0xA;
	s2 =	sadd.s32 s3, s2  }
0x8d: {  	s2 =	sadd.s32 s2, s17  }
0x8e: {  	[smem:$0x3FC4] =	sst s2  }
0x8f: {  	_ = 	snop  }
0x90: {  	s2 =	sld [smem:$0x3FC9]  }
0x91: {  	s18 =	sld [smem:$0x3FC8]  }
0x92: {  	s4 =	sld [smem:$0x3FC6]  }
0x93: {  	s5 =	sld [smem:$0x3FD0];
	(tm) =	ssettm $0x1  }
0x94: {  	s6 =	sld [smem:$0x3FFB];
	_ =	sdelay $0x3  }
0x95: {  	_ =	strace s6  }
0x96: {  	s6 =	sld [smem:$0x3FFC];
	_ =	sdelay $0x3  }
0x97: {  	_ =	strace s6  }
0x98: {  	s6 =	sld [smem:$0x3FFD];
	_ =	sdelay $0x3  }
0x99: {  	_ =	strace s6  }
0x9a: {  	_ =	strace $0x8FFFFFFF  }
0x9b: {  	s19 =	sld [smem:$0x3FDB];
	_ =	sdelay $0x1  }
0x9c: {  	s7 =	simm.s32 $_scs_section_size  }
0x9d: {  	s8 =	simm.s32 $_size__tile_overlayer_lowered;
	s9 =	simm.s32 $_tile_overlayer_lowered  }
0x9e: {  	s22 =	simm.s32 $0x1BFF;
	s21 =	sshll.u32 s9, $0x1;
	s6 =	sadd.s32 s7, s19  }
0x9f: {  	s10 =	simm.s32 $0x0;
	s20 =	sshll.u32 s8, $0x1;
	s8 =	sadd.s32 s21, s6  }
0xa0: {  	[timem:s10], [sflag:s22] =	dma.local [hbm:s8], s20  }
0xa1: {  	_ =	swait.ge [sflag:s22], s20  }
0xa2: {  	s7 =	ssub.s32 $0x0, s20;
	[sflag:s22] =	ssyncset.done $0x0  }
0xa3: {  	[sflag:s22] =	ssyncadd.s32 s7;
	_ =	sdelay $0x1  }
0xa4: {  	s23 =	simm.s32 $0x1B8B  }
0xa5: {  	_ =	swait.ge [sflag:s23], $0x1  }
0xa6: {  	[sflag:s23] =	ssyncset.done $0x0  }
0xa7: {  	s25 =	simm.s32 $0x1B8E;
	s24 =	sld [smem:$0x3FFE];
	[sflag:s23] =	ssyncadd.s32 $0xFFFFFFFF  }
0xa8: {  	s26 =	simm.s32 $execute0_lowered;
	[smem:$0x3FD2] =	sst s25  }
0xa9: {  	s8 =	sshll.u32 s26, $0x1;
	_ =	strace $0x80000046;
	[dreg:$0x1] =	wrdreg $0xFFFFFFFF  }
0xaa: {  	s28 =	simm.s32 $_size_execute0_lowered;
	s6 =	sadd.s32 s6, s8;
	[dreg:$0x0] =	wrdreg $0x0  }
0xab: {  	s8 =	sshll.u32 s28, $0x1;
	[dreg:$0x2] =	wrdreg s6  }
0xac: {  	[dreg:$0x3] =	wrdreg s8  }
0xad: {  	[dreg:$0x4] =	wrdreg $0xC0  }
0xae: {  	_ =	task [dreg:s10], $0x5FFFF  }
0xaf: {  	[dreg:$0x1] =	wrdreg $0xFFFFFFFF  }
0xb0: {  	[dreg:$0x0] =	wrdreg $0x60  }
0xb1: {  	[dreg:$0x2] =	wrdreg s2  }
0xb2: {  	[dreg:$0x3] =	wrdreg s18  }
0xb3: {  	[dreg:$0x4] =	wrdreg s24  }
0xb4: {  	[dreg:$0x5] =	wrdreg s4  }
0xb5: {  	[dreg:$0x6] =	wrdreg s5  }
0xb6: {  	[dreg:$0x7] =	wrdreg $0x1A0800  }
0xb7: {  	[dreg:$0x8] =	wrdreg $0x9  }
0xb8: {  	_ =	task.clear_ibuf [dreg:s10], $0x9FFFF;
	_ =	strace $0x90000046  }
0xb9: {  	s29 =	simm.s32 $0x9;
	_ =	strace $0x80000048  }
0xba: {  	_ =	swait.ge [sflag:s29], $0x1  }
0xbb: {  	[sflag:s29] =	ssyncadd.s32 $0xFFFFFFFF  }
0xbc: {  	_ =	strace $0x90000048  }
0xbd: {  	_ =	sfence  }
0xbe: {  	s30 =	sld [smem:$0x0];
	_ =	sdelay $0x2  }
0xbf: {  	s31 =	sshll.u32 s1, $0xD;
	s1 =	sshrl.u32 s1, $0x2  }
0xc0: {  	s3 =	sand.u32 $0x4000, s31;
	s1 =	sadd.s32 s1, s30  }
0xc1: {  	s0 =	sor.u32 s3, s0;
	s1 =	sshll.u32 s1, $0x11  }
0xc2: {  	s0 =	sor.u32 s1, s0  }
0xc3: {  	s0 =	sadd.s32 $0x8F2B, s0  }
0xc4: {  	[sflag:s0] =	ssyncadd.remote.s32 $0x1  }
0xc5: {  	_ =	sfence.sel $0xFFFF  }
0xc6: {  	[dreg:$0x0] =	wrdreg $0xFFFFFFFF;
	(pc) =	sbr.abs _section_cstart, $3  }
0xc7: {  	[dreg:$0x1] =	wrdreg $0xFFFFFFFF  }
0xc8: {  	_ =	task.clear_ibuf [dreg:s10], $0x2FFFF;
	_ =	strace $0x9FFFFFFF  }
0xc9: {  	(tm) =	ssettm $0x7FFFFFFF  }
tec
execute0_lowered:
.L_overlay_start_1:
0x0: {  	(tag) =	ssettag $0x1  }
0x1: {  	s0 =	rddreg [dreg:$0x0];
	s1 =	simm.s32 $0x0  }
0x2: {  	[smem:$0x7FF] =	sst s1;
	s1 =	stileid.u32  }
0x3: {  	s2 =	rddreg [dreg:$0x1];
	s11 =	smul.u32 $0x280, s1  }
0x4: {  	s6 =	rddreg [dreg:$0x2];
	v54 =	vlaneseq.u32  }
0x5: {  	s7 =	rddreg [dreg:$0x4];
	s26 =	sor.u32 $0x10, s11;
	v0 =	vor.u32 s11, v54  }
0x6: {  	s4 =	rddreg [dreg:$0x5];
	_ =	strace $0x80000047;
	s5 =	sor.u32 $0x20, s11;
	[tilespmem:$0x1FD80] =	vst v0;
	v22 =	vor.u32 s26, v54  }
0x7: {  	s14 =	sor.u32 $0x30, s11;
	v23 =	vor.u32 s5, v54;
	[tilespmem:$0x1FD90] =	vst v22  }
0x8: {  	s15 =	sor.u32 $0x40, s11;
	v24 =	vor.u32 s14, v54;
	[tilespmem:$0x1FDA0] =	vst v23  }
0x9: {  	s16 =	sor.u32 $0x50, s11;
	v25 =	vor.u32 s15, v54;
	[tilespmem:$0x1FDB0] =	vst v24  }
0xa: {  	s17 =	sor.u32 $0x60, s11;
	v26 =	vor.u32 s16, v54;
	[tilespmem:$0x1FDC0] =	vst v25  }
0xb: {  	s18 =	sor.u32 $0x70, s11;
	v27 =	vor.u32 s17, v54;
	[tilespmem:$0x1FDD0] =	vst v26  }
0xc: {  	s3 =	srdreg.scid;
	s19 =	sadd.s32 $0x80, s11;
	v28 =	vor.u32 s18, v54;
	[tilespmem:$0x1FDE0] =	vst v27  }
0xd: {  	s9 =	sand.u32 $0x1, s3;
	s20 =	sadd.s32 $0x90, s11;
	v29 =	vor.u32 s19, v54;
	[tilespmem:$0x1FDF0] =	vst v28  }
0xe: {  	s8 =	sshll.u32 s9, $0xF;
	s10 =	sshll.u32 s1, $0xB;
	s21 =	sadd.s32 $0xA0, s11;
	v30 =	vor.u32 s20, v54;
	[tilespmem:$0x1FE00] =	vst v29  }
0xf: {  	s12 =	ssub.s32 $0x2, s9;
	s8 =	sor.u32 s10, s8;
	s22 =	sadd.s32 $0xB0, s11;
	v31 =	vor.u32 s21, v54;
	[tilespmem:$0x1FE10] =	vst v30  }
0x10: {  	s13 =	sshrl.u32 s12, $0x1;
	s10 =	sadd.s32 s8, s6;
	s23 =	sadd.s32 $0xC0, s11;
	v32 =	vor.u32 s22, v54;
	[tilespmem:$0x1FE20] =	vst v31  }
0x11: {  	s8 =	sadd.s32 $0x20800, s6;
	s6 =	ssub.s32 s12, s13;
	s13 =	sadd.s32 $0xD0, s11;
	v33 =	vor.u32 s23, v54;
	[tilespmem:$0x1FE30] =	vst v32  }
0x12: {  	s24 =	sadd.s32 $0x110, s11;
	v34 =	vor.u32 s13, v54;
	[tilespmem:$0x1FE40] =	vst v33  }
0x13: {  	s25 =	sadd.s32 $0x180, s11;
	v38 =	vor.u32 s24, v54;
	[tilespmem:$0x1FE50] =	vst v34  }
0x14: {  	s14 =	sadd.s32 $0xE0, s11;
	v45 =	vor.u32 s25, v54;
	[tilespmem:$0x1FE90] =	vst v38  }
0x15: {  	v1 =	vimm.s32 $0xFEDCBA98;
	s26 =	sadd.s32 $0xF0, s11;
	v35 =	vor.u32 s14, v54;
	[tilespmem:$0x1FF00] =	vst v45  }
0x16: {  	v2 =	vimm.s32 $0x76543210;
	v3 =	vimm.s32 $0xBA98FEDC;
	s17 =	sadd.s32 $0x100, s11;
	v36 =	vor.u32 s26, v54;
	[tilespmem:$0x1FE60] =	vst v35  }
0x17: {  	v4 =	vimm.s32 $0x32107654;
	s5 =	sadd.s32 $0x120, s11;
	v37 =	vor.u32 s17, v54;
	[tilespmem:$0x1FE70] =	vst v36  }
0x18: {  	v5 =	vimm.s32 $0xDCFE98BA;
	s29 =	simm.s32 $0x3;
	s28 =	simm.s32 $0x5;
	s18 =	sadd.s32 $0x130, s11;
	v39 =	vor.u32 s5, v54;
	[tilespmem:$0x1FE80] =	vst v37  }
0x19: {  	v6 =	vimm.s32 $0x54761032;
	s30 =	simm.s32 $0x6;
	s31 =	simm.s32 $0x7;
	s19 =	sadd.s32 $0x140, s11;
	v40 =	vor.u32 s18, v54;
	[tilespmem:$0x1FEA0] =	vst v39  }
0x1a: {  	v7 =	vimm.s32 $0xEFCDAB89;
	p0 =	seq.s32 s9, $0x1;
	s12 =	simm.s32 $0x9;
	s20 =	sadd.s32 $0x150, s11;
	v41 =	vor.u32 s19, v54;
	[tilespmem:$0x1FEB0] =	vst v40  }
0x1b: {  	s22 =	sadd.s32 $0x160, s11;
	s23 =	sadd.s32 $0x170, s11;
	s13 =	sadd.s32 $0x190, s11;
	v42 =	vor.u32 s20, v54;
	[tilespmem:$0x1FEC0] =	vst v41  }
0x1c: {  	s24 =	sadd.s32 $0x1E0, s11;
	s25 =	sadd.s32 $0x240, s11;
	s16 =	sadd.s32 $0x260, s11;
	v43 =	vor.u32 s22, v54;
	[tilespmem:$0x1FED0] =	vst v42  }
0x1d: {  	s15 =	sadd.s32 $0x800, s10;
	s14 =	sadd.s32 $0x1A0, s11;
	s26 =	sadd.s32 $0x1B0, s11;
	v44 =	vor.u32 s23, v54;
	[tilespmem:$0x1FEE0] =	vst v43  }
0x1e: {  	s17 =	sadd.s32 $0x1C0, s11;
	s5 =	sadd.s32 $0x1D0, s11;
	s18 =	sadd.s32 $0x1F0, s11;
	v46 =	vor.u32 s13, v54;
	[tilespmem:$0x1FEF0] =	vst v44  }
0x1f: {  	s19 =	sadd.s32 $0x200, s11;
	s20 =	sadd.s32 $0x210, s11;
	s22 =	sadd.s32 $0x220, s11;
	v51 =	vor.u32 s24, v54;
	[tilespmem:$0x1FF10] =	vst v46  }
0x20: {  	v8 =	vimm.s32 $0x67452301;
	s23 =	sadd.s32 $0x230, s11;
	s13 =	sadd.s32 $0x270, s11;
	[dreg:$0x8] =	wrdreg s15;
	v58 =	vor.u32 s25, v54;
	[tilespmem:$0x1FF60] =	vst v51  }
0x21: {  	v1 =	vunpack.c.l.s4.s8 v1;
	s24 =	sadd.s32 $0x10800, s10;
	s10 =	sadd.s32 $0x20E00, s10;
	s15 =	simm.s32 $0x8080;
	v60 =	vor.u32 s16, v54;
	[tilespmem:$0x1FFC0] =	vst v58  }
0x22: {  	v47 =	vor.u32 s14, v54;
	v48 =	vor.u32 s26, v54;
	s26 =	sadd.s32 $0x250, s11;
	v50 =	vor.u32 s5, v54;
	s5 =	sadd.s32 s11, s4;
	[dreg:$0x9] =	wrdreg s24;
	[tilespmem:$0x1FFE0] =	vst v60  }
0x23: {  	v2 =	vunpack.c.l.s4.s8 v2;
	v3 =	vunpack.c.l.s4.s8 v3;
	v49 =	vor.u32 s17, v54;
	s17 =	sand.u32 $0x2, s3;
	s11 =	sshrl.u32 s11, $0x3;
	[dreg:$0xb] =	wrdreg s10;
	[tilespmem:$0x1FF20] =	vst v47  }
0x24: {  	v4 =	vunpack.c.l.s4.s8 v4;
	v5 =	vunpack.c.l.s4.s8 v5;
	v52 =	vor.u32 s18, v54;
	s14 =	simm.s32 $0x50;
	s3 =	sshrl.u32 s3, $0x2;
	s18 =	simm.s32 $0xD080;
	[tilespmem:$0x1FF30] =	vst v48  }
0x25: {  	v6 =	vunpack.c.l.s4.s8 v6;
	v53 =	vor.u32 s19, v54;
	v55 =	vor.u32 s20, v54;
	s19 =	simm.s32 $0xA880;
	s20 =	simm.s32 $0xF880;
	s24 =	simm.s32 $0x1;
	[tilespmem:$0x1FF40] =	vst v49  }
0x26: {  	v7 =	vunpack.c.l.s4.s8 v7;
	v8 =	vunpack.c.l.s4.s8 v8;
	v1 =	vunpack.c.0.s8.s32 v1;
	[tilespmem:$0x1FF50] =	vst v50;
	[dreg:$0x7] =	wrdreg s5;
	s9 =	ssub.s32 s17, s9;
	s5 =	smov.u32 s7  }
0x27: {  	v3 =	vunpack.c.0.s8.s32 v3;
	v4 =	vunpack.c.0.s8.s32 v4;
	[tilespmem:$0x1FF70] =	vst v52;
	s17 =	simm.s32 $0x1A300;
	v59 =	vor.u32 s26, v54;
	[dreg:$0xc] =	wrdreg s3;
	s26 =	smax.u32 s6, $0x1  }
0x28: {  	v5 =	vunpack.c.0.s8.s32 v5;
	v6 =	vunpack.c.0.s8.s32 v6;
	v7 =	vunpack.c.0.s8.s32 v7;
	[tilespmem:$0x1FF80] =	vst v53;
	s6 =	simm.s32 $0x0;
	s5 =	smov.u32 @p0 s8;
	s8 =	smov.u32 @p0 s7  }
.Ltmp0:
0x29: {  	v8 =	vunpack.c.0.s8.s32 v8;
	v2 =	vunpack.c.0.s8.s32 v2;
	v56 =	vor.u32 s22, v54;
	[tilespmem:$0x1FF90] =	vst v55;
	s3 =	sadd.s32 $0x5, s9;
	[dreg:$0xe] =	wrdreg s26;
	(pc) =	sbr.rel .LBB2_1-.Ltmp0, $4  }
0x2a: {  	v3 =	vcombine.low v4, v3;
	v1 =	vand.u32 $0xF, v1;
	v57 =	vor.u32 s23, v54;
	[tilespmem:$0x1FFA0] =	vst v56;
	p0 =	sne.s32 s1, $0x0;
	s26 =	simm.s32 $0x4;
	s7 =	simm.s32 $0x0  }
0x2b: {  	v61 =	vcombine.low v6, v5;
	v62 =	vcombine.low v8, v7;
	v63 =	vor.u32 s13, v54;
	[tilespmem:$0x1FFB0] =	vst v57;
	[dreg:$0xa] =	wrdreg s5;
	s25 =	sadd.s32 s8, s11;
	s11 =	simm.s32 $0x80  }
0x2c: {  	v42 =	vcombine.low v1, v2;
	[tilespmem:$0x1FFF0] =	vst v63;
	s1 =	sshll.u32 @!p0 s3, $0xE;
	s3 =	simm.s32 $0x1A980;
	[dreg:$0xd] =	wrdreg s25  }
0x2d: {  	v43 =	vand.u32 $0xF, v3;
	v44 =	vand.u32 $0xF, v61;
	v45 =	vand.u32 $0xF, v62;
	[tilespmem:$0x1FFD0] =	vst v59;
	[dreg:$0xf] =	wrdreg s1;
	s25 =	simm.s32 $0x2;
	s1 =	simm.s32 $0x1A800  }
.LBB2_20:
0x2e: {  	_ =	swait.ge [sflag:s26], $0x50  }
0x2f: {  	[sflag:s26] =	ssyncset.done $0x0  }
0x30: {  	[sflag:s26] =	ssyncadd.s32 $0xFFFFFFB0  }
0x31: {  	v0 =	vld [tilespmem:$0x1A800]  }
0x32: {  	v1 =	vld [tilespmem:$0x1A810]  }
0x33: {  	v2 =	vld [tilespmem:$0x1A820]  }
0x34: {  	v3 =	vld [tilespmem:$0x1A830]  }
0x35: {  	v4 =	vld [tilespmem:$0x1A840]  }
0x36: {  	(erf) = vrcp.f32 v0  }
0x37: {  	(erf) = vrcp.f32 v1  }
0x38: {  	(erf) = vrcp.f32 v2  }
0x39: {  	v51 =	vld [tilespmem:$0x15E80];
	(erf) = vrcp.f32 v3  }
0x3a: {  	v52 =	vld [tilespmem:$0x15E90];
	(erf) = vrcp.f32 v4  }
0x3b: {  	v53 =	vld [tilespmem:$0x15EA0]  }
0x3c: {  	v55 =	vld [tilespmem:$0x15EB0]  }
0x3d: {  	v56 =	vld [tilespmem:$0x15EC0]  }
0x3e: {  	v0 =	vmul.f32 $5.000000000e+00, v51  }
0x3f: {  	v1 =	vmul.f32 $5.000000000e+00, v52;
	v5 =	vpop (erf)  }
0x40: {  	v2 =	vmul.f32 $5.000000000e+00, v53;
	v6 =	vpop (erf);
	v0 =	vmul.f32 v5, v0  }
0x41: {  	v3 =	vmul.f32 $5.000000000e+00, v55;
	v57 =	vpop (erf);
	v1 =	vmul.f32 v6, v1  }
0x42: {  	v4 =	vmul.f32 $5.000000000e+00, v56;
	v58 =	vpop (erf);
	v2 =	vmul.f32 v57, v2;
	v0 =	vmax.f32 v0, $0.0e+00  }
0x43: {  	v0 =	vmin.f32 v0, $1.000000000e+00;
	v1 =	vmax.f32 v1, $0.0e+00;
	v3 =	vmul.f32 v58, v3;
	v59 =	vpop (erf)  }
0x44: {  	[tilespmem:$0x19E80] =	vst v0;
	v60 =	vmul.f32 v59, v4;
	v1 =	vmin.f32 v1, $1.000000000e+00;
	v2 =	vmax.f32 v2, $0.0e+00  }
0x45: {  	[tilespmem:$0x19E90] =	vst v1;
	v61 =	vmin.f32 v2, $1.000000000e+00;
	v62 =	vmax.f32 v3, $0.0e+00  }
0x46: {  	[tilespmem:$0x19EA0] =	vst v61;
	v63 =	vmin.f32 v62, $1.000000000e+00;
	v0 =	vmax.f32 v60, $0.0e+00  }
0x47: {  	[tilespmem:$0x19EB0] =	vst v63;
	v0 =	vmin.f32 v0, $1.000000000e+00  }
0x48: {  	s6 =	simm.s32 $0x0;
	s7 =	simm.s32 $0x16080;
	s5 =	rddreg [dreg:$0xb];
	[tilespmem:$0x19EC0] =	vst v0  }
0x49: {  	[hbm4b:s5+s6] =	stream.linear.scatter [tilespmem:s7], [sflag:$0x9], $0x3E80, $0x38;
	[tilespmem:$0x1AA00] =	vst v63  }
0x4a: {  	_ =	swait.ge [sflag:s12], $0x3E80  }
0x4b: {  	s22 =	rddreg [dreg:$0x10]  }
0x4c: {  	s23 =	rddreg [dreg:$0xe];
	s7 =	sadd.s32 $0x1, s22  }
0x4d: {  	p1 =	sne.s32 s7, s23  }
.Ltmp1:
0x4e: {  	_ = 	snop;
	(pc) =	sbr.rel @!p1 .LBB2_21-.Ltmp1, $3  }
0x4f: {  	_ =	sdelay $0x1  }
0x50: {  	[sflag:s12] =	ssyncset.done $0x0  }
0x51: {  	[sflag:s12] =	ssyncadd.s32 $0xFFFFC180  }
.LBB2_1:
0x52: {  	v1 =	vimm.f32 $0.0e+00  }
0x53: {  	[tilespmem:$0x1A300] =	vst v1  }
0x54: {  	[tilespmem:$0x1A310] =	vst v1  }
0x55: {  	[tilespmem:$0x1A320] =	vst v1  }
0x56: {  	[tilespmem:$0x1A330] =	vst v1  }
0x57: {  	[tilespmem:$0x1A340] =	vst v1  }
0x58: {  	[tilespmem:$0x1A350] =	vst v1  }
0x59: {  	[tilespmem:$0x1A360] =	vst v1  }
0x5a: {  	[tilespmem:$0x1A370] =	vst v1  }
0x5b: {  	[tilespmem:$0x1A380] =	vst v1  }
0x5c: {  	[tilespmem:$0x1A390] =	vst v1  }
0x5d: {  	[tilespmem:$0x1A3A0] =	vst v1  }
0x5e: {  	[tilespmem:$0x1A3B0] =	vst v1  }
0x5f: {  	[tilespmem:$0x1A3C0] =	vst v1  }
0x60: {  	[tilespmem:$0x1A3D0] =	vst v1  }
0x61: {  	[tilespmem:$0x1A3E0] =	vst v1  }
0x62: {  	[tilespmem:$0x1A3F0] =	vst v1  }
0x63: {  	[tilespmem:$0x1A400] =	vst v1  }
0x64: {  	[tilespmem:$0x1A410] =	vst v1  }
0x65: {  	[tilespmem:$0x1A420] =	vst v1  }
0x66: {  	[tilespmem:$0x1A430] =	vst v1  }
0x67: {  	[tilespmem:$0x1A440] =	vst v1  }
0x68: {  	[tilespmem:$0x1A450] =	vst v1  }
0x69: {  	[tilespmem:$0x1A460] =	vst v1  }
0x6a: {  	[tilespmem:$0x1A470] =	vst v1  }
0x6b: {  	[tilespmem:$0x1A480] =	vst v1  }
0x6c: {  	[tilespmem:$0x1A490] =	vst v1  }
0x6d: {  	[tilespmem:$0x1A4A0] =	vst v1  }
0x6e: {  	[tilespmem:$0x1A4B0] =	vst v1  }
0x6f: {  	[tilespmem:$0x1A4C0] =	vst v1  }
0x70: {  	[tilespmem:$0x1A4D0] =	vst v1  }
0x71: {  	[tilespmem:$0x1A4E0] =	vst v1  }
0x72: {  	[tilespmem:$0x1A4F0] =	vst v1  }
0x73: {  	[tilespmem:$0x1A500] =	vst v1  }
0x74: {  	[tilespmem:$0x1A510] =	vst v1  }
0x75: {  	[tilespmem:$0x1A520] =	vst v1  }
0x76: {  	v0 =	vld [tilespmem:$0x1FD80];
	[tilespmem:$0x1A530] =	vst v1  }
0x77: {  	v19 =	vld [tilespmem:$0x1FD90];
	[tilespmem:$0x1A540] =	vst v1  }
0x78: {  	v20 =	vld [tilespmem:$0x1FDA0];
	[tilespmem:$0x1A550] =	vst v1  }
0x79: {  	v21 =	vld [tilespmem:$0x1FDB0];
	[tilespmem:$0x1A560] =	vst v1  }
0x7a: {  	v22 =	vld [tilespmem:$0x1FDC0];
	[tilespmem:$0x1A570] =	vst v1  }
0x7b: {  	v23 =	vld [tilespmem:$0x1FDD0];
	[tilespmem:$0x1A580] =	vst v0  }
0x7c: {  	v24 =	vld [tilespmem:$0x1FDE0];
	[tilespmem:$0x1A590] =	vst v19  }
0x7d: {  	v25 =	vld [tilespmem:$0x1FDF0];
	[tilespmem:$0x1A5A0] =	vst v20  }
0x7e: {  	v26 =	vld [tilespmem:$0x1FE00];
	[tilespmem:$0x1A5B0] =	vst v21  }
0x7f: {  	v27 =	vld [tilespmem:$0x1FE10];
	[tilespmem:$0x1A5C0] =	vst v22  }
0x80: {  	v28 =	vld [tilespmem:$0x1FE20];
	[tilespmem:$0x1A5D0] =	vst v23  }
0x81: {  	v29 =	vld [tilespmem:$0x1FE30];
	[tilespmem:$0x1A5E0] =	vst v24  }
0x82: {  	v30 =	vld [tilespmem:$0x1FE40];
	[tilespmem:$0x1A5F0] =	vst v25  }
0x83: {  	v31 =	vld [tilespmem:$0x1FE50];
	[tilespmem:$0x1A600] =	vst v26  }
0x84: {  	v32 =	vld [tilespmem:$0x1FE60];
	[tilespmem:$0x1A610] =	vst v27  }
0x85: {  	v33 =	vld [tilespmem:$0x1FE70];
	[tilespmem:$0x1A620] =	vst v28  }
0x86: {  	v34 =	vld [tilespmem:$0x1FE80];
	[tilespmem:$0x1A630] =	vst v29  }
0x87: {  	v35 =	vld [tilespmem:$0x1FE90];
	[tilespmem:$0x1A640] =	vst v30  }
0x88: {  	v36 =	vld [tilespmem:$0x1FEA0];
	[tilespmem:$0x1A650] =	vst v31  }
0x89: {  	v37 =	vld [tilespmem:$0x1FEB0];
	[tilespmem:$0x1A660] =	vst v32  }
0x8a: {  	v38 =	vld [tilespmem:$0x1FEC0];
	[tilespmem:$0x1A670] =	vst v33  }
0x8b: {  	v39 =	vld [tilespmem:$0x1FED0];
	[tilespmem:$0x1A680] =	vst v34  }
0x8c: {  	v40 =	vld [tilespmem:$0x1FEE0];
	[tilespmem:$0x1A690] =	vst v35  }
0x8d: {  	v41 =	vld [tilespmem:$0x1FEF0];
	[tilespmem:$0x1A6A0] =	vst v36  }
0x8e: {  	v46 =	vld [tilespmem:$0x1FF00];
	[tilespmem:$0x1A6B0] =	vst v37  }
0x8f: {  	v47 =	vld [tilespmem:$0x1FF10];
	[tilespmem:$0x1A6C0] =	vst v38  }
0x90: {  	v48 =	vld [tilespmem:$0x1FF20];
	[tilespmem:$0x1A6D0] =	vst v39  }
0x91: {  	v49 =	vld [tilespmem:$0x1FF30];
	[tilespmem:$0x1A6E0] =	vst v40  }
0x92: {  	v50 =	vld [tilespmem:$0x1FF40];
	[tilespmem:$0x1A6F0] =	vst v41  }
0x93: {  	v51 =	vld [tilespmem:$0x1FF50];
	[tilespmem:$0x1A700] =	vst v46  }
0x94: {  	v52 =	vld [tilespmem:$0x1FF60];
	[tilespmem:$0x1A710] =	vst v47  }
0x95: {  	v53 =	vld [tilespmem:$0x1FF70];
	[tilespmem:$0x1A720] =	vst v48  }
0x96: {  	v55 =	vld [tilespmem:$0x1FF80];
	[tilespmem:$0x1A730] =	vst v49  }
0x97: {  	v56 =	vld [tilespmem:$0x1FF90];
	[tilespmem:$0x1A740] =	vst v50  }
0x98: {  	v57 =	vld [tilespmem:$0x1FFA0];
	[tilespmem:$0x1A750] =	vst v51  }
0x99: {  	v58 =	vld [tilespmem:$0x1FFB0];
	[tilespmem:$0x1A760] =	vst v52  }
0x9a: {  	v59 =	vld [tilespmem:$0x1FFC0];
	[tilespmem:$0x1A770] =	vst v53  }
0x9b: {  	v60 =	vld [tilespmem:$0x1FFD0];
	[tilespmem:$0x1A780] =	vst v55  }
0x9c: {  	v61 =	vld [tilespmem:$0x1FFE0];
	[tilespmem:$0x1A790] =	vst v56  }
0x9d: {  	v62 =	vld [tilespmem:$0x1FFF0];
	[tilespmem:$0x1A7A0] =	vst v57  }
0x9e: {  	[tilespmem:$0x1A7B0] =	vst v58  }
0x9f: {  	[tilespmem:$0x1A7C0] =	vst v59  }
0xa0: {  	[tilespmem:$0x1A7D0] =	vst v60  }
0xa1: {  	[dreg:$0x10] =	wrdreg s7;
	[tilespmem:$0x1A7E0] =	vst v61  }
0xa2: {  	s5 =	rddreg [dreg:$0x7];
	[tilespmem:$0x1A7F0] =	vst v62  }
0xa3: {  	[spmem:s5] =	stream.linear.scatter [tilespmem:s17], [sflag:$0x9], $0x280, $0x38;
	[tilespmem:$0x1AA00] =	vst v63  }
0xa4: {  	_ =	swait.ge [sflag:s12], $0x280  }
0xa5: {  	[sflag:s12] =	ssyncset.done $0x0  }
0xa6: {  	s17 =	rddreg [dreg:$0x8];
	[sflag:s12] =	ssyncadd.s32 $0xFFFFFD80  }
0xa7: {  	[tilespmem:s11], [sflag:$0x9] =	stream.linear.gather [hbm4b:s17+s6], $0x3E80, $0x38;
	[tilespmem:$0x1AA00] =	vst v63  }
0xa8: {  	_ =	swait.ge [sflag:s12], $0x3E80  }
0xa9: {  	[sflag:s12] =	ssyncset.done $0x0  }
0xaa: {  	s22 =	simm.s32 $0x4080;
	s21 =	rddreg [dreg:$0x9];
	[sflag:s12] =	ssyncadd.s32 $0xFFFFC180  }
0xab: {  	[tilespmem:s22], [sflag:$0x9] =	stream.linear.gather [hbm4b:s21+s6], $0x3E80, $0x38;
	[tilespmem:$0x1AA00] =	vst v63  }
0xac: {  	_ =	swait.ge [sflag:s12], $0x3E80  }
0xad: {  	[sflag:s12] =	ssyncset.done $0x0  }
0xae: {  	[sflag:s12] =	ssyncadd.s32 $0xFFFFC180  }
0xaf: {  	s23 =	rddreg [dreg:$0x3]  }
0xb0: {  	[tilespmem:s6], [sflag:$0x9] =	stream.linear.gather [hbm4b:s23+s6], $0x80, $0x38;
	[tilespmem:$0x1AA00] =	vst v63  }
0xb1: {  	_ =	swait.ge [sflag:s12], $0x80  }
0xb2: {  	[sflag:s12] =	ssyncset.done $0x0  }
0xb3: {  	[sflag:s12] =	ssyncadd.s32 $0xFFFFFF80  }
0xb4: {  	[bflag:$0x0] =	sbarrier.arrive $0xFFFF  }
0xb5: {  	v63 =	vld [tilespmem:$0x0]  }
0xb6: {  	v2 =	vld [tilespmem:$0x10]  }
0xb7: {  	v3 =	vld [tilespmem:$0x20]  }
0xb8: {  	v4 =	vld [tilespmem:$0x30]  }
0xb9: {  	v5 =	vld [tilespmem:$0x40]  }
0xba: {  	v6 =	vld [tilespmem:$0x50]  }
0xbb: {  	v7 =	vld [tilespmem:$0x60]  }
0xbc: {  	v8 =	vld [tilespmem:$0x70];
	_ =	sdelay $0x1  }
0xbd: {  	v46 =	vmul.f32 v63, v63;
	v47 =	vmul.f32 v2, v2  }
0xbe: {  	[tilespmem:s15], [sflag:$0x1] =	stream.indirect.gather [hbm4b:s0+s14], $0x80, s11, s14, $0xb8;
	v48 =	vmul.f32 v3, v3;
	v49 =	vmul.f32 v4, v4;
	[tilespmem:$0x1AA00] =	vst v63  }
0xbf: {  	s6 =	simm.s32 $0x0;
	v50 =	vmul.f32 v5, v5;
	v51 =	vmul.f32 v6, v6  }
0xc0: {  	[tilespmem:s18], [sflag:$0x1] =	stream.indirect.gather [hbm4b:s2+s14], $0x80, s22, s14, $0xb8;
	v52 =	vmul.f32 v7, v7;
	v53 =	vmul.f32 v8, v8;
	[tilespmem:$0x1AA00] =	vst v63  }
.LBB2_2:
0xc1: {  	s8 =	sshll.u32 s6, $0x8  }
0xc2: {  	s7 =	sadd.s32 $0x100, s8  }
0xc3: {  	[tilespmem:s19], [sflag:$0x2] =	stream.indirect.gather [hbm4b:s0+s14], $0x80, s7, s14, $0xb8;
	[tilespmem:$0x1AA00] =	vst v63  }
0xc4: {  	s9 =	sadd.s32 $0x4100, s8  }
0xc5: {  	[tilespmem:s20], [sflag:$0x2] =	stream.indirect.gather [hbm4b:s2+s14], $0x80, s9, s14, $0xb8;
	[tilespmem:$0x1AA00] =	vst v63  }
0xc6: {  	_ =	swait.ge [sflag:s24], $0x2800  }
0xc7: {  	[sflag:s24] =	ssyncset.done $0x0  }
0xc8: {  	s23 =	sand.u32 $0x3FFFFF00, s8;
	[sflag:s24] =	ssyncadd.s32 $0xFFFFD800  }
0xc9: {  	s11 =	sadd.s32 $0x12080, s23;
	_ =	swait.ge [sflag:s24], $0x2800  }
0xca: {  	s16 =	simm.s32 $0x0;
	s22 =	simm.s32 $0x8180;
	v0 =	vmov s11;
	[sflag:s24] =	ssyncset.done $0x0  }
0xcb: {  	s10 =	sor.u32 $0x80, s8;
	s9 =	simm.s32 $0xD180;
	[tilespmem:$0x1FD70] =	vst v0;
	[sflag:s24] =	ssyncadd.s32 $0xFFFFD800  }
.LBB2_3:
0xcc: {  	v58 =	vld [tilespmem:s9+$0xFFFFFFF0]  }
0xcd: {  	v2 =	vld [tilespmem:s22+$0xF0]  }
0xce: {  	v60 =	vld [tilespmem:s9+$0xFFFFFF70]  }
0xcf: {  	v4 =	vld [tilespmem:s22+$0x70]  }
0xd0: {  	v61 =	vld [tilespmem:s9+$0xFFFFFFE0]  }
0xd1: {  	v6 =	vld [tilespmem:s22+$0xFFFFFFF0]  }
0xd2: {  	v8 =	vld [tilespmem:s22+$0xE0]  }
0xd3: {  	v63 =	vld [tilespmem:s9+$0xFFFFFF60]  }
0xd4: {  	v10 =	vld [tilespmem:s22+$0xFFFFFF70]  }
0xd5: {  	v12 =	vld [tilespmem:s22+$0x60]  }
0xd6: {  	v1 =	vld [tilespmem:s9+$0xFFFFFFD0]  }
0xd7: {  	v13 =	vld [tilespmem:s22+$0xFFFFFFE0]  }
0xd8: {  	v14 =	vld [tilespmem:s22+$0xD0]  }
0xd9: {  	v3 =	vld [tilespmem:s9+$0xFFFFFF50]  }
0xda: {  	v18 =	vld [tilespmem:s22+$0xFFFFFF60]  }
0xdb: {  	v19 =	vld [tilespmem:s22+$0x50]  }
0xdc: {  	v5 =	vld [tilespmem:s9+$0xFFFFFFC0]  }
0xdd: {  	v20 =	vld [tilespmem:s22+$0xFFFFFFD0]  }
0xde: {  	v21 =	vld [tilespmem:s22+$0xC0]  }
0xdf: {  	v7 =	vld [tilespmem:s9+$0xFFFFFF40]  }
0xe0: {  	v23 =	vld [tilespmem:s22+$0xFFFFFF50]  }
0xe1: {  	v24 =	vld [tilespmem:s22+$0x40]  }
0xe2: {  	v9 =	vld [tilespmem:s9+$0xFFFFFFB0]  }
0xe3: {  	v25 =	vld [tilespmem:s22+$0xFFFFFFC0]  }
0xe4: {  	v26 =	vld [tilespmem:s22+$0xB0]  }
0xe5: {  	v11 =	vld [tilespmem:s9+$0xFFFFFF30]  }
0xe6: {  	v27 =	vld [tilespmem:s22+$0xFFFFFF40]  }
0xe7: {  	v28 =	vld [tilespmem:s22+$0x30]  }
0xe8: {  	v29 =	vld [tilespmem:s22+$0xFFFFFFB0]  }
0xe9: {  	v30 =	vld [tilespmem:s22+$0xA0]  }
0xea: {  	v31 =	vld [tilespmem:s22+$0xFFFFFF30]  }
0xeb: {  	v32 =	vld [tilespmem:s22+$0x20];
	v57 =	vmul.f32 v4, v53;
	v56 =	vmul.f32 v2, v53  }
0xec: {  	v33 =	vld [tilespmem:s22+$0xFFFFFFA0];
	v15 =	vmul.f32 v6, v53;
	v59 =	vmul.f32 v8, v52  }
0xed: {  	v34 =	vld [tilespmem:s22+$0x80];
	v17 =	vmul.f32 v10, v53;
	v62 =	vmul.f32 v12, v52  }
0xee: {  	v35 =	vld [tilespmem:s22+$0x90];
	v16 =	vmul.f32 v13, v52;
	v2 =	vmul.f32 v14, v51  }
0xef: {  	v36 =	vld [tilespmem:s22+$0xFFFFFF20];
	v22 =	vmul.f32 v18, v52;
	v4 =	vmul.f32 v19, v51  }
0xf0: {  	v37 =	vld [tilespmem:s22+$0x0];
	v19 =	vmul.f32 v20, v51;
	v6 =	vmul.f32 v21, v50  }
0xf1: {  	v38 =	vld [tilespmem:s22+$0x10];
	v23 =	vmul.f32 v23, v51;
	v8 =	vmul.f32 v24, v50  }
0xf2: {  	v39 =	vld [tilespmem:s22+$0xFFFFFF80];
	v24 =	vmul.f32 v25, v50;
	v10 =	vmul.f32 v26, v49  }
0xf3: {  	v55 =	vld [tilespmem:s22+$0xFFFFFF90];
	v25 =	vmul.f32 v27, v50;
	v12 =	vmul.f32 v28, v49  }
0xf4: {  	v40 =	vld [tilespmem:s22+$0xFFFFFF00];
	v26 =	vmul.f32 v29, v49;
	v13 =	vmul.f32 v30, v48  }
0xf5: {  	v41 =	vld [tilespmem:s22+$0xFFFFFF10];
	v31 =	vmul.f32 v31, v49;
	v14 =	vmul.f32 v32, v48  }
0xf6: {  	v29 =	vmul.f32 v33, v48;
	v30 =	vld [tilespmem:s9+$0xFFFFFFA0];
	v18 =	vmul.f32 v34, v46  }
0xf7: {  	v33 =	vmul.f32 v36, v48;
	v20 =	vld [tilespmem:s9+$0x80];
	v21 =	vmul.f32 v35, v47  }
0xf8: {  	v36 =	vld [tilespmem:s9+$0xFFFFFF20];
	v27 =	vmul.f32 v37, v46;
	v28 =	vmul.f32 v38, v47  }
0xf9: {  	s11 =	simm.s32 $0x4;
	v34 =	vmul.f32 v39, v46;
	v35 =	vmul.f32 v55, v47;
	v32 =	vld [tilespmem:s9+$0x0]  }
0xfa: {  	s17 =	smov.u32 s9;
	s21 =	smov.u32 s22;
	s23 =	simm.s32 $0x0;
	v55 =	vimm.f32 $0.0e+00;
	v38 =	vmul.f32 v40, v46;
	v39 =	vmul.f32 v41, v47;
	v37 =	vld [tilespmem:s9+$0xFFFFFF80]  }
.LBB2_4:
0xfb: {  	p1 =	slt.u32 s11, $0xC;
	v40 =	vld [tilespmem:s17+$0xFFFFFF00];
	v17 =	vmul.f32 v60, v17;
	v15 =	vmul.f32 v58, v15  }
0xfc: {  	v22 =	vmul.f32 v63, v22;
	v16 =	vmul.f32 v61, v16;
	v41 =	vld [tilespmem:s17+$0xFFFFFF10]  }
0xfd: {  	v3 =	vmul.f32 v3, v23;
	v1 =	vmul.f32 v1, v19;
	v23 =	vld [tilespmem:s17+$0xFFFFFF90]  }
0xfe: {  	v7 =	vmul.f32 v7, v25;
	v5 =	vmul.f32 v5, v24;
	v19 =	vld [tilespmem:s17+$0x10]  }
0xff: {  	v11 =	vmul.f32 v11, v31;
	v9 =	vmul.f32 v9, v26;
	v24 =	vld [tilespmem:s17+$0x90]  }
0x100: {  	v26 =	vmul.f32 v30, v29;
	v25 =	vmul.f32 v36, v33;
	v29 =	vld [tilespmem:s17+$0x20]  }
0x101: {  	v30 =	vmul.f32 v40, v38;
	v31 =	vmul.f32 v41, v39;
	v33 =	vld [tilespmem:s17+$0xA0]  }
0x102: {  	v34 =	vmul.f32 v37, v34;
	v23 =	vmul.f32 v23, v35;
	v35 =	vld [tilespmem:s17+$0x30]  }
0x103: {  	v27 =	vmul.f32 v32, v27;
	v30 =	vadd.f32 v31, v30;
	v19 =	vmul.f32 v19, v28;
	v28 =	vld [tilespmem:s17+$0xB0]  }
0x104: {  	v18 =	vmul.f32 v20, v18;
	v23 =	vadd.f32 v23, v34;
	v31 =	vld [tilespmem:s17+$0x40];
	v20 =	vmul.f32 v24, v21  }
0x105: {  	v21 =	vadd.f32 v25, v30;
	v19 =	vadd.f32 v19, v27;
	v14 =	vmul.f32 v29, v14;
	v24 =	vld [tilespmem:s17+$0xC0]  }
0x106: {  	v23 =	vadd.f32 v26, v23;
	v25 =	vld [tilespmem:s17+$0x50];
	v18 =	vadd.f32 v20, v18;
	v13 =	vmul.f32 v33, v13  }
0x107: {  	v11 =	vadd.f32 v11, v21;
	v14 =	vadd.f32 v14, v19;
	v12 =	vmul.f32 v35, v12;
	v19 =	vld [tilespmem:s17+$0xD0]  }
0x108: {  	v9 =	vadd.f32 v9, v23;
	v20 =	vld [tilespmem:s17+$0x60];
	v13 =	vadd.f32 v13, v18;
	v10 =	vmul.f32 v28, v10  }
0x109: {  	v7 =	vadd.f32 v7, v11;
	v11 =	vadd.f32 v12, v14;
	v8 =	vmul.f32 v31, v8;
	v12 =	vld [tilespmem:s17+$0xE0]  }
0x10a: {  	v5 =	vadd.f32 v5, v9;
	v9 =	vld [tilespmem:s17+$0x70];
	v10 =	vadd.f32 v10, v13;
	v6 =	vmul.f32 v24, v6  }
0x10b: {  	v3 =	vadd.f32 v3, v7;
	v7 =	vadd.f32 v8, v11;
	v4 =	vmul.f32 v25, v4;
	v8 =	vld [tilespmem:s17+$0xF0];
	s17 =	sadd.s32 $0x200, s17  }
0x10c: {  	s21 =	sadd.s32 $0x200, s21;
	v58 =	vld [tilespmem:s17+$0xFFFFFFF0];
	v1 =	vadd.f32 v1, v5;
	v5 =	vadd.f32 v6, v10;
	v2 =	vmul.f32 v19, v2  }
0x10d: {  	v6 =	vld [tilespmem:s21+$0xF0];
	v3 =	vadd.f32 v22, v3;
	v4 =	vadd.f32 v4, v7;
	v7 =	vmul.f32 v20, v62  }
0x10e: {  	v60 =	vld [tilespmem:s17+$0xFFFFFF70];
	v1 =	vadd.f32 v16, v1;
	v2 =	vadd.f32 v2, v5;
	v5 =	vmul.f32 v12, v59  }
0x10f: {  	v10 =	vld [tilespmem:s21+$0x70];
	v3 =	vadd.f32 v17, v3;
	v4 =	vadd.f32 v7, v4;
	v7 =	vmul.f32 v9, v57  }
0x110: {  	v61 =	vld [tilespmem:s17+$0xFFFFFFE0];
	v1 =	vadd.f32 v15, v1;
	v2 =	vadd.f32 v5, v2;
	v5 =	vmul.f32 v8, v56  }
0x111: {  	v8 =	vld [tilespmem:s21+$0xFFFFFFF0];
	v9 =	vperm.xlane v3, v42;
	v4 =	vadd.f32 v7, v4  }
0x112: {  	v12 =	vld [tilespmem:s21+$0xE0];
	v7 =	vperm.xlane v1, v42;
	v2 =	vadd.f32 v5, v2  }
0x113: {  	v63 =	vld [tilespmem:s17+$0xFFFFFF60];
	v3 =	vadd.f32 v3, v9;
	v5 =	vperm.xlane v4, v42  }
0x114: {  	v13 =	vld [tilespmem:s21+$0xFFFFFF70];
	v7 =	vadd.f32 v1, v7;
	v9 =	vperm.xlane v2, v42  }
0x115: {  	v14 =	vld [tilespmem:s21+$0x60];
	v11 =	vperm.xlane v3, v43;
	v4 =	vadd.f32 v4, v5  }
0x116: {  	v1 =	vld [tilespmem:s17+$0xFFFFFFD0];
	v5 =	vperm.xlane v7, v43;
	v2 =	vadd.f32 v2, v9  }
0x117: {  	v16 =	vld [tilespmem:s21+$0xFFFFFFE0];
	v9 =	vadd.f32 v3, v11;
	v11 =	vperm.xlane v4, v43  }
0x118: {  	v18 =	vld [tilespmem:s21+$0xD0];
	v7 =	vadd.f32 v7, v5;
	v5 =	vperm.xlane v2, v43  }
0x119: {  	v3 =	vld [tilespmem:s17+$0xFFFFFF50];
	v15 =	vperm.xlane v9, v44;
	v4 =	vadd.f32 v4, v11  }
0x11a: {  	v19 =	vld [tilespmem:s21+$0xFFFFFF60];
	v11 =	vperm.xlane v7, v44;
	v2 =	vadd.f32 v2, v5  }
0x11b: {  	v20 =	vld [tilespmem:s21+$0x50];
	v9 =	vadd.f32 v9, v15;
	v15 =	vperm.xlane v4, v44  }
0x11c: {  	s5 =	sadd.s32 $0x3, s23;
	v17 =	vmov s23;
	v5 =	vld [tilespmem:s17+$0xFFFFFFC0];
	v11 =	vadd.f32 v7, v11;
	v7 =	vperm.xlane v2, v44  }
0x11d: {  	s13 =	sadd.s32 $0x2, s23;
	v21 =	vld [tilespmem:s21+$0xFFFFFFD0];
	v22 =	vperm.xlane v9, v45;
	v4 =	vadd.f32 v4, v15;
	v15 =	vmov s5  }
0x11e: {  	v25 =	vmov s13;
	v23 =	vld [tilespmem:s21+$0xC0];
	v24 =	vperm.xlane v11, v45;
	v2 =	vadd.f32 v2, v7  }
0x11f: {  	vm0 =	veq.s32 v17, v54;
	s5 =	sadd.s32 $0x1, s23;
	s23 =	smov.u32 s11;
	v7 =	vld [tilespmem:s17+$0xFFFFFF40];
	v9 =	vadd.f32 v9, v22;
	v17 =	vperm.xlane v4, v45  }
0x120: {  	v22 =	vmov s5;
	v26 =	vld [tilespmem:s21+$0xFFFFFF50];
	v11 =	vadd.f32 v11, v24;
	v24 =	vperm.xlane v2, v45  }
0x121: {  	v27 =	vld [tilespmem:s21+$0x40];
	v28 =	vsel vm0, v9, v55;
	vm0 =	veq.s32 v22, v54;
	v4 =	vadd.f32 v4, v17  }
0x122: {  	v9 =	vld [tilespmem:s17+$0xFFFFFFB0];
	v11 =	vsel vm0, v11, v28;
	vm0 =	veq.s32 v25, v54;
	v2 =	vadd.f32 v2, v24  }
0x123: {  	v24 =	vld [tilespmem:s21+$0xFFFFFFC0];
	v4 =	vsel vm0, v4, v11;
	vm0 =	veq.s32 v15, v54  }
0x124: {  	v25 =	vld [tilespmem:s21+$0xB0];
	v55 =	vsel vm0, v2, v4  }
0x125: {  	v11 =	vld [tilespmem:s17+$0xFFFFFF30]  }
0x126: {  	v28 =	vld [tilespmem:s21+$0xFFFFFF40]  }
0x127: {  	v29 =	vld [tilespmem:s21+$0x30]  }
0x128: {  	v30 =	vld [tilespmem:s21+$0xFFFFFFB0]  }
0x129: {  	v31 =	vld [tilespmem:s21+$0xA0]  }
0x12a: {  	v32 =	vld [tilespmem:s21+$0xFFFFFF30]  }
0x12b: {  	v56 =	vmul.f32 v6, v53;
	v57 =	vmul.f32 v10, v53;
	v33 =	vld [tilespmem:s21+$0x20]  }
0x12c: {  	v59 =	vmul.f32 v12, v52;
	v15 =	vmul.f32 v8, v53;
	v34 =	vld [tilespmem:s21+$0xFFFFFFA0]  }
0x12d: {  	v62 =	vmul.f32 v14, v52;
	v17 =	vmul.f32 v13, v53;
	v35 =	vld [tilespmem:s21+$0x80]  }
0x12e: {  	v16 =	vmul.f32 v16, v52;
	v2 =	vmul.f32 v18, v51;
	v36 =	vld [tilespmem:s21+$0x90]  }
0x12f: {  	v22 =	vmul.f32 v19, v52;
	v4 =	vmul.f32 v20, v51;
	v37 =	vld [tilespmem:s21+$0xFFFFFF20]  }
0x130: {  	v19 =	vmul.f32 v21, v51;
	v6 =	vmul.f32 v23, v50;
	v38 =	vld [tilespmem:s21+$0x0]  }
0x131: {  	v23 =	vmul.f32 v26, v51;
	v8 =	vmul.f32 v27, v50;
	v39 =	vld [tilespmem:s21+$0x10]  }
0x132: {  	v24 =	vmul.f32 v24, v50;
	v10 =	vmul.f32 v25, v49;
	v40 =	vld [tilespmem:s21+$0xFFFFFF80]  }
0x133: {  	v25 =	vmul.f32 v28, v50;
	v12 =	vmul.f32 v29, v49;
	v41 =	vld [tilespmem:s21+$0xFFFFFF90]  }
0x134: {  	v26 =	vmul.f32 v30, v49;
	v13 =	vmul.f32 v31, v48;
	v54 =	vld [tilespmem:s21+$0xFFFFFF00]  }
0x135: {  	v31 =	vmul.f32 v32, v49;
	v14 =	vmul.f32 v33, v48;
	v0 =	vld [tilespmem:s21+$0xFFFFFF10]  }
.Ltmp2:
0x136: {  	v29 =	vmul.f32 v34, v48;
	v18 =	vmul.f32 v35, v46;
	v30 =	vld [tilespmem:s17+$0xFFFFFFA0];
	(pc) =	sbr.rel @p1 .LBB2_4-.Ltmp2, $4  }
0x137: {  	v21 =	vmul.f32 v36, v47;
	v33 =	vmul.f32 v37, v48;
	v20 =	vld [tilespmem:s17+$0x80]  }
0x138: {  	v27 =	vmul.f32 v38, v46;
	v28 =	vmul.f32 v39, v47;
	v36 =	vld [tilespmem:s17+$0xFFFFFF20]  }
0x139: {  	v34 =	vmul.f32 v40, v46;
	v35 =	vmul.f32 v41, v47;
	v32 =	vld [tilespmem:s17+$0x0]  }
0x13a: {  	s11 =	sadd.s32 $0x4, s11;
	v38 =	vmul.f32 v54, v46;
	v54 =	vlaneseq.u32;
	v39 =	vmul.f32 v0, v47;
	v37 =	vld [tilespmem:s17+$0xFFFFFF80]  }
0x13b: {  	v0 =	vld [tilespmem:s17+$0xFFFFFF00];
	v17 =	vmul.f32 v60, v17;
	v15 =	vmul.f32 v58, v15  }
0x13c: {  	v40 =	vld [tilespmem:s17+$0xFFFFFF10];
	v22 =	vmul.f32 v63, v22;
	v16 =	vmul.f32 v61, v16  }
0x13d: {  	v3 =	vmul.f32 v3, v23;
	v23 =	vld [tilespmem:s17+$0xFFFFFF90];
	v1 =	vmul.f32 v1, v19  }
0x13e: {  	v7 =	vmul.f32 v7, v25;
	v5 =	vmul.f32 v5, v24;
	v19 =	vld [tilespmem:s17+$0x10]  }
0x13f: {  	v11 =	vmul.f32 v11, v31;
	v9 =	vmul.f32 v9, v26;
	v24 =	vld [tilespmem:s17+$0x90]  }
0x140: {  	v58 =	vmul.f32 v30, v29;
	v60 =	vld [tilespmem:s17+$0x20];
	v41 =	vmul.f32 v36, v33  }
0x141: {  	v63 =	vld [tilespmem:s17+$0xA0];
	v0 =	vmul.f32 v0, v38;
	v61 =	vmul.f32 v40, v39  }
0x142: {  	v36 =	vmul.f32 v37, v34;
	v37 =	vld [tilespmem:s17+$0x30];
	v23 =	vmul.f32 v23, v35  }
0x143: {  	v27 =	vmul.f32 v32, v27;
	v19 =	vmul.f32 v19, v28;
	v38 =	vld [tilespmem:s17+$0xB0];
	v0 =	vadd.f32 v61, v0  }
0x144: {  	v18 =	vmul.f32 v20, v18;
	v39 =	vld [tilespmem:s17+$0x40];
	v40 =	vmul.f32 v24, v21;
	v23 =	vadd.f32 v23, v36  }
0x145: {  	v14 =	vmul.f32 v60, v14;
	v19 =	vadd.f32 v19, v27;
	v0 =	vadd.f32 v41, v0;
	v41 =	vld [tilespmem:s17+$0xC0]  }
0x146: {  	v13 =	vmul.f32 v63, v13;
	v18 =	vadd.f32 v40, v18;
	v23 =	vadd.f32 v58, v23;
	v58 =	vld [tilespmem:s17+$0x50]  }
0x147: {  	v61 =	vld [tilespmem:s17+$0xD0];
	v60 =	vadd.f32 v14, v19;
	v12 =	vmul.f32 v37, v12;
	v0 =	vadd.f32 v11, v0  }
0x148: {  	v63 =	vld [tilespmem:s17+$0x60];
	v13 =	vadd.f32 v13, v18;
	v10 =	vmul.f32 v38, v10;
	v9 =	vadd.f32 v9, v23  }
0x149: {  	v18 =	vld [tilespmem:s17+$0xE0];
	v8 =	vmul.f32 v39, v8;
	v12 =	vadd.f32 v12, v60;
	v0 =	vadd.f32 v7, v0  }
0x14a: {  	v20 =	vld [tilespmem:s17+$0x70];
	v10 =	vadd.f32 v10, v13;
	v5 =	vadd.f32 v5, v9;
	v6 =	vmul.f32 v41, v6  }
0x14b: {  	v24 =	vld [tilespmem:s17+$0xF0];
	v23 =	vadd.f32 v8, v12;
	v4 =	vmul.f32 v58, v4;
	v0 =	vadd.f32 v3, v0  }
0x14c: {  	v2 =	vmul.f32 v61, v2;
	v1 =	vadd.f32 v1, v5;
	v25 =	vadd.f32 v6, v10  }
0x14d: {  	v26 =	vmul.f32 v63, v62;
	v3 =	vadd.f32 v4, v23;
	v0 =	vadd.f32 v22, v0  }
0x14e: {  	v27 =	vmul.f32 v18, v59;
	v1 =	vadd.f32 v16, v1;
	v2 =	vadd.f32 v2, v25  }
0x14f: {  	v28 =	vmul.f32 v20, v57;
	v3 =	vadd.f32 v26, v3;
	v0 =	vadd.f32 v17, v0  }
0x150: {  	v29 =	vmul.f32 v24, v56;
	v1 =	vadd.f32 v15, v1;
	v2 =	vadd.f32 v27, v2  }
0x151: {  	v3 =	vadd.f32 v28, v3;
	v30 =	vperm.xlane v0, v42  }
0x152: {  	v31 =	vperm.xlane v1, v42;
	v2 =	vadd.f32 v29, v2  }
0x153: {  	v32 =	vperm.xlane v3, v42;
	v0 =	vadd.f32 v0, v30  }
0x154: {  	v1 =	vadd.f32 v1, v31;
	v33 =	vperm.xlane v2, v42  }
0x155: {  	v3 =	vadd.f32 v3, v32;
	v6 =	vperm.xlane v0, v43  }
0x156: {  	v34 =	vperm.xlane v1, v43;
	v2 =	vadd.f32 v2, v33  }
0x157: {  	v35 =	vperm.xlane v3, v43;
	v0 =	vadd.f32 v0, v6  }
0x158: {  	v1 =	vadd.f32 v1, v34;
	v36 =	vperm.xlane v2, v43  }
0x159: {  	v3 =	vadd.f32 v3, v35;
	v6 =	vperm.xlane v0, v44  }
0x15a: {  	v37 =	vperm.xlane v1, v44;
	v2 =	vadd.f32 v2, v36  }
0x15b: {  	v38 =	vperm.xlane v3, v44;
	v0 =	vadd.f32 v0, v6  }
0x15c: {  	s5 =	sadd.s32 $0x3, s23;
	v39 =	vmov s23;
	v1 =	vadd.f32 v1, v37;
	v40 =	vperm.xlane v2, v44  }
0x15d: {  	v56 =	vmov s5;
	v3 =	vadd.f32 v3, v38;
	v41 =	vperm.xlane v0, v45  }
0x15e: {  	s21 =	sadd.s32 $0x1, s23;
	vm0 =	veq.s32 v39, v54;
	v57 =	vperm.xlane v1, v45;
	v2 =	vadd.f32 v2, v40  }
0x15f: {  	v60 =	vmov s21;
	v59 =	vperm.xlane v3, v45;
	v0 =	vadd.f32 v0, v41  }
0x160: {  	s11 =	sadd.s32 $0x2, s23;
	vm13 =	veq.s32 v60, v54;
	v1 =	vadd.f32 v1, v57;
	v61 =	vperm.xlane v2, v45  }
0x161: {  	v58 =	vmov s11;
	v3 =	vadd.f32 v3, v59;
	v0 =	vsel vm0, v0, v55  }
0x162: {  	vm14 =	veq.s32 v58, v54;
	v0 =	vsel vm13, v1, v0;
	v62 =	vadd.f32 v2, v61  }
0x163: {  	vm15 =	veq.s32 v56, v54;
	v0 =	vsel vm14, v3, v0  }
0x164: {  	v0 =	vsel vm15, v62, v0  }
0x165: {  	v0 =	vmul.f32 $1.442695020e+00, v0;
	_ =	sdelay $0x1  }
0x166: {  	(erf) = vpow2.f32 v0;
	_ =	sdelay $0x8  }
0x167: {  	v0 =	vpop (erf)  }
0x168: {  	v0 =	vsub.f32 $0.0e+00, v0;
	_ =	sdelay $0x1  }
0x169: {  	v0 =	vmul.f32 $1.442695020e+00, v0;
	_ =	sdelay $0x1  }
0x16a: {  	(erf) = vpow2.f32 v0;
	_ =	sdelay $0x8  }
0x16b: {  	v0 =	vpop (erf)  }
0x16c: {  	v0 =	vadd.f32 $1.000000000e+00, v0;
	_ =	sdelay $0x1  }
0x16d: {  	(erf) = vrcp.f32 v0;
	_ =	sdelay $0x1  }
0x16e: {  	v63 =	vld [tilespmem:$0x1FD70];
	_ =	sdelay $0x1  }
0x16f: {  	s23 =	sshll.u32 s16, $0x4;
	s16 =	sadd.s32 $0x1, s16  }
0x170: {  	p1 =	sne.s32 s16, $0x5  }
.Ltmp3:
0x171: {  	_ = 	snop;
	(pc) =	sbr.rel @p1 .LBB2_3-.Ltmp3, $3  }
0x172: {  	_ =	sdelay $0x1  }
0x173: {  	s5 =	sand.u32 $0x3FFFFFF0, s23;
	v0 =	vpop (erf)  }
0x174: {  	s9 =	sadd.s32 $0x800, s9;
	s22 =	sadd.s32 $0x800, s22;
	[tilespmem:v63+s5+$0x0 ss:$0x1] =	vst.idx.msk $0xffff, v0  }
0x175: {  	s5 =	sadd.s32 $0x12080, s8;
	s9 =	sadd.s32 $0x80, s8  }
0x176: {  	[spmem:s4] =	stream.indirect.scatter.add.f32 [tilespmem:s5], [sflag:$0x3], $0x1, s9, s14, $0xb8;
	[tilespmem:$0x1AA00] =	vst v63  }
0x177: {  	s22 =	sadd.s32 $0x180, s8  }
0x178: {  	[tilespmem:s15], [sflag:$0x1] =	stream.indirect.gather [hbm4b:s0+s14], $0x80, s22, s14, $0xb8;
	[tilespmem:$0x1AA00] =	vst v63  }
0x179: {  	s23 =	sadd.s32 $0x4180, s8  }
0x17a: {  	[tilespmem:s18], [sflag:$0x1] =	stream.indirect.gather [hbm4b:s2+s14], $0x80, s23, s14, $0xb8;
	[tilespmem:$0x1AA00] =	vst v63  }
0x17b: {  	_ =	swait.ge [sflag:s25], $0x2800  }
0x17c: {  	[sflag:s25] =	ssyncset.done $0x0  }
0x17d: {  	[sflag:s25] =	ssyncadd.s32 $0xFFFFD800  }
0x17e: {  	s8 =	sadd.s32 $0x12080, s10;
	_ =	swait.ge [sflag:s25], $0x2800  }
0x17f: {  	s10 =	simm.s32 $0x0;
	v0 =	vmov s8;
	[sflag:s25] =	ssyncset.done $0x0  }
0x180: {  	s16 =	simm.s32 $0xF980;
	s17 =	simm.s32 $0xA980;
	[tilespmem:$0x1FD60] =	vst v0;
	[sflag:s25] =	ssyncadd.s32 $0xFFFFD800  }
.LBB2_7:
0x181: {  	v58 =	vld [tilespmem:s16+$0xFFFFFFF0]  }
0x182: {  	v0 =	vld [tilespmem:s17+$0xF0]  }
0x183: {  	v60 =	vld [tilespmem:s16+$0xFFFFFF70]  }
0x184: {  	v2 =	vld [tilespmem:s17+$0x70]  }
0x185: {  	v61 =	vld [tilespmem:s16+$0xFFFFFFE0]  }
0x186: {  	v4 =	vld [tilespmem:s17+$0xFFFFFFF0]  }
0x187: {  	v6 =	vld [tilespmem:s17+$0xE0]  }
0x188: {  	v63 =	vld [tilespmem:s16+$0xFFFFFF60]  }
0x189: {  	v8 =	vld [tilespmem:s17+$0xFFFFFF70]  }
0x18a: {  	v10 =	vld [tilespmem:s17+$0x60]  }
0x18b: {  	v1 =	vld [tilespmem:s16+$0xFFFFFFD0]  }
0x18c: {  	v12 =	vld [tilespmem:s17+$0xFFFFFFE0]  }
0x18d: {  	v13 =	vld [tilespmem:s17+$0xD0]  }
0x18e: {  	v3 =	vld [tilespmem:s16+$0xFFFFFF50]  }
0x18f: {  	v14 =	vld [tilespmem:s17+$0xFFFFFF60]  }
0x190: {  	v18 =	vld [tilespmem:s17+$0x50]  }
0x191: {  	v5 =	vld [tilespmem:s16+$0xFFFFFFC0]  }
0x192: {  	v19 =	vld [tilespmem:s17+$0xFFFFFFD0]  }
0x193: {  	v20 =	vld [tilespmem:s17+$0xC0]  }
0x194: {  	v7 =	vld [tilespmem:s16+$0xFFFFFF40]  }
0x195: {  	v21 =	vld [tilespmem:s17+$0xFFFFFF50]  }
0x196: {  	v24 =	vld [tilespmem:s17+$0x40]  }
0x197: {  	v9 =	vld [tilespmem:s16+$0xFFFFFFB0]  }
0x198: {  	v25 =	vld [tilespmem:s17+$0xFFFFFFC0]  }
0x199: {  	v26 =	vld [tilespmem:s17+$0xB0]  }
0x19a: {  	v11 =	vld [tilespmem:s16+$0xFFFFFF30]  }
0x19b: {  	v27 =	vld [tilespmem:s17+$0xFFFFFF40]  }
0x19c: {  	v28 =	vld [tilespmem:s17+$0x30]  }
0x19d: {  	v29 =	vld [tilespmem:s17+$0xFFFFFFB0]  }
0x19e: {  	v30 =	vld [tilespmem:s17+$0xA0]  }
0x19f: {  	v31 =	vld [tilespmem:s17+$0xFFFFFF30]  }
0x1a0: {  	v32 =	vld [tilespmem:s17+$0x20];
	v57 =	vmul.f32 v2, v53;
	v56 =	vmul.f32 v0, v53  }
0x1a1: {  	v33 =	vld [tilespmem:s17+$0x80];
	v15 =	vmul.f32 v4, v53;
	v59 =	vmul.f32 v6, v52  }
0x1a2: {  	v34 =	vld [tilespmem:s17+$0x90];
	v17 =	vmul.f32 v8, v53;
	v62 =	vmul.f32 v10, v52  }
0x1a3: {  	v35 =	vld [tilespmem:s17+$0xFFFFFF20];
	v16 =	vmul.f32 v12, v52;
	v2 =	vmul.f32 v13, v51  }
0x1a4: {  	v37 =	vld [tilespmem:s17+$0x0];
	v22 =	vmul.f32 v14, v52;
	v4 =	vmul.f32 v18, v51  }
0x1a5: {  	v38 =	vld [tilespmem:s17+$0x10];
	v19 =	vmul.f32 v19, v51;
	v6 =	vmul.f32 v20, v50  }
0x1a6: {  	v39 =	vld [tilespmem:s17+$0xFFFFFF80];
	v23 =	vmul.f32 v21, v51;
	v8 =	vmul.f32 v24, v50  }
0x1a7: {  	v40 =	vld [tilespmem:s17+$0xFFFFFF90];
	v24 =	vmul.f32 v25, v50;
	v10 =	vmul.f32 v26, v49  }
0x1a8: {  	v41 =	vld [tilespmem:s17+$0xFFFFFF00];
	v25 =	vmul.f32 v27, v50;
	v12 =	vmul.f32 v28, v49  }
0x1a9: {  	v54 =	vld [tilespmem:s17+$0xFFFFFF10];
	v26 =	vmul.f32 v29, v49;
	v13 =	vmul.f32 v30, v48  }
0x1aa: {  	v0 =	vld [tilespmem:s17+$0xFFFFFFA0];
	v31 =	vmul.f32 v31, v49;
	v14 =	vmul.f32 v32, v48  }
0x1ab: {  	v36 =	vld [tilespmem:s16+$0xFFFFFF20];
	v18 =	vmul.f32 v33, v46;
	v33 =	vmul.f32 v35, v48  }
0x1ac: {  	v30 =	vld [tilespmem:s16+$0xFFFFFFA0];
	v21 =	vmul.f32 v34, v47;
	v27 =	vmul.f32 v37, v46  }
0x1ad: {  	v20 =	vld [tilespmem:s16+$0x80];
	v28 =	vmul.f32 v38, v47;
	v34 =	vmul.f32 v39, v46  }
0x1ae: {  	v55 =	vimm.f32 $0.0e+00;
	s11 =	simm.s32 $0x4;
	v35 =	vmul.f32 v40, v47;
	v32 =	vld [tilespmem:s16+$0x0];
	v38 =	vmul.f32 v41, v46  }
0x1af: {  	s9 =	smov.u32 s16;
	s22 =	smov.u32 s17;
	s21 =	simm.s32 $0x0;
	v39 =	vmul.f32 v54, v47;
	v54 =	vlaneseq.u32;
	v37 =	vld [tilespmem:s16+$0xFFFFFF80];
	v29 =	vmul.f32 v0, v48  }
.LBB2_8:
0x1b0: {  	p1 =	slt.u32 s11, $0xC;
	v0 =	vld [tilespmem:s9+$0xFFFFFF00];
	v17 =	vmul.f32 v60, v17;
	v15 =	vmul.f32 v58, v15  }
0x1b1: {  	v22 =	vmul.f32 v63, v22;
	v16 =	vmul.f32 v61, v16;
	v40 =	vld [tilespmem:s9+$0xFFFFFF10]  }
0x1b2: {  	v3 =	vmul.f32 v3, v23;
	v1 =	vmul.f32 v1, v19;
	v23 =	vld [tilespmem:s9+$0xFFFFFF90]  }
0x1b3: {  	v7 =	vmul.f32 v7, v25;
	v5 =	vmul.f32 v5, v24;
	v19 =	vld [tilespmem:s9+$0x10]  }
0x1b4: {  	v11 =	vmul.f32 v11, v31;
	v9 =	vmul.f32 v9, v26;
	v24 =	vld [tilespmem:s9+$0x90]  }
0x1b5: {  	v26 =	vmul.f32 v30, v29;
	v25 =	vmul.f32 v36, v33;
	v29 =	vld [tilespmem:s9+$0x20]  }
0x1b6: {  	v0 =	vmul.f32 v0, v38;
	v30 =	vmul.f32 v40, v39;
	v31 =	vld [tilespmem:s9+$0xA0]  }
0x1b7: {  	v33 =	vmul.f32 v37, v34;
	v23 =	vmul.f32 v23, v35;
	v34 =	vld [tilespmem:s9+$0x30]  }
0x1b8: {  	v27 =	vmul.f32 v32, v27;
	v0 =	vadd.f32 v30, v0;
	v19 =	vmul.f32 v19, v28;
	v28 =	vld [tilespmem:s9+$0xB0]  }
0x1b9: {  	v18 =	vmul.f32 v20, v18;
	v23 =	vadd.f32 v23, v33;
	v30 =	vld [tilespmem:s9+$0x40];
	v20 =	vmul.f32 v24, v21  }
0x1ba: {  	v0 =	vadd.f32 v25, v0;
	v19 =	vadd.f32 v19, v27;
	v14 =	vmul.f32 v29, v14;
	v21 =	vld [tilespmem:s9+$0xC0]  }
0x1bb: {  	v23 =	vadd.f32 v26, v23;
	v24 =	vld [tilespmem:s9+$0x50];
	v18 =	vadd.f32 v20, v18;
	v13 =	vmul.f32 v31, v13  }
0x1bc: {  	v0 =	vadd.f32 v11, v0;
	v11 =	vadd.f32 v14, v19;
	v12 =	vmul.f32 v34, v12;
	v14 =	vld [tilespmem:s9+$0xD0]  }
0x1bd: {  	v9 =	vadd.f32 v9, v23;
	v19 =	vld [tilespmem:s9+$0x60];
	v13 =	vadd.f32 v13, v18;
	v10 =	vmul.f32 v28, v10  }
0x1be: {  	v0 =	vadd.f32 v7, v0;
	v7 =	vadd.f32 v12, v11;
	v8 =	vmul.f32 v30, v8;
	v11 =	vld [tilespmem:s9+$0xE0]  }
0x1bf: {  	v5 =	vadd.f32 v5, v9;
	v9 =	vld [tilespmem:s9+$0x70];
	v10 =	vadd.f32 v10, v13;
	v6 =	vmul.f32 v21, v6  }
0x1c0: {  	v0 =	vadd.f32 v3, v0;
	v3 =	vadd.f32 v8, v7;
	v4 =	vmul.f32 v24, v4;
	v7 =	vld [tilespmem:s9+$0xF0];
	s9 =	sadd.s32 $0x200, s9  }
0x1c1: {  	s22 =	sadd.s32 $0x200, s22;
	v58 =	vld [tilespmem:s9+$0xFFFFFFF0];
	v1 =	vadd.f32 v1, v5;
	v5 =	vadd.f32 v6, v10;
	v2 =	vmul.f32 v14, v2  }
0x1c2: {  	v6 =	vld [tilespmem:s22+$0xF0];
	v0 =	vadd.f32 v22, v0;
	v3 =	vadd.f32 v4, v3;
	v4 =	vmul.f32 v19, v62  }
0x1c3: {  	v60 =	vld [tilespmem:s9+$0xFFFFFF70];
	v1 =	vadd.f32 v16, v1;
	v2 =	vadd.f32 v2, v5;
	v5 =	vmul.f32 v11, v59  }
0x1c4: {  	v8 =	vld [tilespmem:s22+$0x70];
	v0 =	vadd.f32 v17, v0;
	v3 =	vadd.f32 v4, v3;
	v4 =	vmul.f32 v9, v57  }
0x1c5: {  	v61 =	vld [tilespmem:s9+$0xFFFFFFE0];
	v1 =	vadd.f32 v15, v1;
	v2 =	vadd.f32 v5, v2;
	v5 =	vmul.f32 v7, v56  }
0x1c6: {  	v10 =	vld [tilespmem:s22+$0xFFFFFFF0];
	v7 =	vperm.xlane v0, v42;
	v3 =	vadd.f32 v4, v3  }
0x1c7: {  	v4 =	vld [tilespmem:s22+$0xE0];
	v9 =	vperm.xlane v1, v42;
	v2 =	vadd.f32 v5, v2  }
0x1c8: {  	v63 =	vld [tilespmem:s9+$0xFFFFFF60];
	v0 =	vadd.f32 v0, v7;
	v5 =	vperm.xlane v3, v42  }
0x1c9: {  	v12 =	vld [tilespmem:s22+$0xFFFFFF70];
	v7 =	vadd.f32 v1, v9;
	v9 =	vperm.xlane v2, v42  }
0x1ca: {  	v13 =	vld [tilespmem:s22+$0x60];
	v11 =	vperm.xlane v0, v43;
	v5 =	vadd.f32 v3, v5  }
0x1cb: {  	v1 =	vld [tilespmem:s9+$0xFFFFFFD0];
	v3 =	vperm.xlane v7, v43;
	v2 =	vadd.f32 v2, v9  }
0x1cc: {  	v14 =	vld [tilespmem:s22+$0xFFFFFFE0];
	v0 =	vadd.f32 v0, v11;
	v9 =	vperm.xlane v5, v43  }
0x1cd: {  	v18 =	vld [tilespmem:s22+$0xD0];
	v7 =	vadd.f32 v7, v3;
	v11 =	vperm.xlane v2, v43  }
0x1ce: {  	v3 =	vld [tilespmem:s9+$0xFFFFFF50];
	v15 =	vperm.xlane v0, v44;
	v9 =	vadd.f32 v5, v9  }
0x1cf: {  	v19 =	vld [tilespmem:s22+$0xFFFFFF60];
	v16 =	vperm.xlane v7, v44;
	v2 =	vadd.f32 v2, v11  }
0x1d0: {  	v20 =	vld [tilespmem:s22+$0x50];
	v0 =	vadd.f32 v0, v15;
	v11 =	vperm.xlane v9, v44  }
0x1d1: {  	s5 =	sadd.s32 $0x3, s21;
	v15 =	vmov s21;
	v5 =	vld [tilespmem:s9+$0xFFFFFFC0];
	v16 =	vadd.f32 v7, v16;
	v7 =	vperm.xlane v2, v44  }
0x1d2: {  	s13 =	sadd.s32 $0x2, s21;
	v21 =	vld [tilespmem:s22+$0xFFFFFFD0];
	v17 =	vperm.xlane v0, v45;
	v9 =	vadd.f32 v9, v11;
	v11 =	vmov s5  }
0x1d3: {  	v24 =	vmov s13;
	v23 =	vld [tilespmem:s22+$0xC0];
	v22 =	vperm.xlane v16, v45;
	v2 =	vadd.f32 v2, v7  }
0x1d4: {  	vm0 =	veq.s32 v15, v54;
	s5 =	sadd.s32 $0x1, s21;
	s21 =	smov.u32 s11;
	v7 =	vld [tilespmem:s9+$0xFFFFFF40];
	v0 =	vadd.f32 v0, v17;
	v15 =	vperm.xlane v9, v45  }
0x1d5: {  	v17 =	vmov s5;
	v25 =	vld [tilespmem:s22+$0xFFFFFF50];
	v16 =	vadd.f32 v16, v22;
	v22 =	vperm.xlane v2, v45  }
0x1d6: {  	v26 =	vld [tilespmem:s22+$0x40];
	v0 =	vsel vm0, v0, v55;
	vm0 =	veq.s32 v17, v54;
	v15 =	vadd.f32 v9, v15  }
0x1d7: {  	v9 =	vld [tilespmem:s9+$0xFFFFFFB0];
	v0 =	vsel vm0, v16, v0;
	vm0 =	veq.s32 v24, v54;
	v2 =	vadd.f32 v2, v22  }
0x1d8: {  	v24 =	vld [tilespmem:s22+$0xFFFFFFC0];
	v0 =	vsel vm0, v15, v0;
	vm0 =	veq.s32 v11, v54  }
0x1d9: {  	v27 =	vld [tilespmem:s22+$0xB0];
	v55 =	vsel vm0, v2, v0  }
0x1da: {  	v11 =	vld [tilespmem:s9+$0xFFFFFF30]  }
0x1db: {  	v0 =	vld [tilespmem:s22+$0xFFFFFF40]  }
0x1dc: {  	v28 =	vld [tilespmem:s22+$0x30]  }
0x1dd: {  	v29 =	vld [tilespmem:s22+$0xFFFFFFB0]  }
0x1de: {  	v30 =	vld [tilespmem:s22+$0xA0]  }
0x1df: {  	v31 =	vld [tilespmem:s22+$0xFFFFFF30]  }
0x1e0: {  	v56 =	vmul.f32 v6, v53;
	v57 =	vmul.f32 v8, v53;
	v32 =	vld [tilespmem:s22+$0x20]  }
0x1e1: {  	v59 =	vmul.f32 v4, v52;
	v15 =	vmul.f32 v10, v53;
	v33 =	vld [tilespmem:s22+$0xFFFFFFA0]  }
0x1e2: {  	v62 =	vmul.f32 v13, v52;
	v17 =	vmul.f32 v12, v53;
	v34 =	vld [tilespmem:s22+$0x80]  }
0x1e3: {  	v16 =	vmul.f32 v14, v52;
	v2 =	vmul.f32 v18, v51;
	v35 =	vld [tilespmem:s22+$0x90]  }
0x1e4: {  	v4 =	vmul.f32 v20, v51;
	v22 =	vmul.f32 v19, v52;
	v36 =	vld [tilespmem:s22+$0xFFFFFF20]  }
0x1e5: {  	v19 =	vmul.f32 v21, v51;
	v6 =	vmul.f32 v23, v50;
	v37 =	vld [tilespmem:s22+$0x0]  }
0x1e6: {  	v23 =	vmul.f32 v25, v51;
	v8 =	vmul.f32 v26, v50;
	v38 =	vld [tilespmem:s22+$0x10]  }
0x1e7: {  	v24 =	vmul.f32 v24, v50;
	v10 =	vmul.f32 v27, v49;
	v39 =	vld [tilespmem:s22+$0xFFFFFF80]  }
0x1e8: {  	v25 =	vmul.f32 v0, v50;
	v12 =	vmul.f32 v28, v49;
	v0 =	vld [tilespmem:s22+$0xFFFFFF90]  }
0x1e9: {  	v26 =	vmul.f32 v29, v49;
	v13 =	vmul.f32 v30, v48;
	v40 =	vld [tilespmem:s22+$0xFFFFFF00]  }
0x1ea: {  	v31 =	vmul.f32 v31, v49;
	v14 =	vmul.f32 v32, v48;
	v41 =	vld [tilespmem:s22+$0xFFFFFF10]  }
.Ltmp4:
0x1eb: {  	v29 =	vmul.f32 v33, v48;
	v18 =	vmul.f32 v34, v46;
	v30 =	vld [tilespmem:s9+$0xFFFFFFA0];
	(pc) =	sbr.rel @p1 .LBB2_8-.Ltmp4, $4  }
0x1ec: {  	v21 =	vmul.f32 v35, v47;
	v33 =	vmul.f32 v36, v48;
	v20 =	vld [tilespmem:s9+$0x80]  }
0x1ed: {  	v27 =	vmul.f32 v37, v46;
	v28 =	vmul.f32 v38, v47;
	v36 =	vld [tilespmem:s9+$0xFFFFFF20]  }
0x1ee: {  	v34 =	vmul.f32 v39, v46;
	v35 =	vmul.f32 v0, v47;
	v32 =	vld [tilespmem:s9+$0x0]  }
0x1ef: {  	s11 =	sadd.s32 $0x4, s11;
	v38 =	vmul.f32 v40, v46;
	v39 =	vmul.f32 v41, v47;
	v37 =	vld [tilespmem:s9+$0xFFFFFF80]  }
0x1f0: {  	v0 =	vld [tilespmem:s9+$0xFFFFFF00];
	v17 =	vmul.f32 v60, v17;
	v15 =	vmul.f32 v58, v15  }
0x1f1: {  	v40 =	vld [tilespmem:s9+$0xFFFFFF10];
	v22 =	vmul.f32 v63, v22;
	v16 =	vmul.f32 v61, v16  }
0x1f2: {  	v3 =	vmul.f32 v3, v23;
	v23 =	vld [tilespmem:s9+$0xFFFFFF90];
	v1 =	vmul.f32 v1, v19  }
0x1f3: {  	v7 =	vmul.f32 v7, v25;
	v5 =	vmul.f32 v5, v24;
	v19 =	vld [tilespmem:s9+$0x10]  }
0x1f4: {  	v11 =	vmul.f32 v11, v31;
	v9 =	vmul.f32 v9, v26;
	v24 =	vld [tilespmem:s9+$0x90]  }
0x1f5: {  	v58 =	vmul.f32 v30, v29;
	v60 =	vld [tilespmem:s9+$0x20];
	v41 =	vmul.f32 v36, v33  }
0x1f6: {  	v63 =	vld [tilespmem:s9+$0xA0];
	v0 =	vmul.f32 v0, v38;
	v61 =	vmul.f32 v40, v39  }
0x1f7: {  	v36 =	vmul.f32 v37, v34;
	v37 =	vld [tilespmem:s9+$0x30];
	v23 =	vmul.f32 v23, v35  }
0x1f8: {  	v27 =	vmul.f32 v32, v27;
	v19 =	vmul.f32 v19, v28;
	v38 =	vld [tilespmem:s9+$0xB0];
	v0 =	vadd.f32 v61, v0  }
0x1f9: {  	v18 =	vmul.f32 v20, v18;
	v39 =	vld [tilespmem:s9+$0x40];
	v40 =	vmul.f32 v24, v21;
	v23 =	vadd.f32 v23, v36  }
0x1fa: {  	v14 =	vmul.f32 v60, v14;
	v19 =	vadd.f32 v19, v27;
	v0 =	vadd.f32 v41, v0;
	v41 =	vld [tilespmem:s9+$0xC0]  }
0x1fb: {  	v13 =	vmul.f32 v63, v13;
	v18 =	vadd.f32 v40, v18;
	v23 =	vadd.f32 v58, v23;
	v58 =	vld [tilespmem:s9+$0x50]  }
0x1fc: {  	v61 =	vld [tilespmem:s9+$0xD0];
	v60 =	vadd.f32 v14, v19;
	v12 =	vmul.f32 v37, v12;
	v0 =	vadd.f32 v11, v0  }
0x1fd: {  	v63 =	vld [tilespmem:s9+$0x60];
	v13 =	vadd.f32 v13, v18;
	v10 =	vmul.f32 v38, v10;
	v9 =	vadd.f32 v9, v23  }
0x1fe: {  	v18 =	vld [tilespmem:s9+$0xE0];
	v8 =	vmul.f32 v39, v8;
	v12 =	vadd.f32 v12, v60;
	v0 =	vadd.f32 v7, v0  }
0x1ff: {  	v20 =	vld [tilespmem:s9+$0x70];
	v10 =	vadd.f32 v10, v13;
	v5 =	vadd.f32 v5, v9;
	v6 =	vmul.f32 v41, v6  }
0x200: {  	v24 =	vld [tilespmem:s9+$0xF0];
	v23 =	vadd.f32 v8, v12;
	v4 =	vmul.f32 v58, v4;
	v0 =	vadd.f32 v3, v0  }
0x201: {  	v2 =	vmul.f32 v61, v2;
	v1 =	vadd.f32 v1, v5;
	v25 =	vadd.f32 v6, v10  }
0x202: {  	v26 =	vmul.f32 v63, v62;
	v3 =	vadd.f32 v4, v23;
	v0 =	vadd.f32 v22, v0  }
0x203: {  	v27 =	vmul.f32 v18, v59;
	v1 =	vadd.f32 v16, v1;
	v2 =	vadd.f32 v2, v25  }
0x204: {  	v28 =	vmul.f32 v20, v57;
	v3 =	vadd.f32 v26, v3;
	v0 =	vadd.f32 v17, v0  }
0x205: {  	v29 =	vmul.f32 v24, v56;
	v1 =	vadd.f32 v15, v1;
	v2 =	vadd.f32 v27, v2  }
0x206: {  	v3 =	vadd.f32 v28, v3;
	v30 =	vperm.xlane v0, v42  }
0x207: {  	v31 =	vperm.xlane v1, v42;
	v2 =	vadd.f32 v29, v2  }
0x208: {  	v32 =	vperm.xlane v3, v42;
	v0 =	vadd.f32 v0, v30  }
0x209: {  	v1 =	vadd.f32 v1, v31;
	v33 =	vperm.xlane v2, v42  }
0x20a: {  	v3 =	vadd.f32 v3, v32;
	v6 =	vperm.xlane v0, v43  }
0x20b: {  	v34 =	vperm.xlane v1, v43;
	v2 =	vadd.f32 v2, v33  }
0x20c: {  	v35 =	vperm.xlane v3, v43;
	v0 =	vadd.f32 v0, v6  }
0x20d: {  	v1 =	vadd.f32 v1, v34;
	v36 =	vperm.xlane v2, v43  }
0x20e: {  	v3 =	vadd.f32 v3, v35;
	v6 =	vperm.xlane v0, v44  }
0x20f: {  	v37 =	vperm.xlane v1, v44;
	v2 =	vadd.f32 v2, v36  }
0x210: {  	v38 =	vperm.xlane v3, v44;
	v0 =	vadd.f32 v0, v6  }
0x211: {  	s5 =	sadd.s32 $0x3, s21;
	v39 =	vmov s21;
	v1 =	vadd.f32 v1, v37;
	v40 =	vperm.xlane v2, v44  }
0x212: {  	v56 =	vmov s5;
	v3 =	vadd.f32 v3, v38;
	v41 =	vperm.xlane v0, v45  }
0x213: {  	s22 =	sadd.s32 $0x1, s21;
	vm0 =	veq.s32 v39, v54;
	v57 =	vperm.xlane v1, v45;
	v2 =	vadd.f32 v2, v40  }
0x214: {  	v60 =	vmov s22;
	v59 =	vperm.xlane v3, v45;
	v0 =	vadd.f32 v0, v41  }
0x215: {  	s13 =	sadd.s32 $0x2, s21;
	vm13 =	veq.s32 v60, v54;
	v1 =	vadd.f32 v1, v57;
	v61 =	vperm.xlane v2, v45  }
0x216: {  	v58 =	vmov s13;
	v3 =	vadd.f32 v3, v59;
	v0 =	vsel vm0, v0, v55  }
0x217: {  	vm14 =	veq.s32 v58, v54;
	v0 =	vsel vm13, v1, v0;
	v62 =	vadd.f32 v2, v61  }
0x218: {  	vm15 =	veq.s32 v56, v54;
	v0 =	vsel vm14, v3, v0  }
0x219: {  	v0 =	vsel vm15, v62, v0  }
0x21a: {  	v0 =	vmul.f32 $1.442695020e+00, v0;
	_ =	sdelay $0x1  }
0x21b: {  	(erf) = vpow2.f32 v0;
	_ =	sdelay $0x8  }
0x21c: {  	v0 =	vpop (erf)  }
0x21d: {  	v0 =	vsub.f32 $0.0e+00, v0;
	_ =	sdelay $0x1  }
0x21e: {  	v0 =	vmul.f32 $1.442695020e+00, v0;
	_ =	sdelay $0x1  }
0x21f: {  	(erf) = vpow2.f32 v0;
	_ =	sdelay $0x8  }
0x220: {  	v0 =	vpop (erf)  }
0x221: {  	v0 =	vadd.f32 $1.000000000e+00, v0;
	_ =	sdelay $0x1  }
0x222: {  	(erf) = vrcp.f32 v0;
	_ =	sdelay $0x1  }
0x223: {  	v63 =	vld [tilespmem:$0x1FD60];
	_ =	sdelay $0x1  }
0x224: {  	s23 =	sshll.u32 s10, $0x4;
	s10 =	sadd.s32 $0x1, s10  }
0x225: {  	p1 =	sne.s32 s10, $0x5  }
.Ltmp5:
0x226: {  	_ = 	snop;
	(pc) =	sbr.rel @p1 .LBB2_7-.Ltmp5, $3  }
0x227: {  	_ =	sdelay $0x1  }
0x228: {  	s5 =	sand.u32 $0x3FFFFFF0, s23;
	v0 =	vpop (erf)  }
0x229: {  	s16 =	sadd.s32 $0x800, s16;
	s17 =	sadd.s32 $0x800, s17;
	[tilespmem:v63+s5+$0x0 ss:$0x1] =	vst.idx.msk $0xffff, v0  }
0x22a: {  	s6 =	sadd.s32 $0x1, s6  }
0x22b: {  	p1 =	sne.s32 s6, $0x3E  }
.Ltmp6:
0x22c: {  	_ = 	snop;
	(pc) =	sbr.rel @p1 .LBB2_2-.Ltmp6, $2  }
0x22d: {  	_ =	sdelay $0x2  }
0x22e: {  	[spmem:s4] =	stream.indirect.scatter.add.f32 [tilespmem:s8], [sflag:$0x3], $0x1, s7, s14, $0xb8;
	[tilespmem:$0x1AA00] =	vst v63  }
0x22f: {  	_ =	swait.ge [sflag:s24], $0x2800  }
0x230: {  	[sflag:s24] =	ssyncset.done $0x0  }
0x231: {  	[sflag:s24] =	ssyncadd.s32 $0xFFFFD800  }
0x232: {  	_ =	swait.ge [sflag:s24], $0x2800  }
0x233: {  	s6 =	simm.s32 $0x0;
	s7 =	simm.s32 $0xD180;
	[sflag:s24] =	ssyncset.done $0x0  }
0x234: {  	s8 =	simm.s32 $0x8180;
	s17 =	simm.s32 $0x1A300;
	[sflag:s24] =	ssyncadd.s32 $0xFFFFD800  }
.LBB2_12:
0x235: {  	v57 =	vld [tilespmem:s7+$0xFFFFFFF0]  }
0x236: {  	v0 =	vld [tilespmem:s8+$0xF0]  }
0x237: {  	v59 =	vld [tilespmem:s7+$0xFFFFFF70]  }
0x238: {  	v2 =	vld [tilespmem:s8+$0x70]  }
0x239: {  	v60 =	vld [tilespmem:s7+$0xFFFFFFE0]  }
0x23a: {  	v4 =	vld [tilespmem:s8+$0xFFFFFFF0]  }
0x23b: {  	v6 =	vld [tilespmem:s8+$0xE0]  }
0x23c: {  	v62 =	vld [tilespmem:s7+$0xFFFFFF60]  }
0x23d: {  	v8 =	vld [tilespmem:s8+$0xFFFFFF70]  }
0x23e: {  	v10 =	vld [tilespmem:s8+$0x60]  }
0x23f: {  	v1 =	vld [tilespmem:s7+$0xFFFFFFD0]  }
0x240: {  	v12 =	vld [tilespmem:s8+$0xFFFFFFE0]  }
0x241: {  	v13 =	vld [tilespmem:s8+$0xD0]  }
0x242: {  	v3 =	vld [tilespmem:s7+$0xFFFFFF50]  }
0x243: {  	v14 =	vld [tilespmem:s8+$0xFFFFFF60]  }
0x244: {  	v18 =	vld [tilespmem:s8+$0x50]  }
0x245: {  	v5 =	vld [tilespmem:s7+$0xFFFFFFC0]  }
0x246: {  	v19 =	vld [tilespmem:s8+$0xFFFFFFD0]  }
0x247: {  	v20 =	vld [tilespmem:s8+$0xC0]  }
0x248: {  	v7 =	vld [tilespmem:s7+$0xFFFFFF40]  }
0x249: {  	v21 =	vld [tilespmem:s8+$0xFFFFFF50]  }
0x24a: {  	v24 =	vld [tilespmem:s8+$0x40]  }
0x24b: {  	v9 =	vld [tilespmem:s7+$0xFFFFFFB0]  }
0x24c: {  	v25 =	vld [tilespmem:s8+$0xFFFFFFC0]  }
0x24d: {  	v26 =	vld [tilespmem:s8+$0xB0]  }
0x24e: {  	v11 =	vld [tilespmem:s7+$0xFFFFFF30]  }
0x24f: {  	v27 =	vld [tilespmem:s8+$0xFFFFFF40]  }
0x250: {  	v28 =	vld [tilespmem:s8+$0x30]  }
0x251: {  	v29 =	vld [tilespmem:s8+$0xFFFFFFB0]  }
0x252: {  	v30 =	vld [tilespmem:s8+$0xA0]  }
0x253: {  	v31 =	vld [tilespmem:s8+$0xFFFFFF30]  }
0x254: {  	v32 =	vld [tilespmem:s8+$0x20];
	v56 =	vmul.f32 v2, v53;
	v55 =	vmul.f32 v0, v53  }
0x255: {  	v36 =	vld [tilespmem:s8+$0xFFFFFFA0];
	v15 =	vmul.f32 v4, v53;
	v58 =	vmul.f32 v6, v52  }
0x256: {  	v33 =	vld [tilespmem:s8+$0x80];
	v17 =	vmul.f32 v8, v53;
	v61 =	vmul.f32 v10, v52  }
0x257: {  	v34 =	vld [tilespmem:s8+$0x90];
	v16 =	vmul.f32 v12, v52;
	v2 =	vmul.f32 v13, v51  }
0x258: {  	v35 =	vld [tilespmem:s8+$0xFFFFFF20];
	v22 =	vmul.f32 v14, v52;
	v4 =	vmul.f32 v18, v51  }
0x259: {  	v37 =	vld [tilespmem:s8+$0x0];
	v19 =	vmul.f32 v19, v51;
	v6 =	vmul.f32 v20, v50  }
0x25a: {  	v38 =	vld [tilespmem:s8+$0x10];
	v23 =	vmul.f32 v21, v51;
	v8 =	vmul.f32 v24, v50  }
0x25b: {  	v39 =	vld [tilespmem:s8+$0xFFFFFF80];
	v24 =	vmul.f32 v25, v50;
	v10 =	vmul.f32 v26, v49  }
0x25c: {  	v40 =	vld [tilespmem:s8+$0xFFFFFF90];
	v25 =	vmul.f32 v27, v50;
	v12 =	vmul.f32 v28, v49  }
0x25d: {  	v41 =	vld [tilespmem:s8+$0xFFFFFF00];
	v26 =	vmul.f32 v29, v49;
	v13 =	vmul.f32 v30, v48  }
0x25e: {  	v0 =	vld [tilespmem:s8+$0xFFFFFF10];
	v31 =	vmul.f32 v31, v49;
	v14 =	vmul.f32 v32, v48  }
0x25f: {  	v29 =	vmul.f32 v36, v48;
	v30 =	vld [tilespmem:s7+$0xFFFFFFA0];
	v18 =	vmul.f32 v33, v46  }
0x260: {  	v33 =	vmul.f32 v35, v48;
	v20 =	vld [tilespmem:s7+$0x80];
	v21 =	vmul.f32 v34, v47  }
0x261: {  	v36 =	vld [tilespmem:s7+$0xFFFFFF20];
	v27 =	vmul.f32 v37, v46;
	v28 =	vmul.f32 v38, v47  }
0x262: {  	v63 =	vlaneseq.u32;
	s11 =	simm.s32 $0x4;
	v34 =	vmul.f32 v39, v46;
	v35 =	vmul.f32 v40, v47;
	v32 =	vld [tilespmem:s7+$0x0]  }
0x263: {  	v54 =	vimm.f32 $0.0e+00;
	s9 =	smov.u32 s7;
	s16 =	smov.u32 s8;
	s10 =	simm.s32 $0x0;
	v38 =	vmul.f32 v41, v46;
	v37 =	vld [tilespmem:s7+$0xFFFFFF80];
	v39 =	vmul.f32 v0, v47  }
.LBB2_13:
0x264: {  	p1 =	slt.u32 s11, $0xC;
	v0 =	vld [tilespmem:s9+$0xFFFFFF00];
	v17 =	vmul.f32 v59, v17;
	v15 =	vmul.f32 v57, v15  }
0x265: {  	v22 =	vmul.f32 v62, v22;
	v16 =	vmul.f32 v60, v16;
	v40 =	vld [tilespmem:s9+$0xFFFFFF10]  }
0x266: {  	v3 =	vmul.f32 v3, v23;
	v1 =	vmul.f32 v1, v19;
	v23 =	vld [tilespmem:s9+$0xFFFFFF90]  }
0x267: {  	v7 =	vmul.f32 v7, v25;
	v5 =	vmul.f32 v5, v24;
	v19 =	vld [tilespmem:s9+$0x10]  }
0x268: {  	v11 =	vmul.f32 v11, v31;
	v9 =	vmul.f32 v9, v26;
	v24 =	vld [tilespmem:s9+$0x90]  }
0x269: {  	v26 =	vmul.f32 v30, v29;
	v25 =	vmul.f32 v36, v33;
	v29 =	vld [tilespmem:s9+$0x20]  }
0x26a: {  	v0 =	vmul.f32 v0, v38;
	v30 =	vmul.f32 v40, v39;
	v31 =	vld [tilespmem:s9+$0xA0]  }
0x26b: {  	v33 =	vmul.f32 v37, v34;
	v23 =	vmul.f32 v23, v35;
	v34 =	vld [tilespmem:s9+$0x30]  }
0x26c: {  	v27 =	vmul.f32 v32, v27;
	v0 =	vadd.f32 v30, v0;
	v19 =	vmul.f32 v19, v28;
	v28 =	vld [tilespmem:s9+$0xB0]  }
0x26d: {  	v18 =	vmul.f32 v20, v18;
	v23 =	vadd.f32 v23, v33;
	v30 =	vld [tilespmem:s9+$0x40];
	v20 =	vmul.f32 v24, v21  }
0x26e: {  	v0 =	vadd.f32 v25, v0;
	v19 =	vadd.f32 v19, v27;
	v14 =	vmul.f32 v29, v14;
	v21 =	vld [tilespmem:s9+$0xC0]  }
0x26f: {  	v23 =	vadd.f32 v26, v23;
	v24 =	vld [tilespmem:s9+$0x50];
	v18 =	vadd.f32 v20, v18;
	v13 =	vmul.f32 v31, v13  }
0x270: {  	v0 =	vadd.f32 v11, v0;
	v11 =	vadd.f32 v14, v19;
	v12 =	vmul.f32 v34, v12;
	v14 =	vld [tilespmem:s9+$0xD0]  }
0x271: {  	v9 =	vadd.f32 v9, v23;
	v19 =	vld [tilespmem:s9+$0x60];
	v13 =	vadd.f32 v13, v18;
	v10 =	vmul.f32 v28, v10  }
0x272: {  	v0 =	vadd.f32 v7, v0;
	v7 =	vadd.f32 v12, v11;
	v8 =	vmul.f32 v30, v8;
	v11 =	vld [tilespmem:s9+$0xE0]  }
0x273: {  	v5 =	vadd.f32 v5, v9;
	v9 =	vld [tilespmem:s9+$0x70];
	v10 =	vadd.f32 v10, v13;
	v6 =	vmul.f32 v21, v6  }
0x274: {  	v0 =	vadd.f32 v3, v0;
	v3 =	vadd.f32 v8, v7;
	v4 =	vmul.f32 v24, v4;
	v7 =	vld [tilespmem:s9+$0xF0];
	s9 =	sadd.s32 $0x200, s9  }
0x275: {  	s16 =	sadd.s32 $0x200, s16;
	v57 =	vld [tilespmem:s9+$0xFFFFFFF0];
	v1 =	vadd.f32 v1, v5;
	v5 =	vadd.f32 v6, v10;
	v2 =	vmul.f32 v14, v2  }
0x276: {  	v6 =	vld [tilespmem:s16+$0xF0];
	v0 =	vadd.f32 v22, v0;
	v3 =	vadd.f32 v4, v3;
	v4 =	vmul.f32 v19, v61  }
0x277: {  	v59 =	vld [tilespmem:s9+$0xFFFFFF70];
	v1 =	vadd.f32 v16, v1;
	v2 =	vadd.f32 v2, v5;
	v5 =	vmul.f32 v11, v58  }
0x278: {  	v8 =	vld [tilespmem:s16+$0x70];
	v0 =	vadd.f32 v17, v0;
	v3 =	vadd.f32 v4, v3;
	v4 =	vmul.f32 v9, v56  }
0x279: {  	v60 =	vld [tilespmem:s9+$0xFFFFFFE0];
	v1 =	vadd.f32 v15, v1;
	v2 =	vadd.f32 v5, v2;
	v5 =	vmul.f32 v7, v55  }
0x27a: {  	v10 =	vld [tilespmem:s16+$0xFFFFFFF0];
	v7 =	vperm.xlane v0, v42;
	v3 =	vadd.f32 v4, v3  }
0x27b: {  	v4 =	vld [tilespmem:s16+$0xE0];
	v9 =	vperm.xlane v1, v42;
	v2 =	vadd.f32 v5, v2  }
0x27c: {  	v62 =	vld [tilespmem:s9+$0xFFFFFF60];
	v0 =	vadd.f32 v0, v7;
	v5 =	vperm.xlane v3, v42  }
0x27d: {  	v12 =	vld [tilespmem:s16+$0xFFFFFF70];
	v7 =	vadd.f32 v1, v9;
	v9 =	vperm.xlane v2, v42  }
0x27e: {  	v13 =	vld [tilespmem:s16+$0x60];
	v11 =	vperm.xlane v0, v43;
	v5 =	vadd.f32 v3, v5  }
0x27f: {  	v1 =	vld [tilespmem:s9+$0xFFFFFFD0];
	v3 =	vperm.xlane v7, v43;
	v2 =	vadd.f32 v2, v9  }
0x280: {  	v14 =	vld [tilespmem:s16+$0xFFFFFFE0];
	v0 =	vadd.f32 v0, v11;
	v9 =	vperm.xlane v5, v43  }
0x281: {  	v18 =	vld [tilespmem:s16+$0xD0];
	v7 =	vadd.f32 v7, v3;
	v11 =	vperm.xlane v2, v43  }
0x282: {  	v3 =	vld [tilespmem:s9+$0xFFFFFF50];
	v15 =	vperm.xlane v0, v44;
	v9 =	vadd.f32 v5, v9  }
0x283: {  	v19 =	vld [tilespmem:s16+$0xFFFFFF60];
	v16 =	vperm.xlane v7, v44;
	v2 =	vadd.f32 v2, v11  }
0x284: {  	v20 =	vld [tilespmem:s16+$0x50];
	v0 =	vadd.f32 v0, v15;
	v11 =	vperm.xlane v9, v44  }
0x285: {  	s5 =	sadd.s32 $0x3, s10;
	v15 =	vmov s10;
	v5 =	vld [tilespmem:s9+$0xFFFFFFC0];
	v16 =	vadd.f32 v7, v16;
	v7 =	vperm.xlane v2, v44  }
0x286: {  	s13 =	sadd.s32 $0x2, s10;
	v21 =	vld [tilespmem:s16+$0xFFFFFFD0];
	v17 =	vperm.xlane v0, v45;
	v9 =	vadd.f32 v9, v11;
	v11 =	vmov s5  }
0x287: {  	v24 =	vmov s13;
	v23 =	vld [tilespmem:s16+$0xC0];
	v22 =	vperm.xlane v16, v45;
	v2 =	vadd.f32 v2, v7  }
0x288: {  	vm0 =	veq.s32 v15, v63;
	s5 =	sadd.s32 $0x1, s10;
	s10 =	smov.u32 s11;
	v7 =	vld [tilespmem:s9+$0xFFFFFF40];
	v0 =	vadd.f32 v0, v17;
	v15 =	vperm.xlane v9, v45  }
0x289: {  	v17 =	vmov s5;
	v25 =	vld [tilespmem:s16+$0xFFFFFF50];
	v16 =	vadd.f32 v16, v22;
	v22 =	vperm.xlane v2, v45  }
0x28a: {  	v26 =	vld [tilespmem:s16+$0x40];
	v0 =	vsel vm0, v0, v54;
	vm0 =	veq.s32 v17, v63;
	v15 =	vadd.f32 v9, v15  }
0x28b: {  	v9 =	vld [tilespmem:s9+$0xFFFFFFB0];
	v0 =	vsel vm0, v16, v0;
	vm0 =	veq.s32 v24, v63;
	v2 =	vadd.f32 v2, v22  }
0x28c: {  	v24 =	vld [tilespmem:s16+$0xFFFFFFC0];
	v0 =	vsel vm0, v15, v0;
	vm0 =	veq.s32 v11, v63  }
0x28d: {  	v27 =	vld [tilespmem:s16+$0xB0];
	v54 =	vsel vm0, v2, v0  }
0x28e: {  	v11 =	vld [tilespmem:s9+$0xFFFFFF30]  }
0x28f: {  	v0 =	vld [tilespmem:s16+$0xFFFFFF40]  }
0x290: {  	v28 =	vld [tilespmem:s16+$0x30]  }
0x291: {  	v29 =	vld [tilespmem:s16+$0xFFFFFFB0]  }
0x292: {  	v30 =	vld [tilespmem:s16+$0xA0]  }
0x293: {  	v31 =	vld [tilespmem:s16+$0xFFFFFF30]  }
0x294: {  	v55 =	vmul.f32 v6, v53;
	v56 =	vmul.f32 v8, v53;
	v32 =	vld [tilespmem:s16+$0x20]  }
0x295: {  	v58 =	vmul.f32 v4, v52;
	v15 =	vmul.f32 v10, v53;
	v33 =	vld [tilespmem:s16+$0xFFFFFFA0]  }
0x296: {  	v61 =	vmul.f32 v13, v52;
	v17 =	vmul.f32 v12, v53;
	v34 =	vld [tilespmem:s16+$0x80]  }
0x297: {  	v16 =	vmul.f32 v14, v52;
	v2 =	vmul.f32 v18, v51;
	v35 =	vld [tilespmem:s16+$0x90]  }
0x298: {  	v4 =	vmul.f32 v20, v51;
	v22 =	vmul.f32 v19, v52;
	v36 =	vld [tilespmem:s16+$0xFFFFFF20]  }
0x299: {  	v19 =	vmul.f32 v21, v51;
	v6 =	vmul.f32 v23, v50;
	v37 =	vld [tilespmem:s16+$0x0]  }
0x29a: {  	v23 =	vmul.f32 v25, v51;
	v8 =	vmul.f32 v26, v50;
	v38 =	vld [tilespmem:s16+$0x10]  }
0x29b: {  	v24 =	vmul.f32 v24, v50;
	v10 =	vmul.f32 v27, v49;
	v39 =	vld [tilespmem:s16+$0xFFFFFF80]  }
0x29c: {  	v25 =	vmul.f32 v0, v50;
	v12 =	vmul.f32 v28, v49;
	v0 =	vld [tilespmem:s16+$0xFFFFFF90]  }
0x29d: {  	v26 =	vmul.f32 v29, v49;
	v13 =	vmul.f32 v30, v48;
	v40 =	vld [tilespmem:s16+$0xFFFFFF00]  }
0x29e: {  	v31 =	vmul.f32 v31, v49;
	v14 =	vmul.f32 v32, v48;
	v41 =	vld [tilespmem:s16+$0xFFFFFF10]  }
.Ltmp7:
0x29f: {  	v29 =	vmul.f32 v33, v48;
	v18 =	vmul.f32 v34, v46;
	v30 =	vld [tilespmem:s9+$0xFFFFFFA0];
	(pc) =	sbr.rel @p1 .LBB2_13-.Ltmp7, $4  }
0x2a0: {  	v21 =	vmul.f32 v35, v47;
	v33 =	vmul.f32 v36, v48;
	v20 =	vld [tilespmem:s9+$0x80]  }
0x2a1: {  	v27 =	vmul.f32 v37, v46;
	v28 =	vmul.f32 v38, v47;
	v36 =	vld [tilespmem:s9+$0xFFFFFF20]  }
0x2a2: {  	v34 =	vmul.f32 v39, v46;
	v35 =	vmul.f32 v0, v47;
	v32 =	vld [tilespmem:s9+$0x0]  }
0x2a3: {  	s11 =	sadd.s32 $0x4, s11;
	v38 =	vmul.f32 v40, v46;
	v39 =	vmul.f32 v41, v47;
	v37 =	vld [tilespmem:s9+$0xFFFFFF80]  }
0x2a4: {  	v0 =	vld [tilespmem:s9+$0xFFFFFF00];
	v17 =	vmul.f32 v59, v17;
	v15 =	vmul.f32 v57, v15  }
0x2a5: {  	v40 =	vld [tilespmem:s9+$0xFFFFFF10];
	v22 =	vmul.f32 v62, v22;
	v16 =	vmul.f32 v60, v16  }
0x2a6: {  	v3 =	vmul.f32 v3, v23;
	v23 =	vld [tilespmem:s9+$0xFFFFFF90];
	v1 =	vmul.f32 v1, v19  }
0x2a7: {  	v7 =	vmul.f32 v7, v25;
	v5 =	vmul.f32 v5, v24;
	v19 =	vld [tilespmem:s9+$0x10]  }
0x2a8: {  	v11 =	vmul.f32 v11, v31;
	v9 =	vmul.f32 v9, v26;
	v24 =	vld [tilespmem:s9+$0x90]  }
0x2a9: {  	v57 =	vmul.f32 v30, v29;
	v59 =	vld [tilespmem:s9+$0x20];
	v41 =	vmul.f32 v36, v33  }
0x2aa: {  	v62 =	vld [tilespmem:s9+$0xA0];
	v0 =	vmul.f32 v0, v38;
	v60 =	vmul.f32 v40, v39  }
0x2ab: {  	v36 =	vmul.f32 v37, v34;
	v37 =	vld [tilespmem:s9+$0x30];
	v23 =	vmul.f32 v23, v35  }
0x2ac: {  	v27 =	vmul.f32 v32, v27;
	v19 =	vmul.f32 v19, v28;
	v38 =	vld [tilespmem:s9+$0xB0];
	v0 =	vadd.f32 v60, v0  }
0x2ad: {  	v18 =	vmul.f32 v20, v18;
	v39 =	vld [tilespmem:s9+$0x40];
	v40 =	vmul.f32 v24, v21;
	v23 =	vadd.f32 v23, v36  }
0x2ae: {  	v14 =	vmul.f32 v59, v14;
	v19 =	vadd.f32 v19, v27;
	v0 =	vadd.f32 v41, v0;
	v41 =	vld [tilespmem:s9+$0xC0]  }
0x2af: {  	v13 =	vmul.f32 v62, v13;
	v18 =	vadd.f32 v40, v18;
	v23 =	vadd.f32 v57, v23;
	v57 =	vld [tilespmem:s9+$0x50]  }
0x2b0: {  	v60 =	vld [tilespmem:s9+$0xD0];
	v59 =	vadd.f32 v14, v19;
	v12 =	vmul.f32 v37, v12;
	v0 =	vadd.f32 v11, v0  }
0x2b1: {  	v62 =	vld [tilespmem:s9+$0x60];
	v13 =	vadd.f32 v13, v18;
	v10 =	vmul.f32 v38, v10;
	v9 =	vadd.f32 v9, v23  }
0x2b2: {  	v18 =	vld [tilespmem:s9+$0xE0];
	v8 =	vmul.f32 v39, v8;
	v12 =	vadd.f32 v12, v59;
	v0 =	vadd.f32 v7, v0  }
0x2b3: {  	v20 =	vld [tilespmem:s9+$0x70];
	v10 =	vadd.f32 v10, v13;
	v5 =	vadd.f32 v5, v9;
	v6 =	vmul.f32 v41, v6  }
0x2b4: {  	v25 =	vld [tilespmem:s9+$0xF0];
	v23 =	vadd.f32 v8, v12;
	v4 =	vmul.f32 v57, v4;
	v0 =	vadd.f32 v3, v0  }
0x2b5: {  	v2 =	vmul.f32 v60, v2;
	v1 =	vadd.f32 v1, v5;
	v26 =	vadd.f32 v6, v10  }
0x2b6: {  	v27 =	vmul.f32 v62, v61;
	v3 =	vadd.f32 v4, v23;
	v0 =	vadd.f32 v22, v0  }
0x2b7: {  	v28 =	vmul.f32 v18, v58;
	v1 =	vadd.f32 v16, v1;
	v2 =	vadd.f32 v2, v26  }
0x2b8: {  	v29 =	vmul.f32 v20, v56;
	v3 =	vadd.f32 v27, v3;
	v0 =	vadd.f32 v17, v0  }
0x2b9: {  	v30 =	vmul.f32 v25, v55;
	v1 =	vadd.f32 v15, v1;
	v2 =	vadd.f32 v28, v2  }
0x2ba: {  	v3 =	vadd.f32 v29, v3;
	v31 =	vperm.xlane v0, v42  }
0x2bb: {  	v32 =	vperm.xlane v1, v42;
	v2 =	vadd.f32 v30, v2  }
0x2bc: {  	v33 =	vperm.xlane v3, v42;
	v0 =	vadd.f32 v0, v31  }
0x2bd: {  	v1 =	vadd.f32 v1, v32;
	v34 =	vperm.xlane v2, v42  }
0x2be: {  	v3 =	vadd.f32 v3, v33;
	v6 =	vperm.xlane v0, v43  }
0x2bf: {  	v35 =	vperm.xlane v1, v43;
	v2 =	vadd.f32 v2, v34  }
0x2c0: {  	v36 =	vperm.xlane v3, v43;
	v0 =	vadd.f32 v0, v6  }
0x2c1: {  	v1 =	vadd.f32 v1, v35;
	v37 =	vperm.xlane v2, v43  }
0x2c2: {  	v3 =	vadd.f32 v3, v36;
	v6 =	vperm.xlane v0, v44  }
0x2c3: {  	v38 =	vperm.xlane v1, v44;
	v2 =	vadd.f32 v2, v37  }
0x2c4: {  	s5 =	sadd.s32 $0x3, s10;
	v39 =	vperm.xlane v3, v44;
	v0 =	vadd.f32 v0, v6  }
0x2c5: {  	v56 =	vmov s5;
	v1 =	vadd.f32 v1, v38;
	v41 =	vperm.xlane v2, v44  }
0x2c6: {  	v40 =	vmov s10;
	v3 =	vadd.f32 v3, v39;
	v55 =	vperm.xlane v0, v45  }
0x2c7: {  	s22 =	sadd.s32 $0x1, s10;
	vm0 =	veq.s32 v40, v63;
	v57 =	vperm.xlane v1, v45;
	v2 =	vadd.f32 v2, v41  }
0x2c8: {  	v60 =	vmov s22;
	v59 =	vperm.xlane v3, v45;
	v0 =	vadd.f32 v0, v55  }
0x2c9: {  	s21 =	sadd.s32 $0x2, s10;
	vm13 =	veq.s32 v60, v63;
	v1 =	vadd.f32 v1, v57;
	v61 =	vperm.xlane v2, v45  }
0x2ca: {  	v58 =	vmov s21;
	v3 =	vadd.f32 v3, v59;
	v0 =	vsel vm0, v0, v54  }
0x2cb: {  	vm14 =	veq.s32 v58, v63;
	v0 =	vsel vm13, v1, v0;
	v62 =	vadd.f32 v2, v61  }
0x2cc: {  	vm15 =	veq.s32 v56, v63;
	v0 =	vsel vm14, v3, v0  }
0x2cd: {  	v0 =	vsel vm15, v62, v0  }
0x2ce: {  	v0 =	vmul.f32 $1.442695020e+00, v0;
	_ =	sdelay $0x1  }
0x2cf: {  	(erf) = vpow2.f32 v0;
	_ =	sdelay $0x8  }
0x2d0: {  	v0 =	vpop (erf)  }
0x2d1: {  	v0 =	vsub.f32 $0.0e+00, v0;
	_ =	sdelay $0x1  }
0x2d2: {  	v0 =	vmul.f32 $1.442695020e+00, v0;
	_ =	sdelay $0x1  }
0x2d3: {  	(erf) = vpow2.f32 v0;
	_ =	sdelay $0x8  }
0x2d4: {  	v0 =	vpop (erf)  }
0x2d5: {  	v0 =	vadd.f32 $1.000000000e+00, v0;
	_ =	sdelay $0x1  }
0x2d6: {  	(erf) = vrcp.f32 v0;
	_ =	sdelay $0x3  }
0x2d7: {  	s23 =	sshll.u32 s6, $0x4;
	s6 =	sadd.s32 $0x1, s6  }
0x2d8: {  	p1 =	sne.s32 s6, $0x5  }
.Ltmp8:
0x2d9: {  	_ = 	snop;
	(pc) =	sbr.rel @p1 .LBB2_12-.Ltmp8, $3  }
0x2da: {  	_ =	sdelay $0x1  }
0x2db: {  	s5 =	sand.u32 $0x3FFFFFF0, s23;
	v0 =	vpop (erf)  }
0x2dc: {  	s7 =	sadd.s32 $0x800, s7;
	s8 =	sadd.s32 $0x800, s8;
	v54 =	vlaneseq.u32;
	[tilespmem:s5+$0x15E80] =	vst v0  }
0x2dd: {  	s5 =	simm.s32 $0x3E80;
	s6 =	simm.s32 $0x15E80  }
0x2de: {  	[spmem:s4] =	stream.indirect.scatter.add.f32 [tilespmem:s6], [sflag:$0x3], $0x1, s5, s14, $0xb8;
	[tilespmem:$0x1AA00] =	vst v63  }
0x2df: {  	_ =	swait.ge [sflag:s29], $0x50  }
0x2e0: {  	s6 =	simm.s32 $0x7C;
	[sflag:s29] =	ssyncset.done $0x0  }
.LBB2_16:
0x2e1: {  	p1 =	sne.s32 s6, $0x1;
	s6 =	sadd.s32 $0xFFFFFFFF, s6;
	[sflag:s29] =	ssyncadd.s32 $0xFFFFFFB0  }
.Ltmp9:
0x2e2: {  	(pc) =	sbr.rel @p1 .LBB2_16-.Ltmp9, $3  }
0x2e3: {  	_ =	sdelay $0x1  }
0x2e4: {  	_ =	swait.ge [sflag:s29], $0x50  }
0x2e5: {  	[sflag:s29] =	ssyncset.done $0x0  }
0x2e6: {  	[sflag:s29] =	ssyncadd.s32 $0xFFFFFFB0  }
0x2e7: {  	[bflag:$0x0] =	sbarrier.arrive $0xFFFF  }
0x2e8: {  	s5 =	sshrl.u32 @!p0 s4, $0x3;
	s6 =	simm.s32 @!p0 $0x1C09;
	s7 =	rddreg [dreg:$0xa]  }
0x2e9: {  	[hbm:s7], [sflag:s6] =	dma.local @!p0 [spmem:s5], $0x500  }
0x2ea: {  	s5 =	simm.s32 @!p0 $0x9  }
0x2eb: {  	_ =	swait.ge @!p0 [sflag:s5], $0x500  }
0x2ec: {  	[sflag:s5] =	ssyncset.done @!p0 $0x0  }
0x2ed: {  	[sflag:s5] =	ssyncadd.s32 @!p0 $0xFFFFFB00;
	s5 =	simm.s32 @!p0 $0x100000  }
0x2ee: {  	[smem:s5], [sflag:$0x0] =	smem.add.s32 @!p0 $0x0;
	s5 =	simm.s32 @!p0 $0x0  }
0x2ef: {  	_ =	swait.done @!p0 [sflag:s5]  }
0x2f0: {  	s6 =	ssyncread @!p0 [sflag:$0x0];
	_ =	sdelay $0x1  }
0x2f1: {  	s7 =	rddreg [dreg:$0xc]  }
0x2f2: {  	s6 =	sadd.s32 @!p0 s7, s6  }
0x2f3: {  	s7 =	rddreg [dreg:$0xf];
	s6 =	sshll.u32 @!p0 s6, $0x11  }
0x2f4: {  	[sflag:s5] =	ssyncset.s32 @!p0 $0x0;
	s6 =	sor.u32 @!p0 s6, s7  }
0x2f5: {  	[sflag:s5] =	ssyncset.done @!p0 $0x0;
	s5 =	sor.u32 @!p0 $0x1C08, s6  }
0x2f6: {  	[sflag:s5] =	ssyncadd.remote.s32 @!p0 $0x1;
	s5 =	simm.s32 @!p0 $0x8  }
0x2f7: {  	_ =	swait.ge @!p0 [sflag:s5], $0x1  }
0x2f8: {  	[sflag:s5] =	ssyncset.done @!p0 $0x0  }
0x2f9: {  	[sflag:s5] =	ssyncadd.s32 @!p0 $0xFFFFFFFF  }
0x2fa: {  	[bflag:$0x0] =	sbarrier.arrive $0xFFFF  }
0x2fb: {  	s6 =	simm.s32 $0x0;
	s9 =	rddreg [dreg:$0xd]  }
0x2fc: {  	[tilespmem:s17], [sflag:$0x9] =	stream.linear.gather [hbm4b:s9+s6], $0x280, $0x38;
	[tilespmem:$0x1AA00] =	vst v63  }
0x2fd: {  	_ =	swait.ge [sflag:s12], $0x280  }
0x2fe: {  	[sflag:s12] =	ssyncset.done $0x0  }
0x2ff: {  	s10 =	simm.s32 $0x280;
	s11 =	simm.s32 $0x1A580;
	[sflag:s12] =	ssyncadd.s32 $0xFFFFFD80  }
0x300: {  	[spmem:s4] =	stream.indirect.scatter.add.f32 [tilespmem:s17], [sflag:$0x9], $0x1, s11, s10, $0xb8;
	[tilespmem:$0x1AA00] =	vst v63  }
0x301: {  	_ =	swait.ge [sflag:s12], $0x280  }
0x302: {  	[sflag:s12] =	ssyncset.done $0x0  }
0x303: {  	[sflag:s12] =	ssyncadd.s32 $0xFFFFFD80  }
0x304: {  	s11 =	simm.s32 $0x80;
	[bflag:$0x0] =	sbarrier.arrive $0xFFFF  }
0x305: {  	[tilespmem:s1], [sflag:$0x4] =	stream.indirect.gather [spmem:s4], $0x1, s11, s14, $0xb8;
	[tilespmem:$0x1AA00] =	vst v63  }
0x306: {  	s13 =	simm.s32 $0x100;
	s16 =	simm.s32 $0x1A880  }
0x307: {  	[tilespmem:s16], [sflag:$0x5] =	stream.indirect.gather [spmem:s4], $0x1, s13, s14, $0xb8;
	[tilespmem:$0x1AA00] =	vst v63  }
0x308: {  	s21 =	simm.s32 $0x180;
	s22 =	simm.s32 $0x1A900  }
0x309: {  	[tilespmem:s22], [sflag:$0x6] =	stream.indirect.gather [spmem:s4], $0x1, s21, s14, $0xb8;
	[tilespmem:$0x1AA00] =	vst v63  }
0x30a: {  	s23 =	simm.s32 $0x200  }
0x30b: {  	[tilespmem:s3], [sflag:$0x7] =	stream.indirect.gather [spmem:s4], $0x1, s23, s14, $0xb8;
	[tilespmem:$0x1AA00] =	vst v63  }
.LBB2_18:
0x30c: {  	_ =	swait.ge [sflag:s26], $0x50  }
0x30d: {  	[sflag:s26] =	ssyncset.done $0x0  }
0x30e: {  	[sflag:s26] =	ssyncadd.s32 $0xFFFFFFB0  }
0x30f: {  	v0 =	vld [tilespmem:$0x1A800];
	_ =	sdelay $0x4  }
0x310: {  	(erf) = vrcp.f32 v0;
	_ =	sdelay $0x1  }
0x311: {  	s7 =	sshra.s32 s6, $0x2  }
0x312: {  	v17 =	vld [tilespmem:s7+$0x12080];
	_ =	sdelay $0x4  }
0x313: {  	v0 =	vmul.f32 $5.000000000e+00, v17  }
0x314: {  	v1 =	vpop (erf)  }
0x315: {  	v0 =	vmul.f32 v1, v0;
	_ =	sdelay $0x1  }
0x316: {  	v0 =	vmax.f32 v0, $0.0e+00  }
0x317: {  	v0 =	vmin.f32 v0, $1.000000000e+00  }
0x318: {  	[tilespmem:s7+$0x16080] =	vst v0  }
0x319: {  	v0 =	vld [tilespmem:$0x1A810];
	_ =	sdelay $0x4  }
0x31a: {  	(erf) = vrcp.f32 v0;
	_ =	sdelay $0x2  }
0x31b: {  	v18 =	vld [tilespmem:s7+$0x12090];
	_ =	sdelay $0x4  }
0x31c: {  	v0 =	vmul.f32 $5.000000000e+00, v18  }
0x31d: {  	v19 =	vpop (erf)  }
0x31e: {  	v0 =	vmul.f32 v19, v0;
	_ =	sdelay $0x1  }
0x31f: {  	v0 =	vmax.f32 v0, $0.0e+00  }
0x320: {  	v0 =	vmin.f32 v0, $1.000000000e+00  }
0x321: {  	[tilespmem:s7+$0x16090] =	vst v0  }
0x322: {  	v0 =	vld [tilespmem:$0x1A820];
	_ =	sdelay $0x4  }
0x323: {  	(erf) = vrcp.f32 v0;
	_ =	sdelay $0x2  }
0x324: {  	v20 =	vld [tilespmem:s7+$0x120A0];
	_ =	sdelay $0x4  }
0x325: {  	v0 =	vmul.f32 $5.000000000e+00, v20  }
0x326: {  	v21 =	vpop (erf)  }
0x327: {  	v0 =	vmul.f32 v21, v0;
	_ =	sdelay $0x1  }
0x328: {  	v0 =	vmax.f32 v0, $0.0e+00  }
0x329: {  	v0 =	vmin.f32 v0, $1.000000000e+00  }
0x32a: {  	[tilespmem:s7+$0x160A0] =	vst v0  }
0x32b: {  	v0 =	vld [tilespmem:$0x1A830];
	_ =	sdelay $0x4  }
0x32c: {  	(erf) = vrcp.f32 v0;
	_ =	sdelay $0x2  }
0x32d: {  	v22 =	vld [tilespmem:s7+$0x120B0];
	_ =	sdelay $0x4  }
0x32e: {  	v0 =	vmul.f32 $5.000000000e+00, v22  }
0x32f: {  	v23 =	vpop (erf)  }
0x330: {  	v0 =	vmul.f32 v23, v0;
	_ =	sdelay $0x1  }
0x331: {  	v0 =	vmax.f32 v0, $0.0e+00  }
0x332: {  	v0 =	vmin.f32 v0, $1.000000000e+00  }
0x333: {  	[tilespmem:s7+$0x160B0] =	vst v0  }
0x334: {  	v0 =	vld [tilespmem:$0x1A840];
	_ =	sdelay $0x4  }
0x335: {  	(erf) = vrcp.f32 v0;
	_ =	sdelay $0x2  }
0x336: {  	v24 =	vld [tilespmem:s7+$0x120C0];
	_ =	sdelay $0x4  }
0x337: {  	v0 =	vmul.f32 $5.000000000e+00, v24  }
0x338: {  	v25 =	vpop (erf)  }
0x339: {  	v0 =	vmul.f32 v25, v0;
	_ =	sdelay $0x1  }
0x33a: {  	v0 =	vmax.f32 v0, $0.0e+00  }
0x33b: {  	v0 =	vmin.f32 v0, $1.000000000e+00  }
0x33c: {  	s5 =	sadd.s32 $0x280, s7;
	[tilespmem:s7+$0x160C0] =	vst v0  }
0x33d: {  	[tilespmem:s1], [sflag:$0x4] =	stream.indirect.gather [spmem:s4], $0x1, s5, s14, $0xb8;
	[tilespmem:$0x1AA00] =	vst v63  }
0x33e: {  	_ =	swait.ge [sflag:s28], $0x50  }
0x33f: {  	[sflag:s28] =	ssyncset.done $0x0  }
0x340: {  	[sflag:s28] =	ssyncadd.s32 $0xFFFFFFB0  }
0x341: {  	v26 =	vld [tilespmem:$0x1A880];
	_ =	sdelay $0x4  }
0x342: {  	(erf) = vrcp.f32 v26;
	_ =	sdelay $0x2  }
0x343: {  	v27 =	vld [tilespmem:s7+$0x12100];
	_ =	sdelay $0x4  }
0x344: {  	v0 =	vmul.f32 $5.000000000e+00, v27  }
0x345: {  	v28 =	vpop (erf)  }
0x346: {  	v0 =	vmul.f32 v28, v0;
	_ =	sdelay $0x1  }
0x347: {  	v0 =	vmax.f32 v0, $0.0e+00  }
0x348: {  	v0 =	vmin.f32 v0, $1.000000000e+00  }
0x349: {  	[tilespmem:s7+$0x16100] =	vst v0  }
0x34a: {  	v0 =	vld [tilespmem:$0x1A890];
	_ =	sdelay $0x4  }
0x34b: {  	(erf) = vrcp.f32 v0;
	_ =	sdelay $0x2  }
0x34c: {  	v29 =	vld [tilespmem:s7+$0x12110];
	_ =	sdelay $0x4  }
0x34d: {  	v0 =	vmul.f32 $5.000000000e+00, v29  }
0x34e: {  	v30 =	vpop (erf)  }
0x34f: {  	v0 =	vmul.f32 v30, v0;
	_ =	sdelay $0x1  }
0x350: {  	v0 =	vmax.f32 v0, $0.0e+00  }
0x351: {  	v0 =	vmin.f32 v0, $1.000000000e+00  }
0x352: {  	[tilespmem:s7+$0x16110] =	vst v0  }
0x353: {  	v0 =	vld [tilespmem:$0x1A8A0];
	_ =	sdelay $0x4  }
0x354: {  	(erf) = vrcp.f32 v0;
	_ =	sdelay $0x2  }
0x355: {  	v31 =	vld [tilespmem:s7+$0x12120];
	_ =	sdelay $0x4  }
0x356: {  	v0 =	vmul.f32 $5.000000000e+00, v31  }
0x357: {  	v32 =	vpop (erf)  }
0x358: {  	v0 =	vmul.f32 v32, v0;
	_ =	sdelay $0x1  }
0x359: {  	v0 =	vmax.f32 v0, $0.0e+00  }
0x35a: {  	v0 =	vmin.f32 v0, $1.000000000e+00  }
0x35b: {  	[tilespmem:s7+$0x16120] =	vst v0  }
0x35c: {  	v0 =	vld [tilespmem:$0x1A8B0];
	_ =	sdelay $0x4  }
0x35d: {  	(erf) = vrcp.f32 v0;
	_ =	sdelay $0x2  }
0x35e: {  	v33 =	vld [tilespmem:s7+$0x12130];
	_ =	sdelay $0x4  }
0x35f: {  	v0 =	vmul.f32 $5.000000000e+00, v33  }
0x360: {  	v34 =	vpop (erf)  }
0x361: {  	v0 =	vmul.f32 v34, v0;
	_ =	sdelay $0x1  }
0x362: {  	v0 =	vmax.f32 v0, $0.0e+00  }
0x363: {  	v0 =	vmin.f32 v0, $1.000000000e+00  }
0x364: {  	[tilespmem:s7+$0x16130] =	vst v0  }
0x365: {  	v0 =	vld [tilespmem:$0x1A8C0];
	_ =	sdelay $0x4  }
0x366: {  	(erf) = vrcp.f32 v0;
	_ =	sdelay $0x2  }
0x367: {  	v35 =	vld [tilespmem:s7+$0x12140];
	_ =	sdelay $0x4  }
0x368: {  	v0 =	vmul.f32 $5.000000000e+00, v35  }
0x369: {  	v36 =	vpop (erf)  }
0x36a: {  	v0 =	vmul.f32 v36, v0;
	_ =	sdelay $0x1  }
0x36b: {  	p1 =	seq.s32 s6, $0xF000;
	v0 =	vmax.f32 v0, $0.0e+00  }
0x36c: {  	s5 =	sshra.s32 @!p1 s6, $0x2;
	v0 =	vmin.f32 v0, $1.000000000e+00  }
0x36d: {  	s9 =	simm.s32 @!p1 $0x50;
	s10 =	simm.s32 @!p1 $0x1A880;
	s8 =	sadd.s32 @!p1 $0x300, s5;
	[tilespmem:s7+$0x16140] =	vst v0  }
0x36e: {  	[tilespmem:s10], [sflag:$0x5] =	stream.indirect.gather @!p1 [spmem:s4], $0x1, s8, s9, $0xb8;
	[tilespmem:$0x1AA00] =	vst v63  }
0x36f: {  	_ =	swait.ge [sflag:s30], $0x50  }
0x370: {  	[sflag:s30] =	ssyncset.done $0x0  }
0x371: {  	[sflag:s30] =	ssyncadd.s32 $0xFFFFFFB0  }
0x372: {  	v37 =	vld [tilespmem:$0x1A900];
	_ =	sdelay $0x4  }
0x373: {  	(erf) = vrcp.f32 v37;
	_ =	sdelay $0x2  }
0x374: {  	v38 =	vld [tilespmem:s7+$0x12180];
	_ =	sdelay $0x4  }
0x375: {  	v0 =	vmul.f32 $5.000000000e+00, v38  }
0x376: {  	v39 =	vpop (erf)  }
0x377: {  	v0 =	vmul.f32 v39, v0;
	_ =	sdelay $0x1  }
0x378: {  	v0 =	vmax.f32 v0, $0.0e+00  }
0x379: {  	v0 =	vmin.f32 v0, $1.000000000e+00  }
0x37a: {  	[tilespmem:s7+$0x16180] =	vst v0  }
0x37b: {  	v0 =	vld [tilespmem:$0x1A910];
	_ =	sdelay $0x4  }
0x37c: {  	(erf) = vrcp.f32 v0;
	_ =	sdelay $0x2  }
0x37d: {  	v40 =	vld [tilespmem:s7+$0x12190];
	_ =	sdelay $0x4  }
0x37e: {  	v0 =	vmul.f32 $5.000000000e+00, v40  }
0x37f: {  	v41 =	vpop (erf)  }
0x380: {  	v0 =	vmul.f32 v41, v0;
	_ =	sdelay $0x1  }
0x381: {  	v0 =	vmax.f32 v0, $0.0e+00  }
0x382: {  	v0 =	vmin.f32 v0, $1.000000000e+00  }
0x383: {  	[tilespmem:s7+$0x16190] =	vst v0  }
0x384: {  	v0 =	vld [tilespmem:$0x1A920];
	_ =	sdelay $0x4  }
0x385: {  	(erf) = vrcp.f32 v0;
	_ =	sdelay $0x2  }
0x386: {  	v46 =	vld [tilespmem:s7+$0x121A0];
	_ =	sdelay $0x4  }
0x387: {  	v0 =	vmul.f32 $5.000000000e+00, v46  }
0x388: {  	v47 =	vpop (erf)  }
0x389: {  	v0 =	vmul.f32 v47, v0;
	_ =	sdelay $0x1  }
0x38a: {  	v0 =	vmax.f32 v0, $0.0e+00  }
0x38b: {  	v0 =	vmin.f32 v0, $1.000000000e+00  }
0x38c: {  	[tilespmem:s7+$0x161A0] =	vst v0  }
0x38d: {  	v0 =	vld [tilespmem:$0x1A930];
	_ =	sdelay $0x4  }
0x38e: {  	(erf) = vrcp.f32 v0;
	_ =	sdelay $0x2  }
0x38f: {  	v48 =	vld [tilespmem:s7+$0x121B0];
	_ =	sdelay $0x4  }
0x390: {  	v0 =	vmul.f32 $5.000000000e+00, v48  }
0x391: {  	v49 =	vpop (erf)  }
0x392: {  	v0 =	vmul.f32 v49, v0;
	_ =	sdelay $0x1  }
0x393: {  	v0 =	vmax.f32 v0, $0.0e+00  }
0x394: {  	v0 =	vmin.f32 v0, $1.000000000e+00  }
0x395: {  	[tilespmem:s7+$0x161B0] =	vst v0  }
0x396: {  	v0 =	vld [tilespmem:$0x1A940];
	_ =	sdelay $0x4  }
0x397: {  	(erf) = vrcp.f32 v0;
	_ =	sdelay $0x2  }
0x398: {  	v50 =	vld [tilespmem:s7+$0x121C0];
	_ =	sdelay $0x4  }
0x399: {  	v0 =	vmul.f32 $5.000000000e+00, v50  }
0x39a: {  	v51 =	vpop (erf)  }
0x39b: {  	v0 =	vmul.f32 v51, v0;
	_ =	sdelay $0x1  }
0x39c: {  	v0 =	vmax.f32 v0, $0.0e+00  }
0x39d: {  	v0 =	vmin.f32 v0, $1.000000000e+00  }
0x39e: {  	s5 =	sadd.s32 @!p1 $0x380, s5;
	s8 =	simm.s32 @!p1 $0x1A900;
	[tilespmem:s7+$0x161C0] =	vst v0  }
0x39f: {  	[tilespmem:s8], [sflag:$0x6] =	stream.indirect.gather @!p1 [spmem:s4], $0x1, s5, s9, $0xb8;
	[tilespmem:$0x1AA00] =	vst v63  }
0x3a0: {  	_ =	swait.ge [sflag:s31], $0x50  }
0x3a1: {  	[sflag:s31] =	ssyncset.done $0x0  }
0x3a2: {  	[sflag:s31] =	ssyncadd.s32 $0xFFFFFFB0  }
0x3a3: {  	v52 =	vld [tilespmem:$0x1A980];
	_ =	sdelay $0x4  }
0x3a4: {  	(erf) = vrcp.f32 v52;
	_ =	sdelay $0x2  }
0x3a5: {  	v53 =	vld [tilespmem:s7+$0x12200];
	_ =	sdelay $0x4  }
0x3a6: {  	v0 =	vmul.f32 $5.000000000e+00, v53  }
0x3a7: {  	v55 =	vpop (erf)  }
0x3a8: {  	v0 =	vmul.f32 v55, v0;
	_ =	sdelay $0x1  }
0x3a9: {  	v0 =	vmax.f32 v0, $0.0e+00  }
0x3aa: {  	v0 =	vmin.f32 v0, $1.000000000e+00  }
0x3ab: {  	[tilespmem:s7+$0x16200] =	vst v0  }
0x3ac: {  	v0 =	vld [tilespmem:$0x1A990];
	_ =	sdelay $0x4  }
0x3ad: {  	(erf) = vrcp.f32 v0;
	_ =	sdelay $0x2  }
0x3ae: {  	v56 =	vld [tilespmem:s7+$0x12210];
	_ =	sdelay $0x4  }
0x3af: {  	v0 =	vmul.f32 $5.000000000e+00, v56  }
0x3b0: {  	v57 =	vpop (erf)  }
0x3b1: {  	v0 =	vmul.f32 v57, v0;
	_ =	sdelay $0x1  }
0x3b2: {  	v0 =	vmax.f32 v0, $0.0e+00  }
0x3b3: {  	v0 =	vmin.f32 v0, $1.000000000e+00  }
0x3b4: {  	[tilespmem:s7+$0x16210] =	vst v0  }
0x3b5: {  	v0 =	vld [tilespmem:$0x1A9A0];
	_ =	sdelay $0x4  }
0x3b6: {  	(erf) = vrcp.f32 v0;
	_ =	sdelay $0x2  }
0x3b7: {  	v58 =	vld [tilespmem:s7+$0x12220];
	_ =	sdelay $0x4  }
0x3b8: {  	v0 =	vmul.f32 $5.000000000e+00, v58  }
0x3b9: {  	v59 =	vpop (erf)  }
0x3ba: {  	v0 =	vmul.f32 v59, v0;
	_ =	sdelay $0x1  }
0x3bb: {  	v0 =	vmax.f32 v0, $0.0e+00  }
0x3bc: {  	v0 =	vmin.f32 v0, $1.000000000e+00  }
0x3bd: {  	[tilespmem:s7+$0x16220] =	vst v0  }
0x3be: {  	v0 =	vld [tilespmem:$0x1A9B0];
	_ =	sdelay $0x4  }
0x3bf: {  	(erf) = vrcp.f32 v0;
	_ =	sdelay $0x2  }
0x3c0: {  	v60 =	vld [tilespmem:s7+$0x12230];
	_ =	sdelay $0x4  }
0x3c1: {  	v0 =	vmul.f32 $5.000000000e+00, v60  }
0x3c2: {  	v61 =	vpop (erf)  }
0x3c3: {  	v0 =	vmul.f32 v61, v0;
	_ =	sdelay $0x1  }
0x3c4: {  	v0 =	vmax.f32 v0, $0.0e+00  }
0x3c5: {  	v0 =	vmin.f32 v0, $1.000000000e+00  }
0x3c6: {  	[tilespmem:s7+$0x16230] =	vst v0  }
0x3c7: {  	v0 =	vld [tilespmem:$0x1A9C0];
	_ =	sdelay $0x4  }
0x3c8: {  	(erf) = vrcp.f32 v0;
	_ =	sdelay $0x2  }
0x3c9: {  	v62 =	vld [tilespmem:s7+$0x12240];
	_ =	sdelay $0x4  }
0x3ca: {  	v0 =	vmul.f32 $5.000000000e+00, v62  }
0x3cb: {  	v63 =	vpop (erf)  }
.Ltmp10:
0x3cc: {  	v0 =	vmul.f32 v63, v0;
	(pc) =	sbr.rel @p1 .LBB2_20-.Ltmp10, $4  }
0x3cd: {  	_ = 	snop  }
0x3ce: {  	v0 =	vmax.f32 v0, $0.0e+00  }
0x3cf: {  	v0 =	vmin.f32 v0, $1.000000000e+00  }
0x3d0: {  	[tilespmem:s7+$0x16240] =	vst v0  }
.Ltmp11:
0x3d1: {  	(pc) =	sbr.rel .LBB2_18-.Ltmp11, $3  }
0x3d2: {  	_ =	sdelay $0x1  }
0x3d3: {  	s5 =	sadd.s32 $0x400, s7;
	s6 =	sadd.s32 $0x800, s6  }
0x3d4: {  	[tilespmem:s3], [sflag:$0x7] =	stream.indirect.gather [spmem:s4], $0x1, s5, s14, $0xb8;
	[tilespmem:$0x1AA00] =	vst v63  }
.LBB2_21:
0x3d5: {  	_ =	sfence.sel $0x180000  }
0x3d6: {  	[bflag:$0x0] =	sbarrier.arrive $0xFFFF  }
0x3d7: {  	_ =	strace $0x90000047  }
0x3d8: {  	[bflag:$0x2] =	sbarrier.arrive $0xFFFF  }
0x3d9: {  	s0 =	rddreg [dreg:$0x6]  }
0x3da: {  	s0 =	sadd.s32 @!p0 $0x100000, s0  }
0x3db: {  	[sflag:s0] =	ssyncadd.tile.s32 @!p0 $0x1;
	_ =	shalt  }
.Lfunc_end2:
_tile_overlayer_lowered:
.L_overlay_start_2:
0x3dc: {  	(tag) =	ssettag $0x2  }
0x3dd: {  	s0 =	rddreg [dreg:$0x0];
	s2 =	stileid.u32  }
0x3de: {  	s1 =	rddreg [dreg:$0x1];
	p0 =	sne.s32 s2, $0x0  }
0x3df: {  	s3 =	rddreg [dreg:$0x2];
	[bflag:$0x3] =	sbarrier.arrive $0xFFFF;
	s2 =	simm.s32 @!p0 $0x1C09  }
0x3e0: {  	[timem:s3], [sflag:s2] =	dma.local @!p0 [hbm:s0], s1  }
0x3e1: {  	s0 =	simm.s32 @!p0 $0x9  }
0x3e2: {  	_ =	swait.ge @!p0 [sflag:s0], s1  }
0x3e3: {  	s1 =	ssub.s32 @!p0 $0x0, s1;
	[sflag:s0] =	ssyncset.done @!p0 $0x0  }
0x3e4: {  	[sflag:s0] =	ssyncadd.s32 @!p0 s1  }
0x3e5: {  	[bflag:$0x3] =	sbarrier.arrive $0xFFFF  }
0x3e6: {  	_ =	shalt  }

</sc_bundles>
